<compile_context>
chip_gen: v7x
topology: tpu7x:2x2x1
jax: 0.10.2.dev20260603
libtpu: 0.0.44.dev20260713+nightly
codegen_flags: <defaults>
</compile_context>

<pallas_src>
import functools

import jax
import jax.numpy as jnp
from jax import lax
from jax.experimental import pallas as pl
from jax.experimental.pallas import tpu as pltpu
from jax.experimental.pallas import tpu_sc as plsc

N = 100000
C = 32
K = 16
H = 8
M = 16
L = 16
NC = 2
NS = 16
NW = NC * NS

P = 25
PTS_PER_W = N // NW
CHUNKS = PTS_PER_W // P
PK = P * K
GSZ = P * K * H
WSZ = P * K * M
OSZ = P * C * M


def _pcf_sc(feat_hbm, inds_hbm, guid_hbm, wn_hbm, out_hbm,
            idx_v, gath_v, guid_v, wn_v, out_v,
            sem_idx, sem_in, sem_gath, sem_out):
    wid = lax.axis_index("s") * NC + lax.axis_index("c")
    pb0 = wid * PTS_PER_W

    base_exp = lax.iota(jnp.int32, L) >> 2
    exp = [base_exp + 4 * j for j in range(4)]

    def fire_idx(ch, b):
        pltpu.async_copy(inds_hbm.at[pl.ds((pb0 + ch * P) * K, PK)],
                         idx_v.at[pl.ds(b * PK, PK)], sem_idx.at[b])

    def wait_idx(b):
        pltpu.make_async_copy(inds_hbm.at[pl.ds(0, PK)],
                              idx_v.at[pl.ds(b * PK, PK)], sem_idx.at[b]).wait()

    def fire_in(ch, b):
        pbase = pb0 + ch * P
        pltpu.async_copy(guid_hbm.at[pl.ds(pbase * K * H, GSZ)],
                         guid_v.at[pl.ds(b * GSZ, GSZ)], sem_in.at[b])
        pltpu.async_copy(wn_hbm.at[pl.ds(pbase * K * M, WSZ)],
                         wn_v.at[pl.ds(b * WSZ, WSZ)], sem_in.at[b])

    def wait_in(b):
        pltpu.make_async_copy(guid_hbm.at[pl.ds(0, GSZ)],
                              guid_v.at[pl.ds(b * GSZ, GSZ)], sem_in.at[b]).wait()
        pltpu.make_async_copy(wn_hbm.at[pl.ds(0, WSZ)],
                              wn_v.at[pl.ds(b * WSZ, WSZ)], sem_in.at[b]).wait()

    def fire_gather(b):
        for lo, sz in ((0, 128), (128, 128), (256, 128), (384, 16)):
            pltpu.async_copy(
                feat_hbm.at[idx_v.at[pl.ds(b * PK + lo, sz)]],
                gath_v.at[pl.ds(b * PK + lo, sz)], sem_gath.at[b])

    def wait_gather(b):
        for lo, sz in ((0, 128), (128, 128), (256, 128), (384, 16)):
            pltpu.make_async_copy(
                feat_hbm.at[idx_v.at[pl.ds(b * PK + lo, sz)]],
                gath_v.at[pl.ds(b * PK + lo, sz)], sem_gath.at[b]).wait()

    def fire_out(ch, b):
        pltpu.async_copy(out_v.at[pl.ds(b * OSZ, OSZ)],
                         out_hbm.at[pl.ds((pb0 + ch * P) * C * M, OSZ)],
                         sem_out.at[b])

    def wait_out(b):
        pltpu.make_async_copy(out_v.at[pl.ds(b * OSZ, OSZ)],
                              out_hbm.at[pl.ds(0, OSZ)], sem_out.at[b]).wait()

    fire_idx(0, 0)
    fire_in(0, 0)
    wait_idx(0)
    fire_gather(0)
    fire_idx(1, 1)

    def chunk_body(ch, carry):
        b = ch & 1
        nb = 1 - b

        @pl.when(ch + 1 < CHUNKS)
        def _():
            wait_idx(nb)
            fire_gather(nb)
            fire_in(ch + 1, nb)

        wait_gather(b)
        wait_in(b)

        @pl.when(ch + 2 < CHUNKS)
        def _():
            fire_idx(ch + 2, b)

        @pl.when(ch >= 2)
        def _():
            wait_out(b)

        roff = b * PK
        goff = b * GSZ
        woff = b * WSZ
        ooff = b * OSZ

        def point_body(p, carry2):
            row0 = roff + p * K
            gbase = goff + p * K * H
            acc = [jnp.zeros((L,), jnp.float32) for _ in range(C)]
            for k in range(0, K, 2):
                gv = guid_v[pl.ds(gbase + k * H, 16)]
                for dk in range(2):
                    row = row0 + k + dk
                    g0 = gv.at[exp[2 * dk]].get(mode="promise_in_bounds")
                    g1 = gv.at[exp[2 * dk + 1]].get(mode="promise_in_bounds")
                    gu0 = gath_v[row, pl.ds(0, L)] * g0
                    gu1 = gath_v[row, pl.ds(L, L)] * g1
                    wrow = wn_v[pl.ds((row - roff) * M + woff, M)]
                    for c in range(L):
                        acc[c] = acc[c] + gu0[c] * wrow
                        acc[L + c] = acc[L + c] + gu1[c] * wrow
            obase = ooff + p * C * M
            for c in range(C):
                out_v[pl.ds(obase + c * M, M)] = acc[c]
            return carry2

        lax.fori_loop(0, P, point_body, 0)
        fire_out(ch, b)
        return carry

    lax.fori_loop(0, CHUNKS, chunk_body, 0)

    wait_out((CHUNKS - 2) & 1)
    wait_out((CHUNKS - 1) & 1)


@jax.jit
def _pcf(feat, inds, guid, wn):
    mesh = plsc.VectorSubcoreMesh(core_axis_name="c", subcore_axis_name="s")
    f = functools.partial(
        pl.kernel,
        mesh=mesh,
        compiler_params=pltpu.CompilerParams(use_tc_tiling_on_sc=False),
        out_type=jax.ShapeDtypeStruct((N * C * M,), jnp.float32),
        scratch_types=[
            pltpu.VMEM((2 * PK,), jnp.int32),
            pltpu.VMEM((2 * PK, C), jnp.float32),
            pltpu.VMEM((2 * GSZ,), jnp.float32),
            pltpu.VMEM((2 * WSZ,), jnp.float32),
            pltpu.VMEM((2 * OSZ,), jnp.float32),
            pltpu.SemaphoreType.DMA((2,)),
            pltpu.SemaphoreType.DMA((2,)),
            pltpu.SemaphoreType.DMA((2,)),
            pltpu.SemaphoreType.DMA((2,)),
        ],
    )(_pcf_sc)
    return f(feat, inds, guid, wn)


def kernel(input_features, neighbor_inds, guidance, weightnet):
    b, n, c = input_features.shape
    k = neighbor_inds.shape[2]
    m = weightnet.shape[3]
    feat = input_features[0]
    inds = neighbor_inds[0].astype(jnp.int32).reshape(n * k)
    guid = guidance[0].reshape(-1)
    wn = weightnet[0].reshape(-1)
    out = _pcf(feat, inds, guid, wn)
    return out.reshape(b, n, c * m)

# --- scband reference (transcript-rebuilt; emitter-appended) ---
"""Pipeline reference for scband-pcf-9165460209716 (READ-ONLY COPY).

The authoritative reference and input builder live on the scoring server;
editing this copy changes nothing except your own understanding.
"""

import jax, jax.numpy as jnp
import numpy as np

B, N, C = 1, 100000, 32
K = 16
H = 8
C_MID = 16


def setup_inputs(seed: int = 0) -> dict:
    key = jax.random.key(seed)
    k1, k2, k3, k4 = jax.random.split(key, 4)
    input_features = jax.random.normal(k1, (B, N, C), dtype=jnp.float32)
    neighbor_inds = jax.random.randint(k2, (B, N, K), 0, N, dtype=jnp.int64)
    guidance = jax.random.uniform(k3, (B, N, K, H), dtype=jnp.float32)
    weightnet = jax.random.normal(k4, (B, N, K, C_MID), dtype=jnp.float32)
    return {
        "input_features": input_features,
        "neighbor_inds": neighbor_inds,
        "guidance": guidance,
        "weightnet": weightnet,
    }


def reference(input_features, neighbor_inds, guidance, weightnet):
    # Faithful JAX translation of the fused pcf_cuda.forward kernel from
    # PointConvFormer (PCF): gather neighbor features, modulate by per-head
    # guidance scores, then aggregate over neighbors with weightnet.
    b, n, c = input_features.shape
    k = neighbor_inds.shape[2]
    h = guidance.shape[3]
    c_mid = weightnet.shape[3]

    # gathered[b, m, kk, cc] = input_features[b, neighbor_inds[b, m, kk], cc]
    gathered = jax.vmap(lambda feat, inds: jnp.take(feat, inds, axis=0))(
        input_features, neighbor_inds
    )  # (B, N, K, C)

    # Apply per-head guidance: channels are split into h groups of size c//h.
    guided = gathered.reshape(b, n, k, h, c // h) * guidance[..., None]
    guided = guided.reshape(b, n, k, c)

    # Aggregate over neighbors with learned weightnet: (B,N,C,C_mid)
    out = jnp.einsum("bnkc,bnkm->bncm", guided, weightnet)
    out = out.reshape(b, n, c * c_mid)
    return out

if __name__ == "__main__":
    import jax
    _d = setup_inputs()
    print(jax.jit(kernel)(*tuple(_d.values())))

</pallas_src>

<mosaic_0001>
#map = affine_map<(d0, d1) -> (0, 0)>
#map1 = affine_map<(d0, d1) -> (0)>
module attributes {stable_mosaic.version = 14 : i64} {
  func.func @_pcf_sc(%arg0: i32, %arg1: i32, %arg2: memref<100000x32xf32, #tpu.memory_space<hbm>>, %arg3: memref<1600000xi32, #tpu.memory_space<hbm>>, %arg4: memref<12800000xf32, #tpu.memory_space<hbm>>, %arg5: memref<25600000xf32, #tpu.memory_space<hbm>>, %arg6: memref<51200000xf32, #tpu.memory_space<hbm>>, %arg7: memref<800xi32, #tpu.memory_space<vmem>>, %arg8: memref<800x32xf32, #tpu.memory_space<vmem>>, %arg9: memref<6400xf32, #tpu.memory_space<vmem>>, %arg10: memref<12800xf32, #tpu.memory_space<vmem>>, %arg11: memref<25600xf32, #tpu.memory_space<vmem>>, %arg12: memref<2x!tpu.dma_semaphore, #tpu.memory_space<semaphore_mem>>, %arg13: memref<2x!tpu.dma_semaphore, #tpu.memory_space<semaphore_mem>>, %arg14: memref<2x!tpu.dma_semaphore, #tpu.memory_space<semaphore_mem>>, %arg15: memref<2x!tpu.dma_semaphore, #tpu.memory_space<semaphore_mem>>) attributes {dimension_semantics = [#tpu.dimension_semantics<core_parallel>, #tpu.dimension_semantics<subcore_parallel>], iteration_bounds = array<i64: 2, 16>, scalar_prefetch = 0 : i64, scratch_operands = 9 : i64, tpu.core_type = #tpu.core_type<sc_vector_subcore>, window_params = [{transform_indices = #map}, {transform_indices = #map1}, {transform_indices = #map1}, {transform_indices = #map1}, {transform_indices = #map1}]} {
    %mul3A = arith.constant 2 : i32
    %mul3A_0 = arith.muli %arg1, %mul3A : i32
    %add3A = arith.addi %mul3A_0, %arg0 : i32
    %mul3A_1 = arith.constant 3125 : i32
    %mul3A_2 = arith.muli %add3A, %mul3A_1 : i32
    %iota3A = tpu.iota {dimensions = array<i32: 0>} : vector<16xi32>
    %shift_right_arithmetic3A = arith.constant 2 : i32
    %shift_right_arithmetic3A_3 = vector.broadcast %shift_right_arithmetic3A : i32 to vector<16xi32>
    %shift_right_arithmetic3A_4 = arith.shrsi %iota3A, %shift_right_arithmetic3A_3 : vector<16xi32>
    %add3A_5 = arith.constant 0 : i32
    %add3A_6 = vector.broadcast %add3A_5 : i32 to vector<16xi32>
    %add3A_7 = arith.addi %shift_right_arithmetic3A_4, %add3A_6 : vector<16xi32>
    %add3A_8 = arith.constant 4 : i32
    %add3A_9 = vector.broadcast %add3A_8 : i32 to vector<16xi32>
    %add3A_10 = arith.addi %shift_right_arithmetic3A_4, %add3A_9 : vector<16xi32>
    %add3A_11 = arith.constant 8 : i32
    %add3A_12 = vector.broadcast %add3A_11 : i32 to vector<16xi32>
    %add3A_13 = arith.addi %shift_right_arithmetic3A_4, %add3A_12 : vector<16xi32>
    %add3A_14 = arith.constant 12 : i32
    %add3A_15 = vector.broadcast %add3A_14 : i32 to vector<16xi32>
    %add3A_16 = arith.addi %shift_right_arithmetic3A_4, %add3A_15 : vector<16xi32>
    %add3A_17 = arith.constant 0 : i32
    %add3A_18 = arith.addi %mul3A_2, %add3A_17 : i32
    %mul3A_19 = arith.constant 16 : i32
    %mul3A_20 = arith.muli %add3A_18, %mul3A_19 : i32
    %dma_start3A = arith.constant 0 : i32
    %dma_start3A_21 = arith.constant 0 : i32
    %dma_start3A_22 = tpu.memref_slice %arg7[%dma_start3A_21] : memref<800xi32, #tpu.memory_space<vmem>> -> memref<400xi32, #tpu.memory_space<vmem>>
    %dma_start3A_23 = tpu.memref_slice %arg3[%mul3A_20] : memref<1600000xi32, #tpu.memory_space<hbm>> -> memref<400xi32, #tpu.memory_space<hbm>>
    %dma_start3A_24 = tpu.memref_slice %arg12[%dma_start3A] : memref<2x!tpu.dma_semaphore, #tpu.memory_space<semaphore_mem>> -> memref<1x!tpu.dma_semaphore, #tpu.memory_space<semaphore_mem>>
    %dma_start3A_25 = tpu.memref_squeeze %dma_start3A_24 : memref<1x!tpu.dma_semaphore, #tpu.memory_space<semaphore_mem>> -> memref<!tpu.dma_semaphore, #tpu.memory_space<semaphore_mem>>
    %dma_start3A_26 = arith.constant 0 : i32
    %dma_start3A_27 = tpu.memref_slice %arg7[%dma_start3A_26] : memref<800xi32, #tpu.memory_space<vmem>> -> memref<400xi32, #tpu.memory_space<vmem>>
    %dma_start3A_28 = tpu.memref_slice %arg3[%mul3A_20] : memref<1600000xi32, #tpu.memory_space<hbm>> -> memref<400xi32, #tpu.memory_space<hbm>>
    tpu.enqueue_dma source(%dma_start3A_28 : memref<400xi32, #tpu.memory_space<hbm>>) target(%dma_start3A_27 : memref<400xi32, #tpu.memory_space<vmem>>) target_semaphore(%dma_start3A_25 : memref<!tpu.dma_semaphore, #tpu.memory_space<semaphore_mem>>)
    %add3A_29 = arith.constant 0 : i32
    %add3A_30 = arith.addi %mul3A_2, %add3A_29 : i32
    %mul3A_31 = arith.constant 16 : i32
    %mul3A_32 = arith.muli %add3A_30, %mul3A_31 : i32
    %mul3A_33 = arith.constant 8 : i32
    %mul3A_34 = arith.muli %mul3A_32, %mul3A_33 : i32
    %dma_start3A_35 = arith.constant 0 : i32
    %dma_start3A_36 = arith.constant 0 : i32
    %dma_start3A_37 = tpu.memref_slice %arg9[%dma_start3A_36] : memref<6400xf32, #tpu.memory_space<vmem>> -> memref<3200xf32, #tpu.memory_space<vmem>>
    %dma_start3A_38 = tpu.memref_slice %arg4[%mul3A_34] : memref<12800000xf32, #tpu.memory_space<hbm>> -> memref<3200xf32, #tpu.memory_space<hbm>>
    %dma_start3A_39 = tpu.memref_slice %arg13[%dma_start3A_35] : memref<2x!tpu.dma_semaphore, #tpu.memory_space<semaphore_mem>> -> memref<1x!tpu.dma_semaphore, #tpu.memory_space<semaphore_mem>>
    %dma_start3A_40 = tpu.memref_squeeze %dma_start3A_39 : memref<1x!tpu.dma_semaphore, #tpu.memory_space<semaphore_mem>> -> memref<!tpu.dma_semaphore, #tpu.memory_space<semaphore_mem>>
    %dma_start3A_41 = arith.constant 0 : i32
    %dma_start3A_42 = tpu.memref_slice %arg9[%dma_start3A_41] : memref<6400xf32, #tpu.memory_space<vmem>> -> memref<3200xf32, #tpu.memory_space<vmem>>
    %dma_start3A_43 = tpu.memref_slice %arg4[%mul3A_34] : memref<12800000xf32, #tpu.memory_space<hbm>> -> memref<3200xf32, #tpu.memory_space<hbm>>
    tpu.enqueue_dma source(%dma_start3A_43 : memref<3200xf32, #tpu.memory_space<hbm>>) target(%dma_start3A_42 : memref<3200xf32, #tpu.memory_space<vmem>>) target_semaphore(%dma_start3A_40 : memref<!tpu.dma_semaphore, #tpu.memory_space<semaphore_mem>>)
    %mul3A_44 = arith.constant 16 : i32
    %mul3A_45 = arith.muli %add3A_30, %mul3A_44 : i32
    %mul3A_46 = arith.constant 16 : i32
    %mul3A_47 = arith.muli %mul3A_45, %mul3A_46 : i32
    %dma_start3A_48 = arith.constant 0 : i32
    %dma_start3A_49 = arith.constant 0 : i32
    %dma_start3A_50 = tpu.memref_slice %arg10[%dma_start3A_49] : memref<12800xf32, #tpu.memory_space<vmem>> -> memref<6400xf32, #tpu.memory_space<vmem>>
    %dma_start3A_51 = tpu.memref_slice %arg5[%mul3A_47] : memref<25600000xf32, #tpu.memory_space<hbm>> -> memref<6400xf32, #tpu.memory_space<hbm>>
    %dma_start3A_52 = tpu.memref_slice %arg13[%dma_start3A_48] : memref<2x!tpu.dma_semaphore, #tpu.memory_space<semaphore_mem>> -> memref<1x!tpu.dma_semaphore, #tpu.memory_space<semaphore_mem>>
    %dma_start3A_53 = tpu.memref_squeeze %dma_start3A_52 : memref<1x!tpu.dma_semaphore, #tpu.memory_space<semaphore_mem>> -> memref<!tpu.dma_semaphore, #tpu.memory_space<semaphore_mem>>
    %dma_start3A_54 = arith.constant 0 : i32
    %dma_start3A_55 = tpu.memref_slice %arg10[%dma_start3A_54] : memref<12800xf32, #tpu.memory_space<vmem>> -> memref<6400xf32, #tpu.memory_space<vmem>>
    %dma_start3A_56 = tpu.memref_slice %arg5[%mul3A_47] : memref<25600000xf32, #tpu.memory_space<hbm>> -> memref<6400xf32, #tpu.memory_space<hbm>>
    tpu.enqueue_dma source(%dma_start3A_56 : memref<6400xf32, #tpu.memory_space<hbm>>) target(%dma_start3A_55 : memref<6400xf32, #tpu.memory_space<vmem>>) target_semaphore(%dma_start3A_53 : memref<!tpu.dma_semaphore, #tpu.memory_space<semaphore_mem>>)
    %dma_wait3A = arith.constant 0 : i32
    %dma_wait3A_57 = arith.constant 0 : i32
    %dma_wait3A_58 = tpu.memref_slice %arg7[%dma_wait3A_57] : memref<800xi32, #tpu.memory_space<vmem>> -> memref<400xi32, #tpu.memory_space<vmem>>
    %dma_wait3A_59 = arith.constant 0 : i32
    %dma_wait3A_60 = tpu.memref_slice %arg3[%dma_wait3A_59] : memref<1600000xi32, #tpu.memory_space<hbm>> -> memref<400xi32, #tpu.memory_space<hbm>>
    %dma_wait3A_61 = tpu.memref_slice %arg12[%dma_wait3A] : memref<2x!tpu.dma_semaphore, #tpu.memory_space<semaphore_mem>> -> memref<1x!tpu.dma_semaphore, #tpu.memory_space<semaphore_mem>>
    %dma_wait3A_62 = tpu.memref_squeeze %dma_wait3A_61 : memref<1x!tpu.dma_semaphore, #tpu.memory_space<semaphore_mem>> -> memref<!tpu.dma_semaphore, #tpu.memory_space<semaphore_mem>>
    %dma_wait3A_63 = arith.constant 0 : i32
    %dma_wait3A_64 = tpu.memref_slice %arg7[%dma_wait3A_63] : memref<800xi32, #tpu.memory_space<vmem>> -> memref<400xi32, #tpu.memory_space<vmem>>
    %dma_wait3A_65 = arith.constant 0 : i32
    %dma_wait3A_66 = tpu.memref_slice %arg3[%dma_wait3A_65] : memref<1600000xi32, #tpu.memory_space<hbm>> -> memref<400xi32, #tpu.memory_space<hbm>>
    tpu.wait_dma2 semaphore(%dma_wait3A_62 : memref<!tpu.dma_semaphore, #tpu.memory_space<semaphore_mem>>) src(%dma_wait3A_66 : memref<400xi32, #tpu.memory_space<hbm>>) dst(%dma_wait3A_64 : memref<400xi32, #tpu.memory_space<vmem>>)
    %dma_start3A_67 = arith.constant 0 : i32
    %dma_start3A_68 = arith.constant 0 : i32
    %dma_start3A_69 = arith.constant 0 : i32
    %dma_start3A_70 = tpu.memref_slice %arg8[%dma_start3A_68, %dma_start3A_69] : memref<800x32xf32, #tpu.memory_space<vmem>> -> memref<128x32xf32, #tpu.memory_space<vmem>>
    %dma_start3A_71 = arith.constant 0 : i32
    %dma_start3A_72 = tpu.memref_slice %arg7[%dma_start3A_71] : memref<800xi32, #tpu.memory_space<vmem>> -> memref<128xi32, #tpu.memory_space<vmem>>
    %dma_start3A_73 = arith.constant 0 : i32
    %dma_start3A_74 = arith.constant 0 : i32
    %dma_start3A_75 = tpu.memref_slice %arg2[%dma_start3A_73, %dma_start3A_74] : memref<100000x32xf32, #tpu.memory_space<hbm>> -> memref<100000x32xf32, #tpu.memory_space<hbm>>
    %dma_start3A_76 = tpu.memref_slice %arg14[%dma_start3A_67] : memref<2x!tpu.dma_semaphore, #tpu.memory_space<semaphore_mem>> -> memref<1x!tpu.dma_semaphore, #tpu.memory_space<semaphore_mem>>
    %dma_start3A_77 = tpu.memref_squeeze %dma_start3A_76 : memref<1x!tpu.dma_semaphore, #tpu.memory_space<semaphore_mem>> -> memref<!tpu.dma_semaphore, #tpu.memory_space<semaphore_mem>>
    tpu.enqueue_indirect_dma source(%dma_start3A_75 : memref<100000x32xf32, #tpu.memory_space<hbm>>) target(%dma_start3A_70 : memref<128x32xf32, #tpu.memory_space<vmem>>) offsets(%dma_start3A_72 : memref<128xi32, #tpu.memory_space<vmem>>) semaphore(%dma_start3A_77 : memref<!tpu.dma_semaphore, #tpu.memory_space<semaphore_mem>>)
    %dma_start3A_78 = arith.constant 0 : i32
    %dma_start3A_79 = arith.constant 128 : i32
    %dma_start3A_80 = arith.constant 0 : i32
    %dma_start3A_81 = tpu.memref_slice %arg8[%dma_start3A_79, %dma_start3A_80] : memref<800x32xf32, #tpu.memory_space<vmem>> -> memref<128x32xf32, #tpu.memory_space<vmem>>
    %dma_start3A_82 = arith.constant 128 : i32
    %dma_start3A_83 = tpu.memref_slice %arg7[%dma_start3A_82] : memref<800xi32, #tpu.memory_space<vmem>> -> memref<128xi32, #tpu.memory_space<vmem>>
    %dma_start3A_84 = arith.constant 0 : i32
    %dma_start3A_85 = arith.constant 0 : i32
    %dma_start3A_86 = tpu.memref_slice %arg2[%dma_start3A_84, %dma_start3A_85] : memref<100000x32xf32, #tpu.memory_space<hbm>> -> memref<100000x32xf32, #tpu.memory_space<hbm>>
    %dma_start3A_87 = tpu.memref_slice %arg14[%dma_start3A_78] : memref<2x!tpu.dma_semaphore, #tpu.memory_space<semaphore_mem>> -> memref<1x!tpu.dma_semaphore, #tpu.memory_space<semaphore_mem>>
    %dma_start3A_88 = tpu.memref_squeeze %dma_start3A_87 : memref<1x!tpu.dma_semaphore, #tpu.memory_space<semaphore_mem>> -> memref<!tpu.dma_semaphore, #tpu.memory_space<semaphore_mem>>
    tpu.enqueue_indirect_dma source(%dma_start3A_86 : memref<100000x32xf32, #tpu.memory_space<hbm>>) target(%dma_start3A_81 : memref<128x32xf32, #tpu.memory_space<vmem>>) offsets(%dma_start3A_83 : memref<128xi32, #tpu.memory_space<vmem>>) semaphore(%dma_start3A_88 : memref<!tpu.dma_semaphore, #tpu.memory_space<semaphore_mem>>)
    %dma_start3A_89 = arith.constant 0 : i32
    %dma_start3A_90 = arith.constant 256 : i32
    %dma_start3A_91 = arith.constant 0 : i32
    %dma_start3A_92 = tpu.memref_slice %arg8[%dma_start3A_90, %dma_start3A_91] : memref<800x32xf32, #tpu.memory_space<vmem>> -> memref<128x32xf32, #tpu.memory_space<vmem>>
    %dma_start3A_93 = arith.constant 256 : i32
    %dma_start3A_94 = tpu.memref_slice %arg7[%dma_start3A_93] : memref<800xi32, #tpu.memory_space<vmem>> -> memref<128xi32, #tpu.memory_space<vmem>>
    %dma_start3A_95 = arith.constant 0 : i32
    %dma_start3A_96 = arith.constant 0 : i32
    %dma_start3A_97 = tpu.memref_slice %arg2[%dma_start3A_95, %dma_start3A_96] : memref<100000x32xf32, #tpu.memory_space<hbm>> -> memref<100000x32xf32, #tpu.memory_space<hbm>>
    %dma_start3A_98 = tpu.memref_slice %arg14[%dma_start3A_89] : memref<2x!tpu.dma_semaphore, #tpu.memory_space<semaphore_mem>> -> memref<1x!tpu.dma_semaphore, #tpu.memory_space<semaphore_mem>>
    %dma_start3A_99 = tpu.memref_squeeze %dma_start3A_98 : memref<1x!tpu.dma_semaphore, #tpu.memory_space<semaphore_mem>> -> memref<!tpu.dma_semaphore, #tpu.memory_space<semaphore_mem>>
    tpu.enqueue_indirect_dma source(%dma_start3A_97 : memref<100000x32xf32, #tpu.memory_space<hbm>>) target(%dma_start3A_92 : memref<128x32xf32, #tpu.memory_space<vmem>>) offsets(%dma_start3A_94 : memref<128xi32, #tpu.memory_space<vmem>>) semaphore(%dma_start3A_99 : memref<!tpu.dma_semaphore, #tpu.memory_space<semaphore_mem>>)
    %dma_start3A_100 = arith.constant 0 : i32
    %dma_start3A_101 = arith.constant 384 : i32
    %dma_start3A_102 = arith.constant 0 : i32
    %dma_start3A_103 = tpu.memref_slice %arg8[%dma_start3A_101, %dma_start3A_102] : memref<800x32xf32, #tpu.memory_space<vmem>> -> memref<16x32xf32, #tpu.memory_space<vmem>>
    %dma_start3A_104 = arith.constant 384 : i32
    %dma_start3A_105 = tpu.memref_slice %arg7[%dma_start3A_104] : memref<800xi32, #tpu.memory_space<vmem>> -> memref<16xi32, #tpu.memory_space<vmem>>
    %dma_start3A_106 = arith.constant 0 : i32
    %dma_start3A_107 = arith.constant 0 : i32
    %dma_start3A_108 = tpu.memref_slice %arg2[%dma_start3A_106, %dma_start3A_107] : memref<100000x32xf32, #tpu.memory_space<hbm>> -> memref<100000x32xf32, #tpu.memory_space<hbm>>
    %dma_start3A_109 = tpu.memref_slice %arg14[%dma_start3A_100] : memref<2x!tpu.dma_semaphore, #tpu.memory_space<semaphore_mem>> -> memref<1x!tpu.dma_semaphore, #tpu.memory_space<semaphore_mem>>
    %dma_start3A_110 = tpu.memref_squeeze %dma_start3A_109 : memref<1x!tpu.dma_semaphore, #tpu.memory_space<semaphore_mem>> -> memref<!tpu.dma_semaphore, #tpu.memory_space<semaphore_mem>>
    tpu.enqueue_indirect_dma source(%dma_start3A_108 : memref<100000x32xf32, #tpu.memory_space<hbm>>) target(%dma_start3A_103 : memref<16x32xf32, #tpu.memory_space<vmem>>) offsets(%dma_start3A_105 : memref<16xi32, #tpu.memory_space<vmem>>) semaphore(%dma_start3A_110 : memref<!tpu.dma_semaphore, #tpu.memory_space<semaphore_mem>>)
    %add3A_111 = arith.constant 25 : i32
    %add3A_112 = arith.addi %mul3A_2, %add3A_111 : i32
    %mul3A_113 = arith.constant 16 : i32
    %mul3A_114 = arith.muli %add3A_112, %mul3A_113 : i32
    %dma_start3A_115 = arith.constant 1 : i32
    %dma_start3A_116 = arith.constant 400 : i32
    %dma_start3A_117 = tpu.memref_slice %arg7[%dma_start3A_116] : memref<800xi32, #tpu.memory_space<vmem>> -> memref<400xi32, #tpu.memory_space<vmem>>
    %dma_start3A_118 = tpu.memref_slice %arg3[%mul3A_114] : memref<1600000xi32, #tpu.memory_space<hbm>> -> memref<400xi32, #tpu.memory_space<hbm>>
    %dma_start3A_119 = tpu.memref_slice %arg12[%dma_start3A_115] : memref<2x!tpu.dma_semaphore, #tpu.memory_space<semaphore_mem>> -> memref<1x!tpu.dma_semaphore, #tpu.memory_space<semaphore_mem>>
    %dma_start3A_120 = tpu.memref_squeeze %dma_start3A_119 : memref<1x!tpu.dma_semaphore, #tpu.memory_space<semaphore_mem>> -> memref<!tpu.dma_semaphore, #tpu.memory_space<semaphore_mem>>
    %dma_start3A_121 = arith.constant 400 : i32
    %dma_start3A_122 = tpu.memref_slice %arg7[%dma_start3A_121] : memref<800xi32, #tpu.memory_space<vmem>> -> memref<400xi32, #tpu.memory_space<vmem>>
    %dma_start3A_123 = tpu.memref_slice %arg3[%mul3A_114] : memref<1600000xi32, #tpu.memory_space<hbm>> -> memref<400xi32, #tpu.memory_space<hbm>>
    tpu.enqueue_dma source(%dma_start3A_123 : memref<400xi32, #tpu.memory_space<hbm>>) target(%dma_start3A_122 : memref<400xi32, #tpu.memory_space<vmem>>) target_semaphore(%dma_start3A_120 : memref<!tpu.dma_semaphore, #tpu.memory_space<semaphore_mem>>)
    %scan3A = arith.constant 0 : i32
    %scan3A_124 = arith.constant 0 : i32
    %scan3A_125 = arith.constant 125 : i32
    %scan3A_126 = arith.addi %scan3A_124, %scan3A_125 : i32
    %scan3A_127 = arith.constant 1 : i32
    scf.for %scan3A_151 = %scan3A_124 to %scan3A_126 step %scan3A_127  : i32 {
      %and3A = arith.constant 1 : i32
      %and3A_152 = arith.andi %scan3A_151, %and3A : i32
      %sub3A = arith.constant 1 : i32
      %sub3A_153 = arith.subi %sub3A, %and3A_152 : i32
      %add3A_154 = arith.constant 1 : i32
      %add3A_155 = arith.addi %scan3A_151, %add3A_154 : i32
      %lt3A = arith.constant 125 : i32
      %lt3A_156 = arith.cmpi slt, %add3A_155, %lt3A : i32
      %convert_element_type3A = arith.extui %lt3A_156 : i1 to i32
      %cond3A = arith.constant 0 : i32
      %cond3A_157 = arith.cmpi ne, %convert_element_type3A, %cond3A : i32
      scf.if %cond3A_157 {
        %mul3A_282 = arith.constant 400 : i32
        %mul3A_283 = arith.muli %sub3A_153, %mul3A_282 : i32
        %dma_wait3A_284 = tpu.memref_slice %arg7[%mul3A_283] : memref<800xi32, #tpu.memory_space<vmem>> -> memref<400xi32, #tpu.memory_space<vmem>>
        %dma_wait3A_285 = arith.constant 0 : i32
        %dma_wait3A_286 = tpu.memref_slice %arg3[%dma_wait3A_285] : memref<1600000xi32, #tpu.memory_space<hbm>> -> memref<400xi32, #tpu.memory_space<hbm>>
        %dma_wait3A_287 = tpu.memref_slice %arg12[%sub3A_153] : memref<2x!tpu.dma_semaphore, #tpu.memory_space<semaphore_mem>> -> memref<1x!tpu.dma_semaphore, #tpu.memory_space<semaphore_mem>>
        %dma_wait3A_288 = tpu.memref_squeeze %dma_wait3A_287 : memref<1x!tpu.dma_semaphore, #tpu.memory_space<semaphore_mem>> -> memref<!tpu.dma_semaphore, #tpu.memory_space<semaphore_mem>>
        %dma_wait3A_289 = tpu.memref_slice %arg7[%mul3A_283] : memref<800xi32, #tpu.memory_space<vmem>> -> memref<400xi32, #tpu.memory_space<vmem>>
        %dma_wait3A_290 = arith.constant 0 : i32
        %dma_wait3A_291 = tpu.memref_slice %arg3[%dma_wait3A_290] : memref<1600000xi32, #tpu.memory_space<hbm>> -> memref<400xi32, #tpu.memory_space<hbm>>
        tpu.wait_dma2 semaphore(%dma_wait3A_288 : memref<!tpu.dma_semaphore, #tpu.memory_space<semaphore_mem>>) src(%dma_wait3A_291 : memref<400xi32, #tpu.memory_space<hbm>>) dst(%dma_wait3A_289 : memref<400xi32, #tpu.memory_space<vmem>>)
        %mul3A_292 = arith.constant 400 : i32
        %mul3A_293 = arith.muli %sub3A_153, %mul3A_292 : i32
        %add3A_294 = arith.constant 0 : i32
        %add3A_295 = arith.addi %mul3A_293, %add3A_294 : i32
        %mul3A_296 = arith.constant 400 : i32
        %mul3A_297 = arith.muli %sub3A_153, %mul3A_296 : i32
        %add3A_298 = arith.constant 0 : i32
        %add3A_299 = arith.addi %mul3A_297, %add3A_298 : i32
        %dma_start3A_300 = arith.constant 0 : i32
        %dma_start3A_301 = tpu.memref_slice %arg8[%add3A_299, %dma_start3A_300] : memref<800x32xf32, #tpu.memory_space<vmem>> -> memref<128x32xf32, #tpu.memory_space<vmem>>
        %dma_start3A_302 = tpu.memref_slice %arg7[%add3A_295] : memref<800xi32, #tpu.memory_space<vmem>> -> memref<128xi32, #tpu.memory_space<vmem>>
        %dma_start3A_303 = arith.constant 0 : i32
        %dma_start3A_304 = arith.constant 0 : i32
        %dma_start3A_305 = tpu.memref_slice %arg2[%dma_start3A_303, %dma_start3A_304] : memref<100000x32xf32, #tpu.memory_space<hbm>> -> memref<100000x32xf32, #tpu.memory_space<hbm>>
        %dma_start3A_306 = tpu.memref_slice %arg14[%sub3A_153] : memref<2x!tpu.dma_semaphore, #tpu.memory_space<semaphore_mem>> -> memref<1x!tpu.dma_semaphore, #tpu.memory_space<semaphore_mem>>
        %dma_start3A_307 = tpu.memref_squeeze %dma_start3A_306 : memref<1x!tpu.dma_semaphore, #tpu.memory_space<semaphore_mem>> -> memref<!tpu.dma_semaphore, #tpu.memory_space<semaphore_mem>>
        tpu.enqueue_indirect_dma source(%dma_start3A_305 : memref<100000x32xf32, #tpu.memory_space<hbm>>) target(%dma_start3A_301 : memref<128x32xf32, #tpu.memory_space<vmem>>) offsets(%dma_start3A_302 : memref<128xi32, #tpu.memory_space<vmem>>) semaphore(%dma_start3A_307 : memref<!tpu.dma_semaphore, #tpu.memory_space<semaphore_mem>>)
        %mul3A_308 = arith.constant 400 : i32
        %mul3A_309 = arith.muli %sub3A_153, %mul3A_308 : i32
        %add3A_310 = arith.constant 128 : i32
        %add3A_311 = arith.addi %mul3A_309, %add3A_310 : i32
        %mul3A_312 = arith.constant 400 : i32
        %mul3A_313 = arith.muli %sub3A_153, %mul3A_312 : i32
        %add3A_314 = arith.constant 128 : i32
        %add3A_315 = arith.addi %mul3A_313, %add3A_314 : i32
        %dma_start3A_316 = arith.constant 0 : i32
        %dma_start3A_317 = tpu.memref_slice %arg8[%add3A_315, %dma_start3A_316] : memref<800x32xf32, #tpu.memory_space<vmem>> -> memref<128x32xf32, #tpu.memory_space<vmem>>
        %dma_start3A_318 = tpu.memref_slice %arg7[%add3A_311] : memref<800xi32, #tpu.memory_space<vmem>> -> memref<128xi32, #tpu.memory_space<vmem>>
        %dma_start3A_319 = arith.constant 0 : i32
        %dma_start3A_320 = arith.constant 0 : i32
        %dma_start3A_321 = tpu.memref_slice %arg2[%dma_start3A_319, %dma_start3A_320] : memref<100000x32xf32, #tpu.memory_space<hbm>> -> memref<100000x32xf32, #tpu.memory_space<hbm>>
        %dma_start3A_322 = tpu.memref_slice %arg14[%sub3A_153] : memref<2x!tpu.dma_semaphore, #tpu.memory_space<semaphore_mem>> -> memref<1x!tpu.dma_semaphore, #tpu.memory_space<semaphore_mem>>
        %dma_start3A_323 = tpu.memref_squeeze %dma_start3A_322 : memref<1x!tpu.dma_semaphore, #tpu.memory_space<semaphore_mem>> -> memref<!tpu.dma_semaphore, #tpu.memory_space<semaphore_mem>>
        tpu.enqueue_indirect_dma source(%dma_start3A_321 : memref<100000x32xf32, #tpu.memory_space<hbm>>) target(%dma_start3A_317 : memref<128x32xf32, #tpu.memory_space<vmem>>) offsets(%dma_start3A_318 : memref<128xi32, #tpu.memory_space<vmem>>) semaphore(%dma_start3A_323 : memref<!tpu.dma_semaphore, #tpu.memory_space<semaphore_mem>>)
        %mul3A_324 = arith.constant 400 : i32
        %mul3A_325 = arith.muli %sub3A_153, %mul3A_324 : i32
        %add3A_326 = arith.constant 256 : i32
        %add3A_327 = arith.addi %mul3A_325, %add3A_326 : i32
        %mul3A_328 = arith.constant 400 : i32
        %mul3A_329 = arith.muli %sub3A_153, %mul3A_328 : i32
        %add3A_330 = arith.constant 256 : i32
        %add3A_331 = arith.addi %mul3A_329, %add3A_330 : i32
        %dma_start3A_332 = arith.constant 0 : i32
        %dma_start3A_333 = tpu.memref_slice %arg8[%add3A_331, %dma_start3A_332] : memref<800x32xf32, #tpu.memory_space<vmem>> -> memref<128x32xf32, #tpu.memory_space<vmem>>
        %dma_start3A_334 = tpu.memref_slice %arg7[%add3A_327] : memref<800xi32, #tpu.memory_space<vmem>> -> memref<128xi32, #tpu.memory_space<vmem>>
        %dma_start3A_335 = arith.constant 0 : i32
        %dma_start3A_336 = arith.constant 0 : i32
        %dma_start3A_337 = tpu.memref_slice %arg2[%dma_start3A_335, %dma_start3A_336] : memref<100000x32xf32, #tpu.memory_space<hbm>> -> memref<100000x32xf32, #tpu.memory_space<hbm>>
        %dma_start3A_338 = tpu.memref_slice %arg14[%sub3A_153] : memref<2x!tpu.dma_semaphore, #tpu.memory_space<semaphore_mem>> -> memref<1x!tpu.dma_semaphore, #tpu.memory_space<semaphore_mem>>
        %dma_start3A_339 = tpu.memref_squeeze %dma_start3A_338 : memref<1x!tpu.dma_semaphore, #tpu.memory_space<semaphore_mem>> -> memref<!tpu.dma_semaphore, #tpu.memory_space<semaphore_mem>>
        tpu.enqueue_indirect_dma source(%dma_start3A_337 : memref<100000x32xf32, #tpu.memory_space<hbm>>) target(%dma_start3A_333 : memref<128x32xf32, #tpu.memory_space<vmem>>) offsets(%dma_start3A_334 : memref<128xi32, #tpu.memory_space<vmem>>) semaphore(%dma_start3A_339 : memref<!tpu.dma_semaphore, #tpu.memory_space<semaphore_mem>>)
        %mul3A_340 = arith.constant 400 : i32
        %mul3A_341 = arith.muli %sub3A_153, %mul3A_340 : i32
        %add3A_342 = arith.constant 384 : i32
        %add3A_343 = arith.addi %mul3A_341, %add3A_342 : i32
        %mul3A_344 = arith.constant 400 : i32
        %mul3A_345 = arith.muli %sub3A_153, %mul3A_344 : i32
        %add3A_346 = arith.constant 384 : i32
        %add3A_347 = arith.addi %mul3A_345, %add3A_346 : i32
        %dma_start3A_348 = arith.constant 0 : i32
        %dma_start3A_349 = tpu.memref_slice %arg8[%add3A_347, %dma_start3A_348] : memref<800x32xf32, #tpu.memory_space<vmem>> -> memref<16x32xf32, #tpu.memory_space<vmem>>
        %dma_start3A_350 = tpu.memref_slice %arg7[%add3A_343] : memref<800xi32, #tpu.memory_space<vmem>> -> memref<16xi32, #tpu.memory_space<vmem>>
        %dma_start3A_351 = arith.constant 0 : i32
        %dma_start3A_352 = arith.constant 0 : i32
        %dma_start3A_353 = tpu.memref_slice %arg2[%dma_start3A_351, %dma_start3A_352] : memref<100000x32xf32, #tpu.memory_space<hbm>> -> memref<100000x32xf32, #tpu.memory_space<hbm>>
        %dma_start3A_354 = tpu.memref_slice %arg14[%sub3A_153] : memref<2x!tpu.dma_semaphore, #tpu.memory_space<semaphore_mem>> -> memref<1x!tpu.dma_semaphore, #tpu.memory_space<semaphore_mem>>
        %dma_start3A_355 = tpu.memref_squeeze %dma_start3A_354 : memref<1x!tpu.dma_semaphore, #tpu.memory_space<semaphore_mem>> -> memref<!tpu.dma_semaphore, #tpu.memory_space<semaphore_mem>>
        tpu.enqueue_indirect_dma source(%dma_start3A_353 : memref<100000x32xf32, #tpu.memory_space<hbm>>) target(%dma_start3A_349 : memref<16x32xf32, #tpu.memory_space<vmem>>) offsets(%dma_start3A_350 : memref<16xi32, #tpu.memory_space<vmem>>) semaphore(%dma_start3A_355 : memref<!tpu.dma_semaphore, #tpu.memory_space<semaphore_mem>>)
        %add3A_356 = arith.constant 1 : i32
        %add3A_357 = arith.addi %scan3A_151, %add3A_356 : i32
        %mul3A_358 = arith.constant 25 : i32
        %mul3A_359 = arith.muli %add3A_357, %mul3A_358 : i32
        %add3A_360 = arith.addi %mul3A_2, %mul3A_359 : i32
        %mul3A_361 = arith.constant 16 : i32
        %mul3A_362 = arith.muli %add3A_360, %mul3A_361 : i32
        %mul3A_363 = arith.constant 8 : i32
        %mul3A_364 = arith.muli %mul3A_362, %mul3A_363 : i32
        %mul3A_365 = arith.constant 3200 : i32
        %mul3A_366 = arith.muli %sub3A_153, %mul3A_365 : i32
        %dma_start3A_367 = tpu.memref_slice %arg9[%mul3A_366] : memref<6400xf32, #tpu.memory_space<vmem>> -> memref<3200xf32, #tpu.memory_space<vmem>>
        %dma_start3A_368 = tpu.memref_slice %arg4[%mul3A_364] : memref<12800000xf32, #tpu.memory_space<hbm>> -> memref<3200xf32, #tpu.memory_space<hbm>>
        %dma_start3A_369 = tpu.memref_slice %arg13[%sub3A_153] : memref<2x!tpu.dma_semaphore, #tpu.memory_space<semaphore_mem>> -> memref<1x!tpu.dma_semaphore, #tpu.memory_space<semaphore_mem>>
        %dma_start3A_370 = tpu.memref_squeeze %dma_start3A_369 : memref<1x!tpu.dma_semaphore, #tpu.memory_space<semaphore_mem>> -> memref<!tpu.dma_semaphore, #tpu.memory_space<semaphore_mem>>
        %dma_start3A_371 = tpu.memref_slice %arg9[%mul3A_366] : memref<6400xf32, #tpu.memory_space<vmem>> -> memref<3200xf32, #tpu.memory_space<vmem>>
        %dma_start3A_372 = tpu.memref_slice %arg4[%mul3A_364] : memref<12800000xf32, #tpu.memory_space<hbm>> -> memref<3200xf32, #tpu.memory_space<hbm>>
        tpu.enqueue_dma source(%dma_start3A_372 : memref<3200xf32, #tpu.memory_space<hbm>>) target(%dma_start3A_371 : memref<3200xf32, #tpu.memory_space<vmem>>) target_semaphore(%dma_start3A_370 : memref<!tpu.dma_semaphore, #tpu.memory_space<semaphore_mem>>)
        %mul3A_373 = arith.constant 16 : i32
        %mul3A_374 = arith.muli %add3A_360, %mul3A_373 : i32
        %mul3A_375 = arith.constant 16 : i32
        %mul3A_376 = arith.muli %mul3A_374, %mul3A_375 : i32
        %mul3A_377 = arith.constant 6400 : i32
        %mul3A_378 = arith.muli %sub3A_153, %mul3A_377 : i32
        %dma_start3A_379 = tpu.memref_slice %arg10[%mul3A_378] : memref<12800xf32, #tpu.memory_space<vmem>> -> memref<6400xf32, #tpu.memory_space<vmem>>
        %dma_start3A_380 = tpu.memref_slice %arg5[%mul3A_376] : memref<25600000xf32, #tpu.memory_space<hbm>> -> memref<6400xf32, #tpu.memory_space<hbm>>
        %dma_start3A_381 = tpu.memref_slice %arg13[%sub3A_153] : memref<2x!tpu.dma_semaphore, #tpu.memory_space<semaphore_mem>> -> memref<1x!tpu.dma_semaphore, #tpu.memory_space<semaphore_mem>>
        %dma_start3A_382 = tpu.memref_squeeze %dma_start3A_381 : memref<1x!tpu.dma_semaphore, #tpu.memory_space<semaphore_mem>> -> memref<!tpu.dma_semaphore, #tpu.memory_space<semaphore_mem>>
        %dma_start3A_383 = tpu.memref_slice %arg10[%mul3A_378] : memref<12800xf32, #tpu.memory_space<vmem>> -> memref<6400xf32, #tpu.memory_space<vmem>>
        %dma_start3A_384 = tpu.memref_slice %arg5[%mul3A_376] : memref<25600000xf32, #tpu.memory_space<hbm>> -> memref<6400xf32, #tpu.memory_space<hbm>>
        tpu.enqueue_dma source(%dma_start3A_384 : memref<6400xf32, #tpu.memory_space<hbm>>) target(%dma_start3A_383 : memref<6400xf32, #tpu.memory_space<vmem>>) target_semaphore(%dma_start3A_382 : memref<!tpu.dma_semaphore, #tpu.memory_space<semaphore_mem>>)
      } else {
      }
      %mul3A_158 = arith.constant 400 : i32
      %mul3A_159 = arith.muli %and3A_152, %mul3A_158 : i32
      %add3A_160 = arith.constant 0 : i32
      %add3A_161 = arith.addi %mul3A_159, %add3A_160 : i32
      %mul3A_162 = arith.constant 400 : i32
      %mul3A_163 = arith.muli %and3A_152, %mul3A_162 : i32
      %add3A_164 = arith.constant 0 : i32
      %add3A_165 = arith.addi %mul3A_163, %add3A_164 : i32
      %dma_wait3A_166 = arith.constant 0 : i32
      %dma_wait3A_167 = tpu.memref_slice %arg8[%add3A_165, %dma_wait3A_166] : memref<800x32xf32, #tpu.memory_space<vmem>> -> memref<128x32xf32, #tpu.memory_space<vmem>>
      %dma_wait3A_168 = tpu.memref_slice %arg7[%add3A_161] : memref<800xi32, #tpu.memory_space<vmem>> -> memref<128xi32, #tpu.memory_space<vmem>>
      %dma_wait3A_169 = arith.constant 0 : i32
      %dma_wait3A_170 = arith.constant 0 : i32
      %dma_wait3A_171 = tpu.memref_slice %arg2[%dma_wait3A_169, %dma_wait3A_170] : memref<100000x32xf32, #tpu.memory_space<hbm>> -> memref<100000x32xf32, #tpu.memory_space<hbm>>
      %dma_wait3A_172 = tpu.memref_slice %arg14[%and3A_152] : memref<2x!tpu.dma_semaphore, #tpu.memory_space<semaphore_mem>> -> memref<1x!tpu.dma_semaphore, #tpu.memory_space<semaphore_mem>>
      %dma_wait3A_173 = tpu.memref_squeeze %dma_wait3A_172 : memref<1x!tpu.dma_semaphore, #tpu.memory_space<semaphore_mem>> -> memref<!tpu.dma_semaphore, #tpu.memory_space<semaphore_mem>>
      tpu.wait_indirect_dma semaphore(%dma_wait3A_173 : memref<!tpu.dma_semaphore, #tpu.memory_space<semaphore_mem>>) src(%dma_wait3A_171 : memref<100000x32xf32, #tpu.memory_space<hbm>>) dst(%dma_wait3A_167 : memref<128x32xf32, #tpu.memory_space<vmem>>)
      %mul3A_174 = arith.constant 400 : i32
      %mul3A_175 = arith.muli %and3A_152, %mul3A_174 : i32
      %add3A_176 = arith.constant 128 : i32
      %add3A_177 = arith.addi %mul3A_175, %add3A_176 : i32
      %mul3A_178 = arith.constant 400 : i32
      %mul3A_179 = arith.muli %and3A_152, %mul3A_178 : i32
      %add3A_180 = arith.constant 128 : i32
      %add3A_181 = arith.addi %mul3A_179, %add3A_180 : i32
      %dma_wait3A_182 = arith.constant 0 : i32
      %dma_wait3A_183 = tpu.memref_slice %arg8[%add3A_181, %dma_wait3A_182] : memref<800x32xf32, #tpu.memory_space<vmem>> -> memref<128x32xf32, #tpu.memory_space<vmem>>
      %dma_wait3A_184 = tpu.memref_slice %arg7[%add3A_177] : memref<800xi32, #tpu.memory_space<vmem>> -> memref<128xi32, #tpu.memory_space<vmem>>
      %dma_wait3A_185 = arith.constant 0 : i32
      %dma_wait3A_186 = arith.constant 0 : i32
      %dma_wait3A_187 = tpu.memref_slice %arg2[%dma_wait3A_185, %dma_wait3A_186] : memref<100000x32xf32, #tpu.memory_space<hbm>> -> memref<100000x32xf32, #tpu.memory_space<hbm>>
      %dma_wait3A_188 = tpu.memref_slice %arg14[%and3A_152] : memref<2x!tpu.dma_semaphore, #tpu.memory_space<semaphore_mem>> -> memref<1x!tpu.dma_semaphore, #tpu.memory_space<semaphore_mem>>
      %dma_wait3A_189 = tpu.memref_squeeze %dma_wait3A_188 : memref<1x!tpu.dma_semaphore, #tpu.memory_space<semaphore_mem>> -> memref<!tpu.dma_semaphore, #tpu.memory_space<semaphore_mem>>
      tpu.wait_indirect_dma semaphore(%dma_wait3A_189 : memref<!tpu.dma_semaphore, #tpu.memory_space<semaphore_mem>>) src(%dma_wait3A_187 : memref<100000x32xf32, #tpu.memory_space<hbm>>) dst(%dma_wait3A_183 : memref<128x32xf32, #tpu.memory_space<vmem>>)
      %mul3A_190 = arith.constant 400 : i32
      %mul3A_191 = arith.muli %and3A_152, %mul3A_190 : i32
      %add3A_192 = arith.constant 256 : i32
      %add3A_193 = arith.addi %mul3A_191, %add3A_192 : i32
      %mul3A_194 = arith.constant 400 : i32
      %mul3A_195 = arith.muli %and3A_152, %mul3A_194 : i32
      %add3A_196 = arith.constant 256 : i32
      %add3A_197 = arith.addi %mul3A_195, %add3A_196 : i32
      %dma_wait3A_198 = arith.constant 0 : i32
      %dma_wait3A_199 = tpu.memref_slice %arg8[%add3A_197, %dma_wait3A_198] : memref<800x32xf32, #tpu.memory_space<vmem>> -> memref<128x32xf32, #tpu.memory_space<vmem>>
      %dma_wait3A_200 = tpu.memref_slice %arg7[%add3A_193] : memref<800xi32, #tpu.memory_space<vmem>> -> memref<128xi32, #tpu.memory_space<vmem>>
      %dma_wait3A_201 = arith.constant 0 : i32
      %dma_wait3A_202 = arith.constant 0 : i32
      %dma_wait3A_203 = tpu.memref_slice %arg2[%dma_wait3A_201, %dma_wait3A_202] : memref<100000x32xf32, #tpu.memory_space<hbm>> -> memref<100000x32xf32, #tpu.memory_space<hbm>>
      %dma_wait3A_204 = tpu.memref_slice %arg14[%and3A_152] : memref<2x!tpu.dma_semaphore, #tpu.memory_space<semaphore_mem>> -> memref<1x!tpu.dma_semaphore, #tpu.memory_space<semaphore_mem>>
      %dma_wait3A_205 = tpu.memref_squeeze %dma_wait3A_204 : memref<1x!tpu.dma_semaphore, #tpu.memory_space<semaphore_mem>> -> memref<!tpu.dma_semaphore, #tpu.memory_space<semaphore_mem>>
      tpu.wait_indirect_dma semaphore(%dma_wait3A_205 : memref<!tpu.dma_semaphore, #tpu.memory_space<semaphore_mem>>) src(%dma_wait3A_203 : memref<100000x32xf32, #tpu.memory_space<hbm>>) dst(%dma_wait3A_199 : memref<128x32xf32, #tpu.memory_space<vmem>>)
      %mul3A_206 = arith.constant 400 : i32
      %mul3A_207 = arith.muli %and3A_152, %mul3A_206 : i32
      %add3A_208 = arith.constant 384 : i32
      %add3A_209 = arith.addi %mul3A_207, %add3A_208 : i32
      %mul3A_210 = arith.constant 400 : i32
      %mul3A_211 = arith.muli %and3A_152, %mul3A_210 : i32
      %add3A_212 = arith.constant 384 : i32
      %add3A_213 = arith.addi %mul3A_211, %add3A_212 : i32
      %dma_wait3A_214 = arith.constant 0 : i32
      %dma_wait3A_215 = tpu.memref_slice %arg8[%add3A_213, %dma_wait3A_214] : memref<800x32xf32, #tpu.memory_space<vmem>> -> memref<16x32xf32, #tpu.memory_space<vmem>>
      %dma_wait3A_216 = tpu.memref_slice %arg7[%add3A_209] : memref<800xi32, #tpu.memory_space<vmem>> -> memref<16xi32, #tpu.memory_space<vmem>>
      %dma_wait3A_217 = arith.constant 0 : i32
      %dma_wait3A_218 = arith.constant 0 : i32
      %dma_wait3A_219 = tpu.memref_slice %arg2[%dma_wait3A_217, %dma_wait3A_218] : memref<100000x32xf32, #tpu.memory_space<hbm>> -> memref<100000x32xf32, #tpu.memory_space<hbm>>
      %dma_wait3A_220 = tpu.memref_slice %arg14[%and3A_152] : memref<2x!tpu.dma_semaphore, #tpu.memory_space<semaphore_mem>> -> memref<1x!tpu.dma_semaphore, #tpu.memory_space<semaphore_mem>>
      %dma_wait3A_221 = tpu.memref_squeeze %dma_wait3A_220 : memref<1x!tpu.dma_semaphore, #tpu.memory_space<semaphore_mem>> -> memref<!tpu.dma_semaphore, #tpu.memory_space<semaphore_mem>>
      tpu.wait_indirect_dma semaphore(%dma_wait3A_221 : memref<!tpu.dma_semaphore, #tpu.memory_space<semaphore_mem>>) src(%dma_wait3A_219 : memref<100000x32xf32, #tpu.memory_space<hbm>>) dst(%dma_wait3A_215 : memref<16x32xf32, #tpu.memory_space<vmem>>)
      %mul3A_222 = arith.constant 3200 : i32
      %mul3A_223 = arith.muli %and3A_152, %mul3A_222 : i32
      %dma_wait3A_224 = tpu.memref_slice %arg9[%mul3A_223] : memref<6400xf32, #tpu.memory_space<vmem>> -> memref<3200xf32, #tpu.memory_space<vmem>>
      %dma_wait3A_225 = arith.constant 0 : i32
      %dma_wait3A_226 = tpu.memref_slice %arg4[%dma_wait3A_225] : memref<12800000xf32, #tpu.memory_space<hbm>> -> memref<3200xf32, #tpu.memory_space<hbm>>
      %dma_wait3A_227 = tpu.memref_slice %arg13[%and3A_152] : memref<2x!tpu.dma_semaphore, #tpu.memory_space<semaphore_mem>> -> memref<1x!tpu.dma_semaphore, #tpu.memory_space<semaphore_mem>>
      %dma_wait3A_228 = tpu.memref_squeeze %dma_wait3A_227 : memref<1x!tpu.dma_semaphore, #tpu.memory_space<semaphore_mem>> -> memref<!tpu.dma_semaphore, #tpu.memory_space<semaphore_mem>>
      %dma_wait3A_229 = tpu.memref_slice %arg9[%mul3A_223] : memref<6400xf32, #tpu.memory_space<vmem>> -> memref<3200xf32, #tpu.memory_space<vmem>>
      %dma_wait3A_230 = arith.constant 0 : i32
      %dma_wait3A_231 = tpu.memref_slice %arg4[%dma_wait3A_230] : memref<12800000xf32, #tpu.memory_space<hbm>> -> memref<3200xf32, #tpu.memory_space<hbm>>
      tpu.wait_dma2 semaphore(%dma_wait3A_228 : memref<!tpu.dma_semaphore, #tpu.memory_space<semaphore_mem>>) src(%dma_wait3A_231 : memref<3200xf32, #tpu.memory_space<hbm>>) dst(%dma_wait3A_229 : memref<3200xf32, #tpu.memory_space<vmem>>)
      %mul3A_232 = arith.constant 6400 : i32
      %mul3A_233 = arith.muli %and3A_152, %mul3A_232 : i32
      %dma_wait3A_234 = tpu.memref_slice %arg10[%mul3A_233] : memref<12800xf32, #tpu.memory_space<vmem>> -> memref<6400xf32, #tpu.memory_space<vmem>>
      %dma_wait3A_235 = arith.constant 0 : i32
      %dma_wait3A_236 = tpu.memref_slice %arg5[%dma_wait3A_235] : memref<25600000xf32, #tpu.memory_space<hbm>> -> memref<6400xf32, #tpu.memory_space<hbm>>
      %dma_wait3A_237 = tpu.memref_slice %arg13[%and3A_152] : memref<2x!tpu.dma_semaphore, #tpu.memory_space<semaphore_mem>> -> memref<1x!tpu.dma_semaphore, #tpu.memory_space<semaphore_mem>>
      %dma_wait3A_238 = tpu.memref_squeeze %dma_wait3A_237 : memref<1x!tpu.dma_semaphore, #tpu.memory_space<semaphore_mem>> -> memref<!tpu.dma_semaphore, #tpu.memory_space<semaphore_mem>>
      %dma_wait3A_239 = tpu.memref_slice %arg10[%mul3A_233] : memref<12800xf32, #tpu.memory_space<vmem>> -> memref<6400xf32, #tpu.memory_space<vmem>>
      %dma_wait3A_240 = arith.constant 0 : i32
      %dma_wait3A_241 = tpu.memref_slice %arg5[%dma_wait3A_240] : memref<25600000xf32, #tpu.memory_space<hbm>> -> memref<6400xf32, #tpu.memory_space<hbm>>
      tpu.wait_dma2 semaphore(%dma_wait3A_238 : memref<!tpu.dma_semaphore, #tpu.memory_space<semaphore_mem>>) src(%dma_wait3A_241 : memref<6400xf32, #tpu.memory_space<hbm>>) dst(%dma_wait3A_239 : memref<6400xf32, #tpu.memory_space<vmem>>)
      %add3A_242 = arith.constant 2 : i32
      %add3A_243 = arith.addi %scan3A_151, %add3A_242 : i32
      %lt3A_244 = arith.constant 125 : i32
      %lt3A_245 = arith.cmpi slt, %add3A_243, %lt3A_244 : i32
      %convert_element_type3A_246 = arith.extui %lt3A_245 : i1 to i32
      %cond3A_247 = arith.constant 0 : i32
      %cond3A_248 = arith.cmpi ne, %convert_element_type3A_246, %cond3A_247 : i32
      scf.if %cond3A_248 {
        %add3A_282 = arith.constant 2 : i32
        %add3A_283 = arith.addi %scan3A_151, %add3A_282 : i32
        %mul3A_284 = arith.constant 25 : i32
        %mul3A_285 = arith.muli %add3A_283, %mul3A_284 : i32
        %add3A_286 = arith.addi %mul3A_2, %mul3A_285 : i32
        %mul3A_287 = arith.constant 16 : i32
        %mul3A_288 = arith.muli %add3A_286, %mul3A_287 : i32
        %mul3A_289 = arith.constant 400 : i32
        %mul3A_290 = arith.muli %and3A_152, %mul3A_289 : i32
        %dma_start3A_291 = tpu.memref_slice %arg7[%mul3A_290] : memref<800xi32, #tpu.memory_space<vmem>> -> memref<400xi32, #tpu.memory_space<vmem>>
        %dma_start3A_292 = tpu.memref_slice %arg3[%mul3A_288] : memref<1600000xi32, #tpu.memory_space<hbm>> -> memref<400xi32, #tpu.memory_space<hbm>>
        %dma_start3A_293 = tpu.memref_slice %arg12[%and3A_152] : memref<2x!tpu.dma_semaphore, #tpu.memory_space<semaphore_mem>> -> memref<1x!tpu.dma_semaphore, #tpu.memory_space<semaphore_mem>>
        %dma_start3A_294 = tpu.memref_squeeze %dma_start3A_293 : memref<1x!tpu.dma_semaphore, #tpu.memory_space<semaphore_mem>> -> memref<!tpu.dma_semaphore, #tpu.memory_space<semaphore_mem>>
        %dma_start3A_295 = tpu.memref_slice %arg7[%mul3A_290] : memref<800xi32, #tpu.memory_space<vmem>> -> memref<400xi32, #tpu.memory_space<vmem>>
        %dma_start3A_296 = tpu.memref_slice %arg3[%mul3A_288] : memref<1600000xi32, #tpu.memory_space<hbm>> -> memref<400xi32, #tpu.memory_space<hbm>>
        tpu.enqueue_dma source(%dma_start3A_296 : memref<400xi32, #tpu.memory_space<hbm>>) target(%dma_start3A_295 : memref<400xi32, #tpu.memory_space<vmem>>) target_semaphore(%dma_start3A_294 : memref<!tpu.dma_semaphore, #tpu.memory_space<semaphore_mem>>)
      } else {
      }
      %ge3A = arith.constant 2 : i32
      %ge3A_249 = arith.cmpi sge, %scan3A_151, %ge3A : i32
      %convert_element_type3A_250 = arith.extui %ge3A_249 : i1 to i32
      %cond3A_251 = arith.constant 0 : i32
      %cond3A_252 = arith.cmpi ne, %convert_element_type3A_250, %cond3A_251 : i32
      scf.if %cond3A_252 {
        %mul3A_282 = arith.constant 12800 : i32
        %mul3A_283 = arith.muli %and3A_152, %mul3A_282 : i32
        %dma_wait3A_284 = tpu.memref_slice %arg11[%mul3A_283] : memref<25600xf32, #tpu.memory_space<vmem>> -> memref<12800xf32, #tpu.memory_space<vmem>>
        %dma_wait3A_285 = arith.constant 0 : i32
        %dma_wait3A_286 = tpu.memref_slice %arg6[%dma_wait3A_285] : memref<51200000xf32, #tpu.memory_space<hbm>> -> memref<12800xf32, #tpu.memory_space<hbm>>
        %dma_wait3A_287 = tpu.memref_slice %arg15[%and3A_152] : memref<2x!tpu.dma_semaphore, #tpu.memory_space<semaphore_mem>> -> memref<1x!tpu.dma_semaphore, #tpu.memory_space<semaphore_mem>>
        %dma_wait3A_288 = tpu.memref_squeeze %dma_wait3A_287 : memref<1x!tpu.dma_semaphore, #tpu.memory_space<semaphore_mem>> -> memref<!tpu.dma_semaphore, #tpu.memory_space<semaphore_mem>>
        %dma_wait3A_289 = arith.constant 0 : i32
        %dma_wait3A_290 = tpu.memref_slice %arg6[%dma_wait3A_289] : memref<51200000xf32, #tpu.memory_space<hbm>> -> memref<12800xf32, #tpu.memory_space<hbm>>
        %dma_wait3A_291 = tpu.memref_slice %arg11[%mul3A_283] : memref<25600xf32, #tpu.memory_space<vmem>> -> memref<12800xf32, #tpu.memory_space<vmem>>
        tpu.wait_dma2 semaphore(%dma_wait3A_288 : memref<!tpu.dma_semaphore, #tpu.memory_space<semaphore_mem>>) src(%dma_wait3A_291 : memref<12800xf32, #tpu.memory_space<vmem>>) dst(%dma_wait3A_290 : memref<12800xf32, #tpu.memory_space<hbm>>)
      } else {
      }
      %mul3A_253 = arith.constant 400 : i32
      %mul3A_254 = arith.muli %and3A_152, %mul3A_253 : i32
      %mul3A_255 = arith.constant 3200 : i32
      %mul3A_256 = arith.muli %and3A_152, %mul3A_255 : i32
      %mul3A_257 = arith.constant 6400 : i32
      %mul3A_258 = arith.muli %and3A_152, %mul3A_257 : i32
      %mul3A_259 = arith.constant 12800 : i32
      %mul3A_260 = arith.muli %and3A_152, %mul3A_259 : i32
      %scan3A_261 = arith.constant 0 : i32
      %scan3A_262 = arith.constant 0 : i32
      %scan3A_263 = arith.constant 25 : i32
      %scan3A_264 = arith.addi %scan3A_262, %scan3A_263 : i32
      %scan3A_265 = arith.constant 1 : i32
      scf.for %scan3A_282 = %scan3A_262 to %scan3A_264 step %scan3A_265  : i32 {
        %mul3A_283 = arith.constant 16 : i32
        %mul3A_284 = arith.muli %scan3A_282, %mul3A_283 : i32
        %add3A_285 = arith.addi %mul3A_254, %mul3A_284 : i32
        %mul3A_286 = arith.constant 16 : i32
        %mul3A_287 = arith.muli %scan3A_282, %mul3A_286 : i32
        %mul3A_288 = arith.constant 8 : i32
        %mul3A_289 = arith.muli %mul3A_287, %mul3A_288 : i32
        %add3A_290 = arith.addi %mul3A_256, %mul3A_289 : i32
        %broadcast_in_dim3A = arith.constant 0.000000e+00 : f32
        %broadcast_in_dim3A_291 = vector.broadcast %broadcast_in_dim3A : f32 to vector<16xf32>
        %broadcast_in_dim3A_292 = arith.constant 0.000000e+00 : f32
        %broadcast_in_dim3A_293 = vector.broadcast %broadcast_in_dim3A_292 : f32 to vector<16xf32>
        %broadcast_in_dim3A_294 = arith.constant 0.000000e+00 : f32
        %broadcast_in_dim3A_295 = vector.broadcast %broadcast_in_dim3A_294 : f32 to vector<16xf32>
        %broadcast_in_dim3A_296 = arith.constant 0.000000e+00 : f32
        %broadcast_in_dim3A_297 = vector.broadcast %broadcast_in_dim3A_296 : f32 to vector<16xf32>
        %broadcast_in_dim3A_298 = arith.constant 0.000000e+00 : f32
        %broadcast_in_dim3A_299 = vector.broadcast %broadcast_in_dim3A_298 : f32 to vector<16xf32>
        %broadcast_in_dim3A_300 = arith.constant 0.000000e+00 : f32
        %broadcast_in_dim3A_301 = vector.broadcast %broadcast_in_dim3A_300 : f32 to vector<16xf32>
        %broadcast_in_dim3A_302 = arith.constant 0.000000e+00 : f32
        %broadcast_in_dim3A_303 = vector.broadcast %broadcast_in_dim3A_302 : f32 to vector<16xf32>
        %broadcast_in_dim3A_304 = arith.constant 0.000000e+00 : f32
        %broadcast_in_dim3A_305 = vector.broadcast %broadcast_in_dim3A_304 : f32 to vector<16xf32>
        %broadcast_in_dim3A_306 = arith.constant 0.000000e+00 : f32
        %broadcast_in_dim3A_307 = vector.broadcast %broadcast_in_dim3A_306 : f32 to vector<16xf32>
        %broadcast_in_dim3A_308 = arith.constant 0.000000e+00 : f32
        %broadcast_in_dim3A_309 = vector.broadcast %broadcast_in_dim3A_308 : f32 to vector<16xf32>
        %broadcast_in_dim3A_310 = arith.constant 0.000000e+00 : f32
        %broadcast_in_dim3A_311 = vector.broadcast %broadcast_in_dim3A_310 : f32 to vector<16xf32>
        %broadcast_in_dim3A_312 = arith.constant 0.000000e+00 : f32
        %broadcast_in_dim3A_313 = vector.broadcast %broadcast_in_dim3A_312 : f32 to vector<16xf32>
        %broadcast_in_dim3A_314 = arith.constant 0.000000e+00 : f32
        %broadcast_in_dim3A_315 = vector.broadcast %broadcast_in_dim3A_314 : f32 to vector<16xf32>
        %broadcast_in_dim3A_316 = arith.constant 0.000000e+00 : f32
        %broadcast_in_dim3A_317 = vector.broadcast %broadcast_in_dim3A_316 : f32 to vector<16xf32>
        %broadcast_in_dim3A_318 = arith.constant 0.000000e+00 : f32
        %broadcast_in_dim3A_319 = vector.broadcast %broadcast_in_dim3A_318 : f32 to vector<16xf32>
        %broadcast_in_dim3A_320 = arith.constant 0.000000e+00 : f32
        %broadcast_in_dim3A_321 = vector.broadcast %broadcast_in_dim3A_320 : f32 to vector<16xf32>
        %broadcast_in_dim3A_322 = arith.constant 0.000000e+00 : f32
        %broadcast_in_dim3A_323 = vector.broadcast %broadcast_in_dim3A_322 : f32 to vector<16xf32>
        %broadcast_in_dim3A_324 = arith.constant 0.000000e+00 : f32
        %broadcast_in_dim3A_325 = vector.broadcast %broadcast_in_dim3A_324 : f32 to vector<16xf32>
        %broadcast_in_dim3A_326 = arith.constant 0.000000e+00 : f32
        %broadcast_in_dim3A_327 = vector.broadcast %broadcast_in_dim3A_326 : f32 to vector<16xf32>
        %broadcast_in_dim3A_328 = arith.constant 0.000000e+00 : f32
        %broadcast_in_dim3A_329 = vector.broadcast %broadcast_in_dim3A_328 : f32 to vector<16xf32>
        %broadcast_in_dim3A_330 = arith.constant 0.000000e+00 : f32
        %broadcast_in_dim3A_331 = vector.broadcast %broadcast_in_dim3A_330 : f32 to vector<16xf32>
        %broadcast_in_dim3A_332 = arith.constant 0.000000e+00 : f32
        %broadcast_in_dim3A_333 = vector.broadcast %broadcast_in_dim3A_332 : f32 to vector<16xf32>
        %broadcast_in_dim3A_334 = arith.constant 0.000000e+00 : f32
        %broadcast_in_dim3A_335 = vector.broadcast %broadcast_in_dim3A_334 : f32 to vector<16xf32>
        %broadcast_in_dim3A_336 = arith.constant 0.000000e+00 : f32
        %broadcast_in_dim3A_337 = vector.broadcast %broadcast_in_dim3A_336 : f32 to vector<16xf32>
        %broadcast_in_dim3A_338 = arith.constant 0.000000e+00 : f32
        %broadcast_in_dim3A_339 = vector.broadcast %broadcast_in_dim3A_338 : f32 to vector<16xf32>
        %broadcast_in_dim3A_340 = arith.constant 0.000000e+00 : f32
        %broadcast_in_dim3A_341 = vector.broadcast %broadcast_in_dim3A_340 : f32 to vector<16xf32>
        %broadcast_in_dim3A_342 = arith.constant 0.000000e+00 : f32
        %broadcast_in_dim3A_343 = vector.broadcast %broadcast_in_dim3A_342 : f32 to vector<16xf32>
        %broadcast_in_dim3A_344 = arith.constant 0.000000e+00 : f32
        %broadcast_in_dim3A_345 = vector.broadcast %broadcast_in_dim3A_344 : f32 to vector<16xf32>
        %broadcast_in_dim3A_346 = arith.constant 0.000000e+00 : f32
        %broadcast_in_dim3A_347 = vector.broadcast %broadcast_in_dim3A_346 : f32 to vector<16xf32>
        %broadcast_in_dim3A_348 = arith.constant 0.000000e+00 : f32
        %broadcast_in_dim3A_349 = vector.broadcast %broadcast_in_dim3A_348 : f32 to vector<16xf32>
        %broadcast_in_dim3A_350 = arith.constant 0.000000e+00 : f32
        %broadcast_in_dim3A_351 = vector.broadcast %broadcast_in_dim3A_350 : f32 to vector<16xf32>
        %broadcast_in_dim3A_352 = arith.constant 0.000000e+00 : f32
        %broadcast_in_dim3A_353 = vector.broadcast %broadcast_in_dim3A_352 : f32 to vector<16xf32>
        %add3A_354 = arith.constant 0 : i32
        %add3A_355 = arith.addi %add3A_290, %add3A_354 : i32
        %get3A = arith.index_cast %add3A_355 : i32 to index
        %get3A_356 = tpu.vector_load %arg9[%get3A] {strides = array<i32>} : memref<6400xf32, #tpu.memory_space<vmem>>, vector<16xf32>,
        %get3A_357 = vector.shape_cast %get3A_356 : vector<16xf32> to vector<16xf32>
        %add3A_358 = arith.constant 0 : i32
        %add3A_359 = arith.addi %add3A_285, %add3A_358 : i32
        %add3A_360 = arith.constant 0 : i32
        %add3A_361 = arith.addi %add3A_359, %add3A_360 : i32
        %lt3A_362 = arith.constant 0 : i32
        %lt3A_363 = vector.broadcast %lt3A_362 : i32 to vector<16xi32>
        %lt3A_364 = arith.cmpi slt, %add3A_7, %lt3A_363 : vector<16xi32>
        %add3A_365 = arith.constant 16 : i32
        %add3A_366 = vector.broadcast %add3A_365 : i32 to vector<16xi32>
        %add3A_367 = arith.addi %add3A_7, %add3A_366 : vector<16xi32>
        %select_n3A = arith.select %lt3A_364, %add3A_367, %add3A_7 : vector<16xi1>, vector<16xi32>
        %broadcast_in_dim3A_368 = vector.shape_cast %select_n3A : vector<16xi32> to vector<16x1xi32>
        %gather3A = vector.shape_cast %broadcast_in_dim3A_368 : vector<16x1xi32> to vector<16xi32>
        %gather3A_369 = tpu.dynamic_gather %get3A_357[%gather3A] in [0] : vector<16xf32>, vector<16xi32> -> vector<16xf32>
        %lt3A_370 = arith.constant 0 : i32
        %lt3A_371 = vector.broadcast %lt3A_370 : i32 to vector<16xi32>
        %lt3A_372 = arith.cmpi slt, %add3A_10, %lt3A_371 : vector<16xi32>
        %add3A_373 = arith.constant 16 : i32
        %add3A_374 = vector.broadcast %add3A_373 : i32 to vector<16xi32>
        %add3A_375 = arith.addi %add3A_10, %add3A_374 : vector<16xi32>
        %select_n3A_376 = arith.select %lt3A_372, %add3A_375, %add3A_10 : vector<16xi1>, vector<16xi32>
        %broadcast_in_dim3A_377 = vector.shape_cast %select_n3A_376 : vector<16xi32> to vector<16x1xi32>
        %gather3A_378 = vector.shape_cast %broadcast_in_dim3A_377 : vector<16x1xi32> to vector<16xi32>
        %gather3A_379 = tpu.dynamic_gather %get3A_357[%gather3A_378] in [0] : vector<16xf32>, vector<16xi32> -> vector<16xf32>
        %get3A_380 = arith.index_cast %add3A_361 : i32 to index
        %get3A_381 = arith.constant 0 : index
        %get3A_382 = tpu.vector_load %arg8[%get3A_380, %get3A_381] {strides = array<i32>} : memref<800x32xf32, #tpu.memory_space<vmem>>, vector<1x16xf32>,
        %get3A_383 = vector.shape_cast %get3A_382 : vector<1x16xf32> to vector<16xf32>
        %mul3A_384 = arith.mulf %get3A_383, %gather3A_369 : vector<16xf32>
        %get3A_385 = arith.index_cast %add3A_361 : i32 to index
        %get3A_386 = arith.constant 16 : index
        %get3A_387 = tpu.vector_load %arg8[%get3A_385, %get3A_386] {strides = array<i32>} : memref<800x32xf32, #tpu.memory_space<vmem>>, vector<1x16xf32>,
        %get3A_388 = vector.shape_cast %get3A_387 : vector<1x16xf32> to vector<16xf32>
        %mul3A_389 = arith.mulf %get3A_388, %gather3A_379 : vector<16xf32>
        %sub3A_390 = arith.subi %add3A_361, %mul3A_254 : i32
        %mul3A_391 = arith.constant 16 : i32
        %mul3A_392 = arith.muli %sub3A_390, %mul3A_391 : i32
        %add3A_393 = arith.addi %mul3A_392, %mul3A_258 : i32
        %get3A_394 = arith.index_cast %add3A_393 : i32 to index
        %get3A_395 = tpu.vector_load %arg10[%get3A_394] {strides = array<i32>} : memref<12800xf32, #tpu.memory_space<vmem>>, vector<16xf32>,
        %get3A_396 = vector.shape_cast %get3A_395 : vector<16xf32> to vector<16xf32>
        %slice3A = vector.extract_strided_slice %mul3A_384 {offsets = [0], sizes = [1], strides = [1]} : vector<16xf32> to vector<1xf32>
        %squeeze3A = vector.extract %slice3A[0] : f32 from vector<1xf32>
        %mul3A_397 = vector.broadcast %squeeze3A : f32 to vector<16xf32>
        %mul3A_398 = arith.mulf %mul3A_397, %get3A_396 : vector<16xf32>
        %add3A_399 = arith.addf %broadcast_in_dim3A_291, %mul3A_398 : vector<16xf32>
        %slice3A_400 = vector.extract_strided_slice %mul3A_389 {offsets = [0], sizes = [1], strides = [1]} : vector<16xf32> to vector<1xf32>
        %squeeze3A_401 = vector.extract %slice3A_400[0] : f32 from vector<1xf32>
        %mul3A_402 = vector.broadcast %squeeze3A_401 : f32 to vector<16xf32>
        %mul3A_403 = arith.mulf %mul3A_402, %get3A_396 : vector<16xf32>
        %add3A_404 = arith.addf %broadcast_in_dim3A_323, %mul3A_403 : vector<16xf32>
        %slice3A_405 = vector.extract_strided_slice %mul3A_384 {offsets = [1], sizes = [1], strides = [1]} : vector<16xf32> to vector<1xf32>
        %squeeze3A_406 = vector.extract %slice3A_405[0] : f32 from vector<1xf32>
        %mul3A_407 = vector.broadcast %squeeze3A_406 : f32 to vector<16xf32>
        %mul3A_408 = arith.mulf %mul3A_407, %get3A_396 : vector<16xf32>
        %add3A_409 = arith.addf %broadcast_in_dim3A_293, %mul3A_408 : vector<16xf32>
        %slice3A_410 = vector.extract_strided_slice %mul3A_389 {offsets = [1], sizes = [1], strides = [1]} : vector<16xf32> to vector<1xf32>
        %squeeze3A_411 = vector.extract %slice3A_410[0] : f32 from vector<1xf32>
        %mul3A_412 = vector.broadcast %squeeze3A_411 : f32 to vector<16xf32>
        %mul3A_413 = arith.mulf %mul3A_412, %get3A_396 : vector<16xf32>
        %add3A_414 = arith.addf %broadcast_in_dim3A_325, %mul3A_413 : vector<16xf32>
        %slice3A_415 = vector.extract_strided_slice %mul3A_384 {offsets = [2], sizes = [1], strides = [1]} : vector<16xf32> to vector<1xf32>
        %squeeze3A_416 = vector.extract %slice3A_415[0] : f32 from vector<1xf32>
        %mul3A_417 = vector.broadcast %squeeze3A_416 : f32 to vector<16xf32>
        %mul3A_418 = arith.mulf %mul3A_417, %get3A_396 : vector<16xf32>
        %add3A_419 = arith.addf %broadcast_in_dim3A_295, %mul3A_418 : vector<16xf32>
        %slice3A_420 = vector.extract_strided_slice %mul3A_389 {offsets = [2], sizes = [1], strides = [1]} : vector<16xf32> to vector<1xf32>
        %squeeze3A_421 = vector.extract %slice3A_420[0] : f32 from vector<1xf32>
        %mul3A_422 = vector.broadcast %squeeze3A_421 : f32 to vector<16xf32>
        %mul3A_423 = arith.mulf %mul3A_422, %get3A_396 : vector<16xf32>
        %add3A_424 = arith.addf %broadcast_in_dim3A_327, %mul3A_423 : vector<16xf32>
        %slice3A_425 = vector.extract_strided_slice %mul3A_384 {offsets = [3], sizes = [1], strides = [1]} : vector<16xf32> to vector<1xf32>
        %squeeze3A_426 = vector.extract %slice3A_425[0] : f32 from vector<1xf32>
        %mul3A_427 = vector.broadcast %squeeze3A_426 : f32 to vector<16xf32>
        %mul3A_428 = arith.mulf %mul3A_427, %get3A_396 : vector<16xf32>
        %add3A_429 = arith.addf %broadcast_in_dim3A_297, %mul3A_428 : vector<16xf32>
        %slice3A_430 = vector.extract_strided_slice %mul3A_389 {offsets = [3], sizes = [1], strides = [1]} : vector<16xf32> to vector<1xf32>
        %squeeze3A_431 = vector.extract %slice3A_430[0] : f32 from vector<1xf32>
        %mul3A_432 = vector.broadcast %squeeze3A_431 : f32 to vector<16xf32>
        %mul3A_433 = arith.mulf %mul3A_432, %get3A_396 : vector<16xf32>
        %add3A_434 = arith.addf %broadcast_in_dim3A_329, %mul3A_433 : vector<16xf32>
        %slice3A_435 = vector.extract_strided_slice %mul3A_384 {offsets = [4], sizes = [1], strides = [1]} : vector<16xf32> to vector<1xf32>
        %squeeze3A_436 = vector.extract %slice3A_435[0] : f32 from vector<1xf32>
        %mul3A_437 = vector.broadcast %squeeze3A_436 : f32 to vector<16xf32>
        %mul3A_438 = arith.mulf %mul3A_437, %get3A_396 : vector<16xf32>
        %add3A_439 = arith.addf %broadcast_in_dim3A_299, %mul3A_438 : vector<16xf32>
        %slice3A_440 = vector.extract_strided_slice %mul3A_389 {offsets = [4], sizes = [1], strides = [1]} : vector<16xf32> to vector<1xf32>
        %squeeze3A_441 = vector.extract %slice3A_440[0] : f32 from vector<1xf32>
        %mul3A_442 = vector.broadcast %squeeze3A_441 : f32 to vector<16xf32>
        %mul3A_443 = arith.mulf %mul3A_442, %get3A_396 : vector<16xf32>
        %add3A_444 = arith.addf %broadcast_in_dim3A_331, %mul3A_443 : vector<16xf32>
        %slice3A_445 = vector.extract_strided_slice %mul3A_384 {offsets = [5], sizes = [1], strides = [1]} : vector<16xf32> to vector<1xf32>
        %squeeze3A_446 = vector.extract %slice3A_445[0] : f32 from vector<1xf32>
        %mul3A_447 = vector.broadcast %squeeze3A_446 : f32 to vector<16xf32>
        %mul3A_448 = arith.mulf %mul3A_447, %get3A_396 : vector<16xf32>
        %add3A_449 = arith.addf %broadcast_in_dim3A_301, %mul3A_448 : vector<16xf32>
        %slice3A_450 = vector.extract_strided_slice %mul3A_389 {offsets = [5], sizes = [1], strides = [1]} : vector<16xf32> to vector<1xf32>
        %squeeze3A_451 = vector.extract %slice3A_450[0] : f32 from vector<1xf32>
        %mul3A_452 = vector.broadcast %squeeze3A_451 : f32 to vector<16xf32>
        %mul3A_453 = arith.mulf %mul3A_452, %get3A_396 : vector<16xf32>
        %add3A_454 = arith.addf %broadcast_in_dim3A_333, %mul3A_453 : vector<16xf32>
        %slice3A_455 = vector.extract_strided_slice %mul3A_384 {offsets = [6], sizes = [1], strides = [1]} : vector<16xf32> to vector<1xf32>
        %squeeze3A_456 = vector.extract %slice3A_455[0] : f32 from vector<1xf32>
        %mul3A_457 = vector.broadcast %squeeze3A_456 : f32 to vector<16xf32>
        %mul3A_458 = arith.mulf %mul3A_457, %get3A_396 : vector<16xf32>
        %add3A_459 = arith.addf %broadcast_in_dim3A_303, %mul3A_458 : vector<16xf32>
        %slice3A_460 = vector.extract_strided_slice %mul3A_389 {offsets = [6], sizes = [1], strides = [1]} : vector<16xf32> to vector<1xf32>
        %squeeze3A_461 = vector.extract %slice3A_460[0] : f32 from vector<1xf32>
        %mul3A_462 = vector.broadcast %squeeze3A_461 : f32 to vector<16xf32>
        %mul3A_463 = arith.mulf %mul3A_462, %get3A_396 : vector<16xf32>
        %add3A_464 = arith.addf %broadcast_in_dim3A_335, %mul3A_463 : vector<16xf32>
        %slice3A_465 = vector.extract_strided_slice %mul3A_384 {offsets = [7], sizes = [1], strides = [1]} : vector<16xf32> to vector<1xf32>
        %squeeze3A_466 = vector.extract %slice3A_465[0] : f32 from vector<1xf32>
        %mul3A_467 = vector.broadcast %squeeze3A_466 : f32 to vector<16xf32>
        %mul3A_468 = arith.mulf %mul3A_467, %get3A_396 : vector<16xf32>
        %add3A_469 = arith.addf %broadcast_in_dim3A_305, %mul3A_468 : vector<16xf32>
        %slice3A_470 = vector.extract_strided_slice %mul3A_389 {offsets = [7], sizes = [1], strides = [1]} : vector<16xf32> to vector<1xf32>
        %squeeze3A_471 = vector.extract %slice3A_470[0] : f32 from vector<1xf32>
        %mul3A_472 = vector.broadcast %squeeze3A_471 : f32 to vector<16xf32>
        %mul3A_473 = arith.mulf %mul3A_472, %get3A_396 : vector<16xf32>
        %add3A_474 = arith.addf %broadcast_in_dim3A_337, %mul3A_473 : vector<16xf32>
        %slice3A_475 = vector.extract_strided_slice %mul3A_384 {offsets = [8], sizes = [1], strides = [1]} : vector<16xf32> to vector<1xf32>
        %squeeze3A_476 = vector.extract %slice3A_475[0] : f32 from vector<1xf32>
        %mul3A_477 = vector.broadcast %squeeze3A_476 : f32 to vector<16xf32>
        %mul3A_478 = arith.mulf %mul3A_477, %get3A_396 : vector<16xf32>
        %add3A_479 = arith.addf %broadcast_in_dim3A_307, %mul3A_478 : vector<16xf32>
        %slice3A_480 = vector.extract_strided_slice %mul3A_389 {offsets = [8], sizes = [1], strides = [1]} : vector<16xf32> to vector<1xf32>
        %squeeze3A_481 = vector.extract %slice3A_480[0] : f32 from vector<1xf32>
        %mul3A_482 = vector.broadcast %squeeze3A_481 : f32 to vector<16xf32>
        %mul3A_483 = arith.mulf %mul3A_482, %get3A_396 : vector<16xf32>
        %add3A_484 = arith.addf %broadcast_in_dim3A_339, %mul3A_483 : vector<16xf32>
        %slice3A_485 = vector.extract_strided_slice %mul3A_384 {offsets = [9], sizes = [1], strides = [1]} : vector<16xf32> to vector<1xf32>
        %squeeze3A_486 = vector.extract %slice3A_485[0] : f32 from vector<1xf32>
        %mul3A_487 = vector.broadcast %squeeze3A_486 : f32 to vector<16xf32>
        %mul3A_488 = arith.mulf %mul3A_487, %get3A_396 : vector<16xf32>
        %add3A_489 = arith.addf %broadcast_in_dim3A_309, %mul3A_488 : vector<16xf32>
        %slice3A_490 = vector.extract_strided_slice %mul3A_389 {offsets = [9], sizes = [1], strides = [1]} : vector<16xf32> to vector<1xf32>
        %squeeze3A_491 = vector.extract %slice3A_490[0] : f32 from vector<1xf32>
        %mul3A_492 = vector.broadcast %squeeze3A_491 : f32 to vector<16xf32>
        %mul3A_493 = arith.mulf %mul3A_492, %get3A_396 : vector<16xf32>
        %add3A_494 = arith.addf %broadcast_in_dim3A_341, %mul3A_493 : vector<16xf32>
        %slice3A_495 = vector.extract_strided_slice %mul3A_384 {offsets = [10], sizes = [1], strides = [1]} : vector<16xf32> to vector<1xf32>
        %squeeze3A_496 = vector.extract %slice3A_495[0] : f32 from vector<1xf32>
        %mul3A_497 = vector.broadcast %squeeze3A_496 : f32 to vector<16xf32>
        %mul3A_498 = arith.mulf %mul3A_497, %get3A_396 : vector<16xf32>
        %add3A_499 = arith.addf %broadcast_in_dim3A_311, %mul3A_498 : vector<16xf32>
        %slice3A_500 = vector.extract_strided_slice %mul3A_389 {offsets = [10], sizes = [1], strides = [1]} : vector<16xf32> to vector<1xf32>
        %squeeze3A_501 = vector.extract %slice3A_500[0] : f32 from vector<1xf32>
        %mul3A_502 = vector.broadcast %squeeze3A_501 : f32 to vector<16xf32>
        %mul3A_503 = arith.mulf %mul3A_502, %get3A_396 : vector<16xf32>
        %add3A_504 = arith.addf %broadcast_in_dim3A_343, %mul3A_503 : vector<16xf32>
        %slice3A_505 = vector.extract_strided_slice %mul3A_384 {offsets = [11], sizes = [1], strides = [1]} : vector<16xf32> to vector<1xf32>
        %squeeze3A_506 = vector.extract %slice3A_505[0] : f32 from vector<1xf32>
        %mul3A_507 = vector.broadcast %squeeze3A_506 : f32 to vector<16xf32>
        %mul3A_508 = arith.mulf %mul3A_507, %get3A_396 : vector<16xf32>
        %add3A_509 = arith.addf %broadcast_in_dim3A_313, %mul3A_508 : vector<16xf32>
        %slice3A_510 = vector.extract_strided_slice %mul3A_389 {offsets = [11], sizes = [1], strides = [1]} : vector<16xf32> to vector<1xf32>
        %squeeze3A_511 = vector.extract %slice3A_510[0] : f32 from vector<1xf32>
        %mul3A_512 = vector.broadcast %squeeze3A_511 : f32 to vector<16xf32>
        %mul3A_513 = arith.mulf %mul3A_512, %get3A_396 : vector<16xf32>
        %add3A_514 = arith.addf %broadcast_in_dim3A_345, %mul3A_513 : vector<16xf32>
        %slice3A_515 = vector.extract_strided_slice %mul3A_384 {offsets = [12], sizes = [1], strides = [1]} : vector<16xf32> to vector<1xf32>
        %squeeze3A_516 = vector.extract %slice3A_515[0] : f32 from vector<1xf32>
        %mul3A_517 = vector.broadcast %squeeze3A_516 : f32 to vector<16xf32>
        %mul3A_518 = arith.mulf %mul3A_517, %get3A_396 : vector<16xf32>
        %add3A_519 = arith.addf %broadcast_in_dim3A_315, %mul3A_518 : vector<16xf32>
        %slice3A_520 = vector.extract_strided_slice %mul3A_389 {offsets = [12], sizes = [1], strides = [1]} : vector<16xf32> to vector<1xf32>
        %squeeze3A_521 = vector.extract %slice3A_520[0] : f32 from vector<1xf32>
        %mul3A_522 = vector.broadcast %squeeze3A_521 : f32 to vector<16xf32>
        %mul3A_523 = arith.mulf %mul3A_522, %get3A_396 : vector<16xf32>
        %add3A_524 = arith.addf %broadcast_in_dim3A_347, %mul3A_523 : vector<16xf32>
        %slice3A_525 = vector.extract_strided_slice %mul3A_384 {offsets = [13], sizes = [1], strides = [1]} : vector<16xf32> to vector<1xf32>
        %squeeze3A_526 = vector.extract %slice3A_525[0] : f32 from vector<1xf32>
        %mul3A_527 = vector.broadcast %squeeze3A_526 : f32 to vector<16xf32>
        %mul3A_528 = arith.mulf %mul3A_527, %get3A_396 : vector<16xf32>
        %add3A_529 = arith.addf %broadcast_in_dim3A_317, %mul3A_528 : vector<16xf32>
        %slice3A_530 = vector.extract_strided_slice %mul3A_389 {offsets = [13], sizes = [1], strides = [1]} : vector<16xf32> to vector<1xf32>
        %squeeze3A_531 = vector.extract %slice3A_530[0] : f32 from vector<1xf32>
        %mul3A_532 = vector.broadcast %squeeze3A_531 : f32 to vector<16xf32>
        %mul3A_533 = arith.mulf %mul3A_532, %get3A_396 : vector<16xf32>
        %add3A_534 = arith.addf %broadcast_in_dim3A_349, %mul3A_533 : vector<16xf32>
        %slice3A_535 = vector.extract_strided_slice %mul3A_384 {offsets = [14], sizes = [1], strides = [1]} : vector<16xf32> to vector<1xf32>
        %squeeze3A_536 = vector.extract %slice3A_535[0] : f32 from vector<1xf32>
        %mul3A_537 = vector.broadcast %squeeze3A_536 : f32 to vector<16xf32>
        %mul3A_538 = arith.mulf %mul3A_537, %get3A_396 : vector<16xf32>
        %add3A_539 = arith.addf %broadcast_in_dim3A_319, %mul3A_538 : vector<16xf32>
        %slice3A_540 = vector.extract_strided_slice %mul3A_389 {offsets = [14], sizes = [1], strides = [1]} : vector<16xf32> to vector<1xf32>
        %squeeze3A_541 = vector.extract %slice3A_540[0] : f32 from vector<1xf32>
        %mul3A_542 = vector.broadcast %squeeze3A_541 : f32 to vector<16xf32>
        %mul3A_543 = arith.mulf %mul3A_542, %get3A_396 : vector<16xf32>
        %add3A_544 = arith.addf %broadcast_in_dim3A_351, %mul3A_543 : vector<16xf32>
        %slice3A_545 = vector.extract_strided_slice %mul3A_384 {offsets = [15], sizes = [1], strides = [1]} : vector<16xf32> to vector<1xf32>
        %squeeze3A_546 = vector.extract %slice3A_545[0] : f32 from vector<1xf32>
        %mul3A_547 = vector.broadcast %squeeze3A_546 : f32 to vector<16xf32>
        %mul3A_548 = arith.mulf %mul3A_547, %get3A_396 : vector<16xf32>
        %add3A_549 = arith.addf %broadcast_in_dim3A_321, %mul3A_548 : vector<16xf32>
        %slice3A_550 = vector.extract_strided_slice %mul3A_389 {offsets = [15], sizes = [1], strides = [1]} : vector<16xf32> to vector<1xf32>
        %squeeze3A_551 = vector.extract %slice3A_550[0] : f32 from vector<1xf32>
        %mul3A_552 = vector.broadcast %squeeze3A_551 : f32 to vector<16xf32>
        %mul3A_553 = arith.mulf %mul3A_552, %get3A_396 : vector<16xf32>
        %add3A_554 = arith.addf %broadcast_in_dim3A_353, %mul3A_553 : vector<16xf32>
        %add3A_555 = arith.constant 0 : i32
        %add3A_556 = arith.addi %add3A_285, %add3A_555 : i32
        %add3A_557 = arith.constant 1 : i32
        %add3A_558 = arith.addi %add3A_556, %add3A_557 : i32
        %lt3A_559 = arith.constant 0 : i32
        %lt3A_560 = vector.broadcast %lt3A_559 : i32 to vector<16xi32>
        %lt3A_561 = arith.cmpi slt, %add3A_13, %lt3A_560 : vector<16xi32>
        %add3A_562 = arith.constant 16 : i32
        %add3A_563 = vector.broadcast %add3A_562 : i32 to vector<16xi32>
        %add3A_564 = arith.addi %add3A_13, %add3A_563 : vector<16xi32>
        %select_n3A_565 = arith.select %lt3A_561, %add3A_564, %add3A_13 : vector<16xi1>, vector<16xi32>
        %broadcast_in_dim3A_566 = vector.shape_cast %select_n3A_565 : vector<16xi32> to vector<16x1xi32>
        %gather3A_567 = vector.shape_cast %broadcast_in_dim3A_566 : vector<16x1xi32> to vector<16xi32>
        %gather3A_568 = tpu.dynamic_gather %get3A_357[%gather3A_567] in [0] : vector<16xf32>, vector<16xi32> -> vector<16xf32>
        %lt3A_569 = arith.constant 0 : i32
        %lt3A_570 = vector.broadcast %lt3A_569 : i32 to vector<16xi32>
        %lt3A_571 = arith.cmpi slt, %add3A_16, %lt3A_570 : vector<16xi32>
        %add3A_572 = arith.constant 16 : i32
        %add3A_573 = vector.broadcast %add3A_572 : i32 to vector<16xi32>
        %add3A_574 = arith.addi %add3A_16, %add3A_573 : vector<16xi32>
        %select_n3A_575 = arith.select %lt3A_571, %add3A_574, %add3A_16 : vector<16xi1>, vector<16xi32>
        %broadcast_in_dim3A_576 = vector.shape_cast %select_n3A_575 : vector<16xi32> to vector<16x1xi32>
        %gather3A_577 = vector.shape_cast %broadcast_in_dim3A_576 : vector<16x1xi32> to vector<16xi32>
        %gather3A_578 = tpu.dynamic_gather %get3A_357[%gather3A_577] in [0] : vector<16xf32>, vector<16xi32> -> vector<16xf32>
        %get3A_579 = arith.index_cast %add3A_558 : i32 to index
        %get3A_580 = arith.constant 0 : index
        %get3A_581 = tpu.vector_load %arg8[%get3A_579, %get3A_580] {strides = array<i32>} : memref<800x32xf32, #tpu.memory_space<vmem>>, vector<1x16xf32>,
        %get3A_582 = vector.shape_cast %get3A_581 : vector<1x16xf32> to vector<16xf32>
        %mul3A_583 = arith.mulf %get3A_582, %gather3A_568 : vector<16xf32>
        %get3A_584 = arith.index_cast %add3A_558 : i32 to index
        %get3A_585 = arith.constant 16 : index
        %get3A_586 = tpu.vector_load %arg8[%get3A_584, %get3A_585] {strides = array<i32>} : memref<800x32xf32, #tpu.memory_space<vmem>>, vector<1x16xf32>,
        %get3A_587 = vector.shape_cast %get3A_586 : vector<1x16xf32> to vector<16xf32>
        %mul3A_588 = arith.mulf %get3A_587, %gather3A_578 : vector<16xf32>
        %sub3A_589 = arith.subi %add3A_558, %mul3A_254 : i32
        %mul3A_590 = arith.constant 16 : i32
        %mul3A_591 = arith.muli %sub3A_589, %mul3A_590 : i32
        %add3A_592 = arith.addi %mul3A_591, %mul3A_258 : i32
        %get3A_593 = arith.index_cast %add3A_592 : i32 to index
        %get3A_594 = tpu.vector_load %arg10[%get3A_593] {strides = array<i32>} : memref<12800xf32, #tpu.memory_space<vmem>>, vector<16xf32>,
        %get3A_595 = vector.shape_cast %get3A_594 : vector<16xf32> to vector<16xf32>
        %slice3A_596 = vector.extract_strided_slice %mul3A_583 {offsets = [0], sizes = [1], strides = [1]} : vector<16xf32> to vector<1xf32>
        %squeeze3A_597 = vector.extract %slice3A_596[0] : f32 from vector<1xf32>
        %mul3A_598 = vector.broadcast %squeeze3A_597 : f32 to vector<16xf32>
        %mul3A_599 = arith.mulf %mul3A_598, %get3A_595 : vector<16xf32>
        %add3A_600 = arith.addf %add3A_399, %mul3A_599 : vector<16xf32>
        %slice3A_601 = vector.extract_strided_slice %mul3A_588 {offsets = [0], sizes = [1], strides = [1]} : vector<16xf32> to vector<1xf32>
        %squeeze3A_602 = vector.extract %slice3A_601[0] : f32 from vector<1xf32>
        %mul3A_603 = vector.broadcast %squeeze3A_602 : f32 to vector<16xf32>
        %mul3A_604 = arith.mulf %mul3A_603, %get3A_595 : vector<16xf32>
        %add3A_605 = arith.addf %add3A_404, %mul3A_604 : vector<16xf32>
        %slice3A_606 = vector.extract_strided_slice %mul3A_583 {offsets = [1], sizes = [1], strides = [1]} : vector<16xf32> to vector<1xf32>
        %squeeze3A_607 = vector.extract %slice3A_606[0] : f32 from vector<1xf32>
        %mul3A_608 = vector.broadcast %squeeze3A_607 : f32 to vector<16xf32>
        %mul3A_609 = arith.mulf %mul3A_608, %get3A_595 : vector<16xf32>
        %add3A_610 = arith.addf %add3A_409, %mul3A_609 : vector<16xf32>
        %slice3A_611 = vector.extract_strided_slice %mul3A_588 {offsets = [1], sizes = [1], strides = [1]} : vector<16xf32> to vector<1xf32>
        %squeeze3A_612 = vector.extract %slice3A_611[0] : f32 from vector<1xf32>
        %mul3A_613 = vector.broadcast %squeeze3A_612 : f32 to vector<16xf32>
        %mul3A_614 = arith.mulf %mul3A_613, %get3A_595 : vector<16xf32>
        %add3A_615 = arith.addf %add3A_414, %mul3A_614 : vector<16xf32>
        %slice3A_616 = vector.extract_strided_slice %mul3A_583 {offsets = [2], sizes = [1], strides = [1]} : vector<16xf32> to vector<1xf32>
        %squeeze3A_617 = vector.extract %slice3A_616[0] : f32 from vector<1xf32>
        %mul3A_618 = vector.broadcast %squeeze3A_617 : f32 to vector<16xf32>
        %mul3A_619 = arith.mulf %mul3A_618, %get3A_595 : vector<16xf32>
        %add3A_620 = arith.addf %add3A_419, %mul3A_619 : vector<16xf32>
        %slice3A_621 = vector.extract_strided_slice %mul3A_588 {offsets = [2], sizes = [1], strides = [1]} : vector<16xf32> to vector<1xf32>
        %squeeze3A_622 = vector.extract %slice3A_621[0] : f32 from vector<1xf32>
        %mul3A_623 = vector.broadcast %squeeze3A_622 : f32 to vector<16xf32>
        %mul3A_624 = arith.mulf %mul3A_623, %get3A_595 : vector<16xf32>
        %add3A_625 = arith.addf %add3A_424, %mul3A_624 : vector<16xf32>
        %slice3A_626 = vector.extract_strided_slice %mul3A_583 {offsets = [3], sizes = [1], strides = [1]} : vector<16xf32> to vector<1xf32>
        %squeeze3A_627 = vector.extract %slice3A_626[0] : f32 from vector<1xf32>
        %mul3A_628 = vector.broadcast %squeeze3A_627 : f32 to vector<16xf32>
        %mul3A_629 = arith.mulf %mul3A_628, %get3A_595 : vector<16xf32>
        %add3A_630 = arith.addf %add3A_429, %mul3A_629 : vector<16xf32>
        %slice3A_631 = vector.extract_strided_slice %mul3A_588 {offsets = [3], sizes = [1], strides = [1]} : vector<16xf32> to vector<1xf32>
        %squeeze3A_632 = vector.extract %slice3A_631[0] : f32 from vector<1xf32>
        %mul3A_633 = vector.broadcast %squeeze3A_632 : f32 to vector<16xf32>
        %mul3A_634 = arith.mulf %mul3A_633, %get3A_595 : vector<16xf32>
        %add3A_635 = arith.addf %add3A_434, %mul3A_634 : vector<16xf32>
        %slice3A_636 = vector.extract_strided_slice %mul3A_583 {offsets = [4], sizes = [1], strides = [1]} : vector<16xf32> to vector<1xf32>
        %squeeze3A_637 = vector.extract %slice3A_636[0] : f32 from vector<1xf32>
        %mul3A_638 = vector.broadcast %squeeze3A_637 : f32 to vector<16xf32>
        %mul3A_639 = arith.mulf %mul3A_638, %get3A_595 : vector<16xf32>
        %add3A_640 = arith.addf %add3A_439, %mul3A_639 : vector<16xf32>
        %slice3A_641 = vector.extract_strided_slice %mul3A_588 {offsets = [4], sizes = [1], strides = [1]} : vector<16xf32> to vector<1xf32>
        %squeeze3A_642 = vector.extract %slice3A_641[0] : f32 from vector<1xf32>
        %mul3A_643 = vector.broadcast %squeeze3A_642 : f32 to vector<16xf32>
        %mul3A_644 = arith.mulf %mul3A_643, %get3A_595 : vector<16xf32>
        %add3A_645 = arith.addf %add3A_444, %mul3A_644 : vector<16xf32>
        %slice3A_646 = vector.extract_strided_slice %mul3A_583 {offsets = [5], sizes = [1], strides = [1]} : vector<16xf32> to vector<1xf32>
        %squeeze3A_647 = vector.extract %slice3A_646[0] : f32 from vector<1xf32>
        %mul3A_648 = vector.broadcast %squeeze3A_647 : f32 to vector<16xf32>
        %mul3A_649 = arith.mulf %mul3A_648, %get3A_595 : vector<16xf32>
        %add3A_650 = arith.addf %add3A_449, %mul3A_649 : vector<16xf32>
        %slice3A_651 = vector.extract_strided_slice %mul3A_588 {offsets = [5], sizes = [1], strides = [1]} : vector<16xf32> to vector<1xf32>
        %squeeze3A_652 = vector.extract %slice3A_651[0] : f32 from vector<1xf32>
        %mul3A_653 = vector.broadcast %squeeze3A_652 : f32 to vector<16xf32>
        %mul3A_654 = arith.mulf %mul3A_653, %get3A_595 : vector<16xf32>
        %add3A_655 = arith.addf %add3A_454, %mul3A_654 : vector<16xf32>
        %slice3A_656 = vector.extract_strided_slice %mul3A_583 {offsets = [6], sizes = [1], strides = [1]} : vector<16xf32> to vector<1xf32>
        %squeeze3A_657 = vector.extract %slice3A_656[0] : f32 from vector<1xf32>
        %mul3A_658 = vector.broadcast %squeeze3A_657 : f32 to vector<16xf32>
        %mul3A_659 = arith.mulf %mul3A_658, %get3A_595 : vector<16xf32>
        %add3A_660 = arith.addf %add3A_459, %mul3A_659 : vector<16xf32>
        %slice3A_661 = vector.extract_strided_slice %mul3A_588 {offsets = [6], sizes = [1], strides = [1]} : vector<16xf32> to vector<1xf32>
        %squeeze3A_662 = vector.extract %slice3A_661[0] : f32 from vector<1xf32>
        %mul3A_663 = vector.broadcast %squeeze3A_662 : f32 to vector<16xf32>
        %mul3A_664 = arith.mulf %mul3A_663, %get3A_595 : vector<16xf32>
        %add3A_665 = arith.addf %add3A_464, %mul3A_664 : vector<16xf32>
        %slice3A_666 = vector.extract_strided_slice %mul3A_583 {offsets = [7], sizes = [1], strides = [1]} : vector<16xf32> to vector<1xf32>
        %squeeze3A_667 = vector.extract %slice3A_666[0] : f32 from vector<1xf32>
        %mul3A_668 = vector.broadcast %squeeze3A_667 : f32 to vector<16xf32>
        %mul3A_669 = arith.mulf %mul3A_668, %get3A_595 : vector<16xf32>
        %add3A_670 = arith.addf %add3A_469, %mul3A_669 : vector<16xf32>
        %slice3A_671 = vector.extract_strided_slice %mul3A_588 {offsets = [7], sizes = [1], strides = [1]} : vector<16xf32> to vector<1xf32>
        %squeeze3A_672 = vector.extract %slice3A_671[0] : f32 from vector<1xf32>
        %mul3A_673 = vector.broadcast %squeeze3A_672 : f32 to vector<16xf32>
        %mul3A_674 = arith.mulf %mul3A_673, %get3A_595 : vector<16xf32>
        %add3A_675 = arith.addf %add3A_474, %mul3A_674 : vector<16xf32>
        %slice3A_676 = vector.extract_strided_slice %mul3A_583 {offsets = [8], sizes = [1], strides = [1]} : vector<16xf32> to vector<1xf32>
        %squeeze3A_677 = vector.extract %slice3A_676[0] : f32 from vector<1xf32>
        %mul3A_678 = vector.broadcast %squeeze3A_677 : f32 to vector<16xf32>
        %mul3A_679 = arith.mulf %mul3A_678, %get3A_595 : vector<16xf32>
        %add3A_680 = arith.addf %add3A_479, %mul3A_679 : vector<16xf32>
        %slice3A_681 = vector.extract_strided_slice %mul3A_588 {offsets = [8], sizes = [1], strides = [1]} : vector<16xf32> to vector<1xf32>
        %squeeze3A_682 = vector.extract %slice3A_681[0] : f32 from vector<1xf32>
        %mul3A_683 = vector.broadcast %squeeze3A_682 : f32 to vector<16xf32>
        %mul3A_684 = arith.mulf %mul3A_683, %get3A_595 : vector<16xf32>
        %add3A_685 = arith.addf %add3A_484, %mul3A_684 : vector<16xf32>
        %slice3A_686 = vector.extract_strided_slice %mul3A_583 {offsets = [9], sizes = [1], strides = [1]} : vector<16xf32> to vector<1xf32>
        %squeeze3A_687 = vector.extract %slice3A_686[0] : f32 from vector<1xf32>
        %mul3A_688 = vector.broadcast %squeeze3A_687 : f32 to vector<16xf32>
        %mul3A_689 = arith.mulf %mul3A_688, %get3A_595 : vector<16xf32>
        %add3A_690 = arith.addf %add3A_489, %mul3A_689 : vector<16xf32>
        %slice3A_691 = vector.extract_strided_slice %mul3A_588 {offsets = [9], sizes = [1], strides = [1]} : vector<16xf32> to vector<1xf32>
        %squeeze3A_692 = vector.extract %slice3A_691[0] : f32 from vector<1xf32>
        %mul3A_693 = vector.broadcast %squeeze3A_692 : f32 to vector<16xf32>
        %mul3A_694 = arith.mulf %mul3A_693, %get3A_595 : vector<16xf32>
        %add3A_695 = arith.addf %add3A_494, %mul3A_694 : vector<16xf32>
        %slice3A_696 = vector.extract_strided_slice %mul3A_583 {offsets = [10], sizes = [1], strides = [1]} : vector<16xf32> to vector<1xf32>
        %squeeze3A_697 = vector.extract %slice3A_696[0] : f32 from vector<1xf32>
        %mul3A_698 = vector.broadcast %squeeze3A_697 : f32 to vector<16xf32>
        %mul3A_699 = arith.mulf %mul3A_698, %get3A_595 : vector<16xf32>
        %add3A_700 = arith.addf %add3A_499, %mul3A_699 : vector<16xf32>
        %slice3A_701 = vector.extract_strided_slice %mul3A_588 {offsets = [10], sizes = [1], strides = [1]} : vector<16xf32> to vector<1xf32>
        %squeeze3A_702 = vector.extract %slice3A_701[0] : f32 from vector<1xf32>
        %mul3A_703 = vector.broadcast %squeeze3A_702 : f32 to vector<16xf32>
        %mul3A_704 = arith.mulf %mul3A_703, %get3A_595 : vector<16xf32>
        %add3A_705 = arith.addf %add3A_504, %mul3A_704 : vector<16xf32>
        %slice3A_706 = vector.extract_strided_slice %mul3A_583 {offsets = [11], sizes = [1], strides = [1]} : vector<16xf32> to vector<1xf32>
        %squeeze3A_707 = vector.extract %slice3A_706[0] : f32 from vector<1xf32>
        %mul3A_708 = vector.broadcast %squeeze3A_707 : f32 to vector<16xf32>
        %mul3A_709 = arith.mulf %mul3A_708, %get3A_595 : vector<16xf32>
        %add3A_710 = arith.addf %add3A_509, %mul3A_709 : vector<16xf32>
        %slice3A_711 = vector.extract_strided_slice %mul3A_588 {offsets = [11], sizes = [1], strides = [1]} : vector<16xf32> to vector<1xf32>
        %squeeze3A_712 = vector.extract %slice3A_711[0] : f32 from vector<1xf32>
        %mul3A_713 = vector.broadcast %squeeze3A_712 : f32 to vector<16xf32>
        %mul3A_714 = arith.mulf %mul3A_713, %get3A_595 : vector<16xf32>
        %add3A_715 = arith.addf %add3A_514, %mul3A_714 : vector<16xf32>
        %slice3A_716 = vector.extract_strided_slice %mul3A_583 {offsets = [12], sizes = [1], strides = [1]} : vector<16xf32> to vector<1xf32>
        %squeeze3A_717 = vector.extract %slice3A_716[0] : f32 from vector<1xf32>
        %mul3A_718 = vector.broadcast %squeeze3A_717 : f32 to vector<16xf32>
        %mul3A_719 = arith.mulf %mul3A_718, %get3A_595 : vector<16xf32>
        %add3A_720 = arith.addf %add3A_519, %mul3A_719 : vector<16xf32>
        %slice3A_721 = vector.extract_strided_slice %mul3A_588 {offsets = [12], sizes = [1], strides = [1]} : vector<16xf32> to vector<1xf32>
        %squeeze3A_722 = vector.extract %slice3A_721[0] : f32 from vector<1xf32>
        %mul3A_723 = vector.broadcast %squeeze3A_722 : f32 to vector<16xf32>
        %mul3A_724 = arith.mulf %mul3A_723, %get3A_595 : vector<16xf32>
        %add3A_725 = arith.addf %add3A_524, %mul3A_724 : vector<16xf32>
        %slice3A_726 = vector.extract_strided_slice %mul3A_583 {offsets = [13], sizes = [1], strides = [1]} : vector<16xf32> to vector<1xf32>
        %squeeze3A_727 = vector.extract %slice3A_726[0] : f32 from vector<1xf32>
        %mul3A_728 = vector.broadcast %squeeze3A_727 : f32 to vector<16xf32>
        %mul3A_729 = arith.mulf %mul3A_728, %get3A_595 : vector<16xf32>
        %add3A_730 = arith.addf %add3A_529, %mul3A_729 : vector<16xf32>
        %slice3A_731 = vector.extract_strided_slice %mul3A_588 {offsets = [13], sizes = [1], strides = [1]} : vector<16xf32> to vector<1xf32>
        %squeeze3A_732 = vector.extract %slice3A_731[0] : f32 from vector<1xf32>
        %mul3A_733 = vector.broadcast %squeeze3A_732 : f32 to vector<16xf32>
        %mul3A_734 = arith.mulf %mul3A_733, %get3A_595 : vector<16xf32>
        %add3A_735 = arith.addf %add3A_534, %mul3A_734 : vector<16xf32>
        %slice3A_736 = vector.extract_strided_slice %mul3A_583 {offsets = [14], sizes = [1], strides = [1]} : vector<16xf32> to vector<1xf32>
        %squeeze3A_737 = vector.extract %slice3A_736[0] : f32 from vector<1xf32>
        %mul3A_738 = vector.broadcast %squeeze3A_737 : f32 to vector<16xf32>
        %mul3A_739 = arith.mulf %mul3A_738, %get3A_595 : vector<16xf32>
        %add3A_740 = arith.addf %add3A_539, %mul3A_739 : vector<16xf32>
        %slice3A_741 = vector.extract_strided_slice %mul3A_588 {offsets = [14], sizes = [1], strides = [1]} : vector<16xf32> to vector<1xf32>
        %squeeze3A_742 = vector.extract %slice3A_741[0] : f32 from vector<1xf32>
        %mul3A_743 = vector.broadcast %squeeze3A_742 : f32 to vector<16xf32>
        %mul3A_744 = arith.mulf %mul3A_743, %get3A_595 : vector<16xf32>
        %add3A_745 = arith.addf %add3A_544, %mul3A_744 : vector<16xf32>
        %slice3A_746 = vector.extract_strided_slice %mul3A_583 {offsets = [15], sizes = [1], strides = [1]} : vector<16xf32> to vector<1xf32>
        %squeeze3A_747 = vector.extract %slice3A_746[0] : f32 from vector<1xf32>
        %mul3A_748 = vector.broadcast %squeeze3A_747 : f32 to vector<16xf32>
        %mul3A_749 = arith.mulf %mul3A_748, %get3A_595 : vector<16xf32>
        %add3A_750 = arith.addf %add3A_549, %mul3A_749 : vector<16xf32>
        %slice3A_751 = vector.extract_strided_slice %mul3A_588 {offsets = [15], sizes = [1], strides = [1]} : vector<16xf32> to vector<1xf32>
        %squeeze3A_752 = vector.extract %slice3A_751[0] : f32 from vector<1xf32>
        %mul3A_753 = vector.broadcast %squeeze3A_752 : f32 to vector<16xf32>
        %mul3A_754 = arith.mulf %mul3A_753, %get3A_595 : vector<16xf32>
        %add3A_755 = arith.addf %add3A_554, %mul3A_754 : vector<16xf32>
        %add3A_756 = arith.constant 16 : i32
        %add3A_757 = arith.addi %add3A_290, %add3A_756 : i32
        %get3A_758 = arith.index_cast %add3A_757 : i32 to index
        %get3A_759 = tpu.vector_load %arg9[%get3A_758] {strides = array<i32>} : memref<6400xf32, #tpu.memory_space<vmem>>, vector<16xf32>,
        %get3A_760 = vector.shape_cast %get3A_759 : vector<16xf32> to vector<16xf32>
        %add3A_761 = arith.constant 2 : i32
        %add3A_762 = arith.addi %add3A_285, %add3A_761 : i32
        %add3A_763 = arith.constant 0 : i32
        %add3A_764 = arith.addi %add3A_762, %add3A_763 : i32
        %lt3A_765 = arith.constant 0 : i32
        %lt3A_766 = vector.broadcast %lt3A_765 : i32 to vector<16xi32>
        %lt3A_767 = arith.cmpi slt, %add3A_7, %lt3A_766 : vector<16xi32>
        %add3A_768 = arith.constant 16 : i32
        %add3A_769 = vector.broadcast %add3A_768 : i32 to vector<16xi32>
        %add3A_770 = arith.addi %add3A_7, %add3A_769 : vector<16xi32>
        %select_n3A_771 = arith.select %lt3A_767, %add3A_770, %add3A_7 : vector<16xi1>, vector<16xi32>
        %broadcast_in_dim3A_772 = vector.shape_cast %select_n3A_771 : vector<16xi32> to vector<16x1xi32>
        %gather3A_773 = vector.shape_cast %broadcast_in_dim3A_772 : vector<16x1xi32> to vector<16xi32>
        %gather3A_774 = tpu.dynamic_gather %get3A_760[%gather3A_773] in [0] : vector<16xf32>, vector<16xi32> -> vector<16xf32>
        %lt3A_775 = arith.constant 0 : i32
        %lt3A_776 = vector.broadcast %lt3A_775 : i32 to vector<16xi32>
        %lt3A_777 = arith.cmpi slt, %add3A_10, %lt3A_776 : vector<16xi32>
        %add3A_778 = arith.constant 16 : i32
        %add3A_779 = vector.broadcast %add3A_778 : i32 to vector<16xi32>
        %add3A_780 = arith.addi %add3A_10, %add3A_779 : vector<16xi32>
        %select_n3A_781 = arith.select %lt3A_777, %add3A_780, %add3A_10 : vector<16xi1>, vector<16xi32>
        %broadcast_in_dim3A_782 = vector.shape_cast %select_n3A_781 : vector<16xi32> to vector<16x1xi32>
        %gather3A_783 = vector.shape_cast %broadcast_in_dim3A_782 : vector<16x1xi32> to vector<16xi32>
        %gather3A_784 = tpu.dynamic_gather %get3A_760[%gather3A_783] in [0] : vector<16xf32>, vector<16xi32> -> vector<16xf32>
        %get3A_785 = arith.index_cast %add3A_764 : i32 to index
        %get3A_786 = arith.constant 0 : index
        %get3A_787 = tpu.vector_load %arg8[%get3A_785, %get3A_786] {strides = array<i32>} : memref<800x32xf32, #tpu.memory_space<vmem>>, vector<1x16xf32>,
        %get3A_788 = vector.shape_cast %get3A_787 : vector<1x16xf32> to vector<16xf32>
        %mul3A_789 = arith.mulf %get3A_788, %gather3A_774 : vector<16xf32>
        %get3A_790 = arith.index_cast %add3A_764 : i32 to index
        %get3A_791 = arith.constant 16 : index
        %get3A_792 = tpu.vector_load %arg8[%get3A_790, %get3A_791] {strides = array<i32>} : memref<800x32xf32, #tpu.memory_space<vmem>>, vector<1x16xf32>,
        %get3A_793 = vector.shape_cast %get3A_792 : vector<1x16xf32> to vector<16xf32>
        %mul3A_794 = arith.mulf %get3A_793, %gather3A_784 : vector<16xf32>
        %sub3A_795 = arith.subi %add3A_764, %mul3A_254 : i32
        %mul3A_796 = arith.constant 16 : i32
        %mul3A_797 = arith.muli %sub3A_795, %mul3A_796 : i32
        %add3A_798 = arith.addi %mul3A_797, %mul3A_258 : i32
        %get3A_799 = arith.index_cast %add3A_798 : i32 to index
        %get3A_800 = tpu.vector_load %arg10[%get3A_799] {strides = array<i32>} : memref<12800xf32, #tpu.memory_space<vmem>>, vector<16xf32>,
        %get3A_801 = vector.shape_cast %get3A_800 : vector<16xf32> to vector<16xf32>
        %slice3A_802 = vector.extract_strided_slice %mul3A_789 {offsets = [0], sizes = [1], strides = [1]} : vector<16xf32> to vector<1xf32>
        %squeeze3A_803 = vector.extract %slice3A_802[0] : f32 from vector<1xf32>
        %mul3A_804 = vector.broadcast %squeeze3A_803 : f32 to vector<16xf32>
        %mul3A_805 = arith.mulf %mul3A_804, %get3A_801 : vector<16xf32>
        %add3A_806 = arith.addf %add3A_600, %mul3A_805 : vector<16xf32>
        %slice3A_807 = vector.extract_strided_slice %mul3A_794 {offsets = [0], sizes = [1], strides = [1]} : vector<16xf32> to vector<1xf32>
        %squeeze3A_808 = vector.extract %slice3A_807[0] : f32 from vector<1xf32>
        %mul3A_809 = vector.broadcast %squeeze3A_808 : f32 to vector<16xf32>
        %mul3A_810 = arith.mulf %mul3A_809, %get3A_801 : vector<16xf32>
        %add3A_811 = arith.addf %add3A_605, %mul3A_810 : vector<16xf32>
        %slice3A_812 = vector.extract_strided_slice %mul3A_789 {offsets = [1], sizes = [1], strides = [1]} : vector<16xf32> to vector<1xf32>
        %squeeze3A_813 = vector.extract %slice3A_812[0] : f32 from vector<1xf32>
        %mul3A_814 = vector.broadcast %squeeze3A_813 : f32 to vector<16xf32>
        %mul3A_815 = arith.mulf %mul3A_814, %get3A_801 : vector<16xf32>
        %add3A_816 = arith.addf %add3A_610, %mul3A_815 : vector<16xf32>
        %slice3A_817 = vector.extract_strided_slice %mul3A_794 {offsets = [1], sizes = [1], strides = [1]} : vector<16xf32> to vector<1xf32>
        %squeeze3A_818 = vector.extract %slice3A_817[0] : f32 from vector<1xf32>
        %mul3A_819 = vector.broadcast %squeeze3A_818 : f32 to vector<16xf32>
        %mul3A_820 = arith.mulf %mul3A_819, %get3A_801 : vector<16xf32>
        %add3A_821 = arith.addf %add3A_615, %mul3A_820 : vector<16xf32>
        %slice3A_822 = vector.extract_strided_slice %mul3A_789 {offsets = [2], sizes = [1], strides = [1]} : vector<16xf32> to vector<1xf32>
        %squeeze3A_823 = vector.extract %slice3A_822[0] : f32 from vector<1xf32>
        %mul3A_824 = vector.broadcast %squeeze3A_823 : f32 to vector<16xf32>
        %mul3A_825 = arith.mulf %mul3A_824, %get3A_801 : vector<16xf32>
        %add3A_826 = arith.addf %add3A_620, %mul3A_825 : vector<16xf32>
        %slice3A_827 = vector.extract_strided_slice %mul3A_794 {offsets = [2], sizes = [1], strides = [1]} : vector<16xf32> to vector<1xf32>
        %squeeze3A_828 = vector.extract %slice3A_827[0] : f32 from vector<1xf32>
        %mul3A_829 = vector.broadcast %squeeze3A_828 : f32 to vector<16xf32>
        %mul3A_830 = arith.mulf %mul3A_829, %get3A_801 : vector<16xf32>
        %add3A_831 = arith.addf %add3A_625, %mul3A_830 : vector<16xf32>
        %slice3A_832 = vector.extract_strided_slice %mul3A_789 {offsets = [3], sizes = [1], strides = [1]} : vector<16xf32> to vector<1xf32>
        %squeeze3A_833 = vector.extract %slice3A_832[0] : f32 from vector<1xf32>
        %mul3A_834 = vector.broadcast %squeeze3A_833 : f32 to vector<16xf32>
        %mul3A_835 = arith.mulf %mul3A_834, %get3A_801 : vector<16xf32>
        %add3A_836 = arith.addf %add3A_630, %mul3A_835 : vector<16xf32>
        %slice3A_837 = vector.extract_strided_slice %mul3A_794 {offsets = [3], sizes = [1], strides = [1]} : vector<16xf32> to vector<1xf32>
        %squeeze3A_838 = vector.extract %slice3A_837[0] : f32 from vector<1xf32>
        %mul3A_839 = vector.broadcast %squeeze3A_838 : f32 to vector<16xf32>
        %mul3A_840 = arith.mulf %mul3A_839, %get3A_801 : vector<16xf32>
        %add3A_841 = arith.addf %add3A_635, %mul3A_840 : vector<16xf32>
        %slice3A_842 = vector.extract_strided_slice %mul3A_789 {offsets = [4], sizes = [1], strides = [1]} : vector<16xf32> to vector<1xf32>
        %squeeze3A_843 = vector.extract %slice3A_842[0] : f32 from vector<1xf32>
        %mul3A_844 = vector.broadcast %squeeze3A_843 : f32 to vector<16xf32>
        %mul3A_845 = arith.mulf %mul3A_844, %get3A_801 : vector<16xf32>
        %add3A_846 = arith.addf %add3A_640, %mul3A_845 : vector<16xf32>
        %slice3A_847 = vector.extract_strided_slice %mul3A_794 {offsets = [4], sizes = [1], strides = [1]} : vector<16xf32> to vector<1xf32>
        %squeeze3A_848 = vector.extract %slice3A_847[0] : f32 from vector<1xf32>
        %mul3A_849 = vector.broadcast %squeeze3A_848 : f32 to vector<16xf32>
        %mul3A_850 = arith.mulf %mul3A_849, %get3A_801 : vector<16xf32>
        %add3A_851 = arith.addf %add3A_645, %mul3A_850 : vector<16xf32>
        %slice3A_852 = vector.extract_strided_slice %mul3A_789 {offsets = [5], sizes = [1], strides = [1]} : vector<16xf32> to vector<1xf32>
        %squeeze3A_853 = vector.extract %slice3A_852[0] : f32 from vector<1xf32>
        %mul3A_854 = vector.broadcast %squeeze3A_853 : f32 to vector<16xf32>
        %mul3A_855 = arith.mulf %mul3A_854, %get3A_801 : vector<16xf32>
        %add3A_856 = arith.addf %add3A_650, %mul3A_855 : vector<16xf32>
        %slice3A_857 = vector.extract_strided_slice %mul3A_794 {offsets = [5], sizes = [1], strides = [1]} : vector<16xf32> to vector<1xf32>
        %squeeze3A_858 = vector.extract %slice3A_857[0] : f32 from vector<1xf32>
        %mul3A_859 = vector.broadcast %squeeze3A_858 : f32 to vector<16xf32>
        %mul3A_860 = arith.mulf %mul3A_859, %get3A_801 : vector<16xf32>
        %add3A_861 = arith.addf %add3A_655, %mul3A_860 : vector<16xf32>
        %slice3A_862 = vector.extract_strided_slice %mul3A_789 {offsets = [6], sizes = [1], strides = [1]} : vector<16xf32> to vector<1xf32>
        %squeeze3A_863 = vector.extract %slice3A_862[0] : f32 from vector<1xf32>
        %mul3A_864 = vector.broadcast %squeeze3A_863 : f32 to vector<16xf32>
        %mul3A_865 = arith.mulf %mul3A_864, %get3A_801 : vector<16xf32>
        %add3A_866 = arith.addf %add3A_660, %mul3A_865 : vector<16xf32>
        %slice3A_867 = vector.extract_strided_slice %mul3A_794 {offsets = [6], sizes = [1], strides = [1]} : vector<16xf32> to vector<1xf32>
        %squeeze3A_868 = vector.extract %slice3A_867[0] : f32 from vector<1xf32>
        %mul3A_869 = vector.broadcast %squeeze3A_868 : f32 to vector<16xf32>
        %mul3A_870 = arith.mulf %mul3A_869, %get3A_801 : vector<16xf32>
        %add3A_871 = arith.addf %add3A_665, %mul3A_870 : vector<16xf32>
        %slice3A_872 = vector.extract_strided_slice %mul3A_789 {offsets = [7], sizes = [1], strides = [1]} : vector<16xf32> to vector<1xf32>
        %squeeze3A_873 = vector.extract %slice3A_872[0] : f32 from vector<1xf32>
        %mul3A_874 = vector.broadcast %squeeze3A_873 : f32 to vector<16xf32>
        %mul3A_875 = arith.mulf %mul3A_874, %get3A_801 : vector<16xf32>
        %add3A_876 = arith.addf %add3A_670, %mul3A_875 : vector<16xf32>
        %slice3A_877 = vector.extract_strided_slice %mul3A_794 {offsets = [7], sizes = [1], strides = [1]} : vector<16xf32> to vector<1xf32>
        %squeeze3A_878 = vector.extract %slice3A_877[0] : f32 from vector<1xf32>
        %mul3A_879 = vector.broadcast %squeeze3A_878 : f32 to vector<16xf32>
        %mul3A_880 = arith.mulf %mul3A_879, %get3A_801 : vector<16xf32>
        %add3A_881 = arith.addf %add3A_675, %mul3A_880 : vector<16xf32>
        %slice3A_882 = vector.extract_strided_slice %mul3A_789 {offsets = [8], sizes = [1], strides = [1]} : vector<16xf32> to vector<1xf32>
        %squeeze3A_883 = vector.extract %slice3A_882[0] : f32 from vector<1xf32>
        %mul3A_884 = vector.broadcast %squeeze3A_883 : f32 to vector<16xf32>
        %mul3A_885 = arith.mulf %mul3A_884, %get3A_801 : vector<16xf32>
        %add3A_886 = arith.addf %add3A_680, %mul3A_885 : vector<16xf32>
        %slice3A_887 = vector.extract_strided_slice %mul3A_794 {offsets = [8], sizes = [1], strides = [1]} : vector<16xf32> to vector<1xf32>
        %squeeze3A_888 = vector.extract %slice3A_887[0] : f32 from vector<1xf32>
        %mul3A_889 = vector.broadcast %squeeze3A_888 : f32 to vector<16xf32>
        %mul3A_890 = arith.mulf %mul3A_889, %get3A_801 : vector<16xf32>
        %add3A_891 = arith.addf %add3A_685, %mul3A_890 : vector<16xf32>
        %slice3A_892 = vector.extract_strided_slice %mul3A_789 {offsets = [9], sizes = [1], strides = [1]} : vector<16xf32> to vector<1xf32>
        %squeeze3A_893 = vector.extract %slice3A_892[0] : f32 from vector<1xf32>
        %mul3A_894 = vector.broadcast %squeeze3A_893 : f32 to vector<16xf32>
        %mul3A_895 = arith.mulf %mul3A_894, %get3A_801 : vector<16xf32>
        %add3A_896 = arith.addf %add3A_690, %mul3A_895 : vector<16xf32>
        %slice3A_897 = vector.extract_strided_slice %mul3A_794 {offsets = [9], sizes = [1], strides = [1]} : vector<16xf32> to vector<1xf32>
        %squeeze3A_898 = vector.extract %slice3A_897[0] : f32 from vector<1xf32>
        %mul3A_899 = vector.broadcast %squeeze3A_898 : f32 to vector<16xf32>
        %mul3A_900 = arith.mulf %mul3A_899, %get3A_801 : vector<16xf32>
        %add3A_901 = arith.addf %add3A_695, %mul3A_900 : vector<16xf32>
        %slice3A_902 = vector.extract_strided_slice %mul3A_789 {offsets = [10], sizes = [1], strides = [1]} : vector<16xf32> to vector<1xf32>
        %squeeze3A_903 = vector.extract %slice3A_902[0] : f32 from vector<1xf32>
        %mul3A_904 = vector.broadcast %squeeze3A_903 : f32 to vector<16xf32>
        %mul3A_905 = arith.mulf %mul3A_904, %get3A_801 : vector<16xf32>
        %add3A_906 = arith.addf %add3A_700, %mul3A_905 : vector<16xf32>
        %slice3A_907 = vector.extract_strided_slice %mul3A_794 {offsets = [10], sizes = [1], strides = [1]} : vector<16xf32> to vector<1xf32>
        %squeeze3A_908 = vector.extract %slice3A_907[0] : f32 from vector<1xf32>
        %mul3A_909 = vector.broadcast %squeeze3A_908 : f32 to vector<16xf32>
        %mul3A_910 = arith.mulf %mul3A_909, %get3A_801 : vector<16xf32>
        %add3A_911 = arith.addf %add3A_705, %mul3A_910 : vector<16xf32>
        %slice3A_912 = vector.extract_strided_slice %mul3A_789 {offsets = [11], sizes = [1], strides = [1]} : vector<16xf32> to vector<1xf32>
        %squeeze3A_913 = vector.extract %slice3A_912[0] : f32 from vector<1xf32>
        %mul3A_914 = vector.broadcast %squeeze3A_913 : f32 to vector<16xf32>
        %mul3A_915 = arith.mulf %mul3A_914, %get3A_801 : vector<16xf32>
        %add3A_916 = arith.addf %add3A_710, %mul3A_915 : vector<16xf32>
        %slice3A_917 = vector.extract_strided_slice %mul3A_794 {offsets = [11], sizes = [1], strides = [1]} : vector<16xf32> to vector<1xf32>
        %squeeze3A_918 = vector.extract %slice3A_917[0] : f32 from vector<1xf32>
        %mul3A_919 = vector.broadcast %squeeze3A_918 : f32 to vector<16xf32>
        %mul3A_920 = arith.mulf %mul3A_919, %get3A_801 : vector<16xf32>
        %add3A_921 = arith.addf %add3A_715, %mul3A_920 : vector<16xf32>
        %slice3A_922 = vector.extract_strided_slice %mul3A_789 {offsets = [12], sizes = [1], strides = [1]} : vector<16xf32> to vector<1xf32>
        %squeeze3A_923 = vector.extract %slice3A_922[0] : f32 from vector<1xf32>
        %mul3A_924 = vector.broadcast %squeeze3A_923 : f32 to vector<16xf32>
        %mul3A_925 = arith.mulf %mul3A_924, %get3A_801 : vector<16xf32>
        %add3A_926 = arith.addf %add3A_720, %mul3A_925 : vector<16xf32>
        %slice3A_927 = vector.extract_strided_slice %mul3A_794 {offsets = [12], sizes = [1], strides = [1]} : vector<16xf32> to vector<1xf32>
        %squeeze3A_928 = vector.extract %slice3A_927[0] : f32 from vector<1xf32>
        %mul3A_929 = vector.broadcast %squeeze3A_928 : f32 to vector<16xf32>
        %mul3A_930 = arith.mulf %mul3A_929, %get3A_801 : vector<16xf32>
        %add3A_931 = arith.addf %add3A_725, %mul3A_930 : vector<16xf32>
        %slice3A_932 = vector.extract_strided_slice %mul3A_789 {offsets = [13], sizes = [1], strides = [1]} : vector<16xf32> to vector<1xf32>
        %squeeze3A_933 = vector.extract %slice3A_932[0] : f32 from vector<1xf32>
        %mul3A_934 = vector.broadcast %squeeze3A_933 : f32 to vector<16xf32>
        %mul3A_935 = arith.mulf %mul3A_934, %get3A_801 : vector<16xf32>
        %add3A_936 = arith.addf %add3A_730, %mul3A_935 : vector<16xf32>
        %slice3A_937 = vector.extract_strided_slice %mul3A_794 {offsets = [13], sizes = [1], strides = [1]} : vector<16xf32> to vector<1xf32>
        %squeeze3A_938 = vector.extract %slice3A_937[0] : f32 from vector<1xf32>
        %mul3A_939 = vector.broadcast %squeeze3A_938 : f32 to vector<16xf32>
        %mul3A_940 = arith.mulf %mul3A_939, %get3A_801 : vector<16xf32>
        %add3A_941 = arith.addf %add3A_735, %mul3A_940 : vector<16xf32>
        %slice3A_942 = vector.extract_strided_slice %mul3A_789 {offsets = [14], sizes = [1], strides = [1]} : vector<16xf32> to vector<1xf32>
        %squeeze3A_943 = vector.extract %slice3A_942[0] : f32 from vector<1xf32>
        %mul3A_944 = vector.broadcast %squeeze3A_943 : f32 to vector<16xf32>
        %mul3A_945 = arith.mulf %mul3A_944, %get3A_801 : vector<16xf32>
        %add3A_946 = arith.addf %add3A_740, %mul3A_945 : vector<16xf32>
        %slice3A_947 = vector.extract_strided_slice %mul3A_794 {offsets = [14], sizes = [1], strides = [1]} : vector<16xf32> to vector<1xf32>
        %squeeze3A_948 = vector.extract %slice3A_947[0] : f32 from vector<1xf32>
        %mul3A_949 = vector.broadcast %squeeze3A_948 : f32 to vector<16xf32>
        %mul3A_950 = arith.mulf %mul3A_949, %get3A_801 : vector<16xf32>
        %add3A_951 = arith.addf %add3A_745, %mul3A_950 : vector<16xf32>
        %slice3A_952 = vector.extract_strided_slice %mul3A_789 {offsets = [15], sizes = [1], strides = [1]} : vector<16xf32> to vector<1xf32>
        %squeeze3A_953 = vector.extract %slice3A_952[0] : f32 from vector<1xf32>
        %mul3A_954 = vector.broadcast %squeeze3A_953 : f32 to vector<16xf32>
        %mul3A_955 = arith.mulf %mul3A_954, %get3A_801 : vector<16xf32>
        %add3A_956 = arith.addf %add3A_750, %mul3A_955 : vector<16xf32>
        %slice3A_957 = vector.extract_strided_slice %mul3A_794 {offsets = [15], sizes = [1], strides = [1]} : vector<16xf32> to vector<1xf32>
        %squeeze3A_958 = vector.extract %slice3A_957[0] : f32 from vector<1xf32>
        %mul3A_959 = vector.broadcast %squeeze3A_958 : f32 to vector<16xf32>
        %mul3A_960 = arith.mulf %mul3A_959, %get3A_801 : vector<16xf32>
        %add3A_961 = arith.addf %add3A_755, %mul3A_960 : vector<16xf32>
        %add3A_962 = arith.constant 2 : i32
        %add3A_963 = arith.addi %add3A_285, %add3A_962 : i32
        %add3A_964 = arith.constant 1 : i32
        %add3A_965 = arith.addi %add3A_963, %add3A_964 : i32
        %lt3A_966 = arith.constant 0 : i32
        %lt3A_967 = vector.broadcast %lt3A_966 : i32 to vector<16xi32>
        %lt3A_968 = arith.cmpi slt, %add3A_13, %lt3A_967 : vector<16xi32>
        %add3A_969 = arith.constant 16 : i32
        %add3A_970 = vector.broadcast %add3A_969 : i32 to vector<16xi32>
        %add3A_971 = arith.addi %add3A_13, %add3A_970 : vector<16xi32>
        %select_n3A_972 = arith.select %lt3A_968, %add3A_971, %add3A_13 : vector<16xi1>, vector<16xi32>
        %broadcast_in_dim3A_973 = vector.shape_cast %select_n3A_972 : vector<16xi32> to vector<16x1xi32>
        %gather3A_974 = vector.shape_cast %broadcast_in_dim3A_973 : vector<16x1xi32> to vector<16xi32>
        %gather3A_975 = tpu.dynamic_gather %get3A_760[%gather3A_974] in [0] : vector<16xf32>, vector<16xi32> -> vector<16xf32>
        %lt3A_976 = arith.constant 0 : i32
        %lt3A_977 = vector.broadcast %lt3A_976 : i32 to vector<16xi32>
        %lt3A_978 = arith.cmpi slt, %add3A_16, %lt3A_977 : vector<16xi32>
        %add3A_979 = arith.constant 16 : i32
        %add3A_980 = vector.broadcast %add3A_979 : i32 to vector<16xi32>
        %add3A_981 = arith.addi %add3A_16, %add3A_980 : vector<16xi32>
        %select_n3A_982 = arith.select %lt3A_978, %add3A_981, %add3A_16 : vector<16xi1>, vector<16xi32>
        %broadcast_in_dim3A_983 = vector.shape_cast %select_n3A_982 : vector<16xi32> to vector<16x1xi32>
        %gather3A_984 = vector.shape_cast %broadcast_in_dim3A_983 : vector<16x1xi32> to vector<16xi32>
        %gather3A_985 = tpu.dynamic_gather %get3A_760[%gather3A_984] in [0] : vector<16xf32>, vector<16xi32> -> vector<16xf32>
        %get3A_986 = arith.index_cast %add3A_965 : i32 to index
        %get3A_987 = arith.constant 0 : index
        %get3A_988 = tpu.vector_load %arg8[%get3A_986, %get3A_987] {strides = array<i32>} : memref<800x32xf32, #tpu.memory_space<vmem>>, vector<1x16xf32>,
        %get3A_989 = vector.shape_cast %get3A_988 : vector<1x16xf32> to vector<16xf32>
        %mul3A_990 = arith.mulf %get3A_989, %gather3A_975 : vector<16xf32>
        %get3A_991 = arith.index_cast %add3A_965 : i32 to index
        %get3A_992 = arith.constant 16 : index
        %get3A_993 = tpu.vector_load %arg8[%get3A_991, %get3A_992] {strides = array<i32>} : memref<800x32xf32, #tpu.memory_space<vmem>>, vector<1x16xf32>,
        %get3A_994 = vector.shape_cast %get3A_993 : vector<1x16xf32> to vector<16xf32>
        %mul3A_995 = arith.mulf %get3A_994, %gather3A_985 : vector<16xf32>
        %sub3A_996 = arith.subi %add3A_965, %mul3A_254 : i32
        %mul3A_997 = arith.constant 16 : i32
        %mul3A_998 = arith.muli %sub3A_996, %mul3A_997 : i32
        %add3A_999 = arith.addi %mul3A_998, %mul3A_258 : i32
        %get3A_1000 = arith.index_cast %add3A_999 : i32 to index
        %get3A_1001 = tpu.vector_load %arg10[%get3A_1000] {strides = array<i32>} : memref<12800xf32, #tpu.memory_space<vmem>>, vector<16xf32>,
        %get3A_1002 = vector.shape_cast %get3A_1001 : vector<16xf32> to vector<16xf32>
        %slice3A_1003 = vector.extract_strided_slice %mul3A_990 {offsets = [0], sizes = [1], strides = [1]} : vector<16xf32> to vector<1xf32>
        %squeeze3A_1004 = vector.extract %slice3A_1003[0] : f32 from vector<1xf32>
        %mul3A_1005 = vector.broadcast %squeeze3A_1004 : f32 to vector<16xf32>
        %mul3A_1006 = arith.mulf %mul3A_1005, %get3A_1002 : vector<16xf32>
        %add3A_1007 = arith.addf %add3A_806, %mul3A_1006 : vector<16xf32>
        %slice3A_1008 = vector.extract_strided_slice %mul3A_995 {offsets = [0], sizes = [1], strides = [1]} : vector<16xf32> to vector<1xf32>
        %squeeze3A_1009 = vector.extract %slice3A_1008[0] : f32 from vector<1xf32>
        %mul3A_1010 = vector.broadcast %squeeze3A_1009 : f32 to vector<16xf32>
        %mul3A_1011 = arith.mulf %mul3A_1010, %get3A_1002 : vector<16xf32>
        %add3A_1012 = arith.addf %add3A_811, %mul3A_1011 : vector<16xf32>
        %slice3A_1013 = vector.extract_strided_slice %mul3A_990 {offsets = [1], sizes = [1], strides = [1]} : vector<16xf32> to vector<1xf32>
        %squeeze3A_1014 = vector.extract %slice3A_1013[0] : f32 from vector<1xf32>
        %mul3A_1015 = vector.broadcast %squeeze3A_1014 : f32 to vector<16xf32>
        %mul3A_1016 = arith.mulf %mul3A_1015, %get3A_1002 : vector<16xf32>
        %add3A_1017 = arith.addf %add3A_816, %mul3A_1016 : vector<16xf32>
        %slice3A_1018 = vector.extract_strided_slice %mul3A_995 {offsets = [1], sizes = [1], strides = [1]} : vector<16xf32> to vector<1xf32>
        %squeeze3A_1019 = vector.extract %slice3A_1018[0] : f32 from vector<1xf32>
        %mul3A_1020 = vector.broadcast %squeeze3A_1019 : f32 to vector<16xf32>
        %mul3A_1021 = arith.mulf %mul3A_1020, %get3A_1002 : vector<16xf32>
        %add3A_1022 = arith.addf %add3A_821, %mul3A_1021 : vector<16xf32>
        %slice3A_1023 = vector.extract_strided_slice %mul3A_990 {offsets = [2], sizes = [1], strides = [1]} : vector<16xf32> to vector<1xf32>
        %squeeze3A_1024 = vector.extract %slice3A_1023[0] : f32 from vector<1xf32>
        %mul3A_1025 = vector.broadcast %squeeze3A_1024 : f32 to vector<16xf32>
        %mul3A_1026 = arith.mulf %mul3A_1025, %get3A_1002 : vector<16xf32>
        %add3A_1027 = arith.addf %add3A_826, %mul3A_1026 : vector<16xf32>
        %slice3A_1028 = vector.extract_strided_slice %mul3A_995 {offsets = [2], sizes = [1], strides = [1]} : vector<16xf32> to vector<1xf32>
        %squeeze3A_1029 = vector.extract %slice3A_1028[0] : f32 from vector<1xf32>
        %mul3A_1030 = vector.broadcast %squeeze3A_1029 : f32 to vector<16xf32>
        %mul3A_1031 = arith.mulf %mul3A_1030, %get3A_1002 : vector<16xf32>
        %add3A_1032 = arith.addf %add3A_831, %mul3A_1031 : vector<16xf32>
        %slice3A_1033 = vector.extract_strided_slice %mul3A_990 {offsets = [3], sizes = [1], strides = [1]} : vector<16xf32> to vector<1xf32>
        %squeeze3A_1034 = vector.extract %slice3A_1033[0] : f32 from vector<1xf32>
        %mul3A_1035 = vector.broadcast %squeeze3A_1034 : f32 to vector<16xf32>
        %mul3A_1036 = arith.mulf %mul3A_1035, %get3A_1002 : vector<16xf32>
        %add3A_1037 = arith.addf %add3A_836, %mul3A_1036 : vector<16xf32>
        %slice3A_1038 = vector.extract_strided_slice %mul3A_995 {offsets = [3], sizes = [1], strides = [1]} : vector<16xf32> to vector<1xf32>
        %squeeze3A_1039 = vector.extract %slice3A_1038[0] : f32 from vector<1xf32>
        %mul3A_1040 = vector.broadcast %squeeze3A_1039 : f32 to vector<16xf32>
        %mul3A_1041 = arith.mulf %mul3A_1040, %get3A_1002 : vector<16xf32>
        %add3A_1042 = arith.addf %add3A_841, %mul3A_1041 : vector<16xf32>
        %slice3A_1043 = vector.extract_strided_slice %mul3A_990 {offsets = [4], sizes = [1], strides = [1]} : vector<16xf32> to vector<1xf32>
        %squeeze3A_1044 = vector.extract %slice3A_1043[0] : f32 from vector<1xf32>
        %mul3A_1045 = vector.broadcast %squeeze3A_1044 : f32 to vector<16xf32>
        %mul3A_1046 = arith.mulf %mul3A_1045, %get3A_1002 : vector<16xf32>
        %add3A_1047 = arith.addf %add3A_846, %mul3A_1046 : vector<16xf32>
        %slice3A_1048 = vector.extract_strided_slice %mul3A_995 {offsets = [4], sizes = [1], strides = [1]} : vector<16xf32> to vector<1xf32>
        %squeeze3A_1049 = vector.extract %slice3A_1048[0] : f32 from vector<1xf32>
        %mul3A_1050 = vector.broadcast %squeeze3A_1049 : f32 to vector<16xf32>
        %mul3A_1051 = arith.mulf %mul3A_1050, %get3A_1002 : vector<16xf32>
        %add3A_1052 = arith.addf %add3A_851, %mul3A_1051 : vector<16xf32>
        %slice3A_1053 = vector.extract_strided_slice %mul3A_990 {offsets = [5], sizes = [1], strides = [1]} : vector<16xf32> to vector<1xf32>
        %squeeze3A_1054 = vector.extract %slice3A_1053[0] : f32 from vector<1xf32>
        %mul3A_1055 = vector.broadcast %squeeze3A_1054 : f32 to vector<16xf32>
        %mul3A_1056 = arith.mulf %mul3A_1055, %get3A_1002 : vector<16xf32>
        %add3A_1057 = arith.addf %add3A_856, %mul3A_1056 : vector<16xf32>
        %slice3A_1058 = vector.extract_strided_slice %mul3A_995 {offsets = [5], sizes = [1], strides = [1]} : vector<16xf32> to vector<1xf32>
        %squeeze3A_1059 = vector.extract %slice3A_1058[0] : f32 from vector<1xf32>
        %mul3A_1060 = vector.broadcast %squeeze3A_1059 : f32 to vector<16xf32>
        %mul3A_1061 = arith.mulf %mul3A_1060, %get3A_1002 : vector<16xf32>
        %add3A_1062 = arith.addf %add3A_861, %mul3A_1061 : vector<16xf32>
        %slice3A_1063 = vector.extract_strided_slice %mul3A_990 {offsets = [6], sizes = [1], strides = [1]} : vector<16xf32> to vector<1xf32>
        %squeeze3A_1064 = vector.extract %slice3A_1063[0] : f32 from vector<1xf32>
        %mul3A_1065 = vector.broadcast %squeeze3A_1064 : f32 to vector<16xf32>
        %mul3A_1066 = arith.mulf %mul3A_1065, %get3A_1002 : vector<16xf32>
        %add3A_1067 = arith.addf %add3A_866, %mul3A_1066 : vector<16xf32>
        %slice3A_1068 = vector.extract_strided_slice %mul3A_995 {offsets = [6], sizes = [1], strides = [1]} : vector<16xf32> to vector<1xf32>
        %squeeze3A_1069 = vector.extract %slice3A_1068[0] : f32 from vector<1xf32>
        %mul3A_1070 = vector.broadcast %squeeze3A_1069 : f32 to vector<16xf32>
        %mul3A_1071 = arith.mulf %mul3A_1070, %get3A_1002 : vector<16xf32>
        %add3A_1072 = arith.addf %add3A_871, %mul3A_1071 : vector<16xf32>
        %slice3A_1073 = vector.extract_strided_slice %mul3A_990 {offsets = [7], sizes = [1], strides = [1]} : vector<16xf32> to vector<1xf32>
        %squeeze3A_1074 = vector.extract %slice3A_1073[0] : f32 from vector<1xf32>
        %mul3A_1075 = vector.broadcast %squeeze3A_1074 : f32 to vector<16xf32>
        %mul3A_1076 = arith.mulf %mul3A_1075, %get3A_1002 : vector<16xf32>
        %add3A_1077 = arith.addf %add3A_876, %mul3A_1076 : vector<16xf32>
        %slice3A_1078 = vector.extract_strided_slice %mul3A_995 {offsets = [7], sizes = [1], strides = [1]} : vector<16xf32> to vector<1xf32>
        %squeeze3A_1079 = vector.extract %slice3A_1078[0] : f32 from vector<1xf32>
        %mul3A_1080 = vector.broadcast %squeeze3A_1079 : f32 to vector<16xf32>
        %mul3A_1081 = arith.mulf %mul3A_1080, %get3A_1002 : vector<16xf32>
        %add3A_1082 = arith.addf %add3A_881, %mul3A_1081 : vector<16xf32>
        %slice3A_1083 = vector.extract_strided_slice %mul3A_990 {offsets = [8], sizes = [1], strides = [1]} : vector<16xf32> to vector<1xf32>
        %squeeze3A_1084 = vector.extract %slice3A_1083[0] : f32 from vector<1xf32>
        %mul3A_1085 = vector.broadcast %squeeze3A_1084 : f32 to vector<16xf32>
        %mul3A_1086 = arith.mulf %mul3A_1085, %get3A_1002 : vector<16xf32>
        %add3A_1087 = arith.addf %add3A_886, %mul3A_1086 : vector<16xf32>
        %slice3A_1088 = vector.extract_strided_slice %mul3A_995 {offsets = [8], sizes = [1], strides = [1]} : vector<16xf32> to vector<1xf32>
        %squeeze3A_1089 = vector.extract %slice3A_1088[0] : f32 from vector<1xf32>
        %mul3A_1090 = vector.broadcast %squeeze3A_1089 : f32 to vector<16xf32>
        %mul3A_1091 = arith.mulf %mul3A_1090, %get3A_1002 : vector<16xf32>
        %add3A_1092 = arith.addf %add3A_891, %mul3A_1091 : vector<16xf32>
        %slice3A_1093 = vector.extract_strided_slice %mul3A_990 {offsets = [9], sizes = [1], strides = [1]} : vector<16xf32> to vector<1xf32>
        %squeeze3A_1094 = vector.extract %slice3A_1093[0] : f32 from vector<1xf32>
        %mul3A_1095 = vector.broadcast %squeeze3A_1094 : f32 to vector<16xf32>
        %mul3A_1096 = arith.mulf %mul3A_1095, %get3A_1002 : vector<16xf32>
        %add3A_1097 = arith.addf %add3A_896, %mul3A_1096 : vector<16xf32>
        %slice3A_1098 = vector.extract_strided_slice %mul3A_995 {offsets = [9], sizes = [1], strides = [1]} : vector<16xf32> to vector<1xf32>
        %squeeze3A_1099 = vector.extract %slice3A_1098[0] : f32 from vector<1xf32>
        %mul3A_1100 = vector.broadcast %squeeze3A_1099 : f32 to vector<16xf32>
        %mul3A_1101 = arith.mulf %mul3A_1100, %get3A_1002 : vector<16xf32>
        %add3A_1102 = arith.addf %add3A_901, %mul3A_1101 : vector<16xf32>
        %slice3A_1103 = vector.extract_strided_slice %mul3A_990 {offsets = [10], sizes = [1], strides = [1]} : vector<16xf32> to vector<1xf32>
        %squeeze3A_1104 = vector.extract %slice3A_1103[0] : f32 from vector<1xf32>
        %mul3A_1105 = vector.broadcast %squeeze3A_1104 : f32 to vector<16xf32>
        %mul3A_1106 = arith.mulf %mul3A_1105, %get3A_1002 : vector<16xf32>
        %add3A_1107 = arith.addf %add3A_906, %mul3A_1106 : vector<16xf32>
        %slice3A_1108 = vector.extract_strided_slice %mul3A_995 {offsets = [10], sizes = [1], strides = [1]} : vector<16xf32> to vector<1xf32>
        %squeeze3A_1109 = vector.extract %slice3A_1108[0] : f32 from vector<1xf32>
        %mul3A_1110 = vector.broadcast %squeeze3A_1109 : f32 to vector<16xf32>
        %mul3A_1111 = arith.mulf %mul3A_1110, %get3A_1002 : vector<16xf32>
        %add3A_1112 = arith.addf %add3A_911, %mul3A_1111 : vector<16xf32>
        %slice3A_1113 = vector.extract_strided_slice %mul3A_990 {offsets = [11], sizes = [1], strides = [1]} : vector<16xf32> to vector<1xf32>
        %squeeze3A_1114 = vector.extract %slice3A_1113[0] : f32 from vector<1xf32>
        %mul3A_1115 = vector.broadcast %squeeze3A_1114 : f32 to vector<16xf32>
        %mul3A_1116 = arith.mulf %mul3A_1115, %get3A_1002 : vector<16xf32>
        %add3A_1117 = arith.addf %add3A_916, %mul3A_1116 : vector<16xf32>
        %slice3A_1118 = vector.extract_strided_slice %mul3A_995 {offsets = [11], sizes = [1], strides = [1]} : vector<16xf32> to vector<1xf32>
        %squeeze3A_1119 = vector.extract %slice3A_1118[0] : f32 from vector<1xf32>
        %mul3A_1120 = vector.broadcast %squeeze3A_1119 : f32 to vector<16xf32>
        %mul3A_1121 = arith.mulf %mul3A_1120, %get3A_1002 : vector<16xf32>
        %add3A_1122 = arith.addf %add3A_921, %mul3A_1121 : vector<16xf32>
        %slice3A_1123 = vector.extract_strided_slice %mul3A_990 {offsets = [12], sizes = [1], strides = [1]} : vector<16xf32> to vector<1xf32>
        %squeeze3A_1124 = vector.extract %slice3A_1123[0] : f32 from vector<1xf32>
        %mul3A_1125 = vector.broadcast %squeeze3A_1124 : f32 to vector<16xf32>
        %mul3A_1126 = arith.mulf %mul3A_1125, %get3A_1002 : vector<16xf32>
        %add3A_1127 = arith.addf %add3A_926, %mul3A_1126 : vector<16xf32>
        %slice3A_1128 = vector.extract_strided_slice %mul3A_995 {offsets = [12], sizes = [1], strides = [1]} : vector<16xf32> to vector<1xf32>
        %squeeze3A_1129 = vector.extract %slice3A_1128[0] : f32 from vector<1xf32>
        %mul3A_1130 = vector.broadcast %squeeze3A_1129 : f32 to vector<16xf32>
        %mul3A_1131 = arith.mulf %mul3A_1130, %get3A_1002 : vector<16xf32>
        %add3A_1132 = arith.addf %add3A_931, %mul3A_1131 : vector<16xf32>
        %slice3A_1133 = vector.extract_strided_slice %mul3A_990 {offsets = [13], sizes = [1], strides = [1]} : vector<16xf32> to vector<1xf32>
        %squeeze3A_1134 = vector.extract %slice3A_1133[0] : f32 from vector<1xf32>
        %mul3A_1135 = vector.broadcast %squeeze3A_1134 : f32 to vector<16xf32>
        %mul3A_1136 = arith.mulf %mul3A_1135, %get3A_1002 : vector<16xf32>
        %add3A_1137 = arith.addf %add3A_936, %mul3A_1136 : vector<16xf32>
        %slice3A_1138 = vector.extract_strided_slice %mul3A_995 {offsets = [13], sizes = [1], strides = [1]} : vector<16xf32> to vector<1xf32>
        %squeeze3A_1139 = vector.extract %slice3A_1138[0] : f32 from vector<1xf32>
        %mul3A_1140 = vector.broadcast %squeeze3A_1139 : f32 to vector<16xf32>
        %mul3A_1141 = arith.mulf %mul3A_1140, %get3A_1002 : vector<16xf32>
        %add3A_1142 = arith.addf %add3A_941, %mul3A_1141 : vector<16xf32>
        %slice3A_1143 = vector.extract_strided_slice %mul3A_990 {offsets = [14], sizes = [1], strides = [1]} : vector<16xf32> to vector<1xf32>
        %squeeze3A_1144 = vector.extract %slice3A_1143[0] : f32 from vector<1xf32>
        %mul3A_1145 = vector.broadcast %squeeze3A_1144 : f32 to vector<16xf32>
        %mul3A_1146 = arith.mulf %mul3A_1145, %get3A_1002 : vector<16xf32>
        %add3A_1147 = arith.addf %add3A_946, %mul3A_1146 : vector<16xf32>
        %slice3A_1148 = vector.extract_strided_slice %mul3A_995 {offsets = [14], sizes = [1], strides = [1]} : vector<16xf32> to vector<1xf32>
        %squeeze3A_1149 = vector.extract %slice3A_1148[0] : f32 from vector<1xf32>
        %mul3A_1150 = vector.broadcast %squeeze3A_1149 : f32 to vector<16xf32>
        %mul3A_1151 = arith.mulf %mul3A_1150, %get3A_1002 : vector<16xf32>
        %add3A_1152 = arith.addf %add3A_951, %mul3A_1151 : vector<16xf32>
        %slice3A_1153 = vector.extract_strided_slice %mul3A_990 {offsets = [15], sizes = [1], strides = [1]} : vector<16xf32> to vector<1xf32>
        %squeeze3A_1154 = vector.extract %slice3A_1153[0] : f32 from vector<1xf32>
        %mul3A_1155 = vector.broadcast %squeeze3A_1154 : f32 to vector<16xf32>
        %mul3A_1156 = arith.mulf %mul3A_1155, %get3A_1002 : vector<16xf32>
        %add3A_1157 = arith.addf %add3A_956, %mul3A_1156 : vector<16xf32>
        %slice3A_1158 = vector.extract_strided_slice %mul3A_995 {offsets = [15], sizes = [1], strides = [1]} : vector<16xf32> to vector<1xf32>
        %squeeze3A_1159 = vector.extract %slice3A_1158[0] : f32 from vector<1xf32>
        %mul3A_1160 = vector.broadcast %squeeze3A_1159 : f32 to vector<16xf32>
        %mul3A_1161 = arith.mulf %mul3A_1160, %get3A_1002 : vector<16xf32>
        %add3A_1162 = arith.addf %add3A_961, %mul3A_1161 : vector<16xf32>
        %add3A_1163 = arith.constant 32 : i32
        %add3A_1164 = arith.addi %add3A_290, %add3A_1163 : i32
        %get3A_1165 = arith.index_cast %add3A_1164 : i32 to index
        %get3A_1166 = tpu.vector_load %arg9[%get3A_1165] {strides = array<i32>} : memref<6400xf32, #tpu.memory_space<vmem>>, vector<16xf32>,
        %get3A_1167 = vector.shape_cast %get3A_1166 : vector<16xf32> to vector<16xf32>
        %add3A_1168 = arith.constant 4 : i32
        %add3A_1169 = arith.addi %add3A_285, %add3A_1168 : i32
        %add3A_1170 = arith.constant 0 : i32
        %add3A_1171 = arith.addi %add3A_1169, %add3A_1170 : i32
        %lt3A_1172 = arith.constant 0 : i32
        %lt3A_1173 = vector.broadcast %lt3A_1172 : i32 to vector<16xi32>
        %lt3A_1174 = arith.cmpi slt, %add3A_7, %lt3A_1173 : vector<16xi32>
        %add3A_1175 = arith.constant 16 : i32
        %add3A_1176 = vector.broadcast %add3A_1175 : i32 to vector<16xi32>
        %add3A_1177 = arith.addi %add3A_7, %add3A_1176 : vector<16xi32>
        %select_n3A_1178 = arith.select %lt3A_1174, %add3A_1177, %add3A_7 : vector<16xi1>, vector<16xi32>
        %broadcast_in_dim3A_1179 = vector.shape_cast %select_n3A_1178 : vector<16xi32> to vector<16x1xi32>
        %gather3A_1180 = vector.shape_cast %broadcast_in_dim3A_1179 : vector<16x1xi32> to vector<16xi32>
        %gather3A_1181 = tpu.dynamic_gather %get3A_1167[%gather3A_1180] in [0] : vector<16xf32>, vector<16xi32> -> vector<16xf32>
        %lt3A_1182 = arith.constant 0 : i32
        %lt3A_1183 = vector.broadcast %lt3A_1182 : i32 to vector<16xi32>
        %lt3A_1184 = arith.cmpi slt, %add3A_10, %lt3A_1183 : vector<16xi32>
        %add3A_1185 = arith.constant 16 : i32
        %add3A_1186 = vector.broadcast %add3A_1185 : i32 to vector<16xi32>
        %add3A_1187 = arith.addi %add3A_10, %add3A_1186 : vector<16xi32>
        %select_n3A_1188 = arith.select %lt3A_1184, %add3A_1187, %add3A_10 : vector<16xi1>, vector<16xi32>
        %broadcast_in_dim3A_1189 = vector.shape_cast %select_n3A_1188 : vector<16xi32> to vector<16x1xi32>
        %gather3A_1190 = vector.shape_cast %broadcast_in_dim3A_1189 : vector<16x1xi32> to vector<16xi32>
        %gather3A_1191 = tpu.dynamic_gather %get3A_1167[%gather3A_1190] in [0] : vector<16xf32>, vector<16xi32> -> vector<16xf32>
        %get3A_1192 = arith.index_cast %add3A_1171 : i32 to index
        %get3A_1193 = arith.constant 0 : index
        %get3A_1194 = tpu.vector_load %arg8[%get3A_1192, %get3A_1193] {strides = array<i32>} : memref<800x32xf32, #tpu.memory_space<vmem>>, vector<1x16xf32>,
        %get3A_1195 = vector.shape_cast %get3A_1194 : vector<1x16xf32> to vector<16xf32>
        %mul3A_1196 = arith.mulf %get3A_1195, %gather3A_1181 : vector<16xf32>
        %get3A_1197 = arith.index_cast %add3A_1171 : i32 to index
        %get3A_1198 = arith.constant 16 : index
        %get3A_1199 = tpu.vector_load %arg8[%get3A_1197, %get3A_1198] {strides = array<i32>} : memref<800x32xf32, #tpu.memory_space<vmem>>, vector<1x16xf32>,
        %get3A_1200 = vector.shape_cast %get3A_1199 : vector<1x16xf32> to vector<16xf32>
        %mul3A_1201 = arith.mulf %get3A_1200, %gather3A_1191 : vector<16xf32>
        %sub3A_1202 = arith.subi %add3A_1171, %mul3A_254 : i32
        %mul3A_1203 = arith.constant 16 : i32
        %mul3A_1204 = arith.muli %sub3A_1202, %mul3A_1203 : i32
        %add3A_1205 = arith.addi %mul3A_1204, %mul3A_258 : i32
        %get3A_1206 = arith.index_cast %add3A_1205 : i32 to index
        %get3A_1207 = tpu.vector_load %arg10[%get3A_1206] {strides = array<i32>} : memref<12800xf32, #tpu.memory_space<vmem>>, vector<16xf32>,
        %get3A_1208 = vector.shape_cast %get3A_1207 : vector<16xf32> to vector<16xf32>
        %slice3A_1209 = vector.extract_strided_slice %mul3A_1196 {offsets = [0], sizes = [1], strides = [1]} : vector<16xf32> to vector<1xf32>
        %squeeze3A_1210 = vector.extract %slice3A_1209[0] : f32 from vector<1xf32>
        %mul3A_1211 = vector.broadcast %squeeze3A_1210 : f32 to vector<16xf32>
        %mul3A_1212 = arith.mulf %mul3A_1211, %get3A_1208 : vector<16xf32>
        %add3A_1213 = arith.addf %add3A_1007, %mul3A_1212 : vector<16xf32>
        %slice3A_1214 = vector.extract_strided_slice %mul3A_1201 {offsets = [0], sizes = [1], strides = [1]} : vector<16xf32> to vector<1xf32>
        %squeeze3A_1215 = vector.extract %slice3A_1214[0] : f32 from vector<1xf32>
        %mul3A_1216 = vector.broadcast %squeeze3A_1215 : f32 to vector<16xf32>
        %mul3A_1217 = arith.mulf %mul3A_1216, %get3A_1208 : vector<16xf32>
        %add3A_1218 = arith.addf %add3A_1012, %mul3A_1217 : vector<16xf32>
        %slice3A_1219 = vector.extract_strided_slice %mul3A_1196 {offsets = [1], sizes = [1], strides = [1]} : vector<16xf32> to vector<1xf32>
        %squeeze3A_1220 = vector.extract %slice3A_1219[0] : f32 from vector<1xf32>
        %mul3A_1221 = vector.broadcast %squeeze3A_1220 : f32 to vector<16xf32>
        %mul3A_1222 = arith.mulf %mul3A_1221, %get3A_1208 : vector<16xf32>
        %add3A_1223 = arith.addf %add3A_1017, %mul3A_1222 : vector<16xf32>
        %slice3A_1224 = vector.extract_strided_slice %mul3A_1201 {offsets = [1], sizes = [1], strides = [1]} : vector<16xf32> to vector<1xf32>
        %squeeze3A_1225 = vector.extract %slice3A_1224[0] : f32 from vector<1xf32>
        %mul3A_1226 = vector.broadcast %squeeze3A_1225 : f32 to vector<16xf32>
        %mul3A_1227 = arith.mulf %mul3A_1226, %get3A_1208 : vector<16xf32>
        %add3A_1228 = arith.addf %add3A_1022, %mul3A_1227 : vector<16xf32>
        %slice3A_1229 = vector.extract_strided_slice %mul3A_1196 {offsets = [2], sizes = [1], strides = [1]} : vector<16xf32> to vector<1xf32>
        %squeeze3A_1230 = vector.extract %slice3A_1229[0] : f32 from vector<1xf32>
        %mul3A_1231 = vector.broadcast %squeeze3A_1230 : f32 to vector<16xf32>
        %mul3A_1232 = arith.mulf %mul3A_1231, %get3A_1208 : vector<16xf32>
        %add3A_1233 = arith.addf %add3A_1027, %mul3A_1232 : vector<16xf32>
        %slice3A_1234 = vector.extract_strided_slice %mul3A_1201 {offsets = [2], sizes = [1], strides = [1]} : vector<16xf32> to vector<1xf32>
        %squeeze3A_1235 = vector.extract %slice3A_1234[0] : f32 from vector<1xf32>
        %mul3A_1236 = vector.broadcast %squeeze3A_1235 : f32 to vector<16xf32>
        %mul3A_1237 = arith.mulf %mul3A_1236, %get3A_1208 : vector<16xf32>
        %add3A_1238 = arith.addf %add3A_1032, %mul3A_1237 : vector<16xf32>
        %slice3A_1239 = vector.extract_strided_slice %mul3A_1196 {offsets = [3], sizes = [1], strides = [1]} : vector<16xf32> to vector<1xf32>
        %squeeze3A_1240 = vector.extract %slice3A_1239[0] : f32 from vector<1xf32>
        %mul3A_1241 = vector.broadcast %squeeze3A_1240 : f32 to vector<16xf32>
        %mul3A_1242 = arith.mulf %mul3A_1241, %get3A_1208 : vector<16xf32>
        %add3A_1243 = arith.addf %add3A_1037, %mul3A_1242 : vector<16xf32>
        %slice3A_1244 = vector.extract_strided_slice %mul3A_1201 {offsets = [3], sizes = [1], strides = [1]} : vector<16xf32> to vector<1xf32>
        %squeeze3A_1245 = vector.extract %slice3A_1244[0] : f32 from vector<1xf32>
        %mul3A_1246 = vector.broadcast %squeeze3A_1245 : f32 to vector<16xf32>
        %mul3A_1247 = arith.mulf %mul3A_1246, %get3A_1208 : vector<16xf32>
        %add3A_1248 = arith.addf %add3A_1042, %mul3A_1247 : vector<16xf32>
        %slice3A_1249 = vector.extract_strided_slice %mul3A_1196 {offsets = [4], sizes = [1], strides = [1]} : vector<16xf32> to vector<1xf32>
        %squeeze3A_1250 = vector.extract %slice3A_1249[0] : f32 from vector<1xf32>
        %mul3A_1251 = vector.broadcast %squeeze3A_1250 : f32 to vector<16xf32>
        %mul3A_1252 = arith.mulf %mul3A_1251, %get3A_1208 : vector<16xf32>
        %add3A_1253 = arith.addf %add3A_1047, %mul3A_1252 : vector<16xf32>
        %slice3A_1254 = vector.extract_strided_slice %mul3A_1201 {offsets = [4], sizes = [1], strides = [1]} : vector<16xf32> to vector<1xf32>
        %squeeze3A_1255 = vector.extract %slice3A_1254[0] : f32 from vector<1xf32>
        %mul3A_1256 = vector.broadcast %squeeze3A_1255 : f32 to vector<16xf32>
        %mul3A_1257 = arith.mulf %mul3A_1256, %get3A_1208 : vector<16xf32>
        %add3A_1258 = arith.addf %add3A_1052, %mul3A_1257 : vector<16xf32>
        %slice3A_1259 = vector.extract_strided_slice %mul3A_1196 {offsets = [5], sizes = [1], strides = [1]} : vector<16xf32> to vector<1xf32>
        %squeeze3A_1260 = vector.extract %slice3A_1259[0] : f32 from vector<1xf32>
        %mul3A_1261 = vector.broadcast %squeeze3A_1260 : f32 to vector<16xf32>
        %mul3A_1262 = arith.mulf %mul3A_1261, %get3A_1208 : vector<16xf32>
        %add3A_1263 = arith.addf %add3A_1057, %mul3A_1262 : vector<16xf32>
        %slice3A_1264 = vector.extract_strided_slice %mul3A_1201 {offsets = [5], sizes = [1], strides = [1]} : vector<16xf32> to vector<1xf32>
        %squeeze3A_1265 = vector.extract %slice3A_1264[0] : f32 from vector<1xf32>
        %mul3A_1266 = vector.broadcast %squeeze3A_1265 : f32 to vector<16xf32>
        %mul3A_1267 = arith.mulf %mul3A_1266, %get3A_1208 : vector<16xf32>
        %add3A_1268 = arith.addf %add3A_1062, %mul3A_1267 : vector<16xf32>
        %slice3A_1269 = vector.extract_strided_slice %mul3A_1196 {offsets = [6], sizes = [1], strides = [1]} : vector<16xf32> to vector<1xf32>
        %squeeze3A_1270 = vector.extract %slice3A_1269[0] : f32 from vector<1xf32>
        %mul3A_1271 = vector.broadcast %squeeze3A_1270 : f32 to vector<16xf32>
        %mul3A_1272 = arith.mulf %mul3A_1271, %get3A_1208 : vector<16xf32>
        %add3A_1273 = arith.addf %add3A_1067, %mul3A_1272 : vector<16xf32>
        %slice3A_1274 = vector.extract_strided_slice %mul3A_1201 {offsets = [6], sizes = [1], strides = [1]} : vector<16xf32> to vector<1xf32>
        %squeeze3A_1275 = vector.extract %slice3A_1274[0] : f32 from vector<1xf32>
        %mul3A_1276 = vector.broadcast %squeeze3A_1275 : f32 to vector<16xf32>
        %mul3A_1277 = arith.mulf %mul3A_1276, %get3A_1208 : vector<16xf32>
        %add3A_1278 = arith.addf %add3A_1072, %mul3A_1277 : vector<16xf32>
        %slice3A_1279 = vector.extract_strided_slice %mul3A_1196 {offsets = [7], sizes = [1], strides = [1]} : vector<16xf32> to vector<1xf32>
        %squeeze3A_1280 = vector.extract %slice3A_1279[0] : f32 from vector<1xf32>
        %mul3A_1281 = vector.broadcast %squeeze3A_1280 : f32 to vector<16xf32>
        %mul3A_1282 = arith.mulf %mul3A_1281, %get3A_1208 : vector<16xf32>
        %add3A_1283 = arith.addf %add3A_1077, %mul3A_1282 : vector<16xf32>
        %slice3A_1284 = vector.extract_strided_slice %mul3A_1201 {offsets = [7], sizes = [1], strides = [1]} : vector<16xf32> to vector<1xf32>
        %squeeze3A_1285 = vector.extract %slice3A_1284[0] : f32 from vector<1xf32>
        %mul3A_1286 = vector.broadcast %squeeze3A_1285 : f32 to vector<16xf32>
        %mul3A_1287 = arith.mulf %mul3A_1286, %get3A_1208 : vector<16xf32>
        %add3A_1288 = arith.addf %add3A_1082, %mul3A_1287 : vector<16xf32>
        %slice3A_1289 = vector.extract_strided_slice %mul3A_1196 {offsets = [8], sizes = [1], strides = [1]} : vector<16xf32> to vector<1xf32>
        %squeeze3A_1290 = vector.extract %slice3A_1289[0] : f32 from vector<1xf32>
        %mul3A_1291 = vector.broadcast %squeeze3A_1290 : f32 to vector<16xf32>
        %mul3A_1292 = arith.mulf %mul3A_1291, %get3A_1208 : vector<16xf32>
        %add3A_1293 = arith.addf %add3A_1087, %mul3A_1292 : vector<16xf32>
        %slice3A_1294 = vector.extract_strided_slice %mul3A_1201 {offsets = [8], sizes = [1], strides = [1]} : vector<16xf32> to vector<1xf32>
        %squeeze3A_1295 = vector.extract %slice3A_1294[0] : f32 from vector<1xf32>
        %mul3A_1296 = vector.broadcast %squeeze3A_1295 : f32 to vector<16xf32>
        %mul3A_1297 = arith.mulf %mul3A_1296, %get3A_1208 : vector<16xf32>
        %add3A_1298 = arith.addf %add3A_1092, %mul3A_1297 : vector<16xf32>
        %slice3A_1299 = vector.extract_strided_slice %mul3A_1196 {offsets = [9], sizes = [1], strides = [1]} : vector<16xf32> to vector<1xf32>
        %squeeze3A_1300 = vector.extract %slice3A_1299[0] : f32 from vector<1xf32>
        %mul3A_1301 = vector.broadcast %squeeze3A_1300 : f32 to vector<16xf32>
        %mul3A_1302 = arith.mulf %mul3A_1301, %get3A_1208 : vector<16xf32>
        %add3A_1303 = arith.addf %add3A_1097, %mul3A_1302 : vector<16xf32>
        %slice3A_1304 = vector.extract_strided_slice %mul3A_1201 {offsets = [9], sizes = [1], strides = [1]} : vector<16xf32> to vector<1xf32>
        %squeeze3A_1305 = vector.extract %slice3A_1304[0] : f32 from vector<1xf32>
        %mul3A_1306 = vector.broadcast %squeeze3A_1305 : f32 to vector<16xf32>
        %mul3A_1307 = arith.mulf %mul3A_1306, %get3A_1208 : vector<16xf32>
        %add3A_1308 = arith.addf %add3A_1102, %mul3A_1307 : vector<16xf32>
        %slice3A_1309 = vector.extract_strided_slice %mul3A_1196 {offsets = [10], sizes = [1], strides = [1]} : vector<16xf32> to vector<1xf32>
        %squeeze3A_1310 = vector.extract %slice3A_1309[0] : f32 from vector<1xf32>
        %mul3A_1311 = vector.broadcast %squeeze3A_1310 : f32 to vector<16xf32>
        %mul3A_1312 = arith.mulf %mul3A_1311, %get3A_1208 : vector<16xf32>
        %add3A_1313 = arith.addf %add3A_1107, %mul3A_1312 : vector<16xf32>
        %slice3A_1314 = vector.extract_strided_slice %mul3A_1201 {offsets = [10], sizes = [1], strides = [1]} : vector<16xf32> to vector<1xf32>
        %squeeze3A_1315 = vector.extract %slice3A_1314[0] : f32 from vector<1xf32>
        %mul3A_1316 = vector.broadcast %squeeze3A_1315 : f32 to vector<16xf32>
        %mul3A_1317 = arith.mulf %mul3A_1316, %get3A_1208 : vector<16xf32>
        %add3A_1318 = arith.addf %add3A_1112, %mul3A_1317 : vector<16xf32>
        %slice3A_1319 = vector.extract_strided_slice %mul3A_1196 {offsets = [11], sizes = [1], strides = [1]} : vector<16xf32> to vector<1xf32>
        %squeeze3A_1320 = vector.extract %slice3A_1319[0] : f32 from vector<1xf32>
        %mul3A_1321 = vector.broadcast %squeeze3A_1320 : f32 to vector<16xf32>
        %mul3A_1322 = arith.mulf %mul3A_1321, %get3A_1208 : vector<16xf32>
        %add3A_1323 = arith.addf %add3A_1117, %mul3A_1322 : vector<16xf32>
        %slice3A_1324 = vector.extract_strided_slice %mul3A_1201 {offsets = [11], sizes = [1], strides = [1]} : vector<16xf32> to vector<1xf32>
        %squeeze3A_1325 = vector.extract %slice3A_1324[0] : f32 from vector<1xf32>
        %mul3A_1326 = vector.broadcast %squeeze3A_1325 : f32 to vector<16xf32>
        %mul3A_1327 = arith.mulf %mul3A_1326, %get3A_1208 : vector<16xf32>
        %add3A_1328 = arith.addf %add3A_1122, %mul3A_1327 : vector<16xf32>
        %slice3A_1329 = vector.extract_strided_slice %mul3A_1196 {offsets = [12], sizes = [1], strides = [1]} : vector<16xf32> to vector<1xf32>
        %squeeze3A_1330 = vector.extract %slice3A_1329[0] : f32 from vector<1xf32>
        %mul3A_1331 = vector.broadcast %squeeze3A_1330 : f32 to vector<16xf32>
        %mul3A_1332 = arith.mulf %mul3A_1331, %get3A_1208 : vector<16xf32>
        %add3A_1333 = arith.addf %add3A_1127, %mul3A_1332 : vector<16xf32>
        %slice3A_1334 = vector.extract_strided_slice %mul3A_1201 {offsets = [12], sizes = [1], strides = [1]} : vector<16xf32> to vector<1xf32>
        %squeeze3A_1335 = vector.extract %slice3A_1334[0] : f32 from vector<1xf32>
        %mul3A_1336 = vector.broadcast %squeeze3A_1335 : f32 to vector<16xf32>
        %mul3A_1337 = arith.mulf %mul3A_1336, %get3A_1208 : vector<16xf32>
        %add3A_1338 = arith.addf %add3A_1132, %mul3A_1337 : vector<16xf32>
        %slice3A_1339 = vector.extract_strided_slice %mul3A_1196 {offsets = [13], sizes = [1], strides = [1]} : vector<16xf32> to vector<1xf32>
        %squeeze3A_1340 = vector.extract %slice3A_1339[0] : f32 from vector<1xf32>
        %mul3A_1341 = vector.broadcast %squeeze3A_1340 : f32 to vector<16xf32>
        %mul3A_1342 = arith.mulf %mul3A_1341, %get3A_1208 : vector<16xf32>
        %add3A_1343 = arith.addf %add3A_1137, %mul3A_1342 : vector<16xf32>
        %slice3A_1344 = vector.extract_strided_slice %mul3A_1201 {offsets = [13], sizes = [1], strides = [1]} : vector<16xf32> to vector<1xf32>
        %squeeze3A_1345 = vector.extract %slice3A_1344[0] : f32 from vector<1xf32>
        %mul3A_1346 = vector.broadcast %squeeze3A_1345 : f32 to vector<16xf32>
        %mul3A_1347 = arith.mulf %mul3A_1346, %get3A_1208 : vector<16xf32>
        %add3A_1348 = arith.addf %add3A_1142, %mul3A_1347 : vector<16xf32>
        %slice3A_1349 = vector.extract_strided_slice %mul3A_1196 {offsets = [14], sizes = [1], strides = [1]} : vector<16xf32> to vector<1xf32>
        %squeeze3A_1350 = vector.extract %slice3A_1349[0] : f32 from vector<1xf32>
        %mul3A_1351 = vector.broadcast %squeeze3A_1350 : f32 to vector<16xf32>
        %mul3A_1352 = arith.mulf %mul3A_1351, %get3A_1208 : vector<16xf32>
        %add3A_1353 = arith.addf %add3A_1147, %mul3A_1352 : vector<16xf32>
        %slice3A_1354 = vector.extract_strided_slice %mul3A_1201 {offsets = [14], sizes = [1], strides = [1]} : vector<16xf32> to vector<1xf32>
        %squeeze3A_1355 = vector.extract %slice3A_1354[0] : f32 from vector<1xf32>
        %mul3A_1356 = vector.broadcast %squeeze3A_1355 : f32 to vector<16xf32>
        %mul3A_1357 = arith.mulf %mul3A_1356, %get3A_1208 : vector<16xf32>
        %add3A_1358 = arith.addf %add3A_1152, %mul3A_1357 : vector<16xf32>
        %slice3A_1359 = vector.extract_strided_slice %mul3A_1196 {offsets = [15], sizes = [1], strides = [1]} : vector<16xf32> to vector<1xf32>
        %squeeze3A_1360 = vector.extract %slice3A_1359[0] : f32 from vector<1xf32>
        %mul3A_1361 = vector.broadcast %squeeze3A_1360 : f32 to vector<16xf32>
        %mul3A_1362 = arith.mulf %mul3A_1361, %get3A_1208 : vector<16xf32>
        %add3A_1363 = arith.addf %add3A_1157, %mul3A_1362 : vector<16xf32>
        %slice3A_1364 = vector.extract_strided_slice %mul3A_1201 {offsets = [15], sizes = [1], strides = [1]} : vector<16xf32> to vector<1xf32>
        %squeeze3A_1365 = vector.extract %slice3A_1364[0] : f32 from vector<1xf32>
        %mul3A_1366 = vector.broadcast %squeeze3A_1365 : f32 to vector<16xf32>
        %mul3A_1367 = arith.mulf %mul3A_1366, %get3A_1208 : vector<16xf32>
        %add3A_1368 = arith.addf %add3A_1162, %mul3A_1367 : vector<16xf32>
        %add3A_1369 = arith.constant 4 : i32
        %add3A_1370 = arith.addi %add3A_285, %add3A_1369 : i32
        %add3A_1371 = arith.constant 1 : i32
        %add3A_1372 = arith.addi %add3A_1370, %add3A_1371 : i32
        %lt3A_1373 = arith.constant 0 : i32
        %lt3A_1374 = vector.broadcast %lt3A_1373 : i32 to vector<16xi32>
        %lt3A_1375 = arith.cmpi slt, %add3A_13, %lt3A_1374 : vector<16xi32>
        %add3A_1376 = arith.constant 16 : i32
        %add3A_1377 = vector.broadcast %add3A_1376 : i32 to vector<16xi32>
        %add3A_1378 = arith.addi %add3A_13, %add3A_1377 : vector<16xi32>
        %select_n3A_1379 = arith.select %lt3A_1375, %add3A_1378, %add3A_13 : vector<16xi1>, vector<16xi32>
        %broadcast_in_dim3A_1380 = vector.shape_cast %select_n3A_1379 : vector<16xi32> to vector<16x1xi32>
        %gather3A_1381 = vector.shape_cast %broadcast_in_dim3A_1380 : vector<16x1xi32> to vector<16xi32>
        %gather3A_1382 = tpu.dynamic_gather %get3A_1167[%gather3A_1381] in [0] : vector<16xf32>, vector<16xi32> -> vector<16xf32>
        %lt3A_1383 = arith.constant 0 : i32
        %lt3A_1384 = vector.broadcast %lt3A_1383 : i32 to vector<16xi32>
        %lt3A_1385 = arith.cmpi slt, %add3A_16, %lt3A_1384 : vector<16xi32>
        %add3A_1386 = arith.constant 16 : i32
        %add3A_1387 = vector.broadcast %add3A_1386 : i32 to vector<16xi32>
        %add3A_1388 = arith.addi %add3A_16, %add3A_1387 : vector<16xi32>
        %select_n3A_1389 = arith.select %lt3A_1385, %add3A_1388, %add3A_16 : vector<16xi1>, vector<16xi32>
        %broadcast_in_dim3A_1390 = vector.shape_cast %select_n3A_1389 : vector<16xi32> to vector<16x1xi32>
        %gather3A_1391 = vector.shape_cast %broadcast_in_dim3A_1390 : vector<16x1xi32> to vector<16xi32>
        %gather3A_1392 = tpu.dynamic_gather %get3A_1167[%gather3A_1391] in [0] : vector<16xf32>, vector<16xi32> -> vector<16xf32>
        %get3A_1393 = arith.index_cast %add3A_1372 : i32 to index
        %get3A_1394 = arith.constant 0 : index
        %get3A_1395 = tpu.vector_load %arg8[%get3A_1393, %get3A_1394] {strides = array<i32>} : memref<800x32xf32, #tpu.memory_space<vmem>>, vector<1x16xf32>,
        %get3A_1396 = vector.shape_cast %get3A_1395 : vector<1x16xf32> to vector<16xf32>
        %mul3A_1397 = arith.mulf %get3A_1396, %gather3A_1382 : vector<16xf32>
        %get3A_1398 = arith.index_cast %add3A_1372 : i32 to index
        %get3A_1399 = arith.constant 16 : index
        %get3A_1400 = tpu.vector_load %arg8[%get3A_1398, %get3A_1399] {strides = array<i32>} : memref<800x32xf32, #tpu.memory_space<vmem>>, vector<1x16xf32>,
        %get3A_1401 = vector.shape_cast %get3A_1400 : vector<1x16xf32> to vector<16xf32>
        %mul3A_1402 = arith.mulf %get3A_1401, %gather3A_1392 : vector<16xf32>
        %sub3A_1403 = arith.subi %add3A_1372, %mul3A_254 : i32
        %mul3A_1404 = arith.constant 16 : i32
        %mul3A_1405 = arith.muli %sub3A_1403, %mul3A_1404 : i32
        %add3A_1406 = arith.addi %mul3A_1405, %mul3A_258 : i32
        %get3A_1407 = arith.index_cast %add3A_1406 : i32 to index
        %get3A_1408 = tpu.vector_load %arg10[%get3A_1407] {strides = array<i32>} : memref<12800xf32, #tpu.memory_space<vmem>>, vector<16xf32>,
        %get3A_1409 = vector.shape_cast %get3A_1408 : vector<16xf32> to vector<16xf32>
        %slice3A_1410 = vector.extract_strided_slice %mul3A_1397 {offsets = [0], sizes = [1], strides = [1]} : vector<16xf32> to vector<1xf32>
        %squeeze3A_1411 = vector.extract %slice3A_1410[0] : f32 from vector<1xf32>
        %mul3A_1412 = vector.broadcast %squeeze3A_1411 : f32 to vector<16xf32>
        %mul3A_1413 = arith.mulf %mul3A_1412, %get3A_1409 : vector<16xf32>
        %add3A_1414 = arith.addf %add3A_1213, %mul3A_1413 : vector<16xf32>
        %slice3A_1415 = vector.extract_strided_slice %mul3A_1402 {offsets = [0], sizes = [1], strides = [1]} : vector<16xf32> to vector<1xf32>
        %squeeze3A_1416 = vector.extract %slice3A_1415[0] : f32 from vector<1xf32>
        %mul3A_1417 = vector.broadcast %squeeze3A_1416 : f32 to vector<16xf32>
        %mul3A_1418 = arith.mulf %mul3A_1417, %get3A_1409 : vector<16xf32>
        %add3A_1419 = arith.addf %add3A_1218, %mul3A_1418 : vector<16xf32>
        %slice3A_1420 = vector.extract_strided_slice %mul3A_1397 {offsets = [1], sizes = [1], strides = [1]} : vector<16xf32> to vector<1xf32>
        %squeeze3A_1421 = vector.extract %slice3A_1420[0] : f32 from vector<1xf32>
        %mul3A_1422 = vector.broadcast %squeeze3A_1421 : f32 to vector<16xf32>
        %mul3A_1423 = arith.mulf %mul3A_1422, %get3A_1409 : vector<16xf32>
        %add3A_1424 = arith.addf %add3A_1223, %mul3A_1423 : vector<16xf32>
        %slice3A_1425 = vector.extract_strided_slice %mul3A_1402 {offsets = [1], sizes = [1], strides = [1]} : vector<16xf32> to vector<1xf32>
        %squeeze3A_1426 = vector.extract %slice3A_1425[0] : f32 from vector<1xf32>
        %mul3A_1427 = vector.broadcast %squeeze3A_1426 : f32 to vector<16xf32>
        %mul3A_1428 = arith.mulf %mul3A_1427, %get3A_1409 : vector<16xf32>
        %add3A_1429 = arith.addf %add3A_1228, %mul3A_1428 : vector<16xf32>
        %slice3A_1430 = vector.extract_strided_slice %mul3A_1397 {offsets = [2], sizes = [1], strides = [1]} : vector<16xf32> to vector<1xf32>
        %squeeze3A_1431 = vector.extract %slice3A_1430[0] : f32 from vector<1xf32>
        %mul3A_1432 = vector.broadcast %squeeze3A_1431 : f32 to vector<16xf32>
        %mul3A_1433 = arith.mulf %mul3A_1432, %get3A_1409 : vector<16xf32>
        %add3A_1434 = arith.addf %add3A_1233, %mul3A_1433 : vector<16xf32>
        %slice3A_1435 = vector.extract_strided_slice %mul3A_1402 {offsets = [2], sizes = [1], strides = [1]} : vector<16xf32> to vector<1xf32>
        %squeeze3A_1436 = vector.extract %slice3A_1435[0] : f32 from vector<1xf32>
        %mul3A_1437 = vector.broadcast %squeeze3A_1436 : f32 to vector<16xf32>
        %mul3A_1438 = arith.mulf %mul3A_1437, %get3A_1409 : vector<16xf32>
        %add3A_1439 = arith.addf %add3A_1238, %mul3A_1438 : vector<16xf32>
        %slice3A_1440 = vector.extract_strided_slice %mul3A_1397 {offsets = [3], sizes = [1], strides = [1]} : vector<16xf32> to vector<1xf32>
        %squeeze3A_1441 = vector.extract %slice3A_1440[0] : f32 from vector<1xf32>
        %mul3A_1442 = vector.broadcast %squeeze3A_1441 : f32 to vector<16xf32>
        %mul3A_1443 = arith.mulf %mul3A_1442, %get3A_1409 : vector<16xf32>
        %add3A_1444 = arith.addf %add3A_1243, %mul3A_1443 : vector<16xf32>
        %slice3A_1445 = vector.extract_strided_slice %mul3A_1402 {offsets = [3], sizes = [1], strides = [1]} : vector<16xf32> to vector<1xf32>
        %squeeze3A_1446 = vector.extract %slice3A_1445[0] : f32 from vector<1xf32>
        %mul3A_1447 = vector.broadcast %squeeze3A_1446 : f32 to vector<16xf32>
        %mul3A_1448 = arith.mulf %mul3A_1447, %get3A_1409 : vector<16xf32>
        %add3A_1449 = arith.addf %add3A_1248, %mul3A_1448 : vector<16xf32>
        %slice3A_1450 = vector.extract_strided_slice %mul3A_1397 {offsets = [4], sizes = [1], strides = [1]} : vector<16xf32> to vector<1xf32>
        %squeeze3A_1451 = vector.extract %slice3A_1450[0] : f32 from vector<1xf32>
        %mul3A_1452 = vector.broadcast %squeeze3A_1451 : f32 to vector<16xf32>
        %mul3A_1453 = arith.mulf %mul3A_1452, %get3A_1409 : vector<16xf32>
        %add3A_1454 = arith.addf %add3A_1253, %mul3A_1453 : vector<16xf32>
        %slice3A_1455 = vector.extract_strided_slice %mul3A_1402 {offsets = [4], sizes = [1], strides = [1]} : vector<16xf32> to vector<1xf32>
        %squeeze3A_1456 = vector.extract %slice3A_1455[0] : f32 from vector<1xf32>
        %mul3A_1457 = vector.broadcast %squeeze3A_1456 : f32 to vector<16xf32>
        %mul3A_1458 = arith.mulf %mul3A_1457, %get3A_1409 : vector<16xf32>
        %add3A_1459 = arith.addf %add3A_1258, %mul3A_1458 : vector<16xf32>
        %slice3A_1460 = vector.extract_strided_slice %mul3A_1397 {offsets = [5], sizes = [1], strides = [1]} : vector<16xf32> to vector<1xf32>
        %squeeze3A_1461 = vector.extract %slice3A_1460[0] : f32 from vector<1xf32>
        %mul3A_1462 = vector.broadcast %squeeze3A_1461 : f32 to vector<16xf32>
        %mul3A_1463 = arith.mulf %mul3A_1462, %get3A_1409 : vector<16xf32>
        %add3A_1464 = arith.addf %add3A_1263, %mul3A_1463 : vector<16xf32>
        %slice3A_1465 = vector.extract_strided_slice %mul3A_1402 {offsets = [5], sizes = [1], strides = [1]} : vector<16xf32> to vector<1xf32>
        %squeeze3A_1466 = vector.extract %slice3A_1465[0] : f32 from vector<1xf32>
        %mul3A_1467 = vector.broadcast %squeeze3A_1466 : f32 to vector<16xf32>
        %mul3A_1468 = arith.mulf %mul3A_1467, %get3A_1409 : vector<16xf32>
        %add3A_1469 = arith.addf %add3A_1268, %mul3A_1468 : vector<16xf32>
        %slice3A_1470 = vector.extract_strided_slice %mul3A_1397 {offsets = [6], sizes = [1], strides = [1]} : vector<16xf32> to vector<1xf32>
        %squeeze3A_1471 = vector.extract %slice3A_1470[0] : f32 from vector<1xf32>
        %mul3A_1472 = vector.broadcast %squeeze3A_1471 : f32 to vector<16xf32>
        %mul3A_1473 = arith.mulf %mul3A_1472, %get3A_1409 : vector<16xf32>
        %add3A_1474 = arith.addf %add3A_1273, %mul3A_1473 : vector<16xf32>
        %slice3A_1475 = vector.extract_strided_slice %mul3A_1402 {offsets = [6], sizes = [1], strides = [1]} : vector<16xf32> to vector<1xf32>
        %squeeze3A_1476 = vector.extract %slice3A_1475[0] : f32 from vector<1xf32>
        %mul3A_1477 = vector.broadcast %squeeze3A_1476 : f32 to vector<16xf32>
        %mul3A_1478 = arith.mulf %mul3A_1477, %get3A_1409 : vector<16xf32>
        %add3A_1479 = arith.addf %add3A_1278, %mul3A_1478 : vector<16xf32>
        %slice3A_1480 = vector.extract_strided_slice %mul3A_1397 {offsets = [7], sizes = [1], strides = [1]} : vector<16xf32> to vector<1xf32>
        %squeeze3A_1481 = vector.extract %slice3A_1480[0] : f32 from vector<1xf32>
        %mul3A_1482 = vector.broadcast %squeeze3A_1481 : f32 to vector<16xf32>
        %mul3A_1483 = arith.mulf %mul3A_1482, %get3A_1409 : vector<16xf32>
        %add3A_1484 = arith.addf %add3A_1283, %mul3A_1483 : vector<16xf32>
        %slice3A_1485 = vector.extract_strided_slice %mul3A_1402 {offsets = [7], sizes = [1], strides = [1]} : vector<16xf32> to vector<1xf32>
        %squeeze3A_1486 = vector.extract %slice3A_1485[0] : f32 from vector<1xf32>
        %mul3A_1487 = vector.broadcast %squeeze3A_1486 : f32 to vector<16xf32>
        %mul3A_1488 = arith.mulf %mul3A_1487, %get3A_1409 : vector<16xf32>
        %add3A_1489 = arith.addf %add3A_1288, %mul3A_1488 : vector<16xf32>
        %slice3A_1490 = vector.extract_strided_slice %mul3A_1397 {offsets = [8], sizes = [1], strides = [1]} : vector<16xf32> to vector<1xf32>
        %squeeze3A_1491 = vector.extract %slice3A_1490[0] : f32 from vector<1xf32>
        %mul3A_1492 = vector.broadcast %squeeze3A_1491 : f32 to vector<16xf32>
        %mul3A_1493 = arith.mulf %mul3A_1492, %get3A_1409 : vector<16xf32>
        %add3A_1494 = arith.addf %add3A_1293, %mul3A_1493 : vector<16xf32>
        %slice3A_1495 = vector.extract_strided_slice %mul3A_1402 {offsets = [8], sizes = [1], strides = [1]} : vector<16xf32> to vector<1xf32>
        %squeeze3A_1496 = vector.extract %slice3A_1495[0] : f32 from vector<1xf32>
        %mul3A_1497 = vector.broadcast %squeeze3A_1496 : f32 to vector<16xf32>
        %mul3A_1498 = arith.mulf %mul3A_1497, %get3A_1409 : vector<16xf32>
        %add3A_1499 = arith.addf %add3A_1298, %mul3A_1498 : vector<16xf32>
        %slice3A_1500 = vector.extract_strided_slice %mul3A_1397 {offsets = [9], sizes = [1], strides = [1]} : vector<16xf32> to vector<1xf32>
        %squeeze3A_1501 = vector.extract %slice3A_1500[0] : f32 from vector<1xf32>
        %mul3A_1502 = vector.broadcast %squeeze3A_1501 : f32 to vector<16xf32>
        %mul3A_1503 = arith.mulf %mul3A_1502, %get3A_1409 : vector<16xf32>
        %add3A_1504 = arith.addf %add3A_1303, %mul3A_1503 : vector<16xf32>
        %slice3A_1505 = vector.extract_strided_slice %mul3A_1402 {offsets = [9], sizes = [1], strides = [1]} : vector<16xf32> to vector<1xf32>
        %squeeze3A_1506 = vector.extract %slice3A_1505[0] : f32 from vector<1xf32>
        %mul3A_1507 = vector.broadcast %squeeze3A_1506 : f32 to vector<16xf32>
        %mul3A_1508 = arith.mulf %mul3A_1507, %get3A_1409 : vector<16xf32>
        %add3A_1509 = arith.addf %add3A_1308, %mul3A_1508 : vector<16xf32>
        %slice3A_1510 = vector.extract_strided_slice %mul3A_1397 {offsets = [10], sizes = [1], strides = [1]} : vector<16xf32> to vector<1xf32>
        %squeeze3A_1511 = vector.extract %slice3A_1510[0] : f32 from vector<1xf32>
        %mul3A_1512 = vector.broadcast %squeeze3A_1511 : f32 to vector<16xf32>
        %mul3A_1513 = arith.mulf %mul3A_1512, %get3A_1409 : vector<16xf32>
        %add3A_1514 = arith.addf %add3A_1313, %mul3A_1513 : vector<16xf32>
        %slice3A_1515 = vector.extract_strided_slice %mul3A_1402 {offsets = [10], sizes = [1], strides = [1]} : vector<16xf32> to vector<1xf32>
        %squeeze3A_1516 = vector.extract %slice3A_1515[0] : f32 from vector<1xf32>
        %mul3A_1517 = vector.broadcast %squeeze3A_1516 : f32 to vector<16xf32>
        %mul3A_1518 = arith.mulf %mul3A_1517, %get3A_1409 : vector<16xf32>
        %add3A_1519 = arith.addf %add3A_1318, %mul3A_1518 : vector<16xf32>
        %slice3A_1520 = vector.extract_strided_slice %mul3A_1397 {offsets = [11], sizes = [1], strides = [1]} : vector<16xf32> to vector<1xf32>
        %squeeze3A_1521 = vector.extract %slice3A_1520[0] : f32 from vector<1xf32>
        %mul3A_1522 = vector.broadcast %squeeze3A_1521 : f32 to vector<16xf32>
        %mul3A_1523 = arith.mulf %mul3A_1522, %get3A_1409 : vector<16xf32>
        %add3A_1524 = arith.addf %add3A_1323, %mul3A_1523 : vector<16xf32>
        %slice3A_1525 = vector.extract_strided_slice %mul3A_1402 {offsets = [11], sizes = [1], strides = [1]} : vector<16xf32> to vector<1xf32>
        %squeeze3A_1526 = vector.extract %slice3A_1525[0] : f32 from vector<1xf32>
        %mul3A_1527 = vector.broadcast %squeeze3A_1526 : f32 to vector<16xf32>
        %mul3A_1528 = arith.mulf %mul3A_1527, %get3A_1409 : vector<16xf32>
        %add3A_1529 = arith.addf %add3A_1328, %mul3A_1528 : vector<16xf32>
        %slice3A_1530 = vector.extract_strided_slice %mul3A_1397 {offsets = [12], sizes = [1], strides = [1]} : vector<16xf32> to vector<1xf32>
        %squeeze3A_1531 = vector.extract %slice3A_1530[0] : f32 from vector<1xf32>
        %mul3A_1532 = vector.broadcast %squeeze3A_1531 : f32 to vector<16xf32>
        %mul3A_1533 = arith.mulf %mul3A_1532, %get3A_1409 : vector<16xf32>
        %add3A_1534 = arith.addf %add3A_1333, %mul3A_1533 : vector<16xf32>
        %slice3A_1535 = vector.extract_strided_slice %mul3A_1402 {offsets = [12], sizes = [1], strides = [1]} : vector<16xf32> to vector<1xf32>
        %squeeze3A_1536 = vector.extract %slice3A_1535[0] : f32 from vector<1xf32>
        %mul3A_1537 = vector.broadcast %squeeze3A_1536 : f32 to vector<16xf32>
        %mul3A_1538 = arith.mulf %mul3A_1537, %get3A_1409 : vector<16xf32>
        %add3A_1539 = arith.addf %add3A_1338, %mul3A_1538 : vector<16xf32>
        %slice3A_1540 = vector.extract_strided_slice %mul3A_1397 {offsets = [13], sizes = [1], strides = [1]} : vector<16xf32> to vector<1xf32>
        %squeeze3A_1541 = vector.extract %slice3A_1540[0] : f32 from vector<1xf32>
        %mul3A_1542 = vector.broadcast %squeeze3A_1541 : f32 to vector<16xf32>
        %mul3A_1543 = arith.mulf %mul3A_1542, %get3A_1409 : vector<16xf32>
        %add3A_1544 = arith.addf %add3A_1343, %mul3A_1543 : vector<16xf32>
        %slice3A_1545 = vector.extract_strided_slice %mul3A_1402 {offsets = [13], sizes = [1], strides = [1]} : vector<16xf32> to vector<1xf32>
        %squeeze3A_1546 = vector.extract %slice3A_1545[0] : f32 from vector<1xf32>
        %mul3A_1547 = vector.broadcast %squeeze3A_1546 : f32 to vector<16xf32>
        %mul3A_1548 = arith.mulf %mul3A_1547, %get3A_1409 : vector<16xf32>
        %add3A_1549 = arith.addf %add3A_1348, %mul3A_1548 : vector<16xf32>
        %slice3A_1550 = vector.extract_strided_slice %mul3A_1397 {offsets = [14], sizes = [1], strides = [1]} : vector<16xf32> to vector<1xf32>
        %squeeze3A_1551 = vector.extract %slice3A_1550[0] : f32 from vector<1xf32>
        %mul3A_1552 = vector.broadcast %squeeze3A_1551 : f32 to vector<16xf32>
        %mul3A_1553 = arith.mulf %mul3A_1552, %get3A_1409 : vector<16xf32>
        %add3A_1554 = arith.addf %add3A_1353, %mul3A_1553 : vector<16xf32>
        %slice3A_1555 = vector.extract_strided_slice %mul3A_1402 {offsets = [14], sizes = [1], strides = [1]} : vector<16xf32> to vector<1xf32>
        %squeeze3A_1556 = vector.extract %slice3A_1555[0] : f32 from vector<1xf32>
        %mul3A_1557 = vector.broadcast %squeeze3A_1556 : f32 to vector<16xf32>
        %mul3A_1558 = arith.mulf %mul3A_1557, %get3A_1409 : vector<16xf32>
        %add3A_1559 = arith.addf %add3A_1358, %mul3A_1558 : vector<16xf32>
        %slice3A_1560 = vector.extract_strided_slice %mul3A_1397 {offsets = [15], sizes = [1], strides = [1]} : vector<16xf32> to vector<1xf32>
        %squeeze3A_1561 = vector.extract %slice3A_1560[0] : f32 from vector<1xf32>
        %mul3A_1562 = vector.broadcast %squeeze3A_1561 : f32 to vector<16xf32>
        %mul3A_1563 = arith.mulf %mul3A_1562, %get3A_1409 : vector<16xf32>
        %add3A_1564 = arith.addf %add3A_1363, %mul3A_1563 : vector<16xf32>
        %slice3A_1565 = vector.extract_strided_slice %mul3A_1402 {offsets = [15], sizes = [1], strides = [1]} : vector<16xf32> to vector<1xf32>
        %squeeze3A_1566 = vector.extract %slice3A_1565[0] : f32 from vector<1xf32>
        %mul3A_1567 = vector.broadcast %squeeze3A_1566 : f32 to vector<16xf32>
        %mul3A_1568 = arith.mulf %mul3A_1567, %get3A_1409 : vector<16xf32>
        %add3A_1569 = arith.addf %add3A_1368, %mul3A_1568 : vector<16xf32>
        %add3A_1570 = arith.constant 48 : i32
        %add3A_1571 = arith.addi %add3A_290, %add3A_1570 : i32
        %get3A_1572 = arith.index_cast %add3A_1571 : i32 to index
        %get3A_1573 = tpu.vector_load %arg9[%get3A_1572] {strides = array<i32>} : memref<6400xf32, #tpu.memory_space<vmem>>, vector<16xf32>,
        %get3A_1574 = vector.shape_cast %get3A_1573 : vector<16xf32> to vector<16xf32>
        %add3A_1575 = arith.constant 6 : i32
        %add3A_1576 = arith.addi %add3A_285, %add3A_1575 : i32
        %add3A_1577 = arith.constant 0 : i32
        %add3A_1578 = arith.addi %add3A_1576, %add3A_1577 : i32
        %lt3A_1579 = arith.constant 0 : i32
        %lt3A_1580 = vector.broadcast %lt3A_1579 : i32 to vector<16xi32>
        %lt3A_1581 = arith.cmpi slt, %add3A_7, %lt3A_1580 : vector<16xi32>
        %add3A_1582 = arith.constant 16 : i32
        %add3A_1583 = vector.broadcast %add3A_1582 : i32 to vector<16xi32>
        %add3A_1584 = arith.addi %add3A_7, %add3A_1583 : vector<16xi32>
        %select_n3A_1585 = arith.select %lt3A_1581, %add3A_1584, %add3A_7 : vector<16xi1>, vector<16xi32>
        %broadcast_in_dim3A_1586 = vector.shape_cast %select_n3A_1585 : vector<16xi32> to vector<16x1xi32>
        %gather3A_1587 = vector.shape_cast %broadcast_in_dim3A_1586 : vector<16x1xi32> to vector<16xi32>
        %gather3A_1588 = tpu.dynamic_gather %get3A_1574[%gather3A_1587] in [0] : vector<16xf32>, vector<16xi32> -> vector<16xf32>
        %lt3A_1589 = arith.constant 0 : i32
        %lt3A_1590 = vector.broadcast %lt3A_1589 : i32 to vector<16xi32>
        %lt3A_1591 = arith.cmpi slt, %add3A_10, %lt3A_1590 : vector<16xi32>
        %add3A_1592 = arith.constant 16 : i32
        %add3A_1593 = vector.broadcast %add3A_1592 : i32 to vector<16xi32>
        %add3A_1594 = arith.addi %add3A_10, %add3A_1593 : vector<16xi32>
        %select_n3A_1595 = arith.select %lt3A_1591, %add3A_1594, %add3A_10 : vector<16xi1>, vector<16xi32>
        %broadcast_in_dim3A_1596 = vector.shape_cast %select_n3A_1595 : vector<16xi32> to vector<16x1xi32>
        %gather3A_1597 = vector.shape_cast %broadcast_in_dim3A_1596 : vector<16x1xi32> to vector<16xi32>
        %gather3A_1598 = tpu.dynamic_gather %get3A_1574[%gather3A_1597] in [0] : vector<16xf32>, vector<16xi32> -> vector<16xf32>
        %get3A_1599 = arith.index_cast %add3A_1578 : i32 to index
        %get3A_1600 = arith.constant 0 : index
        %get3A_1601 = tpu.vector_load %arg8[%get3A_1599, %get3A_1600] {strides = array<i32>} : memref<800x32xf32, #tpu.memory_space<vmem>>, vector<1x16xf32>,
        %get3A_1602 = vector.shape_cast %get3A_1601 : vector<1x16xf32> to vector<16xf32>
        %mul3A_1603 = arith.mulf %get3A_1602, %gather3A_1588 : vector<16xf32>
        %get3A_1604 = arith.index_cast %add3A_1578 : i32 to index
        %get3A_1605 = arith.constant 16 : index
        %get3A_1606 = tpu.vector_load %arg8[%get3A_1604, %get3A_1605] {strides = array<i32>} : memref<800x32xf32, #tpu.memory_space<vmem>>, vector<1x16xf32>,
        %get3A_1607 = vector.shape_cast %get3A_1606 : vector<1x16xf32> to vector<16xf32>
        %mul3A_1608 = arith.mulf %get3A_1607, %gather3A_1598 : vector<16xf32>
        %sub3A_1609 = arith.subi %add3A_1578, %mul3A_254 : i32
        %mul3A_1610 = arith.constant 16 : i32
        %mul3A_1611 = arith.muli %sub3A_1609, %mul3A_1610 : i32
        %add3A_1612 = arith.addi %mul3A_1611, %mul3A_258 : i32
        %get3A_1613 = arith.index_cast %add3A_1612 : i32 to index
        %get3A_1614 = tpu.vector_load %arg10[%get3A_1613] {strides = array<i32>} : memref<12800xf32, #tpu.memory_space<vmem>>, vector<16xf32>,
        %get3A_1615 = vector.shape_cast %get3A_1614 : vector<16xf32> to vector<16xf32>
        %slice3A_1616 = vector.extract_strided_slice %mul3A_1603 {offsets = [0], sizes = [1], strides = [1]} : vector<16xf32> to vector<1xf32>
        %squeeze3A_1617 = vector.extract %slice3A_1616[0] : f32 from vector<1xf32>
        %mul3A_1618 = vector.broadcast %squeeze3A_1617 : f32 to vector<16xf32>
        %mul3A_1619 = arith.mulf %mul3A_1618, %get3A_1615 : vector<16xf32>
        %add3A_1620 = arith.addf %add3A_1414, %mul3A_1619 : vector<16xf32>
        %slice3A_1621 = vector.extract_strided_slice %mul3A_1608 {offsets = [0], sizes = [1], strides = [1]} : vector<16xf32> to vector<1xf32>
        %squeeze3A_1622 = vector.extract %slice3A_1621[0] : f32 from vector<1xf32>
        %mul3A_1623 = vector.broadcast %squeeze3A_1622 : f32 to vector<16xf32>
        %mul3A_1624 = arith.mulf %mul3A_1623, %get3A_1615 : vector<16xf32>
        %add3A_1625 = arith.addf %add3A_1419, %mul3A_1624 : vector<16xf32>
        %slice3A_1626 = vector.extract_strided_slice %mul3A_1603 {offsets = [1], sizes = [1], strides = [1]} : vector<16xf32> to vector<1xf32>
        %squeeze3A_1627 = vector.extract %slice3A_1626[0] : f32 from vector<1xf32>
        %mul3A_1628 = vector.broadcast %squeeze3A_1627 : f32 to vector<16xf32>
        %mul3A_1629 = arith.mulf %mul3A_1628, %get3A_1615 : vector<16xf32>
        %add3A_1630 = arith.addf %add3A_1424, %mul3A_1629 : vector<16xf32>
        %slice3A_1631 = vector.extract_strided_slice %mul3A_1608 {offsets = [1], sizes = [1], strides = [1]} : vector<16xf32> to vector<1xf32>
        %squeeze3A_1632 = vector.extract %slice3A_1631[0] : f32 from vector<1xf32>
        %mul3A_1633 = vector.broadcast %squeeze3A_1632 : f32 to vector<16xf32>
        %mul3A_1634 = arith.mulf %mul3A_1633, %get3A_1615 : vector<16xf32>
        %add3A_1635 = arith.addf %add3A_1429, %mul3A_1634 : vector<16xf32>
        %slice3A_1636 = vector.extract_strided_slice %mul3A_1603 {offsets = [2], sizes = [1], strides = [1]} : vector<16xf32> to vector<1xf32>
        %squeeze3A_1637 = vector.extract %slice3A_1636[0] : f32 from vector<1xf32>
        %mul3A_1638 = vector.broadcast %squeeze3A_1637 : f32 to vector<16xf32>
        %mul3A_1639 = arith.mulf %mul3A_1638, %get3A_1615 : vector<16xf32>
        %add3A_1640 = arith.addf %add3A_1434, %mul3A_1639 : vector<16xf32>
        %slice3A_1641 = vector.extract_strided_slice %mul3A_1608 {offsets = [2], sizes = [1], strides = [1]} : vector<16xf32> to vector<1xf32>
        %squeeze3A_1642 = vector.extract %slice3A_1641[0] : f32 from vector<1xf32>
        %mul3A_1643 = vector.broadcast %squeeze3A_1642 : f32 to vector<16xf32>
        %mul3A_1644 = arith.mulf %mul3A_1643, %get3A_1615 : vector<16xf32>
        %add3A_1645 = arith.addf %add3A_1439, %mul3A_1644 : vector<16xf32>
        %slice3A_1646 = vector.extract_strided_slice %mul3A_1603 {offsets = [3], sizes = [1], strides = [1]} : vector<16xf32> to vector<1xf32>
        %squeeze3A_1647 = vector.extract %slice3A_1646[0] : f32 from vector<1xf32>
        %mul3A_1648 = vector.broadcast %squeeze3A_1647 : f32 to vector<16xf32>
        %mul3A_1649 = arith.mulf %mul3A_1648, %get3A_1615 : vector<16xf32>
        %add3A_1650 = arith.addf %add3A_1444, %mul3A_1649 : vector<16xf32>
        %slice3A_1651 = vector.extract_strided_slice %mul3A_1608 {offsets = [3], sizes = [1], strides = [1]} : vector<16xf32> to vector<1xf32>
        %squeeze3A_1652 = vector.extract %slice3A_1651[0] : f32 from vector<1xf32>
        %mul3A_1653 = vector.broadcast %squeeze3A_1652 : f32 to vector<16xf32>
        %mul3A_1654 = arith.mulf %mul3A_1653, %get3A_1615 : vector<16xf32>
        %add3A_1655 = arith.addf %add3A_1449, %mul3A_1654 : vector<16xf32>
        %slice3A_1656 = vector.extract_strided_slice %mul3A_1603 {offsets = [4], sizes = [1], strides = [1]} : vector<16xf32> to vector<1xf32>
        %squeeze3A_1657 = vector.extract %slice3A_1656[0] : f32 from vector<1xf32>
        %mul3A_1658 = vector.broadcast %squeeze3A_1657 : f32 to vector<16xf32>
        %mul3A_1659 = arith.mulf %mul3A_1658, %get3A_1615 : vector<16xf32>
        %add3A_1660 = arith.addf %add3A_1454, %mul3A_1659 : vector<16xf32>
        %slice3A_1661 = vector.extract_strided_slice %mul3A_1608 {offsets = [4], sizes = [1], strides = [1]} : vector<16xf32> to vector<1xf32>
        %squeeze3A_1662 = vector.extract %slice3A_1661[0] : f32 from vector<1xf32>
        %mul3A_1663 = vector.broadcast %squeeze3A_1662 : f32 to vector<16xf32>
        %mul3A_1664 = arith.mulf %mul3A_1663, %get3A_1615 : vector<16xf32>
        %add3A_1665 = arith.addf %add3A_1459, %mul3A_1664 : vector<16xf32>
        %slice3A_1666 = vector.extract_strided_slice %mul3A_1603 {offsets = [5], sizes = [1], strides = [1]} : vector<16xf32> to vector<1xf32>
        %squeeze3A_1667 = vector.extract %slice3A_1666[0] : f32 from vector<1xf32>
        %mul3A_1668 = vector.broadcast %squeeze3A_1667 : f32 to vector<16xf32>
        %mul3A_1669 = arith.mulf %mul3A_1668, %get3A_1615 : vector<16xf32>
        %add3A_1670 = arith.addf %add3A_1464, %mul3A_1669 : vector<16xf32>
        %slice3A_1671 = vector.extract_strided_slice %mul3A_1608 {offsets = [5], sizes = [1], strides = [1]} : vector<16xf32> to vector<1xf32>
        %squeeze3A_1672 = vector.extract %slice3A_1671[0] : f32 from vector<1xf32>
        %mul3A_1673 = vector.broadcast %squeeze3A_1672 : f32 to vector<16xf32>
        %mul3A_1674 = arith.mulf %mul3A_1673, %get3A_1615 : vector<16xf32>
        %add3A_1675 = arith.addf %add3A_1469, %mul3A_1674 : vector<16xf32>
        %slice3A_1676 = vector.extract_strided_slice %mul3A_1603 {offsets = [6], sizes = [1], strides = [1]} : vector<16xf32> to vector<1xf32>
        %squeeze3A_1677 = vector.extract %slice3A_1676[0] : f32 from vector<1xf32>
        %mul3A_1678 = vector.broadcast %squeeze3A_1677 : f32 to vector<16xf32>
        %mul3A_1679 = arith.mulf %mul3A_1678, %get3A_1615 : vector<16xf32>
        %add3A_1680 = arith.addf %add3A_1474, %mul3A_1679 : vector<16xf32>
        %slice3A_1681 = vector.extract_strided_slice %mul3A_1608 {offsets = [6], sizes = [1], strides = [1]} : vector<16xf32> to vector<1xf32>
        %squeeze3A_1682 = vector.extract %slice3A_1681[0] : f32 from vector<1xf32>
        %mul3A_1683 = vector.broadcast %squeeze3A_1682 : f32 to vector<16xf32>
        %mul3A_1684 = arith.mulf %mul3A_1683, %get3A_1615 : vector<16xf32>
        %add3A_1685 = arith.addf %add3A_1479, %mul3A_1684 : vector<16xf32>
        %slice3A_1686 = vector.extract_strided_slice %mul3A_1603 {offsets = [7], sizes = [1], strides = [1]} : vector<16xf32> to vector<1xf32>
        %squeeze3A_1687 = vector.extract %slice3A_1686[0] : f32 from vector<1xf32>
        %mul3A_1688 = vector.broadcast %squeeze3A_1687 : f32 to vector<16xf32>
        %mul3A_1689 = arith.mulf %mul3A_1688, %get3A_1615 : vector<16xf32>
        %add3A_1690 = arith.addf %add3A_1484, %mul3A_1689 : vector<16xf32>
        %slice3A_1691 = vector.extract_strided_slice %mul3A_1608 {offsets = [7], sizes = [1], strides = [1]} : vector<16xf32> to vector<1xf32>
        %squeeze3A_1692 = vector.extract %slice3A_1691[0] : f32 from vector<1xf32>
        %mul3A_1693 = vector.broadcast %squeeze3A_1692 : f32 to vector<16xf32>
        %mul3A_1694 = arith.mulf %mul3A_1693, %get3A_1615 : vector<16xf32>
        %add3A_1695 = arith.addf %add3A_1489, %mul3A_1694 : vector<16xf32>
        %slice3A_1696 = vector.extract_strided_slice %mul3A_1603 {offsets = [8], sizes = [1], strides = [1]} : vector<16xf32> to vector<1xf32>
        %squeeze3A_1697 = vector.extract %slice3A_1696[0] : f32 from vector<1xf32>
        %mul3A_1698 = vector.broadcast %squeeze3A_1697 : f32 to vector<16xf32>
        %mul3A_1699 = arith.mulf %mul3A_1698, %get3A_1615 : vector<16xf32>
        %add3A_1700 = arith.addf %add3A_1494, %mul3A_1699 : vector<16xf32>
        %slice3A_1701 = vector.extract_strided_slice %mul3A_1608 {offsets = [8], sizes = [1], strides = [1]} : vector<16xf32> to vector<1xf32>
        %squeeze3A_1702 = vector.extract %slice3A_1701[0] : f32 from vector<1xf32>
        %mul3A_1703 = vector.broadcast %squeeze3A_1702 : f32 to vector<16xf32>
        %mul3A_1704 = arith.mulf %mul3A_1703, %get3A_1615 : vector<16xf32>
        %add3A_1705 = arith.addf %add3A_1499, %mul3A_1704 : vector<16xf32>
        %slice3A_1706 = vector.extract_strided_slice %mul3A_1603 {offsets = [9], sizes = [1], strides = [1]} : vector<16xf32> to vector<1xf32>
        %squeeze3A_1707 = vector.extract %slice3A_1706[0] : f32 from vector<1xf32>
        %mul3A_1708 = vector.broadcast %squeeze3A_1707 : f32 to vector<16xf32>
        %mul3A_1709 = arith.mulf %mul3A_1708, %get3A_1615 : vector<16xf32>
        %add3A_1710 = arith.addf %add3A_1504, %mul3A_1709 : vector<16xf32>
        %slice3A_1711 = vector.extract_strided_slice %mul3A_1608 {offsets = [9], sizes = [1], strides = [1]} : vector<16xf32> to vector<1xf32>
        %squeeze3A_1712 = vector.extract %slice3A_1711[0] : f32 from vector<1xf32>
        %mul3A_1713 = vector.broadcast %squeeze3A_1712 : f32 to vector<16xf32>
        %mul3A_1714 = arith.mulf %mul3A_1713, %get3A_1615 : vector<16xf32>
        %add3A_1715 = arith.addf %add3A_1509, %mul3A_1714 : vector<16xf32>
        %slice3A_1716 = vector.extract_strided_slice %mul3A_1603 {offsets = [10], sizes = [1], strides = [1]} : vector<16xf32> to vector<1xf32>
        %squeeze3A_1717 = vector.extract %slice3A_1716[0] : f32 from vector<1xf32>
        %mul3A_1718 = vector.broadcast %squeeze3A_1717 : f32 to vector<16xf32>
        %mul3A_1719 = arith.mulf %mul3A_1718, %get3A_1615 : vector<16xf32>
        %add3A_1720 = arith.addf %add3A_1514, %mul3A_1719 : vector<16xf32>
        %slice3A_1721 = vector.extract_strided_slice %mul3A_1608 {offsets = [10], sizes = [1], strides = [1]} : vector<16xf32> to vector<1xf32>
        %squeeze3A_1722 = vector.extract %slice3A_1721[0] : f32 from vector<1xf32>
        %mul3A_1723 = vector.broadcast %squeeze3A_1722 : f32 to vector<16xf32>
        %mul3A_1724 = arith.mulf %mul3A_1723, %get3A_1615 : vector<16xf32>
        %add3A_1725 = arith.addf %add3A_1519, %mul3A_1724 : vector<16xf32>
        %slice3A_1726 = vector.extract_strided_slice %mul3A_1603 {offsets = [11], sizes = [1], strides = [1]} : vector<16xf32> to vector<1xf32>
        %squeeze3A_1727 = vector.extract %slice3A_1726[0] : f32 from vector<1xf32>
        %mul3A_1728 = vector.broadcast %squeeze3A_1727 : f32 to vector<16xf32>
        %mul3A_1729 = arith.mulf %mul3A_1728, %get3A_1615 : vector<16xf32>
        %add3A_1730 = arith.addf %add3A_1524, %mul3A_1729 : vector<16xf32>
        %slice3A_1731 = vector.extract_strided_slice %mul3A_1608 {offsets = [11], sizes = [1], strides = [1]} : vector<16xf32> to vector<1xf32>
        %squeeze3A_1732 = vector.extract %slice3A_1731[0] : f32 from vector<1xf32>
        %mul3A_1733 = vector.broadcast %squeeze3A_1732 : f32 to vector<16xf32>
        %mul3A_1734 = arith.mulf %mul3A_1733, %get3A_1615 : vector<16xf32>
        %add3A_1735 = arith.addf %add3A_1529, %mul3A_1734 : vector<16xf32>
        %slice3A_1736 = vector.extract_strided_slice %mul3A_1603 {offsets = [12], sizes = [1], strides = [1]} : vector<16xf32> to vector<1xf32>
        %squeeze3A_1737 = vector.extract %slice3A_1736[0] : f32 from vector<1xf32>
        %mul3A_1738 = vector.broadcast %squeeze3A_1737 : f32 to vector<16xf32>
        %mul3A_1739 = arith.mulf %mul3A_1738, %get3A_1615 : vector<16xf32>
        %add3A_1740 = arith.addf %add3A_1534, %mul3A_1739 : vector<16xf32>
        %slice3A_1741 = vector.extract_strided_slice %mul3A_1608 {offsets = [12], sizes = [1], strides = [1]} : vector<16xf32> to vector<1xf32>
        %squeeze3A_1742 = vector.extract %slice3A_1741[0] : f32 from vector<1xf32>
        %mul3A_1743 = vector.broadcast %squeeze3A_1742 : f32 to vector<16xf32>
        %mul3A_1744 = arith.mulf %mul3A_1743, %get3A_1615 : vector<16xf32>
        %add3A_1745 = arith.addf %add3A_1539, %mul3A_1744 : vector<16xf32>
        %slice3A_1746 = vector.extract_strided_slice %mul3A_1603 {offsets = [13], sizes = [1], strides = [1]} : vector<16xf32> to vector<1xf32>
        %squeeze3A_1747 = vector.extract %slice3A_1746[0] : f32 from vector<1xf32>
        %mul3A_1748 = vector.broadcast %squeeze3A_1747 : f32 to vector<16xf32>
        %mul3A_1749 = arith.mulf %mul3A_1748, %get3A_1615 : vector<16xf32>
        %add3A_1750 = arith.addf %add3A_1544, %mul3A_1749 : vector<16xf32>
        %slice3A_1751 = vector.extract_strided_slice %mul3A_1608 {offsets = [13], sizes = [1], strides = [1]} : vector<16xf32> to vector<1xf32>
        %squeeze3A_1752 = vector.extract %slice3A_1751[0] : f32 from vector<1xf32>
        %mul3A_1753 = vector.broadcast %squeeze3A_1752 : f32 to vector<16xf32>
        %mul3A_1754 = arith.mulf %mul3A_1753, %get3A_1615 : vector<16xf32>
        %add3A_1755 = arith.addf %add3A_1549, %mul3A_1754 : vector<16xf32>
        %slice3A_1756 = vector.extract_strided_slice %mul3A_1603 {offsets = [14], sizes = [1], strides = [1]} : vector<16xf32> to vector<1xf32>
        %squeeze3A_1757 = vector.extract %slice3A_1756[0] : f32 from vector<1xf32>
        %mul3A_1758 = vector.broadcast %squeeze3A_1757 : f32 to vector<16xf32>
        %mul3A_1759 = arith.mulf %mul3A_1758, %get3A_1615 : vector<16xf32>
        %add3A_1760 = arith.addf %add3A_1554, %mul3A_1759 : vector<16xf32>
        %slice3A_1761 = vector.extract_strided_slice %mul3A_1608 {offsets = [14], sizes = [1], strides = [1]} : vector<16xf32> to vector<1xf32>
        %squeeze3A_1762 = vector.extract %slice3A_1761[0] : f32 from vector<1xf32>
        %mul3A_1763 = vector.broadcast %squeeze3A_1762 : f32 to vector<16xf32>
        %mul3A_1764 = arith.mulf %mul3A_1763, %get3A_1615 : vector<16xf32>
        %add3A_1765 = arith.addf %add3A_1559, %mul3A_1764 : vector<16xf32>
        %slice3A_1766 = vector.extract_strided_slice %mul3A_1603 {offsets = [15], sizes = [1], strides = [1]} : vector<16xf32> to vector<1xf32>
        %squeeze3A_1767 = vector.extract %slice3A_1766[0] : f32 from vector<1xf32>
        %mul3A_1768 = vector.broadcast %squeeze3A_1767 : f32 to vector<16xf32>
        %mul3A_1769 = arith.mulf %mul3A_1768, %get3A_1615 : vector<16xf32>
        %add3A_1770 = arith.addf %add3A_1564, %mul3A_1769 : vector<16xf32>
        %slice3A_1771 = vector.extract_strided_slice %mul3A_1608 {offsets = [15], sizes = [1], strides = [1]} : vector<16xf32> to vector<1xf32>
        %squeeze3A_1772 = vector.extract %slice3A_1771[0] : f32 from vector<1xf32>
        %mul3A_1773 = vector.broadcast %squeeze3A_1772 : f32 to vector<16xf32>
        %mul3A_1774 = arith.mulf %mul3A_1773, %get3A_1615 : vector<16xf32>
        %add3A_1775 = arith.addf %add3A_1569, %mul3A_1774 : vector<16xf32>
        %add3A_1776 = arith.constant 6 : i32
        %add3A_1777 = arith.addi %add3A_285, %add3A_1776 : i32
        %add3A_1778 = arith.constant 1 : i32
        %add3A_1779 = arith.addi %add3A_1777, %add3A_1778 : i32
        %lt3A_1780 = arith.constant 0 : i32
        %lt3A_1781 = vector.broadcast %lt3A_1780 : i32 to vector<16xi32>
        %lt3A_1782 = arith.cmpi slt, %add3A_13, %lt3A_1781 : vector<16xi32>
        %add3A_1783 = arith.constant 16 : i32
        %add3A_1784 = vector.broadcast %add3A_1783 : i32 to vector<16xi32>
        %add3A_1785 = arith.addi %add3A_13, %add3A_1784 : vector<16xi32>
        %select_n3A_1786 = arith.select %lt3A_1782, %add3A_1785, %add3A_13 : vector<16xi1>, vector<16xi32>
        %broadcast_in_dim3A_1787 = vector.shape_cast %select_n3A_1786 : vector<16xi32> to vector<16x1xi32>
        %gather3A_1788 = vector.shape_cast %broadcast_in_dim3A_1787 : vector<16x1xi32> to vector<16xi32>
        %gather3A_1789 = tpu.dynamic_gather %get3A_1574[%gather3A_1788] in [0] : vector<16xf32>, vector<16xi32> -> vector<16xf32>
        %lt3A_1790 = arith.constant 0 : i32
        %lt3A_1791 = vector.broadcast %lt3A_1790 : i32 to vector<16xi32>
        %lt3A_1792 = arith.cmpi slt, %add3A_16, %lt3A_1791 : vector<16xi32>
        %add3A_1793 = arith.constant 16 : i32
        %add3A_1794 = vector.broadcast %add3A_1793 : i32 to vector<16xi32>
        %add3A_1795 = arith.addi %add3A_16, %add3A_1794 : vector<16xi32>
        %select_n3A_1796 = arith.select %lt3A_1792, %add3A_1795, %add3A_16 : vector<16xi1>, vector<16xi32>
        %broadcast_in_dim3A_1797 = vector.shape_cast %select_n3A_1796 : vector<16xi32> to vector<16x1xi32>
        %gather3A_1798 = vector.shape_cast %broadcast_in_dim3A_1797 : vector<16x1xi32> to vector<16xi32>
        %gather3A_1799 = tpu.dynamic_gather %get3A_1574[%gather3A_1798] in [0] : vector<16xf32>, vector<16xi32> -> vector<16xf32>
        %get3A_1800 = arith.index_cast %add3A_1779 : i32 to index
        %get3A_1801 = arith.constant 0 : index
        %get3A_1802 = tpu.vector_load %arg8[%get3A_1800, %get3A_1801] {strides = array<i32>} : memref<800x32xf32, #tpu.memory_space<vmem>>, vector<1x16xf32>,
        %get3A_1803 = vector.shape_cast %get3A_1802 : vector<1x16xf32> to vector<16xf32>
        %mul3A_1804 = arith.mulf %get3A_1803, %gather3A_1789 : vector<16xf32>
        %get3A_1805 = arith.index_cast %add3A_1779 : i32 to index
        %get3A_1806 = arith.constant 16 : index
        %get3A_1807 = tpu.vector_load %arg8[%get3A_1805, %get3A_1806] {strides = array<i32>} : memref<800x32xf32, #tpu.memory_space<vmem>>, vector<1x16xf32>,
        %get3A_1808 = vector.shape_cast %get3A_1807 : vector<1x16xf32> to vector<16xf32>
        %mul3A_1809 = arith.mulf %get3A_1808, %gather3A_1799 : vector<16xf32>
        %sub3A_1810 = arith.subi %add3A_1779, %mul3A_254 : i32
        %mul3A_1811 = arith.constant 16 : i32
        %mul3A_1812 = arith.muli %sub3A_1810, %mul3A_1811 : i32
        %add3A_1813 = arith.addi %mul3A_1812, %mul3A_258 : i32
        %get3A_1814 = arith.index_cast %add3A_1813 : i32 to index
        %get3A_1815 = tpu.vector_load %arg10[%get3A_1814] {strides = array<i32>} : memref<12800xf32, #tpu.memory_space<vmem>>, vector<16xf32>,
        %get3A_1816 = vector.shape_cast %get3A_1815 : vector<16xf32> to vector<16xf32>
        %slice3A_1817 = vector.extract_strided_slice %mul3A_1804 {offsets = [0], sizes = [1], strides = [1]} : vector<16xf32> to vector<1xf32>
        %squeeze3A_1818 = vector.extract %slice3A_1817[0] : f32 from vector<1xf32>
        %mul3A_1819 = vector.broadcast %squeeze3A_1818 : f32 to vector<16xf32>
        %mul3A_1820 = arith.mulf %mul3A_1819, %get3A_1816 : vector<16xf32>
        %add3A_1821 = arith.addf %add3A_1620, %mul3A_1820 : vector<16xf32>
        %slice3A_1822 = vector.extract_strided_slice %mul3A_1809 {offsets = [0], sizes = [1], strides = [1]} : vector<16xf32> to vector<1xf32>
        %squeeze3A_1823 = vector.extract %slice3A_1822[0] : f32 from vector<1xf32>
        %mul3A_1824 = vector.broadcast %squeeze3A_1823 : f32 to vector<16xf32>
        %mul3A_1825 = arith.mulf %mul3A_1824, %get3A_1816 : vector<16xf32>
        %add3A_1826 = arith.addf %add3A_1625, %mul3A_1825 : vector<16xf32>
        %slice3A_1827 = vector.extract_strided_slice %mul3A_1804 {offsets = [1], sizes = [1], strides = [1]} : vector<16xf32> to vector<1xf32>
        %squeeze3A_1828 = vector.extract %slice3A_1827[0] : f32 from vector<1xf32>
        %mul3A_1829 = vector.broadcast %squeeze3A_1828 : f32 to vector<16xf32>
        %mul3A_1830 = arith.mulf %mul3A_1829, %get3A_1816 : vector<16xf32>
        %add3A_1831 = arith.addf %add3A_1630, %mul3A_1830 : vector<16xf32>
        %slice3A_1832 = vector.extract_strided_slice %mul3A_1809 {offsets = [1], sizes = [1], strides = [1]} : vector<16xf32> to vector<1xf32>
        %squeeze3A_1833 = vector.extract %slice3A_1832[0] : f32 from vector<1xf32>
        %mul3A_1834 = vector.broadcast %squeeze3A_1833 : f32 to vector<16xf32>
        %mul3A_1835 = arith.mulf %mul3A_1834, %get3A_1816 : vector<16xf32>
        %add3A_1836 = arith.addf %add3A_1635, %mul3A_1835 : vector<16xf32>
        %slice3A_1837 = vector.extract_strided_slice %mul3A_1804 {offsets = [2], sizes = [1], strides = [1]} : vector<16xf32> to vector<1xf32>
        %squeeze3A_1838 = vector.extract %slice3A_1837[0] : f32 from vector<1xf32>
        %mul3A_1839 = vector.broadcast %squeeze3A_1838 : f32 to vector<16xf32>
        %mul3A_1840 = arith.mulf %mul3A_1839, %get3A_1816 : vector<16xf32>
        %add3A_1841 = arith.addf %add3A_1640, %mul3A_1840 : vector<16xf32>
        %slice3A_1842 = vector.extract_strided_slice %mul3A_1809 {offsets = [2], sizes = [1], strides = [1]} : vector<16xf32> to vector<1xf32>
        %squeeze3A_1843 = vector.extract %slice3A_1842[0] : f32 from vector<1xf32>
        %mul3A_1844 = vector.broadcast %squeeze3A_1843 : f32 to vector<16xf32>
        %mul3A_1845 = arith.mulf %mul3A_1844, %get3A_1816 : vector<16xf32>
        %add3A_1846 = arith.addf %add3A_1645, %mul3A_1845 : vector<16xf32>
        %slice3A_1847 = vector.extract_strided_slice %mul3A_1804 {offsets = [3], sizes = [1], strides = [1]} : vector<16xf32> to vector<1xf32>
        %squeeze3A_1848 = vector.extract %slice3A_1847[0] : f32 from vector<1xf32>
        %mul3A_1849 = vector.broadcast %squeeze3A_1848 : f32 to vector<16xf32>
        %mul3A_1850 = arith.mulf %mul3A_1849, %get3A_1816 : vector<16xf32>
        %add3A_1851 = arith.addf %add3A_1650, %mul3A_1850 : vector<16xf32>
        %slice3A_1852 = vector.extract_strided_slice %mul3A_1809 {offsets = [3], sizes = [1], strides = [1]} : vector<16xf32> to vector<1xf32>
        %squeeze3A_1853 = vector.extract %slice3A_1852[0] : f32 from vector<1xf32>
        %mul3A_1854 = vector.broadcast %squeeze3A_1853 : f32 to vector<16xf32>
        %mul3A_1855 = arith.mulf %mul3A_1854, %get3A_1816 : vector<16xf32>
        %add3A_1856 = arith.addf %add3A_1655, %mul3A_1855 : vector<16xf32>
        %slice3A_1857 = vector.extract_strided_slice %mul3A_1804 {offsets = [4], sizes = [1], strides = [1]} : vector<16xf32> to vector<1xf32>
        %squeeze3A_1858 = vector.extract %slice3A_1857[0] : f32 from vector<1xf32>
        %mul3A_1859 = vector.broadcast %squeeze3A_1858 : f32 to vector<16xf32>
        %mul3A_1860 = arith.mulf %mul3A_1859, %get3A_1816 : vector<16xf32>
        %add3A_1861 = arith.addf %add3A_1660, %mul3A_1860 : vector<16xf32>
        %slice3A_1862 = vector.extract_strided_slice %mul3A_1809 {offsets = [4], sizes = [1], strides = [1]} : vector<16xf32> to vector<1xf32>
        %squeeze3A_1863 = vector.extract %slice3A_1862[0] : f32 from vector<1xf32>
        %mul3A_1864 = vector.broadcast %squeeze3A_1863 : f32 to vector<16xf32>
        %mul3A_1865 = arith.mulf %mul3A_1864, %get3A_1816 : vector<16xf32>
        %add3A_1866 = arith.addf %add3A_1665, %mul3A_1865 : vector<16xf32>
        %slice3A_1867 = vector.extract_strided_slice %mul3A_1804 {offsets = [5], sizes = [1], strides = [1]} : vector<16xf32> to vector<1xf32>
        %squeeze3A_1868 = vector.extract %slice3A_1867[0] : f32 from vector<1xf32>
        %mul3A_1869 = vector.broadcast %squeeze3A_1868 : f32 to vector<16xf32>
        %mul3A_1870 = arith.mulf %mul3A_1869, %get3A_1816 : vector<16xf32>
        %add3A_1871 = arith.addf %add3A_1670, %mul3A_1870 : vector<16xf32>
        %slice3A_1872 = vector.extract_strided_slice %mul3A_1809 {offsets = [5], sizes = [1], strides = [1]} : vector<16xf32> to vector<1xf32>
        %squeeze3A_1873 = vector.extract %slice3A_1872[0] : f32 from vector<1xf32>
        %mul3A_1874 = vector.broadcast %squeeze3A_1873 : f32 to vector<16xf32>
        %mul3A_1875 = arith.mulf %mul3A_1874, %get3A_1816 : vector<16xf32>
        %add3A_1876 = arith.addf %add3A_1675, %mul3A_1875 : vector<16xf32>
        %slice3A_1877 = vector.extract_strided_slice %mul3A_1804 {offsets = [6], sizes = [1], strides = [1]} : vector<16xf32> to vector<1xf32>
        %squeeze3A_1878 = vector.extract %slice3A_1877[0] : f32 from vector<1xf32>
        %mul3A_1879 = vector.broadcast %squeeze3A_1878 : f32 to vector<16xf32>
        %mul3A_1880 = arith.mulf %mul3A_1879, %get3A_1816 : vector<16xf32>
        %add3A_1881 = arith.addf %add3A_1680, %mul3A_1880 : vector<16xf32>
        %slice3A_1882 = vector.extract_strided_slice %mul3A_1809 {offsets = [6], sizes = [1], strides = [1]} : vector<16xf32> to vector<1xf32>
        %squeeze3A_1883 = vector.extract %slice3A_1882[0] : f32 from vector<1xf32>
        %mul3A_1884 = vector.broadcast %squeeze3A_1883 : f32 to vector<16xf32>
        %mul3A_1885 = arith.mulf %mul3A_1884, %get3A_1816 : vector<16xf32>
        %add3A_1886 = arith.addf %add3A_1685, %mul3A_1885 : vector<16xf32>
        %slice3A_1887 = vector.extract_strided_slice %mul3A_1804 {offsets = [7], sizes = [1], strides = [1]} : vector<16xf32> to vector<1xf32>
        %squeeze3A_1888 = vector.extract %slice3A_1887[0] : f32 from vector<1xf32>
        %mul3A_1889 = vector.broadcast %squeeze3A_1888 : f32 to vector<16xf32>
        %mul3A_1890 = arith.mulf %mul3A_1889, %get3A_1816 : vector<16xf32>
        %add3A_1891 = arith.addf %add3A_1690, %mul3A_1890 : vector<16xf32>
        %slice3A_1892 = vector.extract_strided_slice %mul3A_1809 {offsets = [7], sizes = [1], strides = [1]} : vector<16xf32> to vector<1xf32>
        %squeeze3A_1893 = vector.extract %slice3A_1892[0] : f32 from vector<1xf32>
        %mul3A_1894 = vector.broadcast %squeeze3A_1893 : f32 to vector<16xf32>
        %mul3A_1895 = arith.mulf %mul3A_1894, %get3A_1816 : vector<16xf32>
        %add3A_1896 = arith.addf %add3A_1695, %mul3A_1895 : vector<16xf32>
        %slice3A_1897 = vector.extract_strided_slice %mul3A_1804 {offsets = [8], sizes = [1], strides = [1]} : vector<16xf32> to vector<1xf32>
        %squeeze3A_1898 = vector.extract %slice3A_1897[0] : f32 from vector<1xf32>
        %mul3A_1899 = vector.broadcast %squeeze3A_1898 : f32 to vector<16xf32>
        %mul3A_1900 = arith.mulf %mul3A_1899, %get3A_1816 : vector<16xf32>
        %add3A_1901 = arith.addf %add3A_1700, %mul3A_1900 : vector<16xf32>
        %slice3A_1902 = vector.extract_strided_slice %mul3A_1809 {offsets = [8], sizes = [1], strides = [1]} : vector<16xf32> to vector<1xf32>
        %squeeze3A_1903 = vector.extract %slice3A_1902[0] : f32 from vector<1xf32>
        %mul3A_1904 = vector.broadcast %squeeze3A_1903 : f32 to vector<16xf32>
        %mul3A_1905 = arith.mulf %mul3A_1904, %get3A_1816 : vector<16xf32>
        %add3A_1906 = arith.addf %add3A_1705, %mul3A_1905 : vector<16xf32>
        %slice3A_1907 = vector.extract_strided_slice %mul3A_1804 {offsets = [9], sizes = [1], strides = [1]} : vector<16xf32> to vector<1xf32>
        %squeeze3A_1908 = vector.extract %slice3A_1907[0] : f32 from vector<1xf32>
        %mul3A_1909 = vector.broadcast %squeeze3A_1908 : f32 to vector<16xf32>
        %mul3A_1910 = arith.mulf %mul3A_1909, %get3A_1816 : vector<16xf32>
        %add3A_1911 = arith.addf %add3A_1710, %mul3A_1910 : vector<16xf32>
        %slice3A_1912 = vector.extract_strided_slice %mul3A_1809 {offsets = [9], sizes = [1], strides = [1]} : vector<16xf32> to vector<1xf32>
        %squeeze3A_1913 = vector.extract %slice3A_1912[0] : f32 from vector<1xf32>
        %mul3A_1914 = vector.broadcast %squeeze3A_1913 : f32 to vector<16xf32>
        %mul3A_1915 = arith.mulf %mul3A_1914, %get3A_1816 : vector<16xf32>
        %add3A_1916 = arith.addf %add3A_1715, %mul3A_1915 : vector<16xf32>
        %slice3A_1917 = vector.extract_strided_slice %mul3A_1804 {offsets = [10], sizes = [1], strides = [1]} : vector<16xf32> to vector<1xf32>
        %squeeze3A_1918 = vector.extract %slice3A_1917[0] : f32 from vector<1xf32>
        %mul3A_1919 = vector.broadcast %squeeze3A_1918 : f32 to vector<16xf32>
        %mul3A_1920 = arith.mulf %mul3A_1919, %get3A_1816 : vector<16xf32>
        %add3A_1921 = arith.addf %add3A_1720, %mul3A_1920 : vector<16xf32>
        %slice3A_1922 = vector.extract_strided_slice %mul3A_1809 {offsets = [10], sizes = [1], strides = [1]} : vector<16xf32> to vector<1xf32>
        %squeeze3A_1923 = vector.extract %slice3A_1922[0] : f32 from vector<1xf32>
        %mul3A_1924 = vector.broadcast %squeeze3A_1923 : f32 to vector<16xf32>
        %mul3A_1925 = arith.mulf %mul3A_1924, %get3A_1816 : vector<16xf32>
        %add3A_1926 = arith.addf %add3A_1725, %mul3A_1925 : vector<16xf32>
        %slice3A_1927 = vector.extract_strided_slice %mul3A_1804 {offsets = [11], sizes = [1], strides = [1]} : vector<16xf32> to vector<1xf32>
        %squeeze3A_1928 = vector.extract %slice3A_1927[0] : f32 from vector<1xf32>
        %mul3A_1929 = vector.broadcast %squeeze3A_1928 : f32 to vector<16xf32>
        %mul3A_1930 = arith.mulf %mul3A_1929, %get3A_1816 : vector<16xf32>
        %add3A_1931 = arith.addf %add3A_1730, %mul3A_1930 : vector<16xf32>
        %slice3A_1932 = vector.extract_strided_slice %mul3A_1809 {offsets = [11], sizes = [1], strides = [1]} : vector<16xf32> to vector<1xf32>
        %squeeze3A_1933 = vector.extract %slice3A_1932[0] : f32 from vector<1xf32>
        %mul3A_1934 = vector.broadcast %squeeze3A_1933 : f32 to vector<16xf32>
        %mul3A_1935 = arith.mulf %mul3A_1934, %get3A_1816 : vector<16xf32>
        %add3A_1936 = arith.addf %add3A_1735, %mul3A_1935 : vector<16xf32>
        %slice3A_1937 = vector.extract_strided_slice %mul3A_1804 {offsets = [12], sizes = [1], strides = [1]} : vector<16xf32> to vector<1xf32>
        %squeeze3A_1938 = vector.extract %slice3A_1937[0] : f32 from vector<1xf32>
        %mul3A_1939 = vector.broadcast %squeeze3A_1938 : f32 to vector<16xf32>
        %mul3A_1940 = arith.mulf %mul3A_1939, %get3A_1816 : vector<16xf32>
        %add3A_1941 = arith.addf %add3A_1740, %mul3A_1940 : vector<16xf32>
        %slice3A_1942 = vector.extract_strided_slice %mul3A_1809 {offsets = [12], sizes = [1], strides = [1]} : vector<16xf32> to vector<1xf32>
        %squeeze3A_1943 = vector.extract %slice3A_1942[0] : f32 from vector<1xf32>
        %mul3A_1944 = vector.broadcast %squeeze3A_1943 : f32 to vector<16xf32>
        %mul3A_1945 = arith.mulf %mul3A_1944, %get3A_1816 : vector<16xf32>
        %add3A_1946 = arith.addf %add3A_1745, %mul3A_1945 : vector<16xf32>
        %slice3A_1947 = vector.extract_strided_slice %mul3A_1804 {offsets = [13], sizes = [1], strides = [1]} : vector<16xf32> to vector<1xf32>
        %squeeze3A_1948 = vector.extract %slice3A_1947[0] : f32 from vector<1xf32>
        %mul3A_1949 = vector.broadcast %squeeze3A_1948 : f32 to vector<16xf32>
        %mul3A_1950 = arith.mulf %mul3A_1949, %get3A_1816 : vector<16xf32>
        %add3A_1951 = arith.addf %add3A_1750, %mul3A_1950 : vector<16xf32>
        %slice3A_1952 = vector.extract_strided_slice %mul3A_1809 {offsets = [13], sizes = [1], strides = [1]} : vector<16xf32> to vector<1xf32>
        %squeeze3A_1953 = vector.extract %slice3A_1952[0] : f32 from vector<1xf32>
        %mul3A_1954 = vector.broadcast %squeeze3A_1953 : f32 to vector<16xf32>
        %mul3A_1955 = arith.mulf %mul3A_1954, %get3A_1816 : vector<16xf32>
        %add3A_1956 = arith.addf %add3A_1755, %mul3A_1955 : vector<16xf32>
        %slice3A_1957 = vector.extract_strided_slice %mul3A_1804 {offsets = [14], sizes = [1], strides = [1]} : vector<16xf32> to vector<1xf32>
        %squeeze3A_1958 = vector.extract %slice3A_1957[0] : f32 from vector<1xf32>
        %mul3A_1959 = vector.broadcast %squeeze3A_1958 : f32 to vector<16xf32>
        %mul3A_1960 = arith.mulf %mul3A_1959, %get3A_1816 : vector<16xf32>
        %add3A_1961 = arith.addf %add3A_1760, %mul3A_1960 : vector<16xf32>
        %slice3A_1962 = vector.extract_strided_slice %mul3A_1809 {offsets = [14], sizes = [1], strides = [1]} : vector<16xf32> to vector<1xf32>
        %squeeze3A_1963 = vector.extract %slice3A_1962[0] : f32 from vector<1xf32>
        %mul3A_1964 = vector.broadcast %squeeze3A_1963 : f32 to vector<16xf32>
        %mul3A_1965 = arith.mulf %mul3A_1964, %get3A_1816 : vector<16xf32>
        %add3A_1966 = arith.addf %add3A_1765, %mul3A_1965 : vector<16xf32>
        %slice3A_1967 = vector.extract_strided_slice %mul3A_1804 {offsets = [15], sizes = [1], strides = [1]} : vector<16xf32> to vector<1xf32>
        %squeeze3A_1968 = vector.extract %slice3A_1967[0] : f32 from vector<1xf32>
        %mul3A_1969 = vector.broadcast %squeeze3A_1968 : f32 to vector<16xf32>
        %mul3A_1970 = arith.mulf %mul3A_1969, %get3A_1816 : vector<16xf32>
        %add3A_1971 = arith.addf %add3A_1770, %mul3A_1970 : vector<16xf32>
        %slice3A_1972 = vector.extract_strided_slice %mul3A_1809 {offsets = [15], sizes = [1], strides = [1]} : vector<16xf32> to vector<1xf32>
        %squeeze3A_1973 = vector.extract %slice3A_1972[0] : f32 from vector<1xf32>
        %mul3A_1974 = vector.broadcast %squeeze3A_1973 : f32 to vector<16xf32>
        %mul3A_1975 = arith.mulf %mul3A_1974, %get3A_1816 : vector<16xf32>
        %add3A_1976 = arith.addf %add3A_1775, %mul3A_1975 : vector<16xf32>
        %add3A_1977 = arith.constant 64 : i32
        %add3A_1978 = arith.addi %add3A_290, %add3A_1977 : i32
        %get3A_1979 = arith.index_cast %add3A_1978 : i32 to index
        %get3A_1980 = tpu.vector_load %arg9[%get3A_1979] {strides = array<i32>} : memref<6400xf32, #tpu.memory_space<vmem>>, vector<16xf32>,
        %get3A_1981 = vector.shape_cast %get3A_1980 : vector<16xf32> to vector<16xf32>
        %add3A_1982 = arith.constant 8 : i32
        %add3A_1983 = arith.addi %add3A_285, %add3A_1982 : i32
        %add3A_1984 = arith.constant 0 : i32
        %add3A_1985 = arith.addi %add3A_1983, %add3A_1984 : i32
        %lt3A_1986 = arith.constant 0 : i32
        %lt3A_1987 = vector.broadcast %lt3A_1986 : i32 to vector<16xi32>
        %lt3A_1988 = arith.cmpi slt, %add3A_7, %lt3A_1987 : vector<16xi32>
        %add3A_1989 = arith.constant 16 : i32
        %add3A_1990 = vector.broadcast %add3A_1989 : i32 to vector<16xi32>
        %add3A_1991 = arith.addi %add3A_7, %add3A_1990 : vector<16xi32>
        %select_n3A_1992 = arith.select %lt3A_1988, %add3A_1991, %add3A_7 : vector<16xi1>, vector<16xi32>
        %broadcast_in_dim3A_1993 = vector.shape_cast %select_n3A_1992 : vector<16xi32> to vector<16x1xi32>
        %gather3A_1994 = vector.shape_cast %broadcast_in_dim3A_1993 : vector<16x1xi32> to vector<16xi32>
        %gather3A_1995 = tpu.dynamic_gather %get3A_1981[%gather3A_1994] in [0] : vector<16xf32>, vector<16xi32> -> vector<16xf32>
        %lt3A_1996 = arith.constant 0 : i32
        %lt3A_1997 = vector.broadcast %lt3A_1996 : i32 to vector<16xi32>
        %lt3A_1998 = arith.cmpi slt, %add3A_10, %lt3A_1997 : vector<16xi32>
        %add3A_1999 = arith.constant 16 : i32
        %add3A_2000 = vector.broadcast %add3A_1999 : i32 to vector<16xi32>
        %add3A_2001 = arith.addi %add3A_10, %add3A_2000 : vector<16xi32>
        %select_n3A_2002 = arith.select %lt3A_1998, %add3A_2001, %add3A_10 : vector<16xi1>, vector<16xi32>
        %broadcast_in_dim3A_2003 = vector.shape_cast %select_n3A_2002 : vector<16xi32> to vector<16x1xi32>
        %gather3A_2004 = vector.shape_cast %broadcast_in_dim3A_2003 : vector<16x1xi32> to vector<16xi32>
        %gather3A_2005 = tpu.dynamic_gather %get3A_1981[%gather3A_2004] in [0] : vector<16xf32>, vector<16xi32> -> vector<16xf32>
        %get3A_2006 = arith.index_cast %add3A_1985 : i32 to index
        %get3A_2007 = arith.constant 0 : index
        %get3A_2008 = tpu.vector_load %arg8[%get3A_2006, %get3A_2007] {strides = array<i32>} : memref<800x32xf32, #tpu.memory_space<vmem>>, vector<1x16xf32>,
        %get3A_2009 = vector.shape_cast %get3A_2008 : vector<1x16xf32> to vector<16xf32>
        %mul3A_2010 = arith.mulf %get3A_2009, %gather3A_1995 : vector<16xf32>
        %get3A_2011 = arith.index_cast %add3A_1985 : i32 to index
        %get3A_2012 = arith.constant 16 : index
        %get3A_2013 = tpu.vector_load %arg8[%get3A_2011, %get3A_2012] {strides = array<i32>} : memref<800x32xf32, #tpu.memory_space<vmem>>, vector<1x16xf32>,
        %get3A_2014 = vector.shape_cast %get3A_2013 : vector<1x16xf32> to vector<16xf32>
        %mul3A_2015 = arith.mulf %get3A_2014, %gather3A_2005 : vector<16xf32>
        %sub3A_2016 = arith.subi %add3A_1985, %mul3A_254 : i32
        %mul3A_2017 = arith.constant 16 : i32
        %mul3A_2018 = arith.muli %sub3A_2016, %mul3A_2017 : i32
        %add3A_2019 = arith.addi %mul3A_2018, %mul3A_258 : i32
        %get3A_2020 = arith.index_cast %add3A_2019 : i32 to index
        %get3A_2021 = tpu.vector_load %arg10[%get3A_2020] {strides = array<i32>} : memref<12800xf32, #tpu.memory_space<vmem>>, vector<16xf32>,
        %get3A_2022 = vector.shape_cast %get3A_2021 : vector<16xf32> to vector<16xf32>
        %slice3A_2023 = vector.extract_strided_slice %mul3A_2010 {offsets = [0], sizes = [1], strides = [1]} : vector<16xf32> to vector<1xf32>
        %squeeze3A_2024 = vector.extract %slice3A_2023[0] : f32 from vector<1xf32>
        %mul3A_2025 = vector.broadcast %squeeze3A_2024 : f32 to vector<16xf32>
        %mul3A_2026 = arith.mulf %mul3A_2025, %get3A_2022 : vector<16xf32>
        %add3A_2027 = arith.addf %add3A_1821, %mul3A_2026 : vector<16xf32>
        %slice3A_2028 = vector.extract_strided_slice %mul3A_2015 {offsets = [0], sizes = [1], strides = [1]} : vector<16xf32> to vector<1xf32>
        %squeeze3A_2029 = vector.extract %slice3A_2028[0] : f32 from vector<1xf32>
        %mul3A_2030 = vector.broadcast %squeeze3A_2029 : f32 to vector<16xf32>
        %mul3A_2031 = arith.mulf %mul3A_2030, %get3A_2022 : vector<16xf32>
        %add3A_2032 = arith.addf %add3A_1826, %mul3A_2031 : vector<16xf32>
        %slice3A_2033 = vector.extract_strided_slice %mul3A_2010 {offsets = [1], sizes = [1], strides = [1]} : vector<16xf32> to vector<1xf32>
        %squeeze3A_2034 = vector.extract %slice3A_2033[0] : f32 from vector<1xf32>
        %mul3A_2035 = vector.broadcast %squeeze3A_2034 : f32 to vector<16xf32>
        %mul3A_2036 = arith.mulf %mul3A_2035, %get3A_2022 : vector<16xf32>
        %add3A_2037 = arith.addf %add3A_1831, %mul3A_2036 : vector<16xf32>
        %slice3A_2038 = vector.extract_strided_slice %mul3A_2015 {offsets = [1], sizes = [1], strides = [1]} : vector<16xf32> to vector<1xf32>
        %squeeze3A_2039 = vector.extract %slice3A_2038[0] : f32 from vector<1xf32>
        %mul3A_2040 = vector.broadcast %squeeze3A_2039 : f32 to vector<16xf32>
        %mul3A_2041 = arith.mulf %mul3A_2040, %get3A_2022 : vector<16xf32>
        %add3A_2042 = arith.addf %add3A_1836, %mul3A_2041 : vector<16xf32>
        %slice3A_2043 = vector.extract_strided_slice %mul3A_2010 {offsets = [2], sizes = [1], strides = [1]} : vector<16xf32> to vector<1xf32>
        %squeeze3A_2044 = vector.extract %slice3A_2043[0] : f32 from vector<1xf32>
        %mul3A_2045 = vector.broadcast %squeeze3A_2044 : f32 to vector<16xf32>
        %mul3A_2046 = arith.mulf %mul3A_2045, %get3A_2022 : vector<16xf32>
        %add3A_2047 = arith.addf %add3A_1841, %mul3A_2046 : vector<16xf32>
        %slice3A_2048 = vector.extract_strided_slice %mul3A_2015 {offsets = [2], sizes = [1], strides = [1]} : vector<16xf32> to vector<1xf32>
        %squeeze3A_2049 = vector.extract %slice3A_2048[0] : f32 from vector<1xf32>
        %mul3A_2050 = vector.broadcast %squeeze3A_2049 : f32 to vector<16xf32>
        %mul3A_2051 = arith.mulf %mul3A_2050, %get3A_2022 : vector<16xf32>
        %add3A_2052 = arith.addf %add3A_1846, %mul3A_2051 : vector<16xf32>
        %slice3A_2053 = vector.extract_strided_slice %mul3A_2010 {offsets = [3], sizes = [1], strides = [1]} : vector<16xf32> to vector<1xf32>
        %squeeze3A_2054 = vector.extract %slice3A_2053[0] : f32 from vector<1xf32>
        %mul3A_2055 = vector.broadcast %squeeze3A_2054 : f32 to vector<16xf32>
        %mul3A_2056 = arith.mulf %mul3A_2055, %get3A_2022 : vector<16xf32>
        %add3A_2057 = arith.addf %add3A_1851, %mul3A_2056 : vector<16xf32>
        %slice3A_2058 = vector.extract_strided_slice %mul3A_2015 {offsets = [3], sizes = [1], strides = [1]} : vector<16xf32> to vector<1xf32>
        %squeeze3A_2059 = vector.extract %slice3A_2058[0] : f32 from vector<1xf32>
        %mul3A_2060 = vector.broadcast %squeeze3A_2059 : f32 to vector<16xf32>
        %mul3A_2061 = arith.mulf %mul3A_2060, %get3A_2022 : vector<16xf32>
        %add3A_2062 = arith.addf %add3A_1856, %mul3A_2061 : vector<16xf32>
        %slice3A_2063 = vector.extract_strided_slice %mul3A_2010 {offsets = [4], sizes = [1], strides = [1]} : vector<16xf32> to vector<1xf32>
        %squeeze3A_2064 = vector.extract %slice3A_2063[0] : f32 from vector<1xf32>
        %mul3A_2065 = vector.broadcast %squeeze3A_2064 : f32 to vector<16xf32>
        %mul3A_2066 = arith.mulf %mul3A_2065, %get3A_2022 : vector<16xf32>
        %add3A_2067 = arith.addf %add3A_1861, %mul3A_2066 : vector<16xf32>
        %slice3A_2068 = vector.extract_strided_slice %mul3A_2015 {offsets = [4], sizes = [1], strides = [1]} : vector<16xf32> to vector<1xf32>
        %squeeze3A_2069 = vector.extract %slice3A_2068[0] : f32 from vector<1xf32>
        %mul3A_2070 = vector.broadcast %squeeze3A_2069 : f32 to vector<16xf32>
        %mul3A_2071 = arith.mulf %mul3A_2070, %get3A_2022 : vector<16xf32>
        %add3A_2072 = arith.addf %add3A_1866, %mul3A_2071 : vector<16xf32>
        %slice3A_2073 = vector.extract_strided_slice %mul3A_2010 {offsets = [5], sizes = [1], strides = [1]} : vector<16xf32> to vector<1xf32>
        %squeeze3A_2074 = vector.extract %slice3A_2073[0] : f32 from vector<1xf32>
        %mul3A_2075 = vector.broadcast %squeeze3A_2074 : f32 to vector<16xf32>
        %mul3A_2076 = arith.mulf %mul3A_2075, %get3A_2022 : vector<16xf32>
        %add3A_2077 = arith.addf %add3A_1871, %mul3A_2076 : vector<16xf32>
        %slice3A_2078 = vector.extract_strided_slice %mul3A_2015 {offsets = [5], sizes = [1], strides = [1]} : vector<16xf32> to vector<1xf32>
        %squeeze3A_2079 = vector.extract %slice3A_2078[0] : f32 from vector<1xf32>
        %mul3A_2080 = vector.broadcast %squeeze3A_2079 : f32 to vector<16xf32>
        %mul3A_2081 = arith.mulf %mul3A_2080, %get3A_2022 : vector<16xf32>
        %add3A_2082 = arith.addf %add3A_1876, %mul3A_2081 : vector<16xf32>
        %slice3A_2083 = vector.extract_strided_slice %mul3A_2010 {offsets = [6], sizes = [1], strides = [1]} : vector<16xf32> to vector<1xf32>
        %squeeze3A_2084 = vector.extract %slice3A_2083[0] : f32 from vector<1xf32>
        %mul3A_2085 = vector.broadcast %squeeze3A_2084 : f32 to vector<16xf32>
        %mul3A_2086 = arith.mulf %mul3A_2085, %get3A_2022 : vector<16xf32>
        %add3A_2087 = arith.addf %add3A_1881, %mul3A_2086 : vector<16xf32>
        %slice3A_2088 = vector.extract_strided_slice %mul3A_2015 {offsets = [6], sizes = [1], strides = [1]} : vector<16xf32> to vector<1xf32>
        %squeeze3A_2089 = vector.extract %slice3A_2088[0] : f32 from vector<1xf32>
        %mul3A_2090 = vector.broadcast %squeeze3A_2089 : f32 to vector<16xf32>
        %mul3A_2091 = arith.mulf %mul3A_2090, %get3A_2022 : vector<16xf32>
        %add3A_2092 = arith.addf %add3A_1886, %mul3A_2091 : vector<16xf32>
        %slice3A_2093 = vector.extract_strided_slice %mul3A_2010 {offsets = [7], sizes = [1], strides = [1]} : vector<16xf32> to vector<1xf32>
        %squeeze3A_2094 = vector.extract %slice3A_2093[0] : f32 from vector<1xf32>
        %mul3A_2095 = vector.broadcast %squeeze3A_2094 : f32 to vector<16xf32>
        %mul3A_2096 = arith.mulf %mul3A_2095, %get3A_2022 : vector<16xf32>
        %add3A_2097 = arith.addf %add3A_1891, %mul3A_2096 : vector<16xf32>
        %slice3A_2098 = vector.extract_strided_slice %mul3A_2015 {offsets = [7], sizes = [1], strides = [1]} : vector<16xf32> to vector<1xf32>
        %squeeze3A_2099 = vector.extract %slice3A_2098[0] : f32 from vector<1xf32>
        %mul3A_2100 = vector.broadcast %squeeze3A_2099 : f32 to vector<16xf32>
        %mul3A_2101 = arith.mulf %mul3A_2100, %get3A_2022 : vector<16xf32>
        %add3A_2102 = arith.addf %add3A_1896, %mul3A_2101 : vector<16xf32>
        %slice3A_2103 = vector.extract_strided_slice %mul3A_2010 {offsets = [8], sizes = [1], strides = [1]} : vector<16xf32> to vector<1xf32>
        %squeeze3A_2104 = vector.extract %slice3A_2103[0] : f32 from vector<1xf32>
        %mul3A_2105 = vector.broadcast %squeeze3A_2104 : f32 to vector<16xf32>
        %mul3A_2106 = arith.mulf %mul3A_2105, %get3A_2022 : vector<16xf32>
        %add3A_2107 = arith.addf %add3A_1901, %mul3A_2106 : vector<16xf32>
        %slice3A_2108 = vector.extract_strided_slice %mul3A_2015 {offsets = [8], sizes = [1], strides = [1]} : vector<16xf32> to vector<1xf32>
        %squeeze3A_2109 = vector.extract %slice3A_2108[0] : f32 from vector<1xf32>
        %mul3A_2110 = vector.broadcast %squeeze3A_2109 : f32 to vector<16xf32>
        %mul3A_2111 = arith.mulf %mul3A_2110, %get3A_2022 : vector<16xf32>
        %add3A_2112 = arith.addf %add3A_1906, %mul3A_2111 : vector<16xf32>
        %slice3A_2113 = vector.extract_strided_slice %mul3A_2010 {offsets = [9], sizes = [1], strides = [1]} : vector<16xf32> to vector<1xf32>
        %squeeze3A_2114 = vector.extract %slice3A_2113[0] : f32 from vector<1xf32>
        %mul3A_2115 = vector.broadcast %squeeze3A_2114 : f32 to vector<16xf32>
        %mul3A_2116 = arith.mulf %mul3A_2115, %get3A_2022 : vector<16xf32>
        %add3A_2117 = arith.addf %add3A_1911, %mul3A_2116 : vector<16xf32>
        %slice3A_2118 = vector.extract_strided_slice %mul3A_2015 {offsets = [9], sizes = [1], strides = [1]} : vector<16xf32> to vector<1xf32>
        %squeeze3A_2119 = vector.extract %slice3A_2118[0] : f32 from vector<1xf32>
        %mul3A_2120 = vector.broadcast %squeeze3A_2119 : f32 to vector<16xf32>
        %mul3A_2121 = arith.mulf %mul3A_2120, %get3A_2022 : vector<16xf32>
        %add3A_2122 = arith.addf %add3A_1916, %mul3A_2121 : vector<16xf32>
        %slice3A_2123 = vector.extract_strided_slice %mul3A_2010 {offsets = [10], sizes = [1], strides = [1]} : vector<16xf32> to vector<1xf32>
        %squeeze3A_2124 = vector.extract %slice3A_2123[0] : f32 from vector<1xf32>
        %mul3A_2125 = vector.broadcast %squeeze3A_2124 : f32 to vector<16xf32>
        %mul3A_2126 = arith.mulf %mul3A_2125, %get3A_2022 : vector<16xf32>
        %add3A_2127 = arith.addf %add3A_1921, %mul3A_2126 : vector<16xf32>
        %slice3A_2128 = vector.extract_strided_slice %mul3A_2015 {offsets = [10], sizes = [1], strides = [1]} : vector<16xf32> to vector<1xf32>
        %squeeze3A_2129 = vector.extract %slice3A_2128[0] : f32 from vector<1xf32>
        %mul3A_2130 = vector.broadcast %squeeze3A_2129 : f32 to vector<16xf32>
        %mul3A_2131 = arith.mulf %mul3A_2130, %get3A_2022 : vector<16xf32>
        %add3A_2132 = arith.addf %add3A_1926, %mul3A_2131 : vector<16xf32>
        %slice3A_2133 = vector.extract_strided_slice %mul3A_2010 {offsets = [11], sizes = [1], strides = [1]} : vector<16xf32> to vector<1xf32>
        %squeeze3A_2134 = vector.extract %slice3A_2133[0] : f32 from vector<1xf32>
        %mul3A_2135 = vector.broadcast %squeeze3A_2134 : f32 to vector<16xf32>
        %mul3A_2136 = arith.mulf %mul3A_2135, %get3A_2022 : vector<16xf32>
        %add3A_2137 = arith.addf %add3A_1931, %mul3A_2136 : vector<16xf32>
        %slice3A_2138 = vector.extract_strided_slice %mul3A_2015 {offsets = [11], sizes = [1], strides = [1]} : vector<16xf32> to vector<1xf32>
        %squeeze3A_2139 = vector.extract %slice3A_2138[0] : f32 from vector<1xf32>
        %mul3A_2140 = vector.broadcast %squeeze3A_2139 : f32 to vector<16xf32>
        %mul3A_2141 = arith.mulf %mul3A_2140, %get3A_2022 : vector<16xf32>
        %add3A_2142 = arith.addf %add3A_1936, %mul3A_2141 : vector<16xf32>
        %slice3A_2143 = vector.extract_strided_slice %mul3A_2010 {offsets = [12], sizes = [1], strides = [1]} : vector<16xf32> to vector<1xf32>
        %squeeze3A_2144 = vector.extract %slice3A_2143[0] : f32 from vector<1xf32>
        %mul3A_2145 = vector.broadcast %squeeze3A_2144 : f32 to vector<16xf32>
        %mul3A_2146 = arith.mulf %mul3A_2145, %get3A_2022 : vector<16xf32>
        %add3A_2147 = arith.addf %add3A_1941, %mul3A_2146 : vector<16xf32>
        %slice3A_2148 = vector.extract_strided_slice %mul3A_2015 {offsets = [12], sizes = [1], strides = [1]} : vector<16xf32> to vector<1xf32>
        %squeeze3A_2149 = vector.extract %slice3A_2148[0] : f32 from vector<1xf32>
        %mul3A_2150 = vector.broadcast %squeeze3A_2149 : f32 to vector<16xf32>
        %mul3A_2151 = arith.mulf %mul3A_2150, %get3A_2022 : vector<16xf32>
        %add3A_2152 = arith.addf %add3A_1946, %mul3A_2151 : vector<16xf32>
        %slice3A_2153 = vector.extract_strided_slice %mul3A_2010 {offsets = [13], sizes = [1], strides = [1]} : vector<16xf32> to vector<1xf32>
        %squeeze3A_2154 = vector.extract %slice3A_2153[0] : f32 from vector<1xf32>
        %mul3A_2155 = vector.broadcast %squeeze3A_2154 : f32 to vector<16xf32>
        %mul3A_2156 = arith.mulf %mul3A_2155, %get3A_2022 : vector<16xf32>
        %add3A_2157 = arith.addf %add3A_1951, %mul3A_2156 : vector<16xf32>
        %slice3A_2158 = vector.extract_strided_slice %mul3A_2015 {offsets = [13], sizes = [1], strides = [1]} : vector<16xf32> to vector<1xf32>
        %squeeze3A_2159 = vector.extract %slice3A_2158[0] : f32 from vector<1xf32>
        %mul3A_2160 = vector.broadcast %squeeze3A_2159 : f32 to vector<16xf32>
        %mul3A_2161 = arith.mulf %mul3A_2160, %get3A_2022 : vector<16xf32>
        %add3A_2162 = arith.addf %add3A_1956, %mul3A_2161 : vector<16xf32>
        %slice3A_2163 = vector.extract_strided_slice %mul3A_2010 {offsets = [14], sizes = [1], strides = [1]} : vector<16xf32> to vector<1xf32>
        %squeeze3A_2164 = vector.extract %slice3A_2163[0] : f32 from vector<1xf32>
        %mul3A_2165 = vector.broadcast %squeeze3A_2164 : f32 to vector<16xf32>
        %mul3A_2166 = arith.mulf %mul3A_2165, %get3A_2022 : vector<16xf32>
        %add3A_2167 = arith.addf %add3A_1961, %mul3A_2166 : vector<16xf32>
        %slice3A_2168 = vector.extract_strided_slice %mul3A_2015 {offsets = [14], sizes = [1], strides = [1]} : vector<16xf32> to vector<1xf32>
        %squeeze3A_2169 = vector.extract %slice3A_2168[0] : f32 from vector<1xf32>
        %mul3A_2170 = vector.broadcast %squeeze3A_2169 : f32 to vector<16xf32>
        %mul3A_2171 = arith.mulf %mul3A_2170, %get3A_2022 : vector<16xf32>
        %add3A_2172 = arith.addf %add3A_1966, %mul3A_2171 : vector<16xf32>
        %slice3A_2173 = vector.extract_strided_slice %mul3A_2010 {offsets = [15], sizes = [1], strides = [1]} : vector<16xf32> to vector<1xf32>
        %squeeze3A_2174 = vector.extract %slice3A_2173[0] : f32 from vector<1xf32>
        %mul3A_2175 = vector.broadcast %squeeze3A_2174 : f32 to vector<16xf32>
        %mul3A_2176 = arith.mulf %mul3A_2175, %get3A_2022 : vector<16xf32>
        %add3A_2177 = arith.addf %add3A_1971, %mul3A_2176 : vector<16xf32>
        %slice3A_2178 = vector.extract_strided_slice %mul3A_2015 {offsets = [15], sizes = [1], strides = [1]} : vector<16xf32> to vector<1xf32>
        %squeeze3A_2179 = vector.extract %slice3A_2178[0] : f32 from vector<1xf32>
        %mul3A_2180 = vector.broadcast %squeeze3A_2179 : f32 to vector<16xf32>
        %mul3A_2181 = arith.mulf %mul3A_2180, %get3A_2022 : vector<16xf32>
        %add3A_2182 = arith.addf %add3A_1976, %mul3A_2181 : vector<16xf32>
        %add3A_2183 = arith.constant 8 : i32
        %add3A_2184 = arith.addi %add3A_285, %add3A_2183 : i32
        %add3A_2185 = arith.constant 1 : i32
        %add3A_2186 = arith.addi %add3A_2184, %add3A_2185 : i32
        %lt3A_2187 = arith.constant 0 : i32
        %lt3A_2188 = vector.broadcast %lt3A_2187 : i32 to vector<16xi32>
        %lt3A_2189 = arith.cmpi slt, %add3A_13, %lt3A_2188 : vector<16xi32>
        %add3A_2190 = arith.constant 16 : i32
        %add3A_2191 = vector.broadcast %add3A_2190 : i32 to vector<16xi32>
        %add3A_2192 = arith.addi %add3A_13, %add3A_2191 : vector<16xi32>
        %select_n3A_2193 = arith.select %lt3A_2189, %add3A_2192, %add3A_13 : vector<16xi1>, vector<16xi32>
        %broadcast_in_dim3A_2194 = vector.shape_cast %select_n3A_2193 : vector<16xi32> to vector<16x1xi32>
        %gather3A_2195 = vector.shape_cast %broadcast_in_dim3A_2194 : vector<16x1xi32> to vector<16xi32>
        %gather3A_2196 = tpu.dynamic_gather %get3A_1981[%gather3A_2195] in [0] : vector<16xf32>, vector<16xi32> -> vector<16xf32>
        %lt3A_2197 = arith.constant 0 : i32
        %lt3A_2198 = vector.broadcast %lt3A_2197 : i32 to vector<16xi32>
        %lt3A_2199 = arith.cmpi slt, %add3A_16, %lt3A_2198 : vector<16xi32>
        %add3A_2200 = arith.constant 16 : i32
        %add3A_2201 = vector.broadcast %add3A_2200 : i32 to vector<16xi32>
        %add3A_2202 = arith.addi %add3A_16, %add3A_2201 : vector<16xi32>
        %select_n3A_2203 = arith.select %lt3A_2199, %add3A_2202, %add3A_16 : vector<16xi1>, vector<16xi32>
        %broadcast_in_dim3A_2204 = vector.shape_cast %select_n3A_2203 : vector<16xi32> to vector<16x1xi32>
        %gather3A_2205 = vector.shape_cast %broadcast_in_dim3A_2204 : vector<16x1xi32> to vector<16xi32>
        %gather3A_2206 = tpu.dynamic_gather %get3A_1981[%gather3A_2205] in [0] : vector<16xf32>, vector<16xi32> -> vector<16xf32>
        %get3A_2207 = arith.index_cast %add3A_2186 : i32 to index
        %get3A_2208 = arith.constant 0 : index
        %get3A_2209 = tpu.vector_load %arg8[%get3A_2207, %get3A_2208] {strides = array<i32>} : memref<800x32xf32, #tpu.memory_space<vmem>>, vector<1x16xf32>,
        %get3A_2210 = vector.shape_cast %get3A_2209 : vector<1x16xf32> to vector<16xf32>
        %mul3A_2211 = arith.mulf %get3A_2210, %gather3A_2196 : vector<16xf32>
        %get3A_2212 = arith.index_cast %add3A_2186 : i32 to index
        %get3A_2213 = arith.constant 16 : index
        %get3A_2214 = tpu.vector_load %arg8[%get3A_2212, %get3A_2213] {strides = array<i32>} : memref<800x32xf32, #tpu.memory_space<vmem>>, vector<1x16xf32>,
        %get3A_2215 = vector.shape_cast %get3A_2214 : vector<1x16xf32> to vector<16xf32>
        %mul3A_2216 = arith.mulf %get3A_2215, %gather3A_2206 : vector<16xf32>
        %sub3A_2217 = arith.subi %add3A_2186, %mul3A_254 : i32
        %mul3A_2218 = arith.constant 16 : i32
        %mul3A_2219 = arith.muli %sub3A_2217, %mul3A_2218 : i32
        %add3A_2220 = arith.addi %mul3A_2219, %mul3A_258 : i32
        %get3A_2221 = arith.index_cast %add3A_2220 : i32 to index
        %get3A_2222 = tpu.vector_load %arg10[%get3A_2221] {strides = array<i32>} : memref<12800xf32, #tpu.memory_space<vmem>>, vector<16xf32>,
        %get3A_2223 = vector.shape_cast %get3A_2222 : vector<16xf32> to vector<16xf32>
        %slice3A_2224 = vector.extract_strided_slice %mul3A_2211 {offsets = [0], sizes = [1], strides = [1]} : vector<16xf32> to vector<1xf32>
        %squeeze3A_2225 = vector.extract %slice3A_2224[0] : f32 from vector<1xf32>
        %mul3A_2226 = vector.broadcast %squeeze3A_2225 : f32 to vector<16xf32>
        %mul3A_2227 = arith.mulf %mul3A_2226, %get3A_2223 : vector<16xf32>
        %add3A_2228 = arith.addf %add3A_2027, %mul3A_2227 : vector<16xf32>
        %slice3A_2229 = vector.extract_strided_slice %mul3A_2216 {offsets = [0], sizes = [1], strides = [1]} : vector<16xf32> to vector<1xf32>
        %squeeze3A_2230 = vector.extract %slice3A_2229[0] : f32 from vector<1xf32>
        %mul3A_2231 = vector.broadcast %squeeze3A_2230 : f32 to vector<16xf32>
        %mul3A_2232 = arith.mulf %mul3A_2231, %get3A_2223 : vector<16xf32>
        %add3A_2233 = arith.addf %add3A_2032, %mul3A_2232 : vector<16xf32>
        %slice3A_2234 = vector.extract_strided_slice %mul3A_2211 {offsets = [1], sizes = [1], strides = [1]} : vector<16xf32> to vector<1xf32>
        %squeeze3A_2235 = vector.extract %slice3A_2234[0] : f32 from vector<1xf32>
        %mul3A_2236 = vector.broadcast %squeeze3A_2235 : f32 to vector<16xf32>
        %mul3A_2237 = arith.mulf %mul3A_2236, %get3A_2223 : vector<16xf32>
        %add3A_2238 = arith.addf %add3A_2037, %mul3A_2237 : vector<16xf32>
        %slice3A_2239 = vector.extract_strided_slice %mul3A_2216 {offsets = [1], sizes = [1], strides = [1]} : vector<16xf32> to vector<1xf32>
        %squeeze3A_2240 = vector.extract %slice3A_2239[0] : f32 from vector<1xf32>
        %mul3A_2241 = vector.broadcast %squeeze3A_2240 : f32 to vector<16xf32>
        %mul3A_2242 = arith.mulf %mul3A_2241, %get3A_2223 : vector<16xf32>
        %add3A_2243 = arith.addf %add3A_2042, %mul3A_2242 : vector<16xf32>
        %slice3A_2244 = vector.extract_strided_slice %mul3A_2211 {offsets = [2], sizes = [1], strides = [1]} : vector<16xf32> to vector<1xf32>
        %squeeze3A_2245 = vector.extract %slice3A_2244[0] : f32 from vector<1xf32>
        %mul3A_2246 = vector.broadcast %squeeze3A_2245 : f32 to vector<16xf32>
        %mul3A_2247 = arith.mulf %mul3A_2246, %get3A_2223 : vector<16xf32>
        %add3A_2248 = arith.addf %add3A_2047, %mul3A_2247 : vector<16xf32>
        %slice3A_2249 = vector.extract_strided_slice %mul3A_2216 {offsets = [2], sizes = [1], strides = [1]} : vector<16xf32> to vector<1xf32>
        %squeeze3A_2250 = vector.extract %slice3A_2249[0] : f32 from vector<1xf32>
        %mul3A_2251 = vector.broadcast %squeeze3A_2250 : f32 to vector<16xf32>
        %mul3A_2252 = arith.mulf %mul3A_2251, %get3A_2223 : vector<16xf32>
        %add3A_2253 = arith.addf %add3A_2052, %mul3A_2252 : vector<16xf32>
        %slice3A_2254 = vector.extract_strided_slice %mul3A_2211 {offsets = [3], sizes = [1], strides = [1]} : vector<16xf32> to vector<1xf32>
        %squeeze3A_2255 = vector.extract %slice3A_2254[0] : f32 from vector<1xf32>
        %mul3A_2256 = vector.broadcast %squeeze3A_2255 : f32 to vector<16xf32>
        %mul3A_2257 = arith.mulf %mul3A_2256, %get3A_2223 : vector<16xf32>
        %add3A_2258 = arith.addf %add3A_2057, %mul3A_2257 : vector<16xf32>
        %slice3A_2259 = vector.extract_strided_slice %mul3A_2216 {offsets = [3], sizes = [1], strides = [1]} : vector<16xf32> to vector<1xf32>
        %squeeze3A_2260 = vector.extract %slice3A_2259[0] : f32 from vector<1xf32>
        %mul3A_2261 = vector.broadcast %squeeze3A_2260 : f32 to vector<16xf32>
        %mul3A_2262 = arith.mulf %mul3A_2261, %get3A_2223 : vector<16xf32>
        %add3A_2263 = arith.addf %add3A_2062, %mul3A_2262 : vector<16xf32>
        %slice3A_2264 = vector.extract_strided_slice %mul3A_2211 {offsets = [4], sizes = [1], strides = [1]} : vector<16xf32> to vector<1xf32>
        %squeeze3A_2265 = vector.extract %slice3A_2264[0] : f32 from vector<1xf32>
        %mul3A_2266 = vector.broadcast %squeeze3A_2265 : f32 to vector<16xf32>
        %mul3A_2267 = arith.mulf %mul3A_2266, %get3A_2223 : vector<16xf32>
        %add3A_2268 = arith.addf %add3A_2067, %mul3A_2267 : vector<16xf32>
        %slice3A_2269 = vector.extract_strided_slice %mul3A_2216 {offsets = [4], sizes = [1], strides = [1]} : vector<16xf32> to vector<1xf32>
        %squeeze3A_2270 = vector.extract %slice3A_2269[0] : f32 from vector<1xf32>
        %mul3A_2271 = vector.broadcast %squeeze3A_2270 : f32 to vector<16xf32>
        %mul3A_2272 = arith.mulf %mul3A_2271, %get3A_2223 : vector<16xf32>
        %add3A_2273 = arith.addf %add3A_2072, %mul3A_2272 : vector<16xf32>
        %slice3A_2274 = vector.extract_strided_slice %mul3A_2211 {offsets = [5], sizes = [1], strides = [1]} : vector<16xf32> to vector<1xf32>
        %squeeze3A_2275 = vector.extract %slice3A_2274[0] : f32 from vector<1xf32>
        %mul3A_2276 = vector.broadcast %squeeze3A_2275 : f32 to vector<16xf32>
        %mul3A_2277 = arith.mulf %mul3A_2276, %get3A_2223 : vector<16xf32>
        %add3A_2278 = arith.addf %add3A_2077, %mul3A_2277 : vector<16xf32>
        %slice3A_2279 = vector.extract_strided_slice %mul3A_2216 {offsets = [5], sizes = [1], strides = [1]} : vector<16xf32> to vector<1xf32>
        %squeeze3A_2280 = vector.extract %slice3A_2279[0] : f32 from vector<1xf32>
        %mul3A_2281 = vector.broadcast %squeeze3A_2280 : f32 to vector<16xf32>
        %mul3A_2282 = arith.mulf %mul3A_2281, %get3A_2223 : vector<16xf32>
        %add3A_2283 = arith.addf %add3A_2082, %mul3A_2282 : vector<16xf32>
        %slice3A_2284 = vector.extract_strided_slice %mul3A_2211 {offsets = [6], sizes = [1], strides = [1]} : vector<16xf32> to vector<1xf32>
        %squeeze3A_2285 = vector.extract %slice3A_2284[0] : f32 from vector<1xf32>
        %mul3A_2286 = vector.broadcast %squeeze3A_2285 : f32 to vector<16xf32>
        %mul3A_2287 = arith.mulf %mul3A_2286, %get3A_2223 : vector<16xf32>
        %add3A_2288 = arith.addf %add3A_2087, %mul3A_2287 : vector<16xf32>
        %slice3A_2289 = vector.extract_strided_slice %mul3A_2216 {offsets = [6], sizes = [1], strides = [1]} : vector<16xf32> to vector<1xf32>
        %squeeze3A_2290 = vector.extract %slice3A_2289[0] : f32 from vector<1xf32>
        %mul3A_2291 = vector.broadcast %squeeze3A_2290 : f32 to vector<16xf32>
        %mul3A_2292 = arith.mulf %mul3A_2291, %get3A_2223 : vector<16xf32>
        %add3A_2293 = arith.addf %add3A_2092, %mul3A_2292 : vector<16xf32>
        %slice3A_2294 = vector.extract_strided_slice %mul3A_2211 {offsets = [7], sizes = [1], strides = [1]} : vector<16xf32> to vector<1xf32>
        %squeeze3A_2295 = vector.extract %slice3A_2294[0] : f32 from vector<1xf32>
        %mul3A_2296 = vector.broadcast %squeeze3A_2295 : f32 to vector<16xf32>
        %mul3A_2297 = arith.mulf %mul3A_2296, %get3A_2223 : vector<16xf32>
        %add3A_2298 = arith.addf %add3A_2097, %mul3A_2297 : vector<16xf32>
        %slice3A_2299 = vector.extract_strided_slice %mul3A_2216 {offsets = [7], sizes = [1], strides = [1]} : vector<16xf32> to vector<1xf32>
        %squeeze3A_2300 = vector.extract %slice3A_2299[0] : f32 from vector<1xf32>
        %mul3A_2301 = vector.broadcast %squeeze3A_2300 : f32 to vector<16xf32>
        %mul3A_2302 = arith.mulf %mul3A_2301, %get3A_2223 : vector<16xf32>
        %add3A_2303 = arith.addf %add3A_2102, %mul3A_2302 : vector<16xf32>
        %slice3A_2304 = vector.extract_strided_slice %mul3A_2211 {offsets = [8], sizes = [1], strides = [1]} : vector<16xf32> to vector<1xf32>
        %squeeze3A_2305 = vector.extract %slice3A_2304[0] : f32 from vector<1xf32>
        %mul3A_2306 = vector.broadcast %squeeze3A_2305 : f32 to vector<16xf32>
        %mul3A_2307 = arith.mulf %mul3A_2306, %get3A_2223 : vector<16xf32>
        %add3A_2308 = arith.addf %add3A_2107, %mul3A_2307 : vector<16xf32>
        %slice3A_2309 = vector.extract_strided_slice %mul3A_2216 {offsets = [8], sizes = [1], strides = [1]} : vector<16xf32> to vector<1xf32>
        %squeeze3A_2310 = vector.extract %slice3A_2309[0] : f32 from vector<1xf32>
        %mul3A_2311 = vector.broadcast %squeeze3A_2310 : f32 to vector<16xf32>
        %mul3A_2312 = arith.mulf %mul3A_2311, %get3A_2223 : vector<16xf32>
        %add3A_2313 = arith.addf %add3A_2112, %mul3A_2312 : vector<16xf32>
        %slice3A_2314 = vector.extract_strided_slice %mul3A_2211 {offsets = [9], sizes = [1], strides = [1]} : vector<16xf32> to vector<1xf32>
        %squeeze3A_2315 = vector.extract %slice3A_2314[0] : f32 from vector<1xf32>
        %mul3A_2316 = vector.broadcast %squeeze3A_2315 : f32 to vector<16xf32>
        %mul3A_2317 = arith.mulf %mul3A_2316, %get3A_2223 : vector<16xf32>
        %add3A_2318 = arith.addf %add3A_2117, %mul3A_2317 : vector<16xf32>
        %slice3A_2319 = vector.extract_strided_slice %mul3A_2216 {offsets = [9], sizes = [1], strides = [1]} : vector<16xf32> to vector<1xf32>
        %squeeze3A_2320 = vector.extract %slice3A_2319[0] : f32 from vector<1xf32>
        %mul3A_2321 = vector.broadcast %squeeze3A_2320 : f32 to vector<16xf32>
        %mul3A_2322 = arith.mulf %mul3A_2321, %get3A_2223 : vector<16xf32>
        %add3A_2323 = arith.addf %add3A_2122, %mul3A_2322 : vector<16xf32>
        %slice3A_2324 = vector.extract_strided_slice %mul3A_2211 {offsets = [10], sizes = [1], strides = [1]} : vector<16xf32> to vector<1xf32>
        %squeeze3A_2325 = vector.extract %slice3A_2324[0] : f32 from vector<1xf32>
        %mul3A_2326 = vector.broadcast %squeeze3A_2325 : f32 to vector<16xf32>
        %mul3A_2327 = arith.mulf %mul3A_2326, %get3A_2223 : vector<16xf32>
        %add3A_2328 = arith.addf %add3A_2127, %mul3A_2327 : vector<16xf32>
        %slice3A_2329 = vector.extract_strided_slice %mul3A_2216 {offsets = [10], sizes = [1], strides = [1]} : vector<16xf32> to vector<1xf32>
        %squeeze3A_2330 = vector.extract %slice3A_2329[0] : f32 from vector<1xf32>
        %mul3A_2331 = vector.broadcast %squeeze3A_2330 : f32 to vector<16xf32>
        %mul3A_2332 = arith.mulf %mul3A_2331, %get3A_2223 : vector<16xf32>
        %add3A_2333 = arith.addf %add3A_2132, %mul3A_2332 : vector<16xf32>
        %slice3A_2334 = vector.extract_strided_slice %mul3A_2211 {offsets = [11], sizes = [1], strides = [1]} : vector<16xf32> to vector<1xf32>
        %squeeze3A_2335 = vector.extract %slice3A_2334[0] : f32 from vector<1xf32>
        %mul3A_2336 = vector.broadcast %squeeze3A_2335 : f32 to vector<16xf32>
        %mul3A_2337 = arith.mulf %mul3A_2336, %get3A_2223 : vector<16xf32>
        %add3A_2338 = arith.addf %add3A_2137, %mul3A_2337 : vector<16xf32>
        %slice3A_2339 = vector.extract_strided_slice %mul3A_2216 {offsets = [11], sizes = [1], strides = [1]} : vector<16xf32> to vector<1xf32>
        %squeeze3A_2340 = vector.extract %slice3A_2339[0] : f32 from vector<1xf32>
        %mul3A_2341 = vector.broadcast %squeeze3A_2340 : f32 to vector<16xf32>
        %mul3A_2342 = arith.mulf %mul3A_2341, %get3A_2223 : vector<16xf32>
        %add3A_2343 = arith.addf %add3A_2142, %mul3A_2342 : vector<16xf32>
        %slice3A_2344 = vector.extract_strided_slice %mul3A_2211 {offsets = [12], sizes = [1], strides = [1]} : vector<16xf32> to vector<1xf32>
        %squeeze3A_2345 = vector.extract %slice3A_2344[0] : f32 from vector<1xf32>
        %mul3A_2346 = vector.broadcast %squeeze3A_2345 : f32 to vector<16xf32>
        %mul3A_2347 = arith.mulf %mul3A_2346, %get3A_2223 : vector<16xf32>
        %add3A_2348 = arith.addf %add3A_2147, %mul3A_2347 : vector<16xf32>
        %slice3A_2349 = vector.extract_strided_slice %mul3A_2216 {offsets = [12], sizes = [1], strides = [1]} : vector<16xf32> to vector<1xf32>
        %squeeze3A_2350 = vector.extract %slice3A_2349[0] : f32 from vector<1xf32>
        %mul3A_2351 = vector.broadcast %squeeze3A_2350 : f32 to vector<16xf32>
        %mul3A_2352 = arith.mulf %mul3A_2351, %get3A_2223 : vector<16xf32>
        %add3A_2353 = arith.addf %add3A_2152, %mul3A_2352 : vector<16xf32>
        %slice3A_2354 = vector.extract_strided_slice %mul3A_2211 {offsets = [13], sizes = [1], strides = [1]} : vector<16xf32> to vector<1xf32>
        %squeeze3A_2355 = vector.extract %slice3A_2354[0] : f32 from vector<1xf32>
        %mul3A_2356 = vector.broadcast %squeeze3A_2355 : f32 to vector<16xf32>
        %mul3A_2357 = arith.mulf %mul3A_2356, %get3A_2223 : vector<16xf32>
        %add3A_2358 = arith.addf %add3A_2157, %mul3A_2357 : vector<16xf32>
        %slice3A_2359 = vector.extract_strided_slice %mul3A_2216 {offsets = [13], sizes = [1], strides = [1]} : vector<16xf32> to vector<1xf32>
        %squeeze3A_2360 = vector.extract %slice3A_2359[0] : f32 from vector<1xf32>
        %mul3A_2361 = vector.broadcast %squeeze3A_2360 : f32 to vector<16xf32>
        %mul3A_2362 = arith.mulf %mul3A_2361, %get3A_2223 : vector<16xf32>
        %add3A_2363 = arith.addf %add3A_2162, %mul3A_2362 : vector<16xf32>
        %slice3A_2364 = vector.extract_strided_slice %mul3A_2211 {offsets = [14], sizes = [1], strides = [1]} : vector<16xf32> to vector<1xf32>
        %squeeze3A_2365 = vector.extract %slice3A_2364[0] : f32 from vector<1xf32>
        %mul3A_2366 = vector.broadcast %squeeze3A_2365 : f32 to vector<16xf32>
        %mul3A_2367 = arith.mulf %mul3A_2366, %get3A_2223 : vector<16xf32>
        %add3A_2368 = arith.addf %add3A_2167, %mul3A_2367 : vector<16xf32>
        %slice3A_2369 = vector.extract_strided_slice %mul3A_2216 {offsets = [14], sizes = [1], strides = [1]} : vector<16xf32> to vector<1xf32>
        %squeeze3A_2370 = vector.extract %slice3A_2369[0] : f32 from vector<1xf32>
        %mul3A_2371 = vector.broadcast %squeeze3A_2370 : f32 to vector<16xf32>
        %mul3A_2372 = arith.mulf %mul3A_2371, %get3A_2223 : vector<16xf32>
        %add3A_2373 = arith.addf %add3A_2172, %mul3A_2372 : vector<16xf32>
        %slice3A_2374 = vector.extract_strided_slice %mul3A_2211 {offsets = [15], sizes = [1], strides = [1]} : vector<16xf32> to vector<1xf32>
        %squeeze3A_2375 = vector.extract %slice3A_2374[0] : f32 from vector<1xf32>
        %mul3A_2376 = vector.broadcast %squeeze3A_2375 : f32 to vector<16xf32>
        %mul3A_2377 = arith.mulf %mul3A_2376, %get3A_2223 : vector<16xf32>
        %add3A_2378 = arith.addf %add3A_2177, %mul3A_2377 : vector<16xf32>
        %slice3A_2379 = vector.extract_strided_slice %mul3A_2216 {offsets = [15], sizes = [1], strides = [1]} : vector<16xf32> to vector<1xf32>
        %squeeze3A_2380 = vector.extract %slice3A_2379[0] : f32 from vector<1xf32>
        %mul3A_2381 = vector.broadcast %squeeze3A_2380 : f32 to vector<16xf32>
        %mul3A_2382 = arith.mulf %mul3A_2381, %get3A_2223 : vector<16xf32>
        %add3A_2383 = arith.addf %add3A_2182, %mul3A_2382 : vector<16xf32>
        %add3A_2384 = arith.constant 80 : i32
        %add3A_2385 = arith.addi %add3A_290, %add3A_2384 : i32
        %get3A_2386 = arith.index_cast %add3A_2385 : i32 to index
        %get3A_2387 = tpu.vector_load %arg9[%get3A_2386] {strides = array<i32>} : memref<6400xf32, #tpu.memory_space<vmem>>, vector<16xf32>,
        %get3A_2388 = vector.shape_cast %get3A_2387 : vector<16xf32> to vector<16xf32>
        %add3A_2389 = arith.constant 10 : i32
        %add3A_2390 = arith.addi %add3A_285, %add3A_2389 : i32
        %add3A_2391 = arith.constant 0 : i32
        %add3A_2392 = arith.addi %add3A_2390, %add3A_2391 : i32
        %lt3A_2393 = arith.constant 0 : i32
        %lt3A_2394 = vector.broadcast %lt3A_2393 : i32 to vector<16xi32>
        %lt3A_2395 = arith.cmpi slt, %add3A_7, %lt3A_2394 : vector<16xi32>
        %add3A_2396 = arith.constant 16 : i32
        %add3A_2397 = vector.broadcast %add3A_2396 : i32 to vector<16xi32>
        %add3A_2398 = arith.addi %add3A_7, %add3A_2397 : vector<16xi32>
        %select_n3A_2399 = arith.select %lt3A_2395, %add3A_2398, %add3A_7 : vector<16xi1>, vector<16xi32>
        %broadcast_in_dim3A_2400 = vector.shape_cast %select_n3A_2399 : vector<16xi32> to vector<16x1xi32>
        %gather3A_2401 = vector.shape_cast %broadcast_in_dim3A_2400 : vector<16x1xi32> to vector<16xi32>
        %gather3A_2402 = tpu.dynamic_gather %get3A_2388[%gather3A_2401] in [0] : vector<16xf32>, vector<16xi32> -> vector<16xf32>
        %lt3A_2403 = arith.constant 0 : i32
        %lt3A_2404 = vector.broadcast %lt3A_2403 : i32 to vector<16xi32>
        %lt3A_2405 = arith.cmpi slt, %add3A_10, %lt3A_2404 : vector<16xi32>
        %add3A_2406 = arith.constant 16 : i32
        %add3A_2407 = vector.broadcast %add3A_2406 : i32 to vector<16xi32>
        %add3A_2408 = arith.addi %add3A_10, %add3A_2407 : vector<16xi32>
        %select_n3A_2409 = arith.select %lt3A_2405, %add3A_2408, %add3A_10 : vector<16xi1>, vector<16xi32>
        %broadcast_in_dim3A_2410 = vector.shape_cast %select_n3A_2409 : vector<16xi32> to vector<16x1xi32>
        %gather3A_2411 = vector.shape_cast %broadcast_in_dim3A_2410 : vector<16x1xi32> to vector<16xi32>
        %gather3A_2412 = tpu.dynamic_gather %get3A_2388[%gather3A_2411] in [0] : vector<16xf32>, vector<16xi32> -> vector<16xf32>
        %get3A_2413 = arith.index_cast %add3A_2392 : i32 to index
        %get3A_2414 = arith.constant 0 : index
        %get3A_2415 = tpu.vector_load %arg8[%get3A_2413, %get3A_2414] {strides = array<i32>} : memref<800x32xf32, #tpu.memory_space<vmem>>, vector<1x16xf32>,
        %get3A_2416 = vector.shape_cast %get3A_2415 : vector<1x16xf32> to vector<16xf32>
        %mul3A_2417 = arith.mulf %get3A_2416, %gather3A_2402 : vector<16xf32>
        %get3A_2418 = arith.index_cast %add3A_2392 : i32 to index
        %get3A_2419 = arith.constant 16 : index
        %get3A_2420 = tpu.vector_load %arg8[%get3A_2418, %get3A_2419] {strides = array<i32>} : memref<800x32xf32, #tpu.memory_space<vmem>>, vector<1x16xf32>,
        %get3A_2421 = vector.shape_cast %get3A_2420 : vector<1x16xf32> to vector<16xf32>
        %mul3A_2422 = arith.mulf %get3A_2421, %gather3A_2412 : vector<16xf32>
        %sub3A_2423 = arith.subi %add3A_2392, %mul3A_254 : i32
        %mul3A_2424 = arith.constant 16 : i32
        %mul3A_2425 = arith.muli %sub3A_2423, %mul3A_2424 : i32
        %add3A_2426 = arith.addi %mul3A_2425, %mul3A_258 : i32
        %get3A_2427 = arith.index_cast %add3A_2426 : i32 to index
        %get3A_2428 = tpu.vector_load %arg10[%get3A_2427] {strides = array<i32>} : memref<12800xf32, #tpu.memory_space<vmem>>, vector<16xf32>,
        %get3A_2429 = vector.shape_cast %get3A_2428 : vector<16xf32> to vector<16xf32>
        %slice3A_2430 = vector.extract_strided_slice %mul3A_2417 {offsets = [0], sizes = [1], strides = [1]} : vector<16xf32> to vector<1xf32>
        %squeeze3A_2431 = vector.extract %slice3A_2430[0] : f32 from vector<1xf32>
        %mul3A_2432 = vector.broadcast %squeeze3A_2431 : f32 to vector<16xf32>
        %mul3A_2433 = arith.mulf %mul3A_2432, %get3A_2429 : vector<16xf32>
        %add3A_2434 = arith.addf %add3A_2228, %mul3A_2433 : vector<16xf32>
        %slice3A_2435 = vector.extract_strided_slice %mul3A_2422 {offsets = [0], sizes = [1], strides = [1]} : vector<16xf32> to vector<1xf32>
        %squeeze3A_2436 = vector.extract %slice3A_2435[0] : f32 from vector<1xf32>
        %mul3A_2437 = vector.broadcast %squeeze3A_2436 : f32 to vector<16xf32>
        %mul3A_2438 = arith.mulf %mul3A_2437, %get3A_2429 : vector<16xf32>
        %add3A_2439 = arith.addf %add3A_2233, %mul3A_2438 : vector<16xf32>
        %slice3A_2440 = vector.extract_strided_slice %mul3A_2417 {offsets = [1], sizes = [1], strides = [1]} : vector<16xf32> to vector<1xf32>
        %squeeze3A_2441 = vector.extract %slice3A_2440[0] : f32 from vector<1xf32>
        %mul3A_2442 = vector.broadcast %squeeze3A_2441 : f32 to vector<16xf32>
        %mul3A_2443 = arith.mulf %mul3A_2442, %get3A_2429 : vector<16xf32>
        %add3A_2444 = arith.addf %add3A_2238, %mul3A_2443 : vector<16xf32>
        %slice3A_2445 = vector.extract_strided_slice %mul3A_2422 {offsets = [1], sizes = [1], strides = [1]} : vector<16xf32> to vector<1xf32>
        %squeeze3A_2446 = vector.extract %slice3A_2445[0] : f32 from vector<1xf32>
        %mul3A_2447 = vector.broadcast %squeeze3A_2446 : f32 to vector<16xf32>
        %mul3A_2448 = arith.mulf %mul3A_2447, %get3A_2429 : vector<16xf32>
        %add3A_2449 = arith.addf %add3A_2243, %mul3A_2448 : vector<16xf32>
        %slice3A_2450 = vector.extract_strided_slice %mul3A_2417 {offsets = [2], sizes = [1], strides = [1]} : vector<16xf32> to vector<1xf32>
        %squeeze3A_2451 = vector.extract %slice3A_2450[0] : f32 from vector<1xf32>
        %mul3A_2452 = vector.broadcast %squeeze3A_2451 : f32 to vector<16xf32>
        %mul3A_2453 = arith.mulf %mul3A_2452, %get3A_2429 : vector<16xf32>
        %add3A_2454 = arith.addf %add3A_2248, %mul3A_2453 : vector<16xf32>
        %slice3A_2455 = vector.extract_strided_slice %mul3A_2422 {offsets = [2], sizes = [1], strides = [1]} : vector<16xf32> to vector<1xf32>
        %squeeze3A_2456 = vector.extract %slice3A_2455[0] : f32 from vector<1xf32>
        %mul3A_2457 = vector.broadcast %squeeze3A_2456 : f32 to vector<16xf32>
        %mul3A_2458 = arith.mulf %mul3A_2457, %get3A_2429 : vector<16xf32>
        %add3A_2459 = arith.addf %add3A_2253, %mul3A_2458 : vector<16xf32>
        %slice3A_2460 = vector.extract_strided_slice %mul3A_2417 {offsets = [3], sizes = [1], strides = [1]} : vector<16xf32> to vector<1xf32>
        %squeeze3A_2461 = vector.extract %slice3A_2460[0] : f32 from vector<1xf32>
        %mul3A_2462 = vector.broadcast %squeeze3A_2461 : f32 to vector<16xf32>
        %mul3A_2463 = arith.mulf %mul3A_2462, %get3A_2429 : vector<16xf32>
        %add3A_2464 = arith.addf %add3A_2258, %mul3A_2463 : vector<16xf32>
        %slice3A_2465 = vector.extract_strided_slice %mul3A_2422 {offsets = [3], sizes = [1], strides = [1]} : vector<16xf32> to vector<1xf32>
        %squeeze3A_2466 = vector.extract %slice3A_2465[0] : f32 from vector<1xf32>
        %mul3A_2467 = vector.broadcast %squeeze3A_2466 : f32 to vector<16xf32>
        %mul3A_2468 = arith.mulf %mul3A_2467, %get3A_2429 : vector<16xf32>
        %add3A_2469 = arith.addf %add3A_2263, %mul3A_2468 : vector<16xf32>
        %slice3A_2470 = vector.extract_strided_slice %mul3A_2417 {offsets = [4], sizes = [1], strides = [1]} : vector<16xf32> to vector<1xf32>
        %squeeze3A_2471 = vector.extract %slice3A_2470[0] : f32 from vector<1xf32>
        %mul3A_2472 = vector.broadcast %squeeze3A_2471 : f32 to vector<16xf32>
        %mul3A_2473 = arith.mulf %mul3A_2472, %get3A_2429 : vector<16xf32>
        %add3A_2474 = arith.addf %add3A_2268, %mul3A_2473 : vector<16xf32>
        %slice3A_2475 = vector.extract_strided_slice %mul3A_2422 {offsets = [4], sizes = [1], strides = [1]} : vector<16xf32> to vector<1xf32>
        %squeeze3A_2476 = vector.extract %slice3A_2475[0] : f32 from vector<1xf32>
        %mul3A_2477 = vector.broadcast %squeeze3A_2476 : f32 to vector<16xf32>
        %mul3A_2478 = arith.mulf %mul3A_2477, %get3A_2429 : vector<16xf32>
        %add3A_2479 = arith.addf %add3A_2273, %mul3A_2478 : vector<16xf32>
        %slice3A_2480 = vector.extract_strided_slice %mul3A_2417 {offsets = [5], sizes = [1], strides = [1]} : vector<16xf32> to vector<1xf32>
        %squeeze3A_2481 = vector.extract %slice3A_2480[0] : f32 from vector<1xf32>
        %mul3A_2482 = vector.broadcast %squeeze3A_2481 : f32 to vector<16xf32>
        %mul3A_2483 = arith.mulf %mul3A_2482, %get3A_2429 : vector<16xf32>
        %add3A_2484 = arith.addf %add3A_2278, %mul3A_2483 : vector<16xf32>
        %slice3A_2485 = vector.extract_strided_slice %mul3A_2422 {offsets = [5], sizes = [1], strides = [1]} : vector<16xf32> to vector<1xf32>
        %squeeze3A_2486 = vector.extract %slice3A_2485[0] : f32 from vector<1xf32>
        %mul3A_2487 = vector.broadcast %squeeze3A_2486 : f32 to vector<16xf32>
        %mul3A_2488 = arith.mulf %mul3A_2487, %get3A_2429 : vector<16xf32>
        %add3A_2489 = arith.addf %add3A_2283, %mul3A_2488 : vector<16xf32>
        %slice3A_2490 = vector.extract_strided_slice %mul3A_2417 {offsets = [6], sizes = [1], strides = [1]} : vector<16xf32> to vector<1xf32>
        %squeeze3A_2491 = vector.extract %slice3A_2490[0] : f32 from vector<1xf32>
        %mul3A_2492 = vector.broadcast %squeeze3A_2491 : f32 to vector<16xf32>
        %mul3A_2493 = arith.mulf %mul3A_2492, %get3A_2429 : vector<16xf32>
        %add3A_2494 = arith.addf %add3A_2288, %mul3A_2493 : vector<16xf32>
        %slice3A_2495 = vector.extract_strided_slice %mul3A_2422 {offsets = [6], sizes = [1], strides = [1]} : vector<16xf32> to vector<1xf32>
        %squeeze3A_2496 = vector.extract %slice3A_2495[0] : f32 from vector<1xf32>
        %mul3A_2497 = vector.broadcast %squeeze3A_2496 : f32 to vector<16xf32>
        %mul3A_2498 = arith.mulf %mul3A_2497, %get3A_2429 : vector<16xf32>
        %add3A_2499 = arith.addf %add3A_2293, %mul3A_2498 : vector<16xf32>
        %slice3A_2500 = vector.extract_strided_slice %mul3A_2417 {offsets = [7], sizes = [1], strides = [1]} : vector<16xf32> to vector<1xf32>
        %squeeze3A_2501 = vector.extract %slice3A_2500[0] : f32 from vector<1xf32>
        %mul3A_2502 = vector.broadcast %squeeze3A_2501 : f32 to vector<16xf32>
        %mul3A_2503 = arith.mulf %mul3A_2502, %get3A_2429 : vector<16xf32>
        %add3A_2504 = arith.addf %add3A_2298, %mul3A_2503 : vector<16xf32>
        %slice3A_2505 = vector.extract_strided_slice %mul3A_2422 {offsets = [7], sizes = [1], strides = [1]} : vector<16xf32> to vector<1xf32>
        %squeeze3A_2506 = vector.extract %slice3A_2505[0] : f32 from vector<1xf32>
        %mul3A_2507 = vector.broadcast %squeeze3A_2506 : f32 to vector<16xf32>
        %mul3A_2508 = arith.mulf %mul3A_2507, %get3A_2429 : vector<16xf32>
        %add3A_2509 = arith.addf %add3A_2303, %mul3A_2508 : vector<16xf32>
        %slice3A_2510 = vector.extract_strided_slice %mul3A_2417 {offsets = [8], sizes = [1], strides = [1]} : vector<16xf32> to vector<1xf32>
        %squeeze3A_2511 = vector.extract %slice3A_2510[0] : f32 from vector<1xf32>
        %mul3A_2512 = vector.broadcast %squeeze3A_2511 : f32 to vector<16xf32>
        %mul3A_2513 = arith.mulf %mul3A_2512, %get3A_2429 : vector<16xf32>
        %add3A_2514 = arith.addf %add3A_2308, %mul3A_2513 : vector<16xf32>
        %slice3A_2515 = vector.extract_strided_slice %mul3A_2422 {offsets = [8], sizes = [1], strides = [1]} : vector<16xf32> to vector<1xf32>
        %squeeze3A_2516 = vector.extract %slice3A_2515[0] : f32 from vector<1xf32>
        %mul3A_2517 = vector.broadcast %squeeze3A_2516 : f32 to vector<16xf32>
        %mul3A_2518 = arith.mulf %mul3A_2517, %get3A_2429 : vector<16xf32>
        %add3A_2519 = arith.addf %add3A_2313, %mul3A_2518 : vector<16xf32>
        %slice3A_2520 = vector.extract_strided_slice %mul3A_2417 {offsets = [9], sizes = [1], strides = [1]} : vector<16xf32> to vector<1xf32>
        %squeeze3A_2521 = vector.extract %slice3A_2520[0] : f32 from vector<1xf32>
        %mul3A_2522 = vector.broadcast %squeeze3A_2521 : f32 to vector<16xf32>
        %mul3A_2523 = arith.mulf %mul3A_2522, %get3A_2429 : vector<16xf32>
        %add3A_2524 = arith.addf %add3A_2318, %mul3A_2523 : vector<16xf32>
        %slice3A_2525 = vector.extract_strided_slice %mul3A_2422 {offsets = [9], sizes = [1], strides = [1]} : vector<16xf32> to vector<1xf32>
        %squeeze3A_2526 = vector.extract %slice3A_2525[0] : f32 from vector<1xf32>
        %mul3A_2527 = vector.broadcast %squeeze3A_2526 : f32 to vector<16xf32>
        %mul3A_2528 = arith.mulf %mul3A_2527, %get3A_2429 : vector<16xf32>
        %add3A_2529 = arith.addf %add3A_2323, %mul3A_2528 : vector<16xf32>
        %slice3A_2530 = vector.extract_strided_slice %mul3A_2417 {offsets = [10], sizes = [1], strides = [1]} : vector<16xf32> to vector<1xf32>
        %squeeze3A_2531 = vector.extract %slice3A_2530[0] : f32 from vector<1xf32>
        %mul3A_2532 = vector.broadcast %squeeze3A_2531 : f32 to vector<16xf32>
        %mul3A_2533 = arith.mulf %mul3A_2532, %get3A_2429 : vector<16xf32>
        %add3A_2534 = arith.addf %add3A_2328, %mul3A_2533 : vector<16xf32>
        %slice3A_2535 = vector.extract_strided_slice %mul3A_2422 {offsets = [10], sizes = [1], strides = [1]} : vector<16xf32> to vector<1xf32>
        %squeeze3A_2536 = vector.extract %slice3A_2535[0] : f32 from vector<1xf32>
        %mul3A_2537 = vector.broadcast %squeeze3A_2536 : f32 to vector<16xf32>
        %mul3A_2538 = arith.mulf %mul3A_2537, %get3A_2429 : vector<16xf32>
        %add3A_2539 = arith.addf %add3A_2333, %mul3A_2538 : vector<16xf32>
        %slice3A_2540 = vector.extract_strided_slice %mul3A_2417 {offsets = [11], sizes = [1], strides = [1]} : vector<16xf32> to vector<1xf32>
        %squeeze3A_2541 = vector.extract %slice3A_2540[0] : f32 from vector<1xf32>
        %mul3A_2542 = vector.broadcast %squeeze3A_2541 : f32 to vector<16xf32>
        %mul3A_2543 = arith.mulf %mul3A_2542, %get3A_2429 : vector<16xf32>
        %add3A_2544 = arith.addf %add3A_2338, %mul3A_2543 : vector<16xf32>
        %slice3A_2545 = vector.extract_strided_slice %mul3A_2422 {offsets = [11], sizes = [1], strides = [1]} : vector<16xf32> to vector<1xf32>
        %squeeze3A_2546 = vector.extract %slice3A_2545[0] : f32 from vector<1xf32>
        %mul3A_2547 = vector.broadcast %squeeze3A_2546 : f32 to vector<16xf32>
        %mul3A_2548 = arith.mulf %mul3A_2547, %get3A_2429 : vector<16xf32>
        %add3A_2549 = arith.addf %add3A_2343, %mul3A_2548 : vector<16xf32>
        %slice3A_2550 = vector.extract_strided_slice %mul3A_2417 {offsets = [12], sizes = [1], strides = [1]} : vector<16xf32> to vector<1xf32>
        %squeeze3A_2551 = vector.extract %slice3A_2550[0] : f32 from vector<1xf32>
        %mul3A_2552 = vector.broadcast %squeeze3A_2551 : f32 to vector<16xf32>
        %mul3A_2553 = arith.mulf %mul3A_2552, %get3A_2429 : vector<16xf32>
        %add3A_2554 = arith.addf %add3A_2348, %mul3A_2553 : vector<16xf32>
        %slice3A_2555 = vector.extract_strided_slice %mul3A_2422 {offsets = [12], sizes = [1], strides = [1]} : vector<16xf32> to vector<1xf32>
        %squeeze3A_2556 = vector.extract %slice3A_2555[0] : f32 from vector<1xf32>
        %mul3A_2557 = vector.broadcast %squeeze3A_2556 : f32 to vector<16xf32>
        %mul3A_2558 = arith.mulf %mul3A_2557, %get3A_2429 : vector<16xf32>
        %add3A_2559 = arith.addf %add3A_2353, %mul3A_2558 : vector<16xf32>
        %slice3A_2560 = vector.extract_strided_slice %mul3A_2417 {offsets = [13], sizes = [1], strides = [1]} : vector<16xf32> to vector<1xf32>
        %squeeze3A_2561 = vector.extract %slice3A_2560[0] : f32 from vector<1xf32>
        %mul3A_2562 = vector.broadcast %squeeze3A_2561 : f32 to vector<16xf32>
        %mul3A_2563 = arith.mulf %mul3A_2562, %get3A_2429 : vector<16xf32>
        %add3A_2564 = arith.addf %add3A_2358, %mul3A_2563 : vector<16xf32>
        %slice3A_2565 = vector.extract_strided_slice %mul3A_2422 {offsets = [13], sizes = [1], strides = [1]} : vector<16xf32> to vector<1xf32>
        %squeeze3A_2566 = vector.extract %slice3A_2565[0] : f32 from vector<1xf32>
        %mul3A_2567 = vector.broadcast %squeeze3A_2566 : f32 to vector<16xf32>
        %mul3A_2568 = arith.mulf %mul3A_2567, %get3A_2429 : vector<16xf32>
        %add3A_2569 = arith.addf %add3A_2363, %mul3A_2568 : vector<16xf32>
        %slice3A_2570 = vector.extract_strided_slice %mul3A_2417 {offsets = [14], sizes = [1], strides = [1]} : vector<16xf32> to vector<1xf32>
        %squeeze3A_2571 = vector.extract %slice3A_2570[0] : f32 from vector<1xf32>
        %mul3A_2572 = vector.broadcast %squeeze3A_2571 : f32 to vector<16xf32>
        %mul3A_2573 = arith.mulf %mul3A_2572, %get3A_2429 : vector<16xf32>
        %add3A_2574 = arith.addf %add3A_2368, %mul3A_2573 : vector<16xf32>
        %slice3A_2575 = vector.extract_strided_slice %mul3A_2422 {offsets = [14], sizes = [1], strides = [1]} : vector<16xf32> to vector<1xf32>
        %squeeze3A_2576 = vector.extract %slice3A_2575[0] : f32 from vector<1xf32>
        %mul3A_2577 = vector.broadcast %squeeze3A_2576 : f32 to vector<16xf32>
        %mul3A_2578 = arith.mulf %mul3A_2577, %get3A_2429 : vector<16xf32>
        %add3A_2579 = arith.addf %add3A_2373, %mul3A_2578 : vector<16xf32>
        %slice3A_2580 = vector.extract_strided_slice %mul3A_2417 {offsets = [15], sizes = [1], strides = [1]} : vector<16xf32> to vector<1xf32>
        %squeeze3A_2581 = vector.extract %slice3A_2580[0] : f32 from vector<1xf32>
        %mul3A_2582 = vector.broadcast %squeeze3A_2581 : f32 to vector<16xf32>
        %mul3A_2583 = arith.mulf %mul3A_2582, %get3A_2429 : vector<16xf32>
        %add3A_2584 = arith.addf %add3A_2378, %mul3A_2583 : vector<16xf32>
        %slice3A_2585 = vector.extract_strided_slice %mul3A_2422 {offsets = [15], sizes = [1], strides = [1]} : vector<16xf32> to vector<1xf32>
        %squeeze3A_2586 = vector.extract %slice3A_2585[0] : f32 from vector<1xf32>
        %mul3A_2587 = vector.broadcast %squeeze3A_2586 : f32 to vector<16xf32>
        %mul3A_2588 = arith.mulf %mul3A_2587, %get3A_2429 : vector<16xf32>
        %add3A_2589 = arith.addf %add3A_2383, %mul3A_2588 : vector<16xf32>
        %add3A_2590 = arith.constant 10 : i32
        %add3A_2591 = arith.addi %add3A_285, %add3A_2590 : i32
        %add3A_2592 = arith.constant 1 : i32
        %add3A_2593 = arith.addi %add3A_2591, %add3A_2592 : i32
        %lt3A_2594 = arith.constant 0 : i32
        %lt3A_2595 = vector.broadcast %lt3A_2594 : i32 to vector<16xi32>
        %lt3A_2596 = arith.cmpi slt, %add3A_13, %lt3A_2595 : vector<16xi32>
        %add3A_2597 = arith.constant 16 : i32
        %add3A_2598 = vector.broadcast %add3A_2597 : i32 to vector<16xi32>
        %add3A_2599 = arith.addi %add3A_13, %add3A_2598 : vector<16xi32>
        %select_n3A_2600 = arith.select %lt3A_2596, %add3A_2599, %add3A_13 : vector<16xi1>, vector<16xi32>
        %broadcast_in_dim3A_2601 = vector.shape_cast %select_n3A_2600 : vector<16xi32> to vector<16x1xi32>
        %gather3A_2602 = vector.shape_cast %broadcast_in_dim3A_2601 : vector<16x1xi32> to vector<16xi32>
        %gather3A_2603 = tpu.dynamic_gather %get3A_2388[%gather3A_2602] in [0] : vector<16xf32>, vector<16xi32> -> vector<16xf32>
        %lt3A_2604 = arith.constant 0 : i32
        %lt3A_2605 = vector.broadcast %lt3A_2604 : i32 to vector<16xi32>
        %lt3A_2606 = arith.cmpi slt, %add3A_16, %lt3A_2605 : vector<16xi32>
        %add3A_2607 = arith.constant 16 : i32
        %add3A_2608 = vector.broadcast %add3A_2607 : i32 to vector<16xi32>
        %add3A_2609 = arith.addi %add3A_16, %add3A_2608 : vector<16xi32>
        %select_n3A_2610 = arith.select %lt3A_2606, %add3A_2609, %add3A_16 : vector<16xi1>, vector<16xi32>
        %broadcast_in_dim3A_2611 = vector.shape_cast %select_n3A_2610 : vector<16xi32> to vector<16x1xi32>
        %gather3A_2612 = vector.shape_cast %broadcast_in_dim3A_2611 : vector<16x1xi32> to vector<16xi32>
        %gather3A_2613 = tpu.dynamic_gather %get3A_2388[%gather3A_2612] in [0] : vector<16xf32>, vector<16xi32> -> vector<16xf32>
        %get3A_2614 = arith.index_cast %add3A_2593 : i32 to index
        %get3A_2615 = arith.constant 0 : index
        %get3A_2616 = tpu.vector_load %arg8[%get3A_2614, %get3A_2615] {strides = array<i32>} : memref<800x32xf32, #tpu.memory_space<vmem>>, vector<1x16xf32>,
        %get3A_2617 = vector.shape_cast %get3A_2616 : vector<1x16xf32> to vector<16xf32>
        %mul3A_2618 = arith.mulf %get3A_2617, %gather3A_2603 : vector<16xf32>
        %get3A_2619 = arith.index_cast %add3A_2593 : i32 to index
        %get3A_2620 = arith.constant 16 : index
        %get3A_2621 = tpu.vector_load %arg8[%get3A_2619, %get3A_2620] {strides = array<i32>} : memref<800x32xf32, #tpu.memory_space<vmem>>, vector<1x16xf32>,
        %get3A_2622 = vector.shape_cast %get3A_2621 : vector<1x16xf32> to vector<16xf32>
        %mul3A_2623 = arith.mulf %get3A_2622, %gather3A_2613 : vector<16xf32>
        %sub3A_2624 = arith.subi %add3A_2593, %mul3A_254 : i32
        %mul3A_2625 = arith.constant 16 : i32
        %mul3A_2626 = arith.muli %sub3A_2624, %mul3A_2625 : i32
        %add3A_2627 = arith.addi %mul3A_2626, %mul3A_258 : i32
        %get3A_2628 = arith.index_cast %add3A_2627 : i32 to index
        %get3A_2629 = tpu.vector_load %arg10[%get3A_2628] {strides = array<i32>} : memref<12800xf32, #tpu.memory_space<vmem>>, vector<16xf32>,
        %get3A_2630 = vector.shape_cast %get3A_2629 : vector<16xf32> to vector<16xf32>
        %slice3A_2631 = vector.extract_strided_slice %mul3A_2618 {offsets = [0], sizes = [1], strides = [1]} : vector<16xf32> to vector<1xf32>
        %squeeze3A_2632 = vector.extract %slice3A_2631[0] : f32 from vector<1xf32>
        %mul3A_2633 = vector.broadcast %squeeze3A_2632 : f32 to vector<16xf32>
        %mul3A_2634 = arith.mulf %mul3A_2633, %get3A_2630 : vector<16xf32>
        %add3A_2635 = arith.addf %add3A_2434, %mul3A_2634 : vector<16xf32>
        %slice3A_2636 = vector.extract_strided_slice %mul3A_2623 {offsets = [0], sizes = [1], strides = [1]} : vector<16xf32> to vector<1xf32>
        %squeeze3A_2637 = vector.extract %slice3A_2636[0] : f32 from vector<1xf32>
        %mul3A_2638 = vector.broadcast %squeeze3A_2637 : f32 to vector<16xf32>
        %mul3A_2639 = arith.mulf %mul3A_2638, %get3A_2630 : vector<16xf32>
        %add3A_2640 = arith.addf %add3A_2439, %mul3A_2639 : vector<16xf32>
        %slice3A_2641 = vector.extract_strided_slice %mul3A_2618 {offsets = [1], sizes = [1], strides = [1]} : vector<16xf32> to vector<1xf32>
        %squeeze3A_2642 = vector.extract %slice3A_2641[0] : f32 from vector<1xf32>
        %mul3A_2643 = vector.broadcast %squeeze3A_2642 : f32 to vector<16xf32>
        %mul3A_2644 = arith.mulf %mul3A_2643, %get3A_2630 : vector<16xf32>
        %add3A_2645 = arith.addf %add3A_2444, %mul3A_2644 : vector<16xf32>
        %slice3A_2646 = vector.extract_strided_slice %mul3A_2623 {offsets = [1], sizes = [1], strides = [1]} : vector<16xf32> to vector<1xf32>
        %squeeze3A_2647 = vector.extract %slice3A_2646[0] : f32 from vector<1xf32>
        %mul3A_2648 = vector.broadcast %squeeze3A_2647 : f32 to vector<16xf32>
        %mul3A_2649 = arith.mulf %mul3A_2648, %get3A_2630 : vector<16xf32>
        %add3A_2650 = arith.addf %add3A_2449, %mul3A_2649 : vector<16xf32>
        %slice3A_2651 = vector.extract_strided_slice %mul3A_2618 {offsets = [2], sizes = [1], strides = [1]} : vector<16xf32> to vector<1xf32>
        %squeeze3A_2652 = vector.extract %slice3A_2651[0] : f32 from vector<1xf32>
        %mul3A_2653 = vector.broadcast %squeeze3A_2652 : f32 to vector<16xf32>
        %mul3A_2654 = arith.mulf %mul3A_2653, %get3A_2630 : vector<16xf32>
        %add3A_2655 = arith.addf %add3A_2454, %mul3A_2654 : vector<16xf32>
        %slice3A_2656 = vector.extract_strided_slice %mul3A_2623 {offsets = [2], sizes = [1], strides = [1]} : vector<16xf32> to vector<1xf32>
        %squeeze3A_2657 = vector.extract %slice3A_2656[0] : f32 from vector<1xf32>
        %mul3A_2658 = vector.broadcast %squeeze3A_2657 : f32 to vector<16xf32>
        %mul3A_2659 = arith.mulf %mul3A_2658, %get3A_2630 : vector<16xf32>
        %add3A_2660 = arith.addf %add3A_2459, %mul3A_2659 : vector<16xf32>
        %slice3A_2661 = vector.extract_strided_slice %mul3A_2618 {offsets = [3], sizes = [1], strides = [1]} : vector<16xf32> to vector<1xf32>
        %squeeze3A_2662 = vector.extract %slice3A_2661[0] : f32 from vector<1xf32>
        %mul3A_2663 = vector.broadcast %squeeze3A_2662 : f32 to vector<16xf32>
        %mul3A_2664 = arith.mulf %mul3A_2663, %get3A_2630 : vector<16xf32>
        %add3A_2665 = arith.addf %add3A_2464, %mul3A_2664 : vector<16xf32>
        %slice3A_2666 = vector.extract_strided_slice %mul3A_2623 {offsets = [3], sizes = [1], strides = [1]} : vector<16xf32> to vector<1xf32>
        %squeeze3A_2667 = vector.extract %slice3A_2666[0] : f32 from vector<1xf32>
        %mul3A_2668 = vector.broadcast %squeeze3A_2667 : f32 to vector<16xf32>
        %mul3A_2669 = arith.mulf %mul3A_2668, %get3A_2630 : vector<16xf32>
        %add3A_2670 = arith.addf %add3A_2469, %mul3A_2669 : vector<16xf32>
        %slice3A_2671 = vector.extract_strided_slice %mul3A_2618 {offsets = [4], sizes = [1], strides = [1]} : vector<16xf32> to vector<1xf32>
        %squeeze3A_2672 = vector.extract %slice3A_2671[0] : f32 from vector<1xf32>
        %mul3A_2673 = vector.broadcast %squeeze3A_2672 : f32 to vector<16xf32>
        %mul3A_2674 = arith.mulf %mul3A_2673, %get3A_2630 : vector<16xf32>
        %add3A_2675 = arith.addf %add3A_2474, %mul3A_2674 : vector<16xf32>
        %slice3A_2676 = vector.extract_strided_slice %mul3A_2623 {offsets = [4], sizes = [1], strides = [1]} : vector<16xf32> to vector<1xf32>
        %squeeze3A_2677 = vector.extract %slice3A_2676[0] : f32 from vector<1xf32>
        %mul3A_2678 = vector.broadcast %squeeze3A_2677 : f32 to vector<16xf32>
        %mul3A_2679 = arith.mulf %mul3A_2678, %get3A_2630 : vector<16xf32>
        %add3A_2680 = arith.addf %add3A_2479, %mul3A_2679 : vector<16xf32>
        %slice3A_2681 = vector.extract_strided_slice %mul3A_2618 {offsets = [5], sizes = [1], strides = [1]} : vector<16xf32> to vector<1xf32>
        %squeeze3A_2682 = vector.extract %slice3A_2681[0] : f32 from vector<1xf32>
        %mul3A_2683 = vector.broadcast %squeeze3A_2682 : f32 to vector<16xf32>
        %mul3A_2684 = arith.mulf %mul3A_2683, %get3A_2630 : vector<16xf32>
        %add3A_2685 = arith.addf %add3A_2484, %mul3A_2684 : vector<16xf32>
        %slice3A_2686 = vector.extract_strided_slice %mul3A_2623 {offsets = [5], sizes = [1], strides = [1]} : vector<16xf32> to vector<1xf32>
        %squeeze3A_2687 = vector.extract %slice3A_2686[0] : f32 from vector<1xf32>
        %mul3A_2688 = vector.broadcast %squeeze3A_2687 : f32 to vector<16xf32>
        %mul3A_2689 = arith.mulf %mul3A_2688, %get3A_2630 : vector<16xf32>
        %add3A_2690 = arith.addf %add3A_2489, %mul3A_2689 : vector<16xf32>
        %slice3A_2691 = vector.extract_strided_slice %mul3A_2618 {offsets = [6], sizes = [1], strides = [1]} : vector<16xf32> to vector<1xf32>
        %squeeze3A_2692 = vector.extract %slice3A_2691[0] : f32 from vector<1xf32>
        %mul3A_2693 = vector.broadcast %squeeze3A_2692 : f32 to vector<16xf32>
        %mul3A_2694 = arith.mulf %mul3A_2693, %get3A_2630 : vector<16xf32>
        %add3A_2695 = arith.addf %add3A_2494, %mul3A_2694 : vector<16xf32>
        %slice3A_2696 = vector.extract_strided_slice %mul3A_2623 {offsets = [6], sizes = [1], strides = [1]} : vector<16xf32> to vector<1xf32>
        %squeeze3A_2697 = vector.extract %slice3A_2696[0] : f32 from vector<1xf32>
        %mul3A_2698 = vector.broadcast %squeeze3A_2697 : f32 to vector<16xf32>
        %mul3A_2699 = arith.mulf %mul3A_2698, %get3A_2630 : vector<16xf32>
        %add3A_2700 = arith.addf %add3A_2499, %mul3A_2699 : vector<16xf32>
        %slice3A_2701 = vector.extract_strided_slice %mul3A_2618 {offsets = [7], sizes = [1], strides = [1]} : vector<16xf32> to vector<1xf32>
        %squeeze3A_2702 = vector.extract %slice3A_2701[0] : f32 from vector<1xf32>
        %mul3A_2703 = vector.broadcast %squeeze3A_2702 : f32 to vector<16xf32>
        %mul3A_2704 = arith.mulf %mul3A_2703, %get3A_2630 : vector<16xf32>
        %add3A_2705 = arith.addf %add3A_2504, %mul3A_2704 : vector<16xf32>
        %slice3A_2706 = vector.extract_strided_slice %mul3A_2623 {offsets = [7], sizes = [1], strides = [1]} : vector<16xf32> to vector<1xf32>
        %squeeze3A_2707 = vector.extract %slice3A_2706[0] : f32 from vector<1xf32>
        %mul3A_2708 = vector.broadcast %squeeze3A_2707 : f32 to vector<16xf32>
        %mul3A_2709 = arith.mulf %mul3A_2708, %get3A_2630 : vector<16xf32>
        %add3A_2710 = arith.addf %add3A_2509, %mul3A_2709 : vector<16xf32>
        %slice3A_2711 = vector.extract_strided_slice %mul3A_2618 {offsets = [8], sizes = [1], strides = [1]} : vector<16xf32> to vector<1xf32>
        %squeeze3A_2712 = vector.extract %slice3A_2711[0] : f32 from vector<1xf32>
        %mul3A_2713 = vector.broadcast %squeeze3A_2712 : f32 to vector<16xf32>
        %mul3A_2714 = arith.mulf %mul3A_2713, %get3A_2630 : vector<16xf32>
        %add3A_2715 = arith.addf %add3A_2514, %mul3A_2714 : vector<16xf32>
        %slice3A_2716 = vector.extract_strided_slice %mul3A_2623 {offsets = [8], sizes = [1], strides = [1]} : vector<16xf32> to vector<1xf32>
        %squeeze3A_2717 = vector.extract %slice3A_2716[0] : f32 from vector<1xf32>
        %mul3A_2718 = vector.broadcast %squeeze3A_2717 : f32 to vector<16xf32>
        %mul3A_2719 = arith.mulf %mul3A_2718, %get3A_2630 : vector<16xf32>
        %add3A_2720 = arith.addf %add3A_2519, %mul3A_2719 : vector<16xf32>
        %slice3A_2721 = vector.extract_strided_slice %mul3A_2618 {offsets = [9], sizes = [1], strides = [1]} : vector<16xf32> to vector<1xf32>
        %squeeze3A_2722 = vector.extract %slice3A_2721[0] : f32 from vector<1xf32>
        %mul3A_2723 = vector.broadcast %squeeze3A_2722 : f32 to vector<16xf32>
        %mul3A_2724 = arith.mulf %mul3A_2723, %get3A_2630 : vector<16xf32>
        %add3A_2725 = arith.addf %add3A_2524, %mul3A_2724 : vector<16xf32>
        %slice3A_2726 = vector.extract_strided_slice %mul3A_2623 {offsets = [9], sizes = [1], strides = [1]} : vector<16xf32> to vector<1xf32>
        %squeeze3A_2727 = vector.extract %slice3A_2726[0] : f32 from vector<1xf32>
        %mul3A_2728 = vector.broadcast %squeeze3A_2727 : f32 to vector<16xf32>
        %mul3A_2729 = arith.mulf %mul3A_2728, %get3A_2630 : vector<16xf32>
        %add3A_2730 = arith.addf %add3A_2529, %mul3A_2729 : vector<16xf32>
        %slice3A_2731 = vector.extract_strided_slice %mul3A_2618 {offsets = [10], sizes = [1], strides = [1]} : vector<16xf32> to vector<1xf32>
        %squeeze3A_2732 = vector.extract %slice3A_2731[0] : f32 from vector<1xf32>
        %mul3A_2733 = vector.broadcast %squeeze3A_2732 : f32 to vector<16xf32>
        %mul3A_2734 = arith.mulf %mul3A_2733, %get3A_2630 : vector<16xf32>
        %add3A_2735 = arith.addf %add3A_2534, %mul3A_2734 : vector<16xf32>
        %slice3A_2736 = vector.extract_strided_slice %mul3A_2623 {offsets = [10], sizes = [1], strides = [1]} : vector<16xf32> to vector<1xf32>
        %squeeze3A_2737 = vector.extract %slice3A_2736[0] : f32 from vector<1xf32>
        %mul3A_2738 = vector.broadcast %squeeze3A_2737 : f32 to vector<16xf32>
        %mul3A_2739 = arith.mulf %mul3A_2738, %get3A_2630 : vector<16xf32>
        %add3A_2740 = arith.addf %add3A_2539, %mul3A_2739 : vector<16xf32>
        %slice3A_2741 = vector.extract_strided_slice %mul3A_2618 {offsets = [11], sizes = [1], strides = [1]} : vector<16xf32> to vector<1xf32>
        %squeeze3A_2742 = vector.extract %slice3A_2741[0] : f32 from vector<1xf32>
        %mul3A_2743 = vector.broadcast %squeeze3A_2742 : f32 to vector<16xf32>
        %mul3A_2744 = arith.mulf %mul3A_2743, %get3A_2630 : vector<16xf32>
        %add3A_2745 = arith.addf %add3A_2544, %mul3A_2744 : vector<16xf32>
        %slice3A_2746 = vector.extract_strided_slice %mul3A_2623 {offsets = [11], sizes = [1], strides = [1]} : vector<16xf32> to vector<1xf32>
        %squeeze3A_2747 = vector.extract %slice3A_2746[0] : f32 from vector<1xf32>
        %mul3A_2748 = vector.broadcast %squeeze3A_2747 : f32 to vector<16xf32>
        %mul3A_2749 = arith.mulf %mul3A_2748, %get3A_2630 : vector<16xf32>
        %add3A_2750 = arith.addf %add3A_2549, %mul3A_2749 : vector<16xf32>
        %slice3A_2751 = vector.extract_strided_slice %mul3A_2618 {offsets = [12], sizes = [1], strides = [1]} : vector<16xf32> to vector<1xf32>
        %squeeze3A_2752 = vector.extract %slice3A_2751[0] : f32 from vector<1xf32>
        %mul3A_2753 = vector.broadcast %squeeze3A_2752 : f32 to vector<16xf32>
        %mul3A_2754 = arith.mulf %mul3A_2753, %get3A_2630 : vector<16xf32>
        %add3A_2755 = arith.addf %add3A_2554, %mul3A_2754 : vector<16xf32>
        %slice3A_2756 = vector.extract_strided_slice %mul3A_2623 {offsets = [12], sizes = [1], strides = [1]} : vector<16xf32> to vector<1xf32>
        %squeeze3A_2757 = vector.extract %slice3A_2756[0] : f32 from vector<1xf32>
        %mul3A_2758 = vector.broadcast %squeeze3A_2757 : f32 to vector<16xf32>
        %mul3A_2759 = arith.mulf %mul3A_2758, %get3A_2630 : vector<16xf32>
        %add3A_2760 = arith.addf %add3A_2559, %mul3A_2759 : vector<16xf32>
        %slice3A_2761 = vector.extract_strided_slice %mul3A_2618 {offsets = [13], sizes = [1], strides = [1]} : vector<16xf32> to vector<1xf32>
        %squeeze3A_2762 = vector.extract %slice3A_2761[0] : f32 from vector<1xf32>
        %mul3A_2763 = vector.broadcast %squeeze3A_2762 : f32 to vector<16xf32>
        %mul3A_2764 = arith.mulf %mul3A_2763, %get3A_2630 : vector<16xf32>
        %add3A_2765 = arith.addf %add3A_2564, %mul3A_2764 : vector<16xf32>
        %slice3A_2766 = vector.extract_strided_slice %mul3A_2623 {offsets = [13], sizes = [1], strides = [1]} : vector<16xf32> to vector<1xf32>
        %squeeze3A_2767 = vector.extract %slice3A_2766[0] : f32 from vector<1xf32>
        %mul3A_2768 = vector.broadcast %squeeze3A_2767 : f32 to vector<16xf32>
        %mul3A_2769 = arith.mulf %mul3A_2768, %get3A_2630 : vector<16xf32>
        %add3A_2770 = arith.addf %add3A_2569, %mul3A_2769 : vector<16xf32>
        %slice3A_2771 = vector.extract_strided_slice %mul3A_2618 {offsets = [14], sizes = [1], strides = [1]} : vector<16xf32> to vector<1xf32>
        %squeeze3A_2772 = vector.extract %slice3A_2771[0] : f32 from vector<1xf32>
        %mul3A_2773 = vector.broadcast %squeeze3A_2772 : f32 to vector<16xf32>
        %mul3A_2774 = arith.mulf %mul3A_2773, %get3A_2630 : vector<16xf32>
        %add3A_2775 = arith.addf %add3A_2574, %mul3A_2774 : vector<16xf32>
        %slice3A_2776 = vector.extract_strided_slice %mul3A_2623 {offsets = [14], sizes = [1], strides = [1]} : vector<16xf32> to vector<1xf32>
        %squeeze3A_2777 = vector.extract %slice3A_2776[0] : f32 from vector<1xf32>
        %mul3A_2778 = vector.broadcast %squeeze3A_2777 : f32 to vector<16xf32>
        %mul3A_2779 = arith.mulf %mul3A_2778, %get3A_2630 : vector<16xf32>
        %add3A_2780 = arith.addf %add3A_2579, %mul3A_2779 : vector<16xf32>
        %slice3A_2781 = vector.extract_strided_slice %mul3A_2618 {offsets = [15], sizes = [1], strides = [1]} : vector<16xf32> to vector<1xf32>
        %squeeze3A_2782 = vector.extract %slice3A_2781[0] : f32 from vector<1xf32>
        %mul3A_2783 = vector.broadcast %squeeze3A_2782 : f32 to vector<16xf32>
        %mul3A_2784 = arith.mulf %mul3A_2783, %get3A_2630 : vector<16xf32>
        %add3A_2785 = arith.addf %add3A_2584, %mul3A_2784 : vector<16xf32>
        %slice3A_2786 = vector.extract_strided_slice %mul3A_2623 {offsets = [15], sizes = [1], strides = [1]} : vector<16xf32> to vector<1xf32>
        %squeeze3A_2787 = vector.extract %slice3A_2786[0] : f32 from vector<1xf32>
        %mul3A_2788 = vector.broadcast %squeeze3A_2787 : f32 to vector<16xf32>
        %mul3A_2789 = arith.mulf %mul3A_2788, %get3A_2630 : vector<16xf32>
        %add3A_2790 = arith.addf %add3A_2589, %mul3A_2789 : vector<16xf32>
        %add3A_2791 = arith.constant 96 : i32
        %add3A_2792 = arith.addi %add3A_290, %add3A_2791 : i32
        %get3A_2793 = arith.index_cast %add3A_2792 : i32 to index
        %get3A_2794 = tpu.vector_load %arg9[%get3A_2793] {strides = array<i32>} : memref<6400xf32, #tpu.memory_space<vmem>>, vector<16xf32>,
        %get3A_2795 = vector.shape_cast %get3A_2794 : vector<16xf32> to vector<16xf32>
        %add3A_2796 = arith.constant 12 : i32
        %add3A_2797 = arith.addi %add3A_285, %add3A_2796 : i32
        %add3A_2798 = arith.constant 0 : i32
        %add3A_2799 = arith.addi %add3A_2797, %add3A_2798 : i32
        %lt3A_2800 = arith.constant 0 : i32
        %lt3A_2801 = vector.broadcast %lt3A_2800 : i32 to vector<16xi32>
        %lt3A_2802 = arith.cmpi slt, %add3A_7, %lt3A_2801 : vector<16xi32>
        %add3A_2803 = arith.constant 16 : i32
        %add3A_2804 = vector.broadcast %add3A_2803 : i32 to vector<16xi32>
        %add3A_2805 = arith.addi %add3A_7, %add3A_2804 : vector<16xi32>
        %select_n3A_2806 = arith.select %lt3A_2802, %add3A_2805, %add3A_7 : vector<16xi1>, vector<16xi32>
        %broadcast_in_dim3A_2807 = vector.shape_cast %select_n3A_2806 : vector<16xi32> to vector<16x1xi32>
        %gather3A_2808 = vector.shape_cast %broadcast_in_dim3A_2807 : vector<16x1xi32> to vector<16xi32>
        %gather3A_2809 = tpu.dynamic_gather %get3A_2795[%gather3A_2808] in [0] : vector<16xf32>, vector<16xi32> -> vector<16xf32>
        %lt3A_2810 = arith.constant 0 : i32
        %lt3A_2811 = vector.broadcast %lt3A_2810 : i32 to vector<16xi32>
        %lt3A_2812 = arith.cmpi slt, %add3A_10, %lt3A_2811 : vector<16xi32>
        %add3A_2813 = arith.constant 16 : i32
        %add3A_2814 = vector.broadcast %add3A_2813 : i32 to vector<16xi32>
        %add3A_2815 = arith.addi %add3A_10, %add3A_2814 : vector<16xi32>
        %select_n3A_2816 = arith.select %lt3A_2812, %add3A_2815, %add3A_10 : vector<16xi1>, vector<16xi32>
        %broadcast_in_dim3A_2817 = vector.shape_cast %select_n3A_2816 : vector<16xi32> to vector<16x1xi32>
        %gather3A_2818 = vector.shape_cast %broadcast_in_dim3A_2817 : vector<16x1xi32> to vector<16xi32>
        %gather3A_2819 = tpu.dynamic_gather %get3A_2795[%gather3A_2818] in [0] : vector<16xf32>, vector<16xi32> -> vector<16xf32>
        %get3A_2820 = arith.index_cast %add3A_2799 : i32 to index
        %get3A_2821 = arith.constant 0 : index
        %get3A_2822 = tpu.vector_load %arg8[%get3A_2820, %get3A_2821] {strides = array<i32>} : memref<800x32xf32, #tpu.memory_space<vmem>>, vector<1x16xf32>,
        %get3A_2823 = vector.shape_cast %get3A_2822 : vector<1x16xf32> to vector<16xf32>
        %mul3A_2824 = arith.mulf %get3A_2823, %gather3A_2809 : vector<16xf32>
        %get3A_2825 = arith.index_cast %add3A_2799 : i32 to index
        %get3A_2826 = arith.constant 16 : index
        %get3A_2827 = tpu.vector_load %arg8[%get3A_2825, %get3A_2826] {strides = array<i32>} : memref<800x32xf32, #tpu.memory_space<vmem>>, vector<1x16xf32>,
        %get3A_2828 = vector.shape_cast %get3A_2827 : vector<1x16xf32> to vector<16xf32>
        %mul3A_2829 = arith.mulf %get3A_2828, %gather3A_2819 : vector<16xf32>
        %sub3A_2830 = arith.subi %add3A_2799, %mul3A_254 : i32
        %mul3A_2831 = arith.constant 16 : i32
        %mul3A_2832 = arith.muli %sub3A_2830, %mul3A_2831 : i32
        %add3A_2833 = arith.addi %mul3A_2832, %mul3A_258 : i32
        %get3A_2834 = arith.index_cast %add3A_2833 : i32 to index
        %get3A_2835 = tpu.vector_load %arg10[%get3A_2834] {strides = array<i32>} : memref<12800xf32, #tpu.memory_space<vmem>>, vector<16xf32>,
        %get3A_2836 = vector.shape_cast %get3A_2835 : vector<16xf32> to vector<16xf32>
        %slice3A_2837 = vector.extract_strided_slice %mul3A_2824 {offsets = [0], sizes = [1], strides = [1]} : vector<16xf32> to vector<1xf32>
        %squeeze3A_2838 = vector.extract %slice3A_2837[0] : f32 from vector<1xf32>
        %mul3A_2839 = vector.broadcast %squeeze3A_2838 : f32 to vector<16xf32>
        %mul3A_2840 = arith.mulf %mul3A_2839, %get3A_2836 : vector<16xf32>
        %add3A_2841 = arith.addf %add3A_2635, %mul3A_2840 : vector<16xf32>
        %slice3A_2842 = vector.extract_strided_slice %mul3A_2829 {offsets = [0], sizes = [1], strides = [1]} : vector<16xf32> to vector<1xf32>
        %squeeze3A_2843 = vector.extract %slice3A_2842[0] : f32 from vector<1xf32>
        %mul3A_2844 = vector.broadcast %squeeze3A_2843 : f32 to vector<16xf32>
        %mul3A_2845 = arith.mulf %mul3A_2844, %get3A_2836 : vector<16xf32>
        %add3A_2846 = arith.addf %add3A_2640, %mul3A_2845 : vector<16xf32>
        %slice3A_2847 = vector.extract_strided_slice %mul3A_2824 {offsets = [1], sizes = [1], strides = [1]} : vector<16xf32> to vector<1xf32>
        %squeeze3A_2848 = vector.extract %slice3A_2847[0] : f32 from vector<1xf32>
        %mul3A_2849 = vector.broadcast %squeeze3A_2848 : f32 to vector<16xf32>
        %mul3A_2850 = arith.mulf %mul3A_2849, %get3A_2836 : vector<16xf32>
        %add3A_2851 = arith.addf %add3A_2645, %mul3A_2850 : vector<16xf32>
        %slice3A_2852 = vector.extract_strided_slice %mul3A_2829 {offsets = [1], sizes = [1], strides = [1]} : vector<16xf32> to vector<1xf32>
        %squeeze3A_2853 = vector.extract %slice3A_2852[0] : f32 from vector<1xf32>
        %mul3A_2854 = vector.broadcast %squeeze3A_2853 : f32 to vector<16xf32>
        %mul3A_2855 = arith.mulf %mul3A_2854, %get3A_2836 : vector<16xf32>
        %add3A_2856 = arith.addf %add3A_2650, %mul3A_2855 : vector<16xf32>
        %slice3A_2857 = vector.extract_strided_slice %mul3A_2824 {offsets = [2], sizes = [1], strides = [1]} : vector<16xf32> to vector<1xf32>
        %squeeze3A_2858 = vector.extract %slice3A_2857[0] : f32 from vector<1xf32>
        %mul3A_2859 = vector.broadcast %squeeze3A_2858 : f32 to vector<16xf32>
        %mul3A_2860 = arith.mulf %mul3A_2859, %get3A_2836 : vector<16xf32>
        %add3A_2861 = arith.addf %add3A_2655, %mul3A_2860 : vector<16xf32>
        %slice3A_2862 = vector.extract_strided_slice %mul3A_2829 {offsets = [2], sizes = [1], strides = [1]} : vector<16xf32> to vector<1xf32>
        %squeeze3A_2863 = vector.extract %slice3A_2862[0] : f32 from vector<1xf32>
        %mul3A_2864 = vector.broadcast %squeeze3A_2863 : f32 to vector<16xf32>
        %mul3A_2865 = arith.mulf %mul3A_2864, %get3A_2836 : vector<16xf32>
        %add3A_2866 = arith.addf %add3A_2660, %mul3A_2865 : vector<16xf32>
        %slice3A_2867 = vector.extract_strided_slice %mul3A_2824 {offsets = [3], sizes = [1], strides = [1]} : vector<16xf32> to vector<1xf32>
        %squeeze3A_2868 = vector.extract %slice3A_2867[0] : f32 from vector<1xf32>
        %mul3A_2869 = vector.broadcast %squeeze3A_2868 : f32 to vector<16xf32>
        %mul3A_2870 = arith.mulf %mul3A_2869, %get3A_2836 : vector<16xf32>
        %add3A_2871 = arith.addf %add3A_2665, %mul3A_2870 : vector<16xf32>
        %slice3A_2872 = vector.extract_strided_slice %mul3A_2829 {offsets = [3], sizes = [1], strides = [1]} : vector<16xf32> to vector<1xf32>
        %squeeze3A_2873 = vector.extract %slice3A_2872[0] : f32 from vector<1xf32>
        %mul3A_2874 = vector.broadcast %squeeze3A_2873 : f32 to vector<16xf32>
        %mul3A_2875 = arith.mulf %mul3A_2874, %get3A_2836 : vector<16xf32>
        %add3A_2876 = arith.addf %add3A_2670, %mul3A_2875 : vector<16xf32>
        %slice3A_2877 = vector.extract_strided_slice %mul3A_2824 {offsets = [4], sizes = [1], strides = [1]} : vector<16xf32> to vector<1xf32>
        %squeeze3A_2878 = vector.extract %slice3A_2877[0] : f32 from vector<1xf32>
        %mul3A_2879 = vector.broadcast %squeeze3A_2878 : f32 to vector<16xf32>
        %mul3A_2880 = arith.mulf %mul3A_2879, %get3A_2836 : vector<16xf32>
        %add3A_2881 = arith.addf %add3A_2675, %mul3A_2880 : vector<16xf32>
        %slice3A_2882 = vector.extract_strided_slice %mul3A_2829 {offsets = [4], sizes = [1], strides = [1]} : vector<16xf32> to vector<1xf32>
        %squeeze3A_2883 = vector.extract %slice3A_2882[0] : f32 from vector<1xf32>
        %mul3A_2884 = vector.broadcast %squeeze3A_2883 : f32 to vector<16xf32>
        %mul3A_2885 = arith.mulf %mul3A_2884, %get3A_2836 : vector<16xf32>
        %add3A_2886 = arith.addf %add3A_2680, %mul3A_2885 : vector<16xf32>
        %slice3A_2887 = vector.extract_strided_slice %mul3A_2824 {offsets = [5], sizes = [1], strides = [1]} : vector<16xf32> to vector<1xf32>
        %squeeze3A_2888 = vector.extract %slice3A_2887[0] : f32 from vector<1xf32>
        %mul3A_2889 = vector.broadcast %squeeze3A_2888 : f32 to vector<16xf32>
        %mul3A_2890 = arith.mulf %mul3A_2889, %get3A_2836 : vector<16xf32>
        %add3A_2891 = arith.addf %add3A_2685, %mul3A_2890 : vector<16xf32>
        %slice3A_2892 = vector.extract_strided_slice %mul3A_2829 {offsets = [5], sizes = [1], strides = [1]} : vector<16xf32> to vector<1xf32>
        %squeeze3A_2893 = vector.extract %slice3A_2892[0] : f32 from vector<1xf32>
        %mul3A_2894 = vector.broadcast %squeeze3A_2893 : f32 to vector<16xf32>
        %mul3A_2895 = arith.mulf %mul3A_2894, %get3A_2836 : vector<16xf32>
        %add3A_2896 = arith.addf %add3A_2690, %mul3A_2895 : vector<16xf32>
        %slice3A_2897 = vector.extract_strided_slice %mul3A_2824 {offsets = [6], sizes = [1], strides = [1]} : vector<16xf32> to vector<1xf32>
        %squeeze3A_2898 = vector.extract %slice3A_2897[0] : f32 from vector<1xf32>
        %mul3A_2899 = vector.broadcast %squeeze3A_2898 : f32 to vector<16xf32>
        %mul3A_2900 = arith.mulf %mul3A_2899, %get3A_2836 : vector<16xf32>
        %add3A_2901 = arith.addf %add3A_2695, %mul3A_2900 : vector<16xf32>
        %slice3A_2902 = vector.extract_strided_slice %mul3A_2829 {offsets = [6], sizes = [1], strides = [1]} : vector<16xf32> to vector<1xf32>
        %squeeze3A_2903 = vector.extract %slice3A_2902[0] : f32 from vector<1xf32>
        %mul3A_2904 = vector.broadcast %squeeze3A_2903 : f32 to vector<16xf32>
        %mul3A_2905 = arith.mulf %mul3A_2904, %get3A_2836 : vector<16xf32>
        %add3A_2906 = arith.addf %add3A_2700, %mul3A_2905 : vector<16xf32>
        %slice3A_2907 = vector.extract_strided_slice %mul3A_2824 {offsets = [7], sizes = [1], strides = [1]} : vector<16xf32> to vector<1xf32>
        %squeeze3A_2908 = vector.extract %slice3A_2907[0] : f32 from vector<1xf32>
        %mul3A_2909 = vector.broadcast %squeeze3A_2908 : f32 to vector<16xf32>
        %mul3A_2910 = arith.mulf %mul3A_2909, %get3A_2836 : vector<16xf32>
        %add3A_2911 = arith.addf %add3A_2705, %mul3A_2910 : vector<16xf32>
        %slice3A_2912 = vector.extract_strided_slice %mul3A_2829 {offsets = [7], sizes = [1], strides = [1]} : vector<16xf32> to vector<1xf32>
        %squeeze3A_2913 = vector.extract %slice3A_2912[0] : f32 from vector<1xf32>
        %mul3A_2914 = vector.broadcast %squeeze3A_2913 : f32 to vector<16xf32>
        %mul3A_2915 = arith.mulf %mul3A_2914, %get3A_2836 : vector<16xf32>
        %add3A_2916 = arith.addf %add3A_2710, %mul3A_2915 : vector<16xf32>
        %slice3A_2917 = vector.extract_strided_slice %mul3A_2824 {offsets = [8], sizes = [1], strides = [1]} : vector<16xf32> to vector<1xf32>
        %squeeze3A_2918 = vector.extract %slice3A_2917[0] : f32 from vector<1xf32>
        %mul3A_2919 = vector.broadcast %squeeze3A_2918 : f32 to vector<16xf32>
        %mul3A_2920 = arith.mulf %mul3A_2919, %get3A_2836 : vector<16xf32>
        %add3A_2921 = arith.addf %add3A_2715, %mul3A_2920 : vector<16xf32>
        %slice3A_2922 = vector.extract_strided_slice %mul3A_2829 {offsets = [8], sizes = [1], strides = [1]} : vector<16xf32> to vector<1xf32>
        %squeeze3A_2923 = vector.extract %slice3A_2922[0] : f32 from vector<1xf32>
        %mul3A_2924 = vector.broadcast %squeeze3A_2923 : f32 to vector<16xf32>
        %mul3A_2925 = arith.mulf %mul3A_2924, %get3A_2836 : vector<16xf32>
        %add3A_2926 = arith.addf %add3A_2720, %mul3A_2925 : vector<16xf32>
        %slice3A_2927 = vector.extract_strided_slice %mul3A_2824 {offsets = [9], sizes = [1], strides = [1]} : vector<16xf32> to vector<1xf32>
        %squeeze3A_2928 = vector.extract %slice3A_2927[0] : f32 from vector<1xf32>
        %mul3A_2929 = vector.broadcast %squeeze3A_2928 : f32 to vector<16xf32>
        %mul3A_2930 = arith.mulf %mul3A_2929, %get3A_2836 : vector<16xf32>
        %add3A_2931 = arith.addf %add3A_2725, %mul3A_2930 : vector<16xf32>
        %slice3A_2932 = vector.extract_strided_slice %mul3A_2829 {offsets = [9], sizes = [1], strides = [1]} : vector<16xf32> to vector<1xf32>
        %squeeze3A_2933 = vector.extract %slice3A_2932[0] : f32 from vector<1xf32>
        %mul3A_2934 = vector.broadcast %squeeze3A_2933 : f32 to vector<16xf32>
        %mul3A_2935 = arith.mulf %mul3A_2934, %get3A_2836 : vector<16xf32>
        %add3A_2936 = arith.addf %add3A_2730, %mul3A_2935 : vector<16xf32>
        %slice3A_2937 = vector.extract_strided_slice %mul3A_2824 {offsets = [10], sizes = [1], strides = [1]} : vector<16xf32> to vector<1xf32>
        %squeeze3A_2938 = vector.extract %slice3A_2937[0] : f32 from vector<1xf32>
        %mul3A_2939 = vector.broadcast %squeeze3A_2938 : f32 to vector<16xf32>
        %mul3A_2940 = arith.mulf %mul3A_2939, %get3A_2836 : vector<16xf32>
        %add3A_2941 = arith.addf %add3A_2735, %mul3A_2940 : vector<16xf32>
        %slice3A_2942 = vector.extract_strided_slice %mul3A_2829 {offsets = [10], sizes = [1], strides = [1]} : vector<16xf32> to vector<1xf32>
        %squeeze3A_2943 = vector.extract %slice3A_2942[0] : f32 from vector<1xf32>
        %mul3A_2944 = vector.broadcast %squeeze3A_2943 : f32 to vector<16xf32>
        %mul3A_2945 = arith.mulf %mul3A_2944, %get3A_2836 : vector<16xf32>
        %add3A_2946 = arith.addf %add3A_2740, %mul3A_2945 : vector<16xf32>
        %slice3A_2947 = vector.extract_strided_slice %mul3A_2824 {offsets = [11], sizes = [1], strides = [1]} : vector<16xf32> to vector<1xf32>
        %squeeze3A_2948 = vector.extract %slice3A_2947[0] : f32 from vector<1xf32>
        %mul3A_2949 = vector.broadcast %squeeze3A_2948 : f32 to vector<16xf32>
        %mul3A_2950 = arith.mulf %mul3A_2949, %get3A_2836 : vector<16xf32>
        %add3A_2951 = arith.addf %add3A_2745, %mul3A_2950 : vector<16xf32>
        %slice3A_2952 = vector.extract_strided_slice %mul3A_2829 {offsets = [11], sizes = [1], strides = [1]} : vector<16xf32> to vector<1xf32>
        %squeeze3A_2953 = vector.extract %slice3A_2952[0] : f32 from vector<1xf32>
        %mul3A_2954 = vector.broadcast %squeeze3A_2953 : f32 to vector<16xf32>
        %mul3A_2955 = arith.mulf %mul3A_2954, %get3A_2836 : vector<16xf32>
        %add3A_2956 = arith.addf %add3A_2750, %mul3A_2955 : vector<16xf32>
        %slice3A_2957 = vector.extract_strided_slice %mul3A_2824 {offsets = [12], sizes = [1], strides = [1]} : vector<16xf32> to vector<1xf32>
        %squeeze3A_2958 = vector.extract %slice3A_2957[0] : f32 from vector<1xf32>
        %mul3A_2959 = vector.broadcast %squeeze3A_2958 : f32 to vector<16xf32>
        %mul3A_2960 = arith.mulf %mul3A_2959, %get3A_2836 : vector<16xf32>
        %add3A_2961 = arith.addf %add3A_2755, %mul3A_2960 : vector<16xf32>
        %slice3A_2962 = vector.extract_strided_slice %mul3A_2829 {offsets = [12], sizes = [1], strides = [1]} : vector<16xf32> to vector<1xf32>
        %squeeze3A_2963 = vector.extract %slice3A_2962[0] : f32 from vector<1xf32>
        %mul3A_2964 = vector.broadcast %squeeze3A_2963 : f32 to vector<16xf32>
        %mul3A_2965 = arith.mulf %mul3A_2964, %get3A_2836 : vector<16xf32>
        %add3A_2966 = arith.addf %add3A_2760, %mul3A_2965 : vector<16xf32>
        %slice3A_2967 = vector.extract_strided_slice %mul3A_2824 {offsets = [13], sizes = [1], strides = [1]} : vector<16xf32> to vector<1xf32>
        %squeeze3A_2968 = vector.extract %slice3A_2967[0] : f32 from vector<1xf32>
        %mul3A_2969 = vector.broadcast %squeeze3A_2968 : f32 to vector<16xf32>
        %mul3A_2970 = arith.mulf %mul3A_2969, %get3A_2836 : vector<16xf32>
        %add3A_2971 = arith.addf %add3A_2765, %mul3A_2970 : vector<16xf32>
        %slice3A_2972 = vector.extract_strided_slice %mul3A_2829 {offsets = [13], sizes = [1], strides = [1]} : vector<16xf32> to vector<1xf32>
        %squeeze3A_2973 = vector.extract %slice3A_2972[0] : f32 from vector<1xf32>
        %mul3A_2974 = vector.broadcast %squeeze3A_2973 : f32 to vector<16xf32>
        %mul3A_2975 = arith.mulf %mul3A_2974, %get3A_2836 : vector<16xf32>
        %add3A_2976 = arith.addf %add3A_2770, %mul3A_2975 : vector<16xf32>
        %slice3A_2977 = vector.extract_strided_slice %mul3A_2824 {offsets = [14], sizes = [1], strides = [1]} : vector<16xf32> to vector<1xf32>
        %squeeze3A_2978 = vector.extract %slice3A_2977[0] : f32 from vector<1xf32>
        %mul3A_2979 = vector.broadcast %squeeze3A_2978 : f32 to vector<16xf32>
        %mul3A_2980 = arith.mulf %mul3A_2979, %get3A_2836 : vector<16xf32>
        %add3A_2981 = arith.addf %add3A_2775, %mul3A_2980 : vector<16xf32>
        %slice3A_2982 = vector.extract_strided_slice %mul3A_2829 {offsets = [14], sizes = [1], strides = [1]} : vector<16xf32> to vector<1xf32>
        %squeeze3A_2983 = vector.extract %slice3A_2982[0] : f32 from vector<1xf32>
        %mul3A_2984 = vector.broadcast %squeeze3A_2983 : f32 to vector<16xf32>
        %mul3A_2985 = arith.mulf %mul3A_2984, %get3A_2836 : vector<16xf32>
        %add3A_2986 = arith.addf %add3A_2780, %mul3A_2985 : vector<16xf32>
        %slice3A_2987 = vector.extract_strided_slice %mul3A_2824 {offsets = [15], sizes = [1], strides = [1]} : vector<16xf32> to vector<1xf32>
        %squeeze3A_2988 = vector.extract %slice3A_2987[0] : f32 from vector<1xf32>
        %mul3A_2989 = vector.broadcast %squeeze3A_2988 : f32 to vector<16xf32>
        %mul3A_2990 = arith.mulf %mul3A_2989, %get3A_2836 : vector<16xf32>
        %add3A_2991 = arith.addf %add3A_2785, %mul3A_2990 : vector<16xf32>
        %slice3A_2992 = vector.extract_strided_slice %mul3A_2829 {offsets = [15], sizes = [1], strides = [1]} : vector<16xf32> to vector<1xf32>
        %squeeze3A_2993 = vector.extract %slice3A_2992[0] : f32 from vector<1xf32>
        %mul3A_2994 = vector.broadcast %squeeze3A_2993 : f32 to vector<16xf32>
        %mul3A_2995 = arith.mulf %mul3A_2994, %get3A_2836 : vector<16xf32>
        %add3A_2996 = arith.addf %add3A_2790, %mul3A_2995 : vector<16xf32>
        %add3A_2997 = arith.constant 12 : i32
        %add3A_2998 = arith.addi %add3A_285, %add3A_2997 : i32
        %add3A_2999 = arith.constant 1 : i32
        %add3A_3000 = arith.addi %add3A_2998, %add3A_2999 : i32
        %lt3A_3001 = arith.constant 0 : i32
        %lt3A_3002 = vector.broadcast %lt3A_3001 : i32 to vector<16xi32>
        %lt3A_3003 = arith.cmpi slt, %add3A_13, %lt3A_3002 : vector<16xi32>
        %add3A_3004 = arith.constant 16 : i32
        %add3A_3005 = vector.broadcast %add3A_3004 : i32 to vector<16xi32>
        %add3A_3006 = arith.addi %add3A_13, %add3A_3005 : vector<16xi32>
        %select_n3A_3007 = arith.select %lt3A_3003, %add3A_3006, %add3A_13 : vector<16xi1>, vector<16xi32>
        %broadcast_in_dim3A_3008 = vector.shape_cast %select_n3A_3007 : vector<16xi32> to vector<16x1xi32>
        %gather3A_3009 = vector.shape_cast %broadcast_in_dim3A_3008 : vector<16x1xi32> to vector<16xi32>
        %gather3A_3010 = tpu.dynamic_gather %get3A_2795[%gather3A_3009] in [0] : vector<16xf32>, vector<16xi32> -> vector<16xf32>
        %lt3A_3011 = arith.constant 0 : i32
        %lt3A_3012 = vector.broadcast %lt3A_3011 : i32 to vector<16xi32>
        %lt3A_3013 = arith.cmpi slt, %add3A_16, %lt3A_3012 : vector<16xi32>
        %add3A_3014 = arith.constant 16 : i32
        %add3A_3015 = vector.broadcast %add3A_3014 : i32 to vector<16xi32>
        %add3A_3016 = arith.addi %add3A_16, %add3A_3015 : vector<16xi32>
        %select_n3A_3017 = arith.select %lt3A_3013, %add3A_3016, %add3A_16 : vector<16xi1>, vector<16xi32>
        %broadcast_in_dim3A_3018 = vector.shape_cast %select_n3A_3017 : vector<16xi32> to vector<16x1xi32>
        %gather3A_3019 = vector.shape_cast %broadcast_in_dim3A_3018 : vector<16x1xi32> to vector<16xi32>
        %gather3A_3020 = tpu.dynamic_gather %get3A_2795[%gather3A_3019] in [0] : vector<16xf32>, vector<16xi32> -> vector<16xf32>
        %get3A_3021 = arith.index_cast %add3A_3000 : i32 to index
        %get3A_3022 = arith.constant 0 : index
        %get3A_3023 = tpu.vector_load %arg8[%get3A_3021, %get3A_3022] {strides = array<i32>} : memref<800x32xf32, #tpu.memory_space<vmem>>, vector<1x16xf32>,
        %get3A_3024 = vector.shape_cast %get3A_3023 : vector<1x16xf32> to vector<16xf32>
        %mul3A_3025 = arith.mulf %get3A_3024, %gather3A_3010 : vector<16xf32>
        %get3A_3026 = arith.index_cast %add3A_3000 : i32 to index
        %get3A_3027 = arith.constant 16 : index
        %get3A_3028 = tpu.vector_load %arg8[%get3A_3026, %get3A_3027] {strides = array<i32>} : memref<800x32xf32, #tpu.memory_space<vmem>>, vector<1x16xf32>,
        %get3A_3029 = vector.shape_cast %get3A_3028 : vector<1x16xf32> to vector<16xf32>
        %mul3A_3030 = arith.mulf %get3A_3029, %gather3A_3020 : vector<16xf32>
        %sub3A_3031 = arith.subi %add3A_3000, %mul3A_254 : i32
        %mul3A_3032 = arith.constant 16 : i32
        %mul3A_3033 = arith.muli %sub3A_3031, %mul3A_3032 : i32
        %add3A_3034 = arith.addi %mul3A_3033, %mul3A_258 : i32
        %get3A_3035 = arith.index_cast %add3A_3034 : i32 to index
        %get3A_3036 = tpu.vector_load %arg10[%get3A_3035] {strides = array<i32>} : memref<12800xf32, #tpu.memory_space<vmem>>, vector<16xf32>,
        %get3A_3037 = vector.shape_cast %get3A_3036 : vector<16xf32> to vector<16xf32>
        %slice3A_3038 = vector.extract_strided_slice %mul3A_3025 {offsets = [0], sizes = [1], strides = [1]} : vector<16xf32> to vector<1xf32>
        %squeeze3A_3039 = vector.extract %slice3A_3038[0] : f32 from vector<1xf32>
        %mul3A_3040 = vector.broadcast %squeeze3A_3039 : f32 to vector<16xf32>
        %mul3A_3041 = arith.mulf %mul3A_3040, %get3A_3037 : vector<16xf32>
        %add3A_3042 = arith.addf %add3A_2841, %mul3A_3041 : vector<16xf32>
        %slice3A_3043 = vector.extract_strided_slice %mul3A_3030 {offsets = [0], sizes = [1], strides = [1]} : vector<16xf32> to vector<1xf32>
        %squeeze3A_3044 = vector.extract %slice3A_3043[0] : f32 from vector<1xf32>
        %mul3A_3045 = vector.broadcast %squeeze3A_3044 : f32 to vector<16xf32>
        %mul3A_3046 = arith.mulf %mul3A_3045, %get3A_3037 : vector<16xf32>
        %add3A_3047 = arith.addf %add3A_2846, %mul3A_3046 : vector<16xf32>
        %slice3A_3048 = vector.extract_strided_slice %mul3A_3025 {offsets = [1], sizes = [1], strides = [1]} : vector<16xf32> to vector<1xf32>
        %squeeze3A_3049 = vector.extract %slice3A_3048[0] : f32 from vector<1xf32>
        %mul3A_3050 = vector.broadcast %squeeze3A_3049 : f32 to vector<16xf32>
        %mul3A_3051 = arith.mulf %mul3A_3050, %get3A_3037 : vector<16xf32>
        %add3A_3052 = arith.addf %add3A_2851, %mul3A_3051 : vector<16xf32>
        %slice3A_3053 = vector.extract_strided_slice %mul3A_3030 {offsets = [1], sizes = [1], strides = [1]} : vector<16xf32> to vector<1xf32>
        %squeeze3A_3054 = vector.extract %slice3A_3053[0] : f32 from vector<1xf32>
        %mul3A_3055 = vector.broadcast %squeeze3A_3054 : f32 to vector<16xf32>
        %mul3A_3056 = arith.mulf %mul3A_3055, %get3A_3037 : vector<16xf32>
        %add3A_3057 = arith.addf %add3A_2856, %mul3A_3056 : vector<16xf32>
        %slice3A_3058 = vector.extract_strided_slice %mul3A_3025 {offsets = [2], sizes = [1], strides = [1]} : vector<16xf32> to vector<1xf32>
        %squeeze3A_3059 = vector.extract %slice3A_3058[0] : f32 from vector<1xf32>
        %mul3A_3060 = vector.broadcast %squeeze3A_3059 : f32 to vector<16xf32>
        %mul3A_3061 = arith.mulf %mul3A_3060, %get3A_3037 : vector<16xf32>
        %add3A_3062 = arith.addf %add3A_2861, %mul3A_3061 : vector<16xf32>
        %slice3A_3063 = vector.extract_strided_slice %mul3A_3030 {offsets = [2], sizes = [1], strides = [1]} : vector<16xf32> to vector<1xf32>
        %squeeze3A_3064 = vector.extract %slice3A_3063[0] : f32 from vector<1xf32>
        %mul3A_3065 = vector.broadcast %squeeze3A_3064 : f32 to vector<16xf32>
        %mul3A_3066 = arith.mulf %mul3A_3065, %get3A_3037 : vector<16xf32>
        %add3A_3067 = arith.addf %add3A_2866, %mul3A_3066 : vector<16xf32>
        %slice3A_3068 = vector.extract_strided_slice %mul3A_3025 {offsets = [3], sizes = [1], strides = [1]} : vector<16xf32> to vector<1xf32>
        %squeeze3A_3069 = vector.extract %slice3A_3068[0] : f32 from vector<1xf32>
        %mul3A_3070 = vector.broadcast %squeeze3A_3069 : f32 to vector<16xf32>
        %mul3A_3071 = arith.mulf %mul3A_3070, %get3A_3037 : vector<16xf32>
        %add3A_3072 = arith.addf %add3A_2871, %mul3A_3071 : vector<16xf32>
        %slice3A_3073 = vector.extract_strided_slice %mul3A_3030 {offsets = [3], sizes = [1], strides = [1]} : vector<16xf32> to vector<1xf32>
        %squeeze3A_3074 = vector.extract %slice3A_3073[0] : f32 from vector<1xf32>
        %mul3A_3075 = vector.broadcast %squeeze3A_3074 : f32 to vector<16xf32>
        %mul3A_3076 = arith.mulf %mul3A_3075, %get3A_3037 : vector<16xf32>
        %add3A_3077 = arith.addf %add3A_2876, %mul3A_3076 : vector<16xf32>
        %slice3A_3078 = vector.extract_strided_slice %mul3A_3025 {offsets = [4], sizes = [1], strides = [1]} : vector<16xf32> to vector<1xf32>
        %squeeze3A_3079 = vector.extract %slice3A_3078[0] : f32 from vector<1xf32>
        %mul3A_3080 = vector.broadcast %squeeze3A_3079 : f32 to vector<16xf32>
        %mul3A_3081 = arith.mulf %mul3A_3080, %get3A_3037 : vector<16xf32>
        %add3A_3082 = arith.addf %add3A_2881, %mul3A_3081 : vector<16xf32>
        %slice3A_3083 = vector.extract_strided_slice %mul3A_3030 {offsets = [4], sizes = [1], strides = [1]} : vector<16xf32> to vector<1xf32>
        %squeeze3A_3084 = vector.extract %slice3A_3083[0] : f32 from vector<1xf32>
        %mul3A_3085 = vector.broadcast %squeeze3A_3084 : f32 to vector<16xf32>
        %mul3A_3086 = arith.mulf %mul3A_3085, %get3A_3037 : vector<16xf32>
        %add3A_3087 = arith.addf %add3A_2886, %mul3A_3086 : vector<16xf32>
        %slice3A_3088 = vector.extract_strided_slice %mul3A_3025 {offsets = [5], sizes = [1], strides = [1]} : vector<16xf32> to vector<1xf32>
        %squeeze3A_3089 = vector.extract %slice3A_3088[0] : f32 from vector<1xf32>
        %mul3A_3090 = vector.broadcast %squeeze3A_3089 : f32 to vector<16xf32>
        %mul3A_3091 = arith.mulf %mul3A_3090, %get3A_3037 : vector<16xf32>
        %add3A_3092 = arith.addf %add3A_2891, %mul3A_3091 : vector<16xf32>
        %slice3A_3093 = vector.extract_strided_slice %mul3A_3030 {offsets = [5], sizes = [1], strides = [1]} : vector<16xf32> to vector<1xf32>
        %squeeze3A_3094 = vector.extract %slice3A_3093[0] : f32 from vector<1xf32>
        %mul3A_3095 = vector.broadcast %squeeze3A_3094 : f32 to vector<16xf32>
        %mul3A_3096 = arith.mulf %mul3A_3095, %get3A_3037 : vector<16xf32>
        %add3A_3097 = arith.addf %add3A_2896, %mul3A_3096 : vector<16xf32>
        %slice3A_3098 = vector.extract_strided_slice %mul3A_3025 {offsets = [6], sizes = [1], strides = [1]} : vector<16xf32> to vector<1xf32>
        %squeeze3A_3099 = vector.extract %slice3A_3098[0] : f32 from vector<1xf32>
        %mul3A_3100 = vector.broadcast %squeeze3A_3099 : f32 to vector<16xf32>
        %mul3A_3101 = arith.mulf %mul3A_3100, %get3A_3037 : vector<16xf32>
        %add3A_3102 = arith.addf %add3A_2901, %mul3A_3101 : vector<16xf32>
        %slice3A_3103 = vector.extract_strided_slice %mul3A_3030 {offsets = [6], sizes = [1], strides = [1]} : vector<16xf32> to vector<1xf32>
        %squeeze3A_3104 = vector.extract %slice3A_3103[0] : f32 from vector<1xf32>
        %mul3A_3105 = vector.broadcast %squeeze3A_3104 : f32 to vector<16xf32>
        %mul3A_3106 = arith.mulf %mul3A_3105, %get3A_3037 : vector<16xf32>
        %add3A_3107 = arith.addf %add3A_2906, %mul3A_3106 : vector<16xf32>
        %slice3A_3108 = vector.extract_strided_slice %mul3A_3025 {offsets = [7], sizes = [1], strides = [1]} : vector<16xf32> to vector<1xf32>
        %squeeze3A_3109 = vector.extract %slice3A_3108[0] : f32 from vector<1xf32>
        %mul3A_3110 = vector.broadcast %squeeze3A_3109 : f32 to vector<16xf32>
        %mul3A_3111 = arith.mulf %mul3A_3110, %get3A_3037 : vector<16xf32>
        %add3A_3112 = arith.addf %add3A_2911, %mul3A_3111 : vector<16xf32>
        %slice3A_3113 = vector.extract_strided_slice %mul3A_3030 {offsets = [7], sizes = [1], strides = [1]} : vector<16xf32> to vector<1xf32>
        %squeeze3A_3114 = vector.extract %slice3A_3113[0] : f32 from vector<1xf32>
        %mul3A_3115 = vector.broadcast %squeeze3A_3114 : f32 to vector<16xf32>
        %mul3A_3116 = arith.mulf %mul3A_3115, %get3A_3037 : vector<16xf32>
        %add3A_3117 = arith.addf %add3A_2916, %mul3A_3116 : vector<16xf32>
        %slice3A_3118 = vector.extract_strided_slice %mul3A_3025 {offsets = [8], sizes = [1], strides = [1]} : vector<16xf32> to vector<1xf32>
        %squeeze3A_3119 = vector.extract %slice3A_3118[0] : f32 from vector<1xf32>
        %mul3A_3120 = vector.broadcast %squeeze3A_3119 : f32 to vector<16xf32>
        %mul3A_3121 = arith.mulf %mul3A_3120, %get3A_3037 : vector<16xf32>
        %add3A_3122 = arith.addf %add3A_2921, %mul3A_3121 : vector<16xf32>
        %slice3A_3123 = vector.extract_strided_slice %mul3A_3030 {offsets = [8], sizes = [1], strides = [1]} : vector<16xf32> to vector<1xf32>
        %squeeze3A_3124 = vector.extract %slice3A_3123[0] : f32 from vector<1xf32>
        %mul3A_3125 = vector.broadcast %squeeze3A_3124 : f32 to vector<16xf32>
        %mul3A_3126 = arith.mulf %mul3A_3125, %get3A_3037 : vector<16xf32>
        %add3A_3127 = arith.addf %add3A_2926, %mul3A_3126 : vector<16xf32>
        %slice3A_3128 = vector.extract_strided_slice %mul3A_3025 {offsets = [9], sizes = [1], strides = [1]} : vector<16xf32> to vector<1xf32>
        %squeeze3A_3129 = vector.extract %slice3A_3128[0] : f32 from vector<1xf32>
        %mul3A_3130 = vector.broadcast %squeeze3A_3129 : f32 to vector<16xf32>
        %mul3A_3131 = arith.mulf %mul3A_3130, %get3A_3037 : vector<16xf32>
        %add3A_3132 = arith.addf %add3A_2931, %mul3A_3131 : vector<16xf32>
        %slice3A_3133 = vector.extract_strided_slice %mul3A_3030 {offsets = [9], sizes = [1], strides = [1]} : vector<16xf32> to vector<1xf32>
        %squeeze3A_3134 = vector.extract %slice3A_3133[0] : f32 from vector<1xf32>
        %mul3A_3135 = vector.broadcast %squeeze3A_3134 : f32 to vector<16xf32>
        %mul3A_3136 = arith.mulf %mul3A_3135, %get3A_3037 : vector<16xf32>
        %add3A_3137 = arith.addf %add3A_2936, %mul3A_3136 : vector<16xf32>
        %slice3A_3138 = vector.extract_strided_slice %mul3A_3025 {offsets = [10], sizes = [1], strides = [1]} : vector<16xf32> to vector<1xf32>
        %squeeze3A_3139 = vector.extract %slice3A_3138[0] : f32 from vector<1xf32>
        %mul3A_3140 = vector.broadcast %squeeze3A_3139 : f32 to vector<16xf32>
        %mul3A_3141 = arith.mulf %mul3A_3140, %get3A_3037 : vector<16xf32>
        %add3A_3142 = arith.addf %add3A_2941, %mul3A_3141 : vector<16xf32>
        %slice3A_3143 = vector.extract_strided_slice %mul3A_3030 {offsets = [10], sizes = [1], strides = [1]} : vector<16xf32> to vector<1xf32>
        %squeeze3A_3144 = vector.extract %slice3A_3143[0] : f32 from vector<1xf32>
        %mul3A_3145 = vector.broadcast %squeeze3A_3144 : f32 to vector<16xf32>
        %mul3A_3146 = arith.mulf %mul3A_3145, %get3A_3037 : vector<16xf32>
        %add3A_3147 = arith.addf %add3A_2946, %mul3A_3146 : vector<16xf32>
        %slice3A_3148 = vector.extract_strided_slice %mul3A_3025 {offsets = [11], sizes = [1], strides = [1]} : vector<16xf32> to vector<1xf32>
        %squeeze3A_3149 = vector.extract %slice3A_3148[0] : f32 from vector<1xf32>
        %mul3A_3150 = vector.broadcast %squeeze3A_3149 : f32 to vector<16xf32>
        %mul3A_3151 = arith.mulf %mul3A_3150, %get3A_3037 : vector<16xf32>
        %add3A_3152 = arith.addf %add3A_2951, %mul3A_3151 : vector<16xf32>
        %slice3A_3153 = vector.extract_strided_slice %mul3A_3030 {offsets = [11], sizes = [1], strides = [1]} : vector<16xf32> to vector<1xf32>
        %squeeze3A_3154 = vector.extract %slice3A_3153[0] : f32 from vector<1xf32>
        %mul3A_3155 = vector.broadcast %squeeze3A_3154 : f32 to vector<16xf32>
        %mul3A_3156 = arith.mulf %mul3A_3155, %get3A_3037 : vector<16xf32>
        %add3A_3157 = arith.addf %add3A_2956, %mul3A_3156 : vector<16xf32>
        %slice3A_3158 = vector.extract_strided_slice %mul3A_3025 {offsets = [12], sizes = [1], strides = [1]} : vector<16xf32> to vector<1xf32>
        %squeeze3A_3159 = vector.extract %slice3A_3158[0] : f32 from vector<1xf32>
        %mul3A_3160 = vector.broadcast %squeeze3A_3159 : f32 to vector<16xf32>
        %mul3A_3161 = arith.mulf %mul3A_3160, %get3A_3037 : vector<16xf32>
        %add3A_3162 = arith.addf %add3A_2961, %mul3A_3161 : vector<16xf32>
        %slice3A_3163 = vector.extract_strided_slice %mul3A_3030 {offsets = [12], sizes = [1], strides = [1]} : vector<16xf32> to vector<1xf32>
        %squeeze3A_3164 = vector.extract %slice3A_3163[0] : f32 from vector<1xf32>
        %mul3A_3165 = vector.broadcast %squeeze3A_3164 : f32 to vector<16xf32>
        %mul3A_3166 = arith.mulf %mul3A_3165, %get3A_3037 : vector<16xf32>
        %add3A_3167 = arith.addf %add3A_2966, %mul3A_3166 : vector<16xf32>
        %slice3A_3168 = vector.extract_strided_slice %mul3A_3025 {offsets = [13], sizes = [1], strides = [1]} : vector<16xf32> to vector<1xf32>
        %squeeze3A_3169 = vector.extract %slice3A_3168[0] : f32 from vector<1xf32>
        %mul3A_3170 = vector.broadcast %squeeze3A_3169 : f32 to vector<16xf32>
        %mul3A_3171 = arith.mulf %mul3A_3170, %get3A_3037 : vector<16xf32>
        %add3A_3172 = arith.addf %add3A_2971, %mul3A_3171 : vector<16xf32>
        %slice3A_3173 = vector.extract_strided_slice %mul3A_3030 {offsets = [13], sizes = [1], strides = [1]} : vector<16xf32> to vector<1xf32>
        %squeeze3A_3174 = vector.extract %slice3A_3173[0] : f32 from vector<1xf32>
        %mul3A_3175 = vector.broadcast %squeeze3A_3174 : f32 to vector<16xf32>
        %mul3A_3176 = arith.mulf %mul3A_3175, %get3A_3037 : vector<16xf32>
        %add3A_3177 = arith.addf %add3A_2976, %mul3A_3176 : vector<16xf32>
        %slice3A_3178 = vector.extract_strided_slice %mul3A_3025 {offsets = [14], sizes = [1], strides = [1]} : vector<16xf32> to vector<1xf32>
        %squeeze3A_3179 = vector.extract %slice3A_3178[0] : f32 from vector<1xf32>
        %mul3A_3180 = vector.broadcast %squeeze3A_3179 : f32 to vector<16xf32>
        %mul3A_3181 = arith.mulf %mul3A_3180, %get3A_3037 : vector<16xf32>
        %add3A_3182 = arith.addf %add3A_2981, %mul3A_3181 : vector<16xf32>
        %slice3A_3183 = vector.extract_strided_slice %mul3A_3030 {offsets = [14], sizes = [1], strides = [1]} : vector<16xf32> to vector<1xf32>
        %squeeze3A_3184 = vector.extract %slice3A_3183[0] : f32 from vector<1xf32>
        %mul3A_3185 = vector.broadcast %squeeze3A_3184 : f32 to vector<16xf32>
        %mul3A_3186 = arith.mulf %mul3A_3185, %get3A_3037 : vector<16xf32>
        %add3A_3187 = arith.addf %add3A_2986, %mul3A_3186 : vector<16xf32>
        %slice3A_3188 = vector.extract_strided_slice %mul3A_3025 {offsets = [15], sizes = [1], strides = [1]} : vector<16xf32> to vector<1xf32>
        %squeeze3A_3189 = vector.extract %slice3A_3188[0] : f32 from vector<1xf32>
        %mul3A_3190 = vector.broadcast %squeeze3A_3189 : f32 to vector<16xf32>
        %mul3A_3191 = arith.mulf %mul3A_3190, %get3A_3037 : vector<16xf32>
        %add3A_3192 = arith.addf %add3A_2991, %mul3A_3191 : vector<16xf32>
        %slice3A_3193 = vector.extract_strided_slice %mul3A_3030 {offsets = [15], sizes = [1], strides = [1]} : vector<16xf32> to vector<1xf32>
        %squeeze3A_3194 = vector.extract %slice3A_3193[0] : f32 from vector<1xf32>
        %mul3A_3195 = vector.broadcast %squeeze3A_3194 : f32 to vector<16xf32>
        %mul3A_3196 = arith.mulf %mul3A_3195, %get3A_3037 : vector<16xf32>
        %add3A_3197 = arith.addf %add3A_2996, %mul3A_3196 : vector<16xf32>
        %add3A_3198 = arith.constant 112 : i32
        %add3A_3199 = arith.addi %add3A_290, %add3A_3198 : i32
        %get3A_3200 = arith.index_cast %add3A_3199 : i32 to index
        %get3A_3201 = tpu.vector_load %arg9[%get3A_3200] {strides = array<i32>} : memref<6400xf32, #tpu.memory_space<vmem>>, vector<16xf32>,
        %get3A_3202 = vector.shape_cast %get3A_3201 : vector<16xf32> to vector<16xf32>
        %add3A_3203 = arith.constant 14 : i32
        %add3A_3204 = arith.addi %add3A_285, %add3A_3203 : i32
        %add3A_3205 = arith.constant 0 : i32
        %add3A_3206 = arith.addi %add3A_3204, %add3A_3205 : i32
        %lt3A_3207 = arith.constant 0 : i32
        %lt3A_3208 = vector.broadcast %lt3A_3207 : i32 to vector<16xi32>
        %lt3A_3209 = arith.cmpi slt, %add3A_7, %lt3A_3208 : vector<16xi32>
        %add3A_3210 = arith.constant 16 : i32
        %add3A_3211 = vector.broadcast %add3A_3210 : i32 to vector<16xi32>
        %add3A_3212 = arith.addi %add3A_7, %add3A_3211 : vector<16xi32>
        %select_n3A_3213 = arith.select %lt3A_3209, %add3A_3212, %add3A_7 : vector<16xi1>, vector<16xi32>
        %broadcast_in_dim3A_3214 = vector.shape_cast %select_n3A_3213 : vector<16xi32> to vector<16x1xi32>
        %gather3A_3215 = vector.shape_cast %broadcast_in_dim3A_3214 : vector<16x1xi32> to vector<16xi32>
        %gather3A_3216 = tpu.dynamic_gather %get3A_3202[%gather3A_3215] in [0] : vector<16xf32>, vector<16xi32> -> vector<16xf32>
        %lt3A_3217 = arith.constant 0 : i32
        %lt3A_3218 = vector.broadcast %lt3A_3217 : i32 to vector<16xi32>
        %lt3A_3219 = arith.cmpi slt, %add3A_10, %lt3A_3218 : vector<16xi32>
        %add3A_3220 = arith.constant 16 : i32
        %add3A_3221 = vector.broadcast %add3A_3220 : i32 to vector<16xi32>
        %add3A_3222 = arith.addi %add3A_10, %add3A_3221 : vector<16xi32>
        %select_n3A_3223 = arith.select %lt3A_3219, %add3A_3222, %add3A_10 : vector<16xi1>, vector<16xi32>
        %broadcast_in_dim3A_3224 = vector.shape_cast %select_n3A_3223 : vector<16xi32> to vector<16x1xi32>
        %gather3A_3225 = vector.shape_cast %broadcast_in_dim3A_3224 : vector<16x1xi32> to vector<16xi32>
        %gather3A_3226 = tpu.dynamic_gather %get3A_3202[%gather3A_3225] in [0] : vector<16xf32>, vector<16xi32> -> vector<16xf32>
        %get3A_3227 = arith.index_cast %add3A_3206 : i32 to index
        %get3A_3228 = arith.constant 0 : index
        %get3A_3229 = tpu.vector_load %arg8[%get3A_3227, %get3A_3228] {strides = array<i32>} : memref<800x32xf32, #tpu.memory_space<vmem>>, vector<1x16xf32>,
        %get3A_3230 = vector.shape_cast %get3A_3229 : vector<1x16xf32> to vector<16xf32>
        %mul3A_3231 = arith.mulf %get3A_3230, %gather3A_3216 : vector<16xf32>
        %get3A_3232 = arith.index_cast %add3A_3206 : i32 to index
        %get3A_3233 = arith.constant 16 : index
        %get3A_3234 = tpu.vector_load %arg8[%get3A_3232, %get3A_3233] {strides = array<i32>} : memref<800x32xf32, #tpu.memory_space<vmem>>, vector<1x16xf32>,
        %get3A_3235 = vector.shape_cast %get3A_3234 : vector<1x16xf32> to vector<16xf32>
        %mul3A_3236 = arith.mulf %get3A_3235, %gather3A_3226 : vector<16xf32>
        %sub3A_3237 = arith.subi %add3A_3206, %mul3A_254 : i32
        %mul3A_3238 = arith.constant 16 : i32
        %mul3A_3239 = arith.muli %sub3A_3237, %mul3A_3238 : i32
        %add3A_3240 = arith.addi %mul3A_3239, %mul3A_258 : i32
        %get3A_3241 = arith.index_cast %add3A_3240 : i32 to index
        %get3A_3242 = tpu.vector_load %arg10[%get3A_3241] {strides = array<i32>} : memref<12800xf32, #tpu.memory_space<vmem>>, vector<16xf32>,
        %get3A_3243 = vector.shape_cast %get3A_3242 : vector<16xf32> to vector<16xf32>
        %slice3A_3244 = vector.extract_strided_slice %mul3A_3231 {offsets = [0], sizes = [1], strides = [1]} : vector<16xf32> to vector<1xf32>
        %squeeze3A_3245 = vector.extract %slice3A_3244[0] : f32 from vector<1xf32>
        %mul3A_3246 = vector.broadcast %squeeze3A_3245 : f32 to vector<16xf32>
        %mul3A_3247 = arith.mulf %mul3A_3246, %get3A_3243 : vector<16xf32>
        %add3A_3248 = arith.addf %add3A_3042, %mul3A_3247 : vector<16xf32>
        %slice3A_3249 = vector.extract_strided_slice %mul3A_3236 {offsets = [0], sizes = [1], strides = [1]} : vector<16xf32> to vector<1xf32>
        %squeeze3A_3250 = vector.extract %slice3A_3249[0] : f32 from vector<1xf32>
        %mul3A_3251 = vector.broadcast %squeeze3A_3250 : f32 to vector<16xf32>
        %mul3A_3252 = arith.mulf %mul3A_3251, %get3A_3243 : vector<16xf32>
        %add3A_3253 = arith.addf %add3A_3047, %mul3A_3252 : vector<16xf32>
        %slice3A_3254 = vector.extract_strided_slice %mul3A_3231 {offsets = [1], sizes = [1], strides = [1]} : vector<16xf32> to vector<1xf32>
        %squeeze3A_3255 = vector.extract %slice3A_3254[0] : f32 from vector<1xf32>
        %mul3A_3256 = vector.broadcast %squeeze3A_3255 : f32 to vector<16xf32>
        %mul3A_3257 = arith.mulf %mul3A_3256, %get3A_3243 : vector<16xf32>
        %add3A_3258 = arith.addf %add3A_3052, %mul3A_3257 : vector<16xf32>
        %slice3A_3259 = vector.extract_strided_slice %mul3A_3236 {offsets = [1], sizes = [1], strides = [1]} : vector<16xf32> to vector<1xf32>
        %squeeze3A_3260 = vector.extract %slice3A_3259[0] : f32 from vector<1xf32>
        %mul3A_3261 = vector.broadcast %squeeze3A_3260 : f32 to vector<16xf32>
        %mul3A_3262 = arith.mulf %mul3A_3261, %get3A_3243 : vector<16xf32>
        %add3A_3263 = arith.addf %add3A_3057, %mul3A_3262 : vector<16xf32>
        %slice3A_3264 = vector.extract_strided_slice %mul3A_3231 {offsets = [2], sizes = [1], strides = [1]} : vector<16xf32> to vector<1xf32>
        %squeeze3A_3265 = vector.extract %slice3A_3264[0] : f32 from vector<1xf32>
        %mul3A_3266 = vector.broadcast %squeeze3A_3265 : f32 to vector<16xf32>
        %mul3A_3267 = arith.mulf %mul3A_3266, %get3A_3243 : vector<16xf32>
        %add3A_3268 = arith.addf %add3A_3062, %mul3A_3267 : vector<16xf32>
        %slice3A_3269 = vector.extract_strided_slice %mul3A_3236 {offsets = [2], sizes = [1], strides = [1]} : vector<16xf32> to vector<1xf32>
        %squeeze3A_3270 = vector.extract %slice3A_3269[0] : f32 from vector<1xf32>
        %mul3A_3271 = vector.broadcast %squeeze3A_3270 : f32 to vector<16xf32>
        %mul3A_3272 = arith.mulf %mul3A_3271, %get3A_3243 : vector<16xf32>
        %add3A_3273 = arith.addf %add3A_3067, %mul3A_3272 : vector<16xf32>
        %slice3A_3274 = vector.extract_strided_slice %mul3A_3231 {offsets = [3], sizes = [1], strides = [1]} : vector<16xf32> to vector<1xf32>
        %squeeze3A_3275 = vector.extract %slice3A_3274[0] : f32 from vector<1xf32>
        %mul3A_3276 = vector.broadcast %squeeze3A_3275 : f32 to vector<16xf32>
        %mul3A_3277 = arith.mulf %mul3A_3276, %get3A_3243 : vector<16xf32>
        %add3A_3278 = arith.addf %add3A_3072, %mul3A_3277 : vector<16xf32>
        %slice3A_3279 = vector.extract_strided_slice %mul3A_3236 {offsets = [3], sizes = [1], strides = [1]} : vector<16xf32> to vector<1xf32>
        %squeeze3A_3280 = vector.extract %slice3A_3279[0] : f32 from vector<1xf32>
        %mul3A_3281 = vector.broadcast %squeeze3A_3280 : f32 to vector<16xf32>
        %mul3A_3282 = arith.mulf %mul3A_3281, %get3A_3243 : vector<16xf32>
        %add3A_3283 = arith.addf %add3A_3077, %mul3A_3282 : vector<16xf32>
        %slice3A_3284 = vector.extract_strided_slice %mul3A_3231 {offsets = [4], sizes = [1], strides = [1]} : vector<16xf32> to vector<1xf32>
        %squeeze3A_3285 = vector.extract %slice3A_3284[0] : f32 from vector<1xf32>
        %mul3A_3286 = vector.broadcast %squeeze3A_3285 : f32 to vector<16xf32>
        %mul3A_3287 = arith.mulf %mul3A_3286, %get3A_3243 : vector<16xf32>
        %add3A_3288 = arith.addf %add3A_3082, %mul3A_3287 : vector<16xf32>
        %slice3A_3289 = vector.extract_strided_slice %mul3A_3236 {offsets = [4], sizes = [1], strides = [1]} : vector<16xf32> to vector<1xf32>
        %squeeze3A_3290 = vector.extract %slice3A_3289[0] : f32 from vector<1xf32>
        %mul3A_3291 = vector.broadcast %squeeze3A_3290 : f32 to vector<16xf32>
        %mul3A_3292 = arith.mulf %mul3A_3291, %get3A_3243 : vector<16xf32>
        %add3A_3293 = arith.addf %add3A_3087, %mul3A_3292 : vector<16xf32>
        %slice3A_3294 = vector.extract_strided_slice %mul3A_3231 {offsets = [5], sizes = [1], strides = [1]} : vector<16xf32> to vector<1xf32>
        %squeeze3A_3295 = vector.extract %slice3A_3294[0] : f32 from vector<1xf32>
        %mul3A_3296 = vector.broadcast %squeeze3A_3295 : f32 to vector<16xf32>
        %mul3A_3297 = arith.mulf %mul3A_3296, %get3A_3243 : vector<16xf32>
        %add3A_3298 = arith.addf %add3A_3092, %mul3A_3297 : vector<16xf32>
        %slice3A_3299 = vector.extract_strided_slice %mul3A_3236 {offsets = [5], sizes = [1], strides = [1]} : vector<16xf32> to vector<1xf32>
        %squeeze3A_3300 = vector.extract %slice3A_3299[0] : f32 from vector<1xf32>
        %mul3A_3301 = vector.broadcast %squeeze3A_3300 : f32 to vector<16xf32>
        %mul3A_3302 = arith.mulf %mul3A_3301, %get3A_3243 : vector<16xf32>
        %add3A_3303 = arith.addf %add3A_3097, %mul3A_3302 : vector<16xf32>
        %slice3A_3304 = vector.extract_strided_slice %mul3A_3231 {offsets = [6], sizes = [1], strides = [1]} : vector<16xf32> to vector<1xf32>
        %squeeze3A_3305 = vector.extract %slice3A_3304[0] : f32 from vector<1xf32>
        %mul3A_3306 = vector.broadcast %squeeze3A_3305 : f32 to vector<16xf32>
        %mul3A_3307 = arith.mulf %mul3A_3306, %get3A_3243 : vector<16xf32>
        %add3A_3308 = arith.addf %add3A_3102, %mul3A_3307 : vector<16xf32>
        %slice3A_3309 = vector.extract_strided_slice %mul3A_3236 {offsets = [6], sizes = [1], strides = [1]} : vector<16xf32> to vector<1xf32>
        %squeeze3A_3310 = vector.extract %slice3A_3309[0] : f32 from vector<1xf32>
        %mul3A_3311 = vector.broadcast %squeeze3A_3310 : f32 to vector<16xf32>
        %mul3A_3312 = arith.mulf %mul3A_3311, %get3A_3243 : vector<16xf32>
        %add3A_3313 = arith.addf %add3A_3107, %mul3A_3312 : vector<16xf32>
        %slice3A_3314 = vector.extract_strided_slice %mul3A_3231 {offsets = [7], sizes = [1], strides = [1]} : vector<16xf32> to vector<1xf32>
        %squeeze3A_3315 = vector.extract %slice3A_3314[0] : f32 from vector<1xf32>
        %mul3A_3316 = vector.broadcast %squeeze3A_3315 : f32 to vector<16xf32>
        %mul3A_3317 = arith.mulf %mul3A_3316, %get3A_3243 : vector<16xf32>
        %add3A_3318 = arith.addf %add3A_3112, %mul3A_3317 : vector<16xf32>
        %slice3A_3319 = vector.extract_strided_slice %mul3A_3236 {offsets = [7], sizes = [1], strides = [1]} : vector<16xf32> to vector<1xf32>
        %squeeze3A_3320 = vector.extract %slice3A_3319[0] : f32 from vector<1xf32>
        %mul3A_3321 = vector.broadcast %squeeze3A_3320 : f32 to vector<16xf32>
        %mul3A_3322 = arith.mulf %mul3A_3321, %get3A_3243 : vector<16xf32>
        %add3A_3323 = arith.addf %add3A_3117, %mul3A_3322 : vector<16xf32>
        %slice3A_3324 = vector.extract_strided_slice %mul3A_3231 {offsets = [8], sizes = [1], strides = [1]} : vector<16xf32> to vector<1xf32>
        %squeeze3A_3325 = vector.extract %slice3A_3324[0] : f32 from vector<1xf32>
        %mul3A_3326 = vector.broadcast %squeeze3A_3325 : f32 to vector<16xf32>
        %mul3A_3327 = arith.mulf %mul3A_3326, %get3A_3243 : vector<16xf32>
        %add3A_3328 = arith.addf %add3A_3122, %mul3A_3327 : vector<16xf32>
        %slice3A_3329 = vector.extract_strided_slice %mul3A_3236 {offsets = [8], sizes = [1], strides = [1]} : vector<16xf32> to vector<1xf32>
        %squeeze3A_3330 = vector.extract %slice3A_3329[0] : f32 from vector<1xf32>
        %mul3A_3331 = vector.broadcast %squeeze3A_3330 : f32 to vector<16xf32>
        %mul3A_3332 = arith.mulf %mul3A_3331, %get3A_3243 : vector<16xf32>
        %add3A_3333 = arith.addf %add3A_3127, %mul3A_3332 : vector<16xf32>
        %slice3A_3334 = vector.extract_strided_slice %mul3A_3231 {offsets = [9], sizes = [1], strides = [1]} : vector<16xf32> to vector<1xf32>
        %squeeze3A_3335 = vector.extract %slice3A_3334[0] : f32 from vector<1xf32>
        %mul3A_3336 = vector.broadcast %squeeze3A_3335 : f32 to vector<16xf32>
        %mul3A_3337 = arith.mulf %mul3A_3336, %get3A_3243 : vector<16xf32>
        %add3A_3338 = arith.addf %add3A_3132, %mul3A_3337 : vector<16xf32>
        %slice3A_3339 = vector.extract_strided_slice %mul3A_3236 {offsets = [9], sizes = [1], strides = [1]} : vector<16xf32> to vector<1xf32>
        %squeeze3A_3340 = vector.extract %slice3A_3339[0] : f32 from vector<1xf32>
        %mul3A_3341 = vector.broadcast %squeeze3A_3340 : f32 to vector<16xf32>
        %mul3A_3342 = arith.mulf %mul3A_3341, %get3A_3243 : vector<16xf32>
        %add3A_3343 = arith.addf %add3A_3137, %mul3A_3342 : vector<16xf32>
        %slice3A_3344 = vector.extract_strided_slice %mul3A_3231 {offsets = [10], sizes = [1], strides = [1]} : vector<16xf32> to vector<1xf32>
        %squeeze3A_3345 = vector.extract %slice3A_3344[0] : f32 from vector<1xf32>
        %mul3A_3346 = vector.broadcast %squeeze3A_3345 : f32 to vector<16xf32>
        %mul3A_3347 = arith.mulf %mul3A_3346, %get3A_3243 : vector<16xf32>
        %add3A_3348 = arith.addf %add3A_3142, %mul3A_3347 : vector<16xf32>
        %slice3A_3349 = vector.extract_strided_slice %mul3A_3236 {offsets = [10], sizes = [1], strides = [1]} : vector<16xf32> to vector<1xf32>
        %squeeze3A_3350 = vector.extract %slice3A_3349[0] : f32 from vector<1xf32>
        %mul3A_3351 = vector.broadcast %squeeze3A_3350 : f32 to vector<16xf32>
        %mul3A_3352 = arith.mulf %mul3A_3351, %get3A_3243 : vector<16xf32>
        %add3A_3353 = arith.addf %add3A_3147, %mul3A_3352 : vector<16xf32>
        %slice3A_3354 = vector.extract_strided_slice %mul3A_3231 {offsets = [11], sizes = [1], strides = [1]} : vector<16xf32> to vector<1xf32>
        %squeeze3A_3355 = vector.extract %slice3A_3354[0] : f32 from vector<1xf32>
        %mul3A_3356 = vector.broadcast %squeeze3A_3355 : f32 to vector<16xf32>
        %mul3A_3357 = arith.mulf %mul3A_3356, %get3A_3243 : vector<16xf32>
        %add3A_3358 = arith.addf %add3A_3152, %mul3A_3357 : vector<16xf32>
        %slice3A_3359 = vector.extract_strided_slice %mul3A_3236 {offsets = [11], sizes = [1], strides = [1]} : vector<16xf32> to vector<1xf32>
        %squeeze3A_3360 = vector.extract %slice3A_3359[0] : f32 from vector<1xf32>
        %mul3A_3361 = vector.broadcast %squeeze3A_3360 : f32 to vector<16xf32>
        %mul3A_3362 = arith.mulf %mul3A_3361, %get3A_3243 : vector<16xf32>
        %add3A_3363 = arith.addf %add3A_3157, %mul3A_3362 : vector<16xf32>
        %slice3A_3364 = vector.extract_strided_slice %mul3A_3231 {offsets = [12], sizes = [1], strides = [1]} : vector<16xf32> to vector<1xf32>
        %squeeze3A_3365 = vector.extract %slice3A_3364[0] : f32 from vector<1xf32>
        %mul3A_3366 = vector.broadcast %squeeze3A_3365 : f32 to vector<16xf32>
        %mul3A_3367 = arith.mulf %mul3A_3366, %get3A_3243 : vector<16xf32>
        %add3A_3368 = arith.addf %add3A_3162, %mul3A_3367 : vector<16xf32>
        %slice3A_3369 = vector.extract_strided_slice %mul3A_3236 {offsets = [12], sizes = [1], strides = [1]} : vector<16xf32> to vector<1xf32>
        %squeeze3A_3370 = vector.extract %slice3A_3369[0] : f32 from vector<1xf32>
        %mul3A_3371 = vector.broadcast %squeeze3A_3370 : f32 to vector<16xf32>
        %mul3A_3372 = arith.mulf %mul3A_3371, %get3A_3243 : vector<16xf32>
        %add3A_3373 = arith.addf %add3A_3167, %mul3A_3372 : vector<16xf32>
        %slice3A_3374 = vector.extract_strided_slice %mul3A_3231 {offsets = [13], sizes = [1], strides = [1]} : vector<16xf32> to vector<1xf32>
        %squeeze3A_3375 = vector.extract %slice3A_3374[0] : f32 from vector<1xf32>
        %mul3A_3376 = vector.broadcast %squeeze3A_3375 : f32 to vector<16xf32>
        %mul3A_3377 = arith.mulf %mul3A_3376, %get3A_3243 : vector<16xf32>
        %add3A_3378 = arith.addf %add3A_3172, %mul3A_3377 : vector<16xf32>
        %slice3A_3379 = vector.extract_strided_slice %mul3A_3236 {offsets = [13], sizes = [1], strides = [1]} : vector<16xf32> to vector<1xf32>
        %squeeze3A_3380 = vector.extract %slice3A_3379[0] : f32 from vector<1xf32>
        %mul3A_3381 = vector.broadcast %squeeze3A_3380 : f32 to vector<16xf32>
        %mul3A_3382 = arith.mulf %mul3A_3381, %get3A_3243 : vector<16xf32>
        %add3A_3383 = arith.addf %add3A_3177, %mul3A_3382 : vector<16xf32>
        %slice3A_3384 = vector.extract_strided_slice %mul3A_3231 {offsets = [14], sizes = [1], strides = [1]} : vector<16xf32> to vector<1xf32>
        %squeeze3A_3385 = vector.extract %slice3A_3384[0] : f32 from vector<1xf32>
        %mul3A_3386 = vector.broadcast %squeeze3A_3385 : f32 to vector<16xf32>
        %mul3A_3387 = arith.mulf %mul3A_3386, %get3A_3243 : vector<16xf32>
        %add3A_3388 = arith.addf %add3A_3182, %mul3A_3387 : vector<16xf32>
        %slice3A_3389 = vector.extract_strided_slice %mul3A_3236 {offsets = [14], sizes = [1], strides = [1]} : vector<16xf32> to vector<1xf32>
        %squeeze3A_3390 = vector.extract %slice3A_3389[0] : f32 from vector<1xf32>
        %mul3A_3391 = vector.broadcast %squeeze3A_3390 : f32 to vector<16xf32>
        %mul3A_3392 = arith.mulf %mul3A_3391, %get3A_3243 : vector<16xf32>
        %add3A_3393 = arith.addf %add3A_3187, %mul3A_3392 : vector<16xf32>
        %slice3A_3394 = vector.extract_strided_slice %mul3A_3231 {offsets = [15], sizes = [1], strides = [1]} : vector<16xf32> to vector<1xf32>
        %squeeze3A_3395 = vector.extract %slice3A_3394[0] : f32 from vector<1xf32>
        %mul3A_3396 = vector.broadcast %squeeze3A_3395 : f32 to vector<16xf32>
        %mul3A_3397 = arith.mulf %mul3A_3396, %get3A_3243 : vector<16xf32>
        %add3A_3398 = arith.addf %add3A_3192, %mul3A_3397 : vector<16xf32>
        %slice3A_3399 = vector.extract_strided_slice %mul3A_3236 {offsets = [15], sizes = [1], strides = [1]} : vector<16xf32> to vector<1xf32>
        %squeeze3A_3400 = vector.extract %slice3A_3399[0] : f32 from vector<1xf32>
        %mul3A_3401 = vector.broadcast %squeeze3A_3400 : f32 to vector<16xf32>
        %mul3A_3402 = arith.mulf %mul3A_3401, %get3A_3243 : vector<16xf32>
        %add3A_3403 = arith.addf %add3A_3197, %mul3A_3402 : vector<16xf32>
        %add3A_3404 = arith.constant 14 : i32
        %add3A_3405 = arith.addi %add3A_285, %add3A_3404 : i32
        %add3A_3406 = arith.constant 1 : i32
        %add3A_3407 = arith.addi %add3A_3405, %add3A_3406 : i32
        %lt3A_3408 = arith.constant 0 : i32
        %lt3A_3409 = vector.broadcast %lt3A_3408 : i32 to vector<16xi32>
        %lt3A_3410 = arith.cmpi slt, %add3A_13, %lt3A_3409 : vector<16xi32>
        %add3A_3411 = arith.constant 16 : i32
        %add3A_3412 = vector.broadcast %add3A_3411 : i32 to vector<16xi32>
        %add3A_3413 = arith.addi %add3A_13, %add3A_3412 : vector<16xi32>
        %select_n3A_3414 = arith.select %lt3A_3410, %add3A_3413, %add3A_13 : vector<16xi1>, vector<16xi32>
        %broadcast_in_dim3A_3415 = vector.shape_cast %select_n3A_3414 : vector<16xi32> to vector<16x1xi32>
        %gather3A_3416 = vector.shape_cast %broadcast_in_dim3A_3415 : vector<16x1xi32> to vector<16xi32>
        %gather3A_3417 = tpu.dynamic_gather %get3A_3202[%gather3A_3416] in [0] : vector<16xf32>, vector<16xi32> -> vector<16xf32>
        %lt3A_3418 = arith.constant 0 : i32
        %lt3A_3419 = vector.broadcast %lt3A_3418 : i32 to vector<16xi32>
        %lt3A_3420 = arith.cmpi slt, %add3A_16, %lt3A_3419 : vector<16xi32>
        %add3A_3421 = arith.constant 16 : i32
        %add3A_3422 = vector.broadcast %add3A_3421 : i32 to vector<16xi32>
        %add3A_3423 = arith.addi %add3A_16, %add3A_3422 : vector<16xi32>
        %select_n3A_3424 = arith.select %lt3A_3420, %add3A_3423, %add3A_16 : vector<16xi1>, vector<16xi32>
        %broadcast_in_dim3A_3425 = vector.shape_cast %select_n3A_3424 : vector<16xi32> to vector<16x1xi32>
        %gather3A_3426 = vector.shape_cast %broadcast_in_dim3A_3425 : vector<16x1xi32> to vector<16xi32>
        %gather3A_3427 = tpu.dynamic_gather %get3A_3202[%gather3A_3426] in [0] : vector<16xf32>, vector<16xi32> -> vector<16xf32>
        %get3A_3428 = arith.index_cast %add3A_3407 : i32 to index
        %get3A_3429 = arith.constant 0 : index
        %get3A_3430 = tpu.vector_load %arg8[%get3A_3428, %get3A_3429] {strides = array<i32>} : memref<800x32xf32, #tpu.memory_space<vmem>>, vector<1x16xf32>,
        %get3A_3431 = vector.shape_cast %get3A_3430 : vector<1x16xf32> to vector<16xf32>
        %mul3A_3432 = arith.mulf %get3A_3431, %gather3A_3417 : vector<16xf32>
        %get3A_3433 = arith.index_cast %add3A_3407 : i32 to index
        %get3A_3434 = arith.constant 16 : index
        %get3A_3435 = tpu.vector_load %arg8[%get3A_3433, %get3A_3434] {strides = array<i32>} : memref<800x32xf32, #tpu.memory_space<vmem>>, vector<1x16xf32>,
        %get3A_3436 = vector.shape_cast %get3A_3435 : vector<1x16xf32> to vector<16xf32>
        %mul3A_3437 = arith.mulf %get3A_3436, %gather3A_3427 : vector<16xf32>
        %sub3A_3438 = arith.subi %add3A_3407, %mul3A_254 : i32
        %mul3A_3439 = arith.constant 16 : i32
        %mul3A_3440 = arith.muli %sub3A_3438, %mul3A_3439 : i32
        %add3A_3441 = arith.addi %mul3A_3440, %mul3A_258 : i32
        %get3A_3442 = arith.index_cast %add3A_3441 : i32 to index
        %get3A_3443 = tpu.vector_load %arg10[%get3A_3442] {strides = array<i32>} : memref<12800xf32, #tpu.memory_space<vmem>>, vector<16xf32>,
        %get3A_3444 = vector.shape_cast %get3A_3443 : vector<16xf32> to vector<16xf32>
        %slice3A_3445 = vector.extract_strided_slice %mul3A_3432 {offsets = [0], sizes = [1], strides = [1]} : vector<16xf32> to vector<1xf32>
        %squeeze3A_3446 = vector.extract %slice3A_3445[0] : f32 from vector<1xf32>
        %mul3A_3447 = vector.broadcast %squeeze3A_3446 : f32 to vector<16xf32>
        %mul3A_3448 = arith.mulf %mul3A_3447, %get3A_3444 : vector<16xf32>
        %add3A_3449 = arith.addf %add3A_3248, %mul3A_3448 : vector<16xf32>
        %slice3A_3450 = vector.extract_strided_slice %mul3A_3437 {offsets = [0], sizes = [1], strides = [1]} : vector<16xf32> to vector<1xf32>
        %squeeze3A_3451 = vector.extract %slice3A_3450[0] : f32 from vector<1xf32>
        %mul3A_3452 = vector.broadcast %squeeze3A_3451 : f32 to vector<16xf32>
        %mul3A_3453 = arith.mulf %mul3A_3452, %get3A_3444 : vector<16xf32>
        %add3A_3454 = arith.addf %add3A_3253, %mul3A_3453 : vector<16xf32>
        %slice3A_3455 = vector.extract_strided_slice %mul3A_3432 {offsets = [1], sizes = [1], strides = [1]} : vector<16xf32> to vector<1xf32>
        %squeeze3A_3456 = vector.extract %slice3A_3455[0] : f32 from vector<1xf32>
        %mul3A_3457 = vector.broadcast %squeeze3A_3456 : f32 to vector<16xf32>
        %mul3A_3458 = arith.mulf %mul3A_3457, %get3A_3444 : vector<16xf32>
        %add3A_3459 = arith.addf %add3A_3258, %mul3A_3458 : vector<16xf32>
        %slice3A_3460 = vector.extract_strided_slice %mul3A_3437 {offsets = [1], sizes = [1], strides = [1]} : vector<16xf32> to vector<1xf32>
        %squeeze3A_3461 = vector.extract %slice3A_3460[0] : f32 from vector<1xf32>
        %mul3A_3462 = vector.broadcast %squeeze3A_3461 : f32 to vector<16xf32>
        %mul3A_3463 = arith.mulf %mul3A_3462, %get3A_3444 : vector<16xf32>
        %add3A_3464 = arith.addf %add3A_3263, %mul3A_3463 : vector<16xf32>
        %slice3A_3465 = vector.extract_strided_slice %mul3A_3432 {offsets = [2], sizes = [1], strides = [1]} : vector<16xf32> to vector<1xf32>
        %squeeze3A_3466 = vector.extract %slice3A_3465[0] : f32 from vector<1xf32>
        %mul3A_3467 = vector.broadcast %squeeze3A_3466 : f32 to vector<16xf32>
        %mul3A_3468 = arith.mulf %mul3A_3467, %get3A_3444 : vector<16xf32>
        %add3A_3469 = arith.addf %add3A_3268, %mul3A_3468 : vector<16xf32>
        %slice3A_3470 = vector.extract_strided_slice %mul3A_3437 {offsets = [2], sizes = [1], strides = [1]} : vector<16xf32> to vector<1xf32>
        %squeeze3A_3471 = vector.extract %slice3A_3470[0] : f32 from vector<1xf32>
        %mul3A_3472 = vector.broadcast %squeeze3A_3471 : f32 to vector<16xf32>
        %mul3A_3473 = arith.mulf %mul3A_3472, %get3A_3444 : vector<16xf32>
        %add3A_3474 = arith.addf %add3A_3273, %mul3A_3473 : vector<16xf32>
        %slice3A_3475 = vector.extract_strided_slice %mul3A_3432 {offsets = [3], sizes = [1], strides = [1]} : vector<16xf32> to vector<1xf32>
        %squeeze3A_3476 = vector.extract %slice3A_3475[0] : f32 from vector<1xf32>
        %mul3A_3477 = vector.broadcast %squeeze3A_3476 : f32 to vector<16xf32>
        %mul3A_3478 = arith.mulf %mul3A_3477, %get3A_3444 : vector<16xf32>
        %add3A_3479 = arith.addf %add3A_3278, %mul3A_3478 : vector<16xf32>
        %slice3A_3480 = vector.extract_strided_slice %mul3A_3437 {offsets = [3], sizes = [1], strides = [1]} : vector<16xf32> to vector<1xf32>
        %squeeze3A_3481 = vector.extract %slice3A_3480[0] : f32 from vector<1xf32>
        %mul3A_3482 = vector.broadcast %squeeze3A_3481 : f32 to vector<16xf32>
        %mul3A_3483 = arith.mulf %mul3A_3482, %get3A_3444 : vector<16xf32>
        %add3A_3484 = arith.addf %add3A_3283, %mul3A_3483 : vector<16xf32>
        %slice3A_3485 = vector.extract_strided_slice %mul3A_3432 {offsets = [4], sizes = [1], strides = [1]} : vector<16xf32> to vector<1xf32>
        %squeeze3A_3486 = vector.extract %slice3A_3485[0] : f32 from vector<1xf32>
        %mul3A_3487 = vector.broadcast %squeeze3A_3486 : f32 to vector<16xf32>
        %mul3A_3488 = arith.mulf %mul3A_3487, %get3A_3444 : vector<16xf32>
        %add3A_3489 = arith.addf %add3A_3288, %mul3A_3488 : vector<16xf32>
        %slice3A_3490 = vector.extract_strided_slice %mul3A_3437 {offsets = [4], sizes = [1], strides = [1]} : vector<16xf32> to vector<1xf32>
        %squeeze3A_3491 = vector.extract %slice3A_3490[0] : f32 from vector<1xf32>
        %mul3A_3492 = vector.broadcast %squeeze3A_3491 : f32 to vector<16xf32>
        %mul3A_3493 = arith.mulf %mul3A_3492, %get3A_3444 : vector<16xf32>
        %add3A_3494 = arith.addf %add3A_3293, %mul3A_3493 : vector<16xf32>
        %slice3A_3495 = vector.extract_strided_slice %mul3A_3432 {offsets = [5], sizes = [1], strides = [1]} : vector<16xf32> to vector<1xf32>
        %squeeze3A_3496 = vector.extract %slice3A_3495[0] : f32 from vector<1xf32>
        %mul3A_3497 = vector.broadcast %squeeze3A_3496 : f32 to vector<16xf32>
        %mul3A_3498 = arith.mulf %mul3A_3497, %get3A_3444 : vector<16xf32>
        %add3A_3499 = arith.addf %add3A_3298, %mul3A_3498 : vector<16xf32>
        %slice3A_3500 = vector.extract_strided_slice %mul3A_3437 {offsets = [5], sizes = [1], strides = [1]} : vector<16xf32> to vector<1xf32>
        %squeeze3A_3501 = vector.extract %slice3A_3500[0] : f32 from vector<1xf32>
        %mul3A_3502 = vector.broadcast %squeeze3A_3501 : f32 to vector<16xf32>
        %mul3A_3503 = arith.mulf %mul3A_3502, %get3A_3444 : vector<16xf32>
        %add3A_3504 = arith.addf %add3A_3303, %mul3A_3503 : vector<16xf32>
        %slice3A_3505 = vector.extract_strided_slice %mul3A_3432 {offsets = [6], sizes = [1], strides = [1]} : vector<16xf32> to vector<1xf32>
        %squeeze3A_3506 = vector.extract %slice3A_3505[0] : f32 from vector<1xf32>
        %mul3A_3507 = vector.broadcast %squeeze3A_3506 : f32 to vector<16xf32>
        %mul3A_3508 = arith.mulf %mul3A_3507, %get3A_3444 : vector<16xf32>
        %add3A_3509 = arith.addf %add3A_3308, %mul3A_3508 : vector<16xf32>
        %slice3A_3510 = vector.extract_strided_slice %mul3A_3437 {offsets = [6], sizes = [1], strides = [1]} : vector<16xf32> to vector<1xf32>
        %squeeze3A_3511 = vector.extract %slice3A_3510[0] : f32 from vector<1xf32>
        %mul3A_3512 = vector.broadcast %squeeze3A_3511 : f32 to vector<16xf32>
        %mul3A_3513 = arith.mulf %mul3A_3512, %get3A_3444 : vector<16xf32>
        %add3A_3514 = arith.addf %add3A_3313, %mul3A_3513 : vector<16xf32>
        %slice3A_3515 = vector.extract_strided_slice %mul3A_3432 {offsets = [7], sizes = [1], strides = [1]} : vector<16xf32> to vector<1xf32>
        %squeeze3A_3516 = vector.extract %slice3A_3515[0] : f32 from vector<1xf32>
        %mul3A_3517 = vector.broadcast %squeeze3A_3516 : f32 to vector<16xf32>
        %mul3A_3518 = arith.mulf %mul3A_3517, %get3A_3444 : vector<16xf32>
        %add3A_3519 = arith.addf %add3A_3318, %mul3A_3518 : vector<16xf32>
        %slice3A_3520 = vector.extract_strided_slice %mul3A_3437 {offsets = [7], sizes = [1], strides = [1]} : vector<16xf32> to vector<1xf32>
        %squeeze3A_3521 = vector.extract %slice3A_3520[0] : f32 from vector<1xf32>
        %mul3A_3522 = vector.broadcast %squeeze3A_3521 : f32 to vector<16xf32>
        %mul3A_3523 = arith.mulf %mul3A_3522, %get3A_3444 : vector<16xf32>
        %add3A_3524 = arith.addf %add3A_3323, %mul3A_3523 : vector<16xf32>
        %slice3A_3525 = vector.extract_strided_slice %mul3A_3432 {offsets = [8], sizes = [1], strides = [1]} : vector<16xf32> to vector<1xf32>
        %squeeze3A_3526 = vector.extract %slice3A_3525[0] : f32 from vector<1xf32>
        %mul3A_3527 = vector.broadcast %squeeze3A_3526 : f32 to vector<16xf32>
        %mul3A_3528 = arith.mulf %mul3A_3527, %get3A_3444 : vector<16xf32>
        %add3A_3529 = arith.addf %add3A_3328, %mul3A_3528 : vector<16xf32>
        %slice3A_3530 = vector.extract_strided_slice %mul3A_3437 {offsets = [8], sizes = [1], strides = [1]} : vector<16xf32> to vector<1xf32>
        %squeeze3A_3531 = vector.extract %slice3A_3530[0] : f32 from vector<1xf32>
        %mul3A_3532 = vector.broadcast %squeeze3A_3531 : f32 to vector<16xf32>
        %mul3A_3533 = arith.mulf %mul3A_3532, %get3A_3444 : vector<16xf32>
        %add3A_3534 = arith.addf %add3A_3333, %mul3A_3533 : vector<16xf32>
        %slice3A_3535 = vector.extract_strided_slice %mul3A_3432 {offsets = [9], sizes = [1], strides = [1]} : vector<16xf32> to vector<1xf32>
        %squeeze3A_3536 = vector.extract %slice3A_3535[0] : f32 from vector<1xf32>
        %mul3A_3537 = vector.broadcast %squeeze3A_3536 : f32 to vector<16xf32>
        %mul3A_3538 = arith.mulf %mul3A_3537, %get3A_3444 : vector<16xf32>
        %add3A_3539 = arith.addf %add3A_3338, %mul3A_3538 : vector<16xf32>
        %slice3A_3540 = vector.extract_strided_slice %mul3A_3437 {offsets = [9], sizes = [1], strides = [1]} : vector<16xf32> to vector<1xf32>
        %squeeze3A_3541 = vector.extract %slice3A_3540[0] : f32 from vector<1xf32>
        %mul3A_3542 = vector.broadcast %squeeze3A_3541 : f32 to vector<16xf32>
        %mul3A_3543 = arith.mulf %mul3A_3542, %get3A_3444 : vector<16xf32>
        %add3A_3544 = arith.addf %add3A_3343, %mul3A_3543 : vector<16xf32>
        %slice3A_3545 = vector.extract_strided_slice %mul3A_3432 {offsets = [10], sizes = [1], strides = [1]} : vector<16xf32> to vector<1xf32>
        %squeeze3A_3546 = vector.extract %slice3A_3545[0] : f32 from vector<1xf32>
        %mul3A_3547 = vector.broadcast %squeeze3A_3546 : f32 to vector<16xf32>
        %mul3A_3548 = arith.mulf %mul3A_3547, %get3A_3444 : vector<16xf32>
        %add3A_3549 = arith.addf %add3A_3348, %mul3A_3548 : vector<16xf32>
        %slice3A_3550 = vector.extract_strided_slice %mul3A_3437 {offsets = [10], sizes = [1], strides = [1]} : vector<16xf32> to vector<1xf32>
        %squeeze3A_3551 = vector.extract %slice3A_3550[0] : f32 from vector<1xf32>
        %mul3A_3552 = vector.broadcast %squeeze3A_3551 : f32 to vector<16xf32>
        %mul3A_3553 = arith.mulf %mul3A_3552, %get3A_3444 : vector<16xf32>
        %add3A_3554 = arith.addf %add3A_3353, %mul3A_3553 : vector<16xf32>
        %slice3A_3555 = vector.extract_strided_slice %mul3A_3432 {offsets = [11], sizes = [1], strides = [1]} : vector<16xf32> to vector<1xf32>
        %squeeze3A_3556 = vector.extract %slice3A_3555[0] : f32 from vector<1xf32>
        %mul3A_3557 = vector.broadcast %squeeze3A_3556 : f32 to vector<16xf32>
        %mul3A_3558 = arith.mulf %mul3A_3557, %get3A_3444 : vector<16xf32>
        %add3A_3559 = arith.addf %add3A_3358, %mul3A_3558 : vector<16xf32>
        %slice3A_3560 = vector.extract_strided_slice %mul3A_3437 {offsets = [11], sizes = [1], strides = [1]} : vector<16xf32> to vector<1xf32>
        %squeeze3A_3561 = vector.extract %slice3A_3560[0] : f32 from vector<1xf32>
        %mul3A_3562 = vector.broadcast %squeeze3A_3561 : f32 to vector<16xf32>
        %mul3A_3563 = arith.mulf %mul3A_3562, %get3A_3444 : vector<16xf32>
        %add3A_3564 = arith.addf %add3A_3363, %mul3A_3563 : vector<16xf32>
        %slice3A_3565 = vector.extract_strided_slice %mul3A_3432 {offsets = [12], sizes = [1], strides = [1]} : vector<16xf32> to vector<1xf32>
        %squeeze3A_3566 = vector.extract %slice3A_3565[0] : f32 from vector<1xf32>
        %mul3A_3567 = vector.broadcast %squeeze3A_3566 : f32 to vector<16xf32>
        %mul3A_3568 = arith.mulf %mul3A_3567, %get3A_3444 : vector<16xf32>
        %add3A_3569 = arith.addf %add3A_3368, %mul3A_3568 : vector<16xf32>
        %slice3A_3570 = vector.extract_strided_slice %mul3A_3437 {offsets = [12], sizes = [1], strides = [1]} : vector<16xf32> to vector<1xf32>
        %squeeze3A_3571 = vector.extract %slice3A_3570[0] : f32 from vector<1xf32>
        %mul3A_3572 = vector.broadcast %squeeze3A_3571 : f32 to vector<16xf32>
        %mul3A_3573 = arith.mulf %mul3A_3572, %get3A_3444 : vector<16xf32>
        %add3A_3574 = arith.addf %add3A_3373, %mul3A_3573 : vector<16xf32>
        %slice3A_3575 = vector.extract_strided_slice %mul3A_3432 {offsets = [13], sizes = [1], strides = [1]} : vector<16xf32> to vector<1xf32>
        %squeeze3A_3576 = vector.extract %slice3A_3575[0] : f32 from vector<1xf32>
        %mul3A_3577 = vector.broadcast %squeeze3A_3576 : f32 to vector<16xf32>
        %mul3A_3578 = arith.mulf %mul3A_3577, %get3A_3444 : vector<16xf32>
        %add3A_3579 = arith.addf %add3A_3378, %mul3A_3578 : vector<16xf32>
        %slice3A_3580 = vector.extract_strided_slice %mul3A_3437 {offsets = [13], sizes = [1], strides = [1]} : vector<16xf32> to vector<1xf32>
        %squeeze3A_3581 = vector.extract %slice3A_3580[0] : f32 from vector<1xf32>
        %mul3A_3582 = vector.broadcast %squeeze3A_3581 : f32 to vector<16xf32>
        %mul3A_3583 = arith.mulf %mul3A_3582, %get3A_3444 : vector<16xf32>
        %add3A_3584 = arith.addf %add3A_3383, %mul3A_3583 : vector<16xf32>
        %slice3A_3585 = vector.extract_strided_slice %mul3A_3432 {offsets = [14], sizes = [1], strides = [1]} : vector<16xf32> to vector<1xf32>
        %squeeze3A_3586 = vector.extract %slice3A_3585[0] : f32 from vector<1xf32>
        %mul3A_3587 = vector.broadcast %squeeze3A_3586 : f32 to vector<16xf32>
        %mul3A_3588 = arith.mulf %mul3A_3587, %get3A_3444 : vector<16xf32>
        %add3A_3589 = arith.addf %add3A_3388, %mul3A_3588 : vector<16xf32>
        %slice3A_3590 = vector.extract_strided_slice %mul3A_3437 {offsets = [14], sizes = [1], strides = [1]} : vector<16xf32> to vector<1xf32>
        %squeeze3A_3591 = vector.extract %slice3A_3590[0] : f32 from vector<1xf32>
        %mul3A_3592 = vector.broadcast %squeeze3A_3591 : f32 to vector<16xf32>
        %mul3A_3593 = arith.mulf %mul3A_3592, %get3A_3444 : vector<16xf32>
        %add3A_3594 = arith.addf %add3A_3393, %mul3A_3593 : vector<16xf32>
        %slice3A_3595 = vector.extract_strided_slice %mul3A_3432 {offsets = [15], sizes = [1], strides = [1]} : vector<16xf32> to vector<1xf32>
        %squeeze3A_3596 = vector.extract %slice3A_3595[0] : f32 from vector<1xf32>
        %mul3A_3597 = vector.broadcast %squeeze3A_3596 : f32 to vector<16xf32>
        %mul3A_3598 = arith.mulf %mul3A_3597, %get3A_3444 : vector<16xf32>
        %add3A_3599 = arith.addf %add3A_3398, %mul3A_3598 : vector<16xf32>
        %slice3A_3600 = vector.extract_strided_slice %mul3A_3437 {offsets = [15], sizes = [1], strides = [1]} : vector<16xf32> to vector<1xf32>
        %squeeze3A_3601 = vector.extract %slice3A_3600[0] : f32 from vector<1xf32>
        %mul3A_3602 = vector.broadcast %squeeze3A_3601 : f32 to vector<16xf32>
        %mul3A_3603 = arith.mulf %mul3A_3602, %get3A_3444 : vector<16xf32>
        %add3A_3604 = arith.addf %add3A_3403, %mul3A_3603 : vector<16xf32>
        %mul3A_3605 = arith.constant 32 : i32
        %mul3A_3606 = arith.muli %scan3A_282, %mul3A_3605 : i32
        %mul3A_3607 = arith.constant 16 : i32
        %mul3A_3608 = arith.muli %mul3A_3606, %mul3A_3607 : i32
        %add3A_3609 = arith.addi %mul3A_260, %mul3A_3608 : i32
        %add3A_3610 = arith.constant 0 : i32
        %add3A_3611 = arith.addi %add3A_3609, %add3A_3610 : i32
        %swap3A = arith.index_cast %add3A_3611 : i32 to index
        %swap3A_3612 = tpu.vector_load %arg11[%swap3A] {strides = array<i32>} : memref<25600xf32, #tpu.memory_space<vmem>>, vector<16xf32>,
        %swap3A_3613 = vector.shape_cast %swap3A_3612 : vector<16xf32> to vector<16xf32>
        %swap3A_3614 = vector.shape_cast %add3A_3449 : vector<16xf32> to vector<16xf32>
        tpu.vector_store %arg11[%swap3A], %swap3A_3614 {strides = array<i32>} : memref<25600xf32, #tpu.memory_space<vmem>>, vector<16xf32>,
        %add3A_3615 = arith.constant 16 : i32
        %add3A_3616 = arith.addi %add3A_3609, %add3A_3615 : i32
        %swap3A_3617 = arith.index_cast %add3A_3616 : i32 to index
        %swap3A_3618 = tpu.vector_load %arg11[%swap3A_3617] {strides = array<i32>} : memref<25600xf32, #tpu.memory_space<vmem>>, vector<16xf32>,
        %swap3A_3619 = vector.shape_cast %swap3A_3618 : vector<16xf32> to vector<16xf32>
        %swap3A_3620 = vector.shape_cast %add3A_3459 : vector<16xf32> to vector<16xf32>
        tpu.vector_store %arg11[%swap3A_3617], %swap3A_3620 {strides = array<i32>} : memref<25600xf32, #tpu.memory_space<vmem>>, vector<16xf32>,
        %add3A_3621 = arith.constant 32 : i32
        %add3A_3622 = arith.addi %add3A_3609, %add3A_3621 : i32
        %swap3A_3623 = arith.index_cast %add3A_3622 : i32 to index
        %swap3A_3624 = tpu.vector_load %arg11[%swap3A_3623] {strides = array<i32>} : memref<25600xf32, #tpu.memory_space<vmem>>, vector<16xf32>,
        %swap3A_3625 = vector.shape_cast %swap3A_3624 : vector<16xf32> to vector<16xf32>
        %swap3A_3626 = vector.shape_cast %add3A_3469 : vector<16xf32> to vector<16xf32>
        tpu.vector_store %arg11[%swap3A_3623], %swap3A_3626 {strides = array<i32>} : memref<25600xf32, #tpu.memory_space<vmem>>, vector<16xf32>,
        %add3A_3627 = arith.constant 48 : i32
        %add3A_3628 = arith.addi %add3A_3609, %add3A_3627 : i32
        %swap3A_3629 = arith.index_cast %add3A_3628 : i32 to index
        %swap3A_3630 = tpu.vector_load %arg11[%swap3A_3629] {strides = array<i32>} : memref<25600xf32, #tpu.memory_space<vmem>>, vector<16xf32>,
        %swap3A_3631 = vector.shape_cast %swap3A_3630 : vector<16xf32> to vector<16xf32>
        %swap3A_3632 = vector.shape_cast %add3A_3479 : vector<16xf32> to vector<16xf32>
        tpu.vector_store %arg11[%swap3A_3629], %swap3A_3632 {strides = array<i32>} : memref<25600xf32, #tpu.memory_space<vmem>>, vector<16xf32>,
        %add3A_3633 = arith.constant 64 : i32
        %add3A_3634 = arith.addi %add3A_3609, %add3A_3633 : i32
        %swap3A_3635 = arith.index_cast %add3A_3634 : i32 to index
        %swap3A_3636 = tpu.vector_load %arg11[%swap3A_3635] {strides = array<i32>} : memref<25600xf32, #tpu.memory_space<vmem>>, vector<16xf32>,
        %swap3A_3637 = vector.shape_cast %swap3A_3636 : vector<16xf32> to vector<16xf32>
        %swap3A_3638 = vector.shape_cast %add3A_3489 : vector<16xf32> to vector<16xf32>
        tpu.vector_store %arg11[%swap3A_3635], %swap3A_3638 {strides = array<i32>} : memref<25600xf32, #tpu.memory_space<vmem>>, vector<16xf32>,
        %add3A_3639 = arith.constant 80 : i32
        %add3A_3640 = arith.addi %add3A_3609, %add3A_3639 : i32
        %swap3A_3641 = arith.index_cast %add3A_3640 : i32 to index
        %swap3A_3642 = tpu.vector_load %arg11[%swap3A_3641] {strides = array<i32>} : memref<25600xf32, #tpu.memory_space<vmem>>, vector<16xf32>,
        %swap3A_3643 = vector.shape_cast %swap3A_3642 : vector<16xf32> to vector<16xf32>
        %swap3A_3644 = vector.shape_cast %add3A_3499 : vector<16xf32> to vector<16xf32>
        tpu.vector_store %arg11[%swap3A_3641], %swap3A_3644 {strides = array<i32>} : memref<25600xf32, #tpu.memory_space<vmem>>, vector<16xf32>,
        %add3A_3645 = arith.constant 96 : i32
        %add3A_3646 = arith.addi %add3A_3609, %add3A_3645 : i32
        %swap3A_3647 = arith.index_cast %add3A_3646 : i32 to index
        %swap3A_3648 = tpu.vector_load %arg11[%swap3A_3647] {strides = array<i32>} : memref<25600xf32, #tpu.memory_space<vmem>>, vector<16xf32>,
        %swap3A_3649 = vector.shape_cast %swap3A_3648 : vector<16xf32> to vector<16xf32>
        %swap3A_3650 = vector.shape_cast %add3A_3509 : vector<16xf32> to vector<16xf32>
        tpu.vector_store %arg11[%swap3A_3647], %swap3A_3650 {strides = array<i32>} : memref<25600xf32, #tpu.memory_space<vmem>>, vector<16xf32>,
        %add3A_3651 = arith.constant 112 : i32
        %add3A_3652 = arith.addi %add3A_3609, %add3A_3651 : i32
        %swap3A_3653 = arith.index_cast %add3A_3652 : i32 to index
        %swap3A_3654 = tpu.vector_load %arg11[%swap3A_3653] {strides = array<i32>} : memref<25600xf32, #tpu.memory_space<vmem>>, vector<16xf32>,
        %swap3A_3655 = vector.shape_cast %swap3A_3654 : vector<16xf32> to vector<16xf32>
        %swap3A_3656 = vector.shape_cast %add3A_3519 : vector<16xf32> to vector<16xf32>
        tpu.vector_store %arg11[%swap3A_3653], %swap3A_3656 {strides = array<i32>} : memref<25600xf32, #tpu.memory_space<vmem>>, vector<16xf32>,
        %add3A_3657 = arith.constant 128 : i32
        %add3A_3658 = arith.addi %add3A_3609, %add3A_3657 : i32
        %swap3A_3659 = arith.index_cast %add3A_3658 : i32 to index
        %swap3A_3660 = tpu.vector_load %arg11[%swap3A_3659] {strides = array<i32>} : memref<25600xf32, #tpu.memory_space<vmem>>, vector<16xf32>,
        %swap3A_3661 = vector.shape_cast %swap3A_3660 : vector<16xf32> to vector<16xf32>
        %swap3A_3662 = vector.shape_cast %add3A_3529 : vector<16xf32> to vector<16xf32>
        tpu.vector_store %arg11[%swap3A_3659], %swap3A_3662 {strides = array<i32>} : memref<25600xf32, #tpu.memory_space<vmem>>, vector<16xf32>,
        %add3A_3663 = arith.constant 144 : i32
        %add3A_3664 = arith.addi %add3A_3609, %add3A_3663 : i32
        %swap3A_3665 = arith.index_cast %add3A_3664 : i32 to index
        %swap3A_3666 = tpu.vector_load %arg11[%swap3A_3665] {strides = array<i32>} : memref<25600xf32, #tpu.memory_space<vmem>>, vector<16xf32>,
        %swap3A_3667 = vector.shape_cast %swap3A_3666 : vector<16xf32> to vector<16xf32>
        %swap3A_3668 = vector.shape_cast %add3A_3539 : vector<16xf32> to vector<16xf32>
        tpu.vector_store %arg11[%swap3A_3665], %swap3A_3668 {strides = array<i32>} : memref<25600xf32, #tpu.memory_space<vmem>>, vector<16xf32>,
        %add3A_3669 = arith.constant 160 : i32
        %add3A_3670 = arith.addi %add3A_3609, %add3A_3669 : i32
        %swap3A_3671 = arith.index_cast %add3A_3670 : i32 to index
        %swap3A_3672 = tpu.vector_load %arg11[%swap3A_3671] {strides = array<i32>} : memref<25600xf32, #tpu.memory_space<vmem>>, vector<16xf32>,
        %swap3A_3673 = vector.shape_cast %swap3A_3672 : vector<16xf32> to vector<16xf32>
        %swap3A_3674 = vector.shape_cast %add3A_3549 : vector<16xf32> to vector<16xf32>
        tpu.vector_store %arg11[%swap3A_3671], %swap3A_3674 {strides = array<i32>} : memref<25600xf32, #tpu.memory_space<vmem>>, vector<16xf32>,
        %add3A_3675 = arith.constant 176 : i32
        %add3A_3676 = arith.addi %add3A_3609, %add3A_3675 : i32
        %swap3A_3677 = arith.index_cast %add3A_3676 : i32 to index
        %swap3A_3678 = tpu.vector_load %arg11[%swap3A_3677] {strides = array<i32>} : memref<25600xf32, #tpu.memory_space<vmem>>, vector<16xf32>,
        %swap3A_3679 = vector.shape_cast %swap3A_3678 : vector<16xf32> to vector<16xf32>
        %swap3A_3680 = vector.shape_cast %add3A_3559 : vector<16xf32> to vector<16xf32>
        tpu.vector_store %arg11[%swap3A_3677], %swap3A_3680 {strides = array<i32>} : memref<25600xf32, #tpu.memory_space<vmem>>, vector<16xf32>,
        %add3A_3681 = arith.constant 192 : i32
        %add3A_3682 = arith.addi %add3A_3609, %add3A_3681 : i32
        %swap3A_3683 = arith.index_cast %add3A_3682 : i32 to index
        %swap3A_3684 = tpu.vector_load %arg11[%swap3A_3683] {strides = array<i32>} : memref<25600xf32, #tpu.memory_space<vmem>>, vector<16xf32>,
        %swap3A_3685 = vector.shape_cast %swap3A_3684 : vector<16xf32> to vector<16xf32>
        %swap3A_3686 = vector.shape_cast %add3A_3569 : vector<16xf32> to vector<16xf32>
        tpu.vector_store %arg11[%swap3A_3683], %swap3A_3686 {strides = array<i32>} : memref<25600xf32, #tpu.memory_space<vmem>>, vector<16xf32>,
        %add3A_3687 = arith.constant 208 : i32
        %add3A_3688 = arith.addi %add3A_3609, %add3A_3687 : i32
        %swap3A_3689 = arith.index_cast %add3A_3688 : i32 to index
        %swap3A_3690 = tpu.vector_load %arg11[%swap3A_3689] {strides = array<i32>} : memref<25600xf32, #tpu.memory_space<vmem>>, vector<16xf32>,
        %swap3A_3691 = vector.shape_cast %swap3A_3690 : vector<16xf32> to vector<16xf32>
        %swap3A_3692 = vector.shape_cast %add3A_3579 : vector<16xf32> to vector<16xf32>
        tpu.vector_store %arg11[%swap3A_3689], %swap3A_3692 {strides = array<i32>} : memref<25600xf32, #tpu.memory_space<vmem>>, vector<16xf32>,
        %add3A_3693 = arith.constant 224 : i32
        %add3A_3694 = arith.addi %add3A_3609, %add3A_3693 : i32
        %swap3A_3695 = arith.index_cast %add3A_3694 : i32 to index
        %swap3A_3696 = tpu.vector_load %arg11[%swap3A_3695] {strides = array<i32>} : memref<25600xf32, #tpu.memory_space<vmem>>, vector<16xf32>,
        %swap3A_3697 = vector.shape_cast %swap3A_3696 : vector<16xf32> to vector<16xf32>
        %swap3A_3698 = vector.shape_cast %add3A_3589 : vector<16xf32> to vector<16xf32>
        tpu.vector_store %arg11[%swap3A_3695], %swap3A_3698 {strides = array<i32>} : memref<25600xf32, #tpu.memory_space<vmem>>, vector<16xf32>,
        %add3A_3699 = arith.constant 240 : i32
        %add3A_3700 = arith.addi %add3A_3609, %add3A_3699 : i32
        %swap3A_3701 = arith.index_cast %add3A_3700 : i32 to index
        %swap3A_3702 = tpu.vector_load %arg11[%swap3A_3701] {strides = array<i32>} : memref<25600xf32, #tpu.memory_space<vmem>>, vector<16xf32>,
        %swap3A_3703 = vector.shape_cast %swap3A_3702 : vector<16xf32> to vector<16xf32>
        %swap3A_3704 = vector.shape_cast %add3A_3599 : vector<16xf32> to vector<16xf32>
        tpu.vector_store %arg11[%swap3A_3701], %swap3A_3704 {strides = array<i32>} : memref<25600xf32, #tpu.memory_space<vmem>>, vector<16xf32>,
        %add3A_3705 = arith.constant 256 : i32
        %add3A_3706 = arith.addi %add3A_3609, %add3A_3705 : i32
        %swap3A_3707 = arith.index_cast %add3A_3706 : i32 to index
        %swap3A_3708 = tpu.vector_load %arg11[%swap3A_3707] {strides = array<i32>} : memref<25600xf32, #tpu.memory_space<vmem>>, vector<16xf32>,
        %swap3A_3709 = vector.shape_cast %swap3A_3708 : vector<16xf32> to vector<16xf32>
        %swap3A_3710 = vector.shape_cast %add3A_3454 : vector<16xf32> to vector<16xf32>
        tpu.vector_store %arg11[%swap3A_3707], %swap3A_3710 {strides = array<i32>} : memref<25600xf32, #tpu.memory_space<vmem>>, vector<16xf32>,
        %add3A_3711 = arith.constant 272 : i32
        %add3A_3712 = arith.addi %add3A_3609, %add3A_3711 : i32
        %swap3A_3713 = arith.index_cast %add3A_3712 : i32 to index
        %swap3A_3714 = tpu.vector_load %arg11[%swap3A_3713] {strides = array<i32>} : memref<25600xf32, #tpu.memory_space<vmem>>, vector<16xf32>,
        %swap3A_3715 = vector.shape_cast %swap3A_3714 : vector<16xf32> to vector<16xf32>
        %swap3A_3716 = vector.shape_cast %add3A_3464 : vector<16xf32> to vector<16xf32>
        tpu.vector_store %arg11[%swap3A_3713], %swap3A_3716 {strides = array<i32>} : memref<25600xf32, #tpu.memory_space<vmem>>, vector<16xf32>,
        %add3A_3717 = arith.constant 288 : i32
        %add3A_3718 = arith.addi %add3A_3609, %add3A_3717 : i32
        %swap3A_3719 = arith.index_cast %add3A_3718 : i32 to index
        %swap3A_3720 = tpu.vector_load %arg11[%swap3A_3719] {strides = array<i32>} : memref<25600xf32, #tpu.memory_space<vmem>>, vector<16xf32>,
        %swap3A_3721 = vector.shape_cast %swap3A_3720 : vector<16xf32> to vector<16xf32>
        %swap3A_3722 = vector.shape_cast %add3A_3474 : vector<16xf32> to vector<16xf32>
        tpu.vector_store %arg11[%swap3A_3719], %swap3A_3722 {strides = array<i32>} : memref<25600xf32, #tpu.memory_space<vmem>>, vector<16xf32>,
        %add3A_3723 = arith.constant 304 : i32
        %add3A_3724 = arith.addi %add3A_3609, %add3A_3723 : i32
        %swap3A_3725 = arith.index_cast %add3A_3724 : i32 to index
        %swap3A_3726 = tpu.vector_load %arg11[%swap3A_3725] {strides = array<i32>} : memref<25600xf32, #tpu.memory_space<vmem>>, vector<16xf32>,
        %swap3A_3727 = vector.shape_cast %swap3A_3726 : vector<16xf32> to vector<16xf32>
        %swap3A_3728 = vector.shape_cast %add3A_3484 : vector<16xf32> to vector<16xf32>
        tpu.vector_store %arg11[%swap3A_3725], %swap3A_3728 {strides = array<i32>} : memref<25600xf32, #tpu.memory_space<vmem>>, vector<16xf32>,
        %add3A_3729 = arith.constant 320 : i32
        %add3A_3730 = arith.addi %add3A_3609, %add3A_3729 : i32
        %swap3A_3731 = arith.index_cast %add3A_3730 : i32 to index
        %swap3A_3732 = tpu.vector_load %arg11[%swap3A_3731] {strides = array<i32>} : memref<25600xf32, #tpu.memory_space<vmem>>, vector<16xf32>,
        %swap3A_3733 = vector.shape_cast %swap3A_3732 : vector<16xf32> to vector<16xf32>
        %swap3A_3734 = vector.shape_cast %add3A_3494 : vector<16xf32> to vector<16xf32>
        tpu.vector_store %arg11[%swap3A_3731], %swap3A_3734 {strides = array<i32>} : memref<25600xf32, #tpu.memory_space<vmem>>, vector<16xf32>,
        %add3A_3735 = arith.constant 336 : i32
        %add3A_3736 = arith.addi %add3A_3609, %add3A_3735 : i32
        %swap3A_3737 = arith.index_cast %add3A_3736 : i32 to index
        %swap3A_3738 = tpu.vector_load %arg11[%swap3A_3737] {strides = array<i32>} : memref<25600xf32, #tpu.memory_space<vmem>>, vector<16xf32>,
        %swap3A_3739 = vector.shape_cast %swap3A_3738 : vector<16xf32> to vector<16xf32>
        %swap3A_3740 = vector.shape_cast %add3A_3504 : vector<16xf32> to vector<16xf32>
        tpu.vector_store %arg11[%swap3A_3737], %swap3A_3740 {strides = array<i32>} : memref<25600xf32, #tpu.memory_space<vmem>>, vector<16xf32>,
        %add3A_3741 = arith.constant 352 : i32
        %add3A_3742 = arith.addi %add3A_3609, %add3A_3741 : i32
        %swap3A_3743 = arith.index_cast %add3A_3742 : i32 to index
        %swap3A_3744 = tpu.vector_load %arg11[%swap3A_3743] {strides = array<i32>} : memref<25600xf32, #tpu.memory_space<vmem>>, vector<16xf32>,
        %swap3A_3745 = vector.shape_cast %swap3A_3744 : vector<16xf32> to vector<16xf32>
        %swap3A_3746 = vector.shape_cast %add3A_3514 : vector<16xf32> to vector<16xf32>
        tpu.vector_store %arg11[%swap3A_3743], %swap3A_3746 {strides = array<i32>} : memref<25600xf32, #tpu.memory_space<vmem>>, vector<16xf32>,
        %add3A_3747 = arith.constant 368 : i32
        %add3A_3748 = arith.addi %add3A_3609, %add3A_3747 : i32
        %swap3A_3749 = arith.index_cast %add3A_3748 : i32 to index
        %swap3A_3750 = tpu.vector_load %arg11[%swap3A_3749] {strides = array<i32>} : memref<25600xf32, #tpu.memory_space<vmem>>, vector<16xf32>,
        %swap3A_3751 = vector.shape_cast %swap3A_3750 : vector<16xf32> to vector<16xf32>
        %swap3A_3752 = vector.shape_cast %add3A_3524 : vector<16xf32> to vector<16xf32>
        tpu.vector_store %arg11[%swap3A_3749], %swap3A_3752 {strides = array<i32>} : memref<25600xf32, #tpu.memory_space<vmem>>, vector<16xf32>,
        %add3A_3753 = arith.constant 384 : i32
        %add3A_3754 = arith.addi %add3A_3609, %add3A_3753 : i32
        %swap3A_3755 = arith.index_cast %add3A_3754 : i32 to index
        %swap3A_3756 = tpu.vector_load %arg11[%swap3A_3755] {strides = array<i32>} : memref<25600xf32, #tpu.memory_space<vmem>>, vector<16xf32>,
        %swap3A_3757 = vector.shape_cast %swap3A_3756 : vector<16xf32> to vector<16xf32>
        %swap3A_3758 = vector.shape_cast %add3A_3534 : vector<16xf32> to vector<16xf32>
        tpu.vector_store %arg11[%swap3A_3755], %swap3A_3758 {strides = array<i32>} : memref<25600xf32, #tpu.memory_space<vmem>>, vector<16xf32>,
        %add3A_3759 = arith.constant 400 : i32
        %add3A_3760 = arith.addi %add3A_3609, %add3A_3759 : i32
        %swap3A_3761 = arith.index_cast %add3A_3760 : i32 to index
        %swap3A_3762 = tpu.vector_load %arg11[%swap3A_3761] {strides = array<i32>} : memref<25600xf32, #tpu.memory_space<vmem>>, vector<16xf32>,
        %swap3A_3763 = vector.shape_cast %swap3A_3762 : vector<16xf32> to vector<16xf32>
        %swap3A_3764 = vector.shape_cast %add3A_3544 : vector<16xf32> to vector<16xf32>
        tpu.vector_store %arg11[%swap3A_3761], %swap3A_3764 {strides = array<i32>} : memref<25600xf32, #tpu.memory_space<vmem>>, vector<16xf32>,
        %add3A_3765 = arith.constant 416 : i32
        %add3A_3766 = arith.addi %add3A_3609, %add3A_3765 : i32
        %swap3A_3767 = arith.index_cast %add3A_3766 : i32 to index
        %swap3A_3768 = tpu.vector_load %arg11[%swap3A_3767] {strides = array<i32>} : memref<25600xf32, #tpu.memory_space<vmem>>, vector<16xf32>,
        %swap3A_3769 = vector.shape_cast %swap3A_3768 : vector<16xf32> to vector<16xf32>
        %swap3A_3770 = vector.shape_cast %add3A_3554 : vector<16xf32> to vector<16xf32>
        tpu.vector_store %arg11[%swap3A_3767], %swap3A_3770 {strides = array<i32>} : memref<25600xf32, #tpu.memory_space<vmem>>, vector<16xf32>,
        %add3A_3771 = arith.constant 432 : i32
        %add3A_3772 = arith.addi %add3A_3609, %add3A_3771 : i32
        %swap3A_3773 = arith.index_cast %add3A_3772 : i32 to index
        %swap3A_3774 = tpu.vector_load %arg11[%swap3A_3773] {strides = array<i32>} : memref<25600xf32, #tpu.memory_space<vmem>>, vector<16xf32>,
        %swap3A_3775 = vector.shape_cast %swap3A_3774 : vector<16xf32> to vector<16xf32>
        %swap3A_3776 = vector.shape_cast %add3A_3564 : vector<16xf32> to vector<16xf32>
        tpu.vector_store %arg11[%swap3A_3773], %swap3A_3776 {strides = array<i32>} : memref<25600xf32, #tpu.memory_space<vmem>>, vector<16xf32>,
        %add3A_3777 = arith.constant 448 : i32
        %add3A_3778 = arith.addi %add3A_3609, %add3A_3777 : i32
        %swap3A_3779 = arith.index_cast %add3A_3778 : i32 to index
        %swap3A_3780 = tpu.vector_load %arg11[%swap3A_3779] {strides = array<i32>} : memref<25600xf32, #tpu.memory_space<vmem>>, vector<16xf32>,
        %swap3A_3781 = vector.shape_cast %swap3A_3780 : vector<16xf32> to vector<16xf32>
        %swap3A_3782 = vector.shape_cast %add3A_3574 : vector<16xf32> to vector<16xf32>
        tpu.vector_store %arg11[%swap3A_3779], %swap3A_3782 {strides = array<i32>} : memref<25600xf32, #tpu.memory_space<vmem>>, vector<16xf32>,
        %add3A_3783 = arith.constant 464 : i32
        %add3A_3784 = arith.addi %add3A_3609, %add3A_3783 : i32
        %swap3A_3785 = arith.index_cast %add3A_3784 : i32 to index
        %swap3A_3786 = tpu.vector_load %arg11[%swap3A_3785] {strides = array<i32>} : memref<25600xf32, #tpu.memory_space<vmem>>, vector<16xf32>,
        %swap3A_3787 = vector.shape_cast %swap3A_3786 : vector<16xf32> to vector<16xf32>
        %swap3A_3788 = vector.shape_cast %add3A_3584 : vector<16xf32> to vector<16xf32>
        tpu.vector_store %arg11[%swap3A_3785], %swap3A_3788 {strides = array<i32>} : memref<25600xf32, #tpu.memory_space<vmem>>, vector<16xf32>,
        %add3A_3789 = arith.constant 480 : i32
        %add3A_3790 = arith.addi %add3A_3609, %add3A_3789 : i32
        %swap3A_3791 = arith.index_cast %add3A_3790 : i32 to index
        %swap3A_3792 = tpu.vector_load %arg11[%swap3A_3791] {strides = array<i32>} : memref<25600xf32, #tpu.memory_space<vmem>>, vector<16xf32>,
        %swap3A_3793 = vector.shape_cast %swap3A_3792 : vector<16xf32> to vector<16xf32>
        %swap3A_3794 = vector.shape_cast %add3A_3594 : vector<16xf32> to vector<16xf32>
        tpu.vector_store %arg11[%swap3A_3791], %swap3A_3794 {strides = array<i32>} : memref<25600xf32, #tpu.memory_space<vmem>>, vector<16xf32>,
        %add3A_3795 = arith.constant 496 : i32
        %add3A_3796 = arith.addi %add3A_3609, %add3A_3795 : i32
        %swap3A_3797 = arith.index_cast %add3A_3796 : i32 to index
        %swap3A_3798 = tpu.vector_load %arg11[%swap3A_3797] {strides = array<i32>} : memref<25600xf32, #tpu.memory_space<vmem>>, vector<16xf32>,
        %swap3A_3799 = vector.shape_cast %swap3A_3798 : vector<16xf32> to vector<16xf32>
        %swap3A_3800 = vector.shape_cast %add3A_3604 : vector<16xf32> to vector<16xf32>
        tpu.vector_store %arg11[%swap3A_3797], %swap3A_3800 {strides = array<i32>} : memref<25600xf32, #tpu.memory_space<vmem>>, vector<16xf32>,
      }
      %scan3A_266 = arith.constant 25 : i32
      %mul3A_267 = arith.constant 12800 : i32
      %mul3A_268 = arith.muli %and3A_152, %mul3A_267 : i32
      %mul3A_269 = arith.constant 25 : i32
      %mul3A_270 = arith.muli %scan3A_151, %mul3A_269 : i32
      %add3A_271 = arith.addi %mul3A_2, %mul3A_270 : i32
      %mul3A_272 = arith.constant 32 : i32
      %mul3A_273 = arith.muli %add3A_271, %mul3A_272 : i32
      %mul3A_274 = arith.constant 16 : i32
      %mul3A_275 = arith.muli %mul3A_273, %mul3A_274 : i32
      %dma_start3A_276 = tpu.memref_slice %arg11[%mul3A_268] : memref<25600xf32, #tpu.memory_space<vmem>> -> memref<12800xf32, #tpu.memory_space<vmem>>
      %dma_start3A_277 = tpu.memref_slice %arg6[%mul3A_275] : memref<51200000xf32, #tpu.memory_space<hbm>> -> memref<12800xf32, #tpu.memory_space<hbm>>
      %dma_start3A_278 = tpu.memref_slice %arg15[%and3A_152] : memref<2x!tpu.dma_semaphore, #tpu.memory_space<semaphore_mem>> -> memref<1x!tpu.dma_semaphore, #tpu.memory_space<semaphore_mem>>
      %dma_start3A_279 = tpu.memref_squeeze %dma_start3A_278 : memref<1x!tpu.dma_semaphore, #tpu.memory_space<semaphore_mem>> -> memref<!tpu.dma_semaphore, #tpu.memory_space<semaphore_mem>>
      %dma_start3A_280 = tpu.memref_slice %arg6[%mul3A_275] : memref<51200000xf32, #tpu.memory_space<hbm>> -> memref<12800xf32, #tpu.memory_space<hbm>>
      %dma_start3A_281 = tpu.memref_slice %arg11[%mul3A_268] : memref<25600xf32, #tpu.memory_space<vmem>> -> memref<12800xf32, #tpu.memory_space<vmem>>
      tpu.enqueue_dma source(%dma_start3A_281 : memref<12800xf32, #tpu.memory_space<vmem>>) target(%dma_start3A_280 : memref<12800xf32, #tpu.memory_space<hbm>>) target_semaphore(%dma_start3A_279 : memref<!tpu.dma_semaphore, #tpu.memory_space<semaphore_mem>>)
    }
    %scan3A_128 = arith.constant 125 : i32
    %dma_wait3A_129 = arith.constant 1 : i32
    %dma_wait3A_130 = arith.constant 12800 : i32
    %dma_wait3A_131 = tpu.memref_slice %arg11[%dma_wait3A_130] : memref<25600xf32, #tpu.memory_space<vmem>> -> memref<12800xf32, #tpu.memory_space<vmem>>
    %dma_wait3A_132 = arith.constant 0 : i32
    %dma_wait3A_133 = tpu.memref_slice %arg6[%dma_wait3A_132] : memref<51200000xf32, #tpu.memory_space<hbm>> -> memref<12800xf32, #tpu.memory_space<hbm>>
    %dma_wait3A_134 = tpu.memref_slice %arg15[%dma_wait3A_129] : memref<2x!tpu.dma_semaphore, #tpu.memory_space<semaphore_mem>> -> memref<1x!tpu.dma_semaphore, #tpu.memory_space<semaphore_mem>>
    %dma_wait3A_135 = tpu.memref_squeeze %dma_wait3A_134 : memref<1x!tpu.dma_semaphore, #tpu.memory_space<semaphore_mem>> -> memref<!tpu.dma_semaphore, #tpu.memory_space<semaphore_mem>>
    %dma_wait3A_136 = arith.constant 0 : i32
    %dma_wait3A_137 = tpu.memref_slice %arg6[%dma_wait3A_136] : memref<51200000xf32, #tpu.memory_space<hbm>> -> memref<12800xf32, #tpu.memory_space<hbm>>
    %dma_wait3A_138 = arith.constant 12800 : i32
    %dma_wait3A_139 = tpu.memref_slice %arg11[%dma_wait3A_138] : memref<25600xf32, #tpu.memory_space<vmem>> -> memref<12800xf32, #tpu.memory_space<vmem>>
    tpu.wait_dma2 semaphore(%dma_wait3A_135 : memref<!tpu.dma_semaphore, #tpu.memory_space<semaphore_mem>>) src(%dma_wait3A_139 : memref<12800xf32, #tpu.memory_space<vmem>>) dst(%dma_wait3A_137 : memref<12800xf32, #tpu.memory_space<hbm>>)
    %dma_wait3A_140 = arith.constant 0 : i32
    %dma_wait3A_141 = arith.constant 0 : i32
    %dma_wait3A_142 = tpu.memref_slice %arg11[%dma_wait3A_141] : memref<25600xf32, #tpu.memory_space<vmem>> -> memref<12800xf32, #tpu.memory_space<vmem>>
    %dma_wait3A_143 = arith.constant 0 : i32
    %dma_wait3A_144 = tpu.memref_slice %arg6[%dma_wait3A_143] : memref<51200000xf32, #tpu.memory_space<hbm>> -> memref<12800xf32, #tpu.memory_space<hbm>>
    %dma_wait3A_145 = tpu.memref_slice %arg15[%dma_wait3A_140] : memref<2x!tpu.dma_semaphore, #tpu.memory_space<semaphore_mem>> -> memref<1x!tpu.dma_semaphore, #tpu.memory_space<semaphore_mem>>
    %dma_wait3A_146 = tpu.memref_squeeze %dma_wait3A_145 : memref<1x!tpu.dma_semaphore, #tpu.memory_space<semaphore_mem>> -> memref<!tpu.dma_semaphore, #tpu.memory_space<semaphore_mem>>
    %dma_wait3A_147 = arith.constant 0 : i32
    %dma_wait3A_148 = tpu.memref_slice %arg6[%dma_wait3A_147] : memref<51200000xf32, #tpu.memory_space<hbm>> -> memref<12800xf32, #tpu.memory_space<hbm>>
    %dma_wait3A_149 = arith.constant 0 : i32
    %dma_wait3A_150 = tpu.memref_slice %arg11[%dma_wait3A_149] : memref<25600xf32, #tpu.memory_space<vmem>> -> memref<12800xf32, #tpu.memory_space<vmem>>
    tpu.wait_dma2 semaphore(%dma_wait3A_146 : memref<!tpu.dma_semaphore, #tpu.memory_space<semaphore_mem>>) src(%dma_wait3A_150 : memref<12800xf32, #tpu.memory_space<vmem>>) dst(%dma_wait3A_148 : memref<12800xf32, #tpu.memory_space<hbm>>)
    return
  }
}

</mosaic_0001>

<sc_bundles>
// kernel: _pcf.3.cloned.1.call-start
scs
__scs_entry_jumppad:
0x0: {  	(pc) =	sbr.rel $0x88, $3  }
0x1: {  	(tag) =	ssettag $0x0;
	lr =	simm.s32 $0x1  }
0x2: {  	[smem:$0x3F9D] =	sst lr;
	_ =	strace $0xD0000000  }
0x3: {  	_ = 	snop  }
0x4: {  	_ = 	snop  }
0x5: {  	_ = 	snop  }
0x6: {  	_ = 	snop  }
0x7: {  	_ = 	snop  }
__scs_overlays_trampoline_lowered:
0x8: {  	[smem:$0x3FAC] =	sst s0  }
0x9: {  	[smem:$0x3FAD] =	sst s1  }
0xa: {  	[smem:$0x3FAE] =	sst s2  }
0xb: {  	[smem:$0x3FAF] =	sst s3  }
0xc: {  	[smem:$0x3FB0] =	sst s4  }
0xd: {  	[smem:$0x3FB1] =	sst s5  }
0xe: {  	[smem:$0x3FB2] =	sst s6  }
0xf: {  	[smem:$0x3FB3] =	sst s7  }
0x10: {  	[smem:$0x3FB4] =	sst s8  }
0x11: {  	[smem:$0x3FB5] =	sst s9;
	s0 =	simm.s32 @!p0 $0x0  }
0x12: {  	s1 =	sld [smem:$0x3F9B];
	s0 =	simm.s32 @p0 $0x1  }
0x13: {  	[smem:$0x3FB6] =	sst s0;
	s0 =	simm.s32 @!p1 $0x0  }
0x14: {  	s2 =	sld [smem:$0x3F9A];
	s0 =	simm.s32 @p1 $0x1  }
0x15: {  	[smem:$0x3FB7] =	sst s0;
	s0 =	simm.s32 @!p2 $0x0  }
0x16: {  	s3 =	sld [smem:$0x3FDB];
	s0 =	simm.s32 @p2 $0x1  }
0x17: {  	s4 =	simm.s32 $0x1BF5;
	[smem:$0x3FB9] =	sst s0  }
0x18: {  	s0 =	sld [smem:$0x3F9C];
	_ =	swait.ge [sflag:s4], $0x0  }
0x19: {  	s7 =	sld [smem:$0x3F9D]  }
0x1a: {  	s8 =	sadd.s32 $0xFFFFE003, lr  }
0x1b: {  	s9 =	sadd.s32 $0xFFFFFEF7, lr;
	s5 =	simm.s32 $0xFFFFFFFF;
	p2 =	slt.u32 s8, $0xFFFFF086  }
0x1c: {  	p1 =	slt.u32 s9, $0xF7A;
	s5 =	simm.s32 @!p2 $0x0  }
0x1d: {  	s5 =	simm.s32 @p1 $0x1;
	p0 =	seq.s32 s7, s2  }
0x1e: {  	s7 =	smul.u32 @!p0 $0xF7A, s2;
	p2 =	seq.s32 @!p0 s5, $0x0  }
0x1f: {  	s9 =	smul.u32 $0xF7A, s1;
	s8 =	simm.s32 @!p0 $0x1BF5;
	p2 =	por !p2, p0  }
0x20: {  	[sflag:s8] =	ssyncset.s32 @!p0 $0xFFFFF086;
	s6 =	sadd.s32 @!p0 s3, s7;
	s7 =	simm.s32 @!p0 $0x108  }
0x21: {  	s3 =	sadd.s32 s3, s9;
	s6 =	sadd.s32 @!p0 $0x88, s6;
	s7 =	simm.s32 @p2 $0x1082  }
0x22: {  	[simem:s7], [sflag:s8] =	dma.local @!p0 [hbm:s6], $0xF7A  }
0x23: {  	s9 =	sor.u32 $0xD0000000, s2;
	s6 =	simm.s32 $0x108;
	_ =	swait.ge @!p0 [sflag:s8], $0x0  }
0x24: {  	s3 =	sadd.s32 $0x88, s3;
	s6 =	simm.s32 @!p1 $0x1082;
	[sflag:s4] =	ssyncset.s32 $0xFFFFF086  }
0x25: {  	[simem:s6], [sflag:s4] =	dma.local [hbm:s3], $0xF7A  }
0x26: {  	[smem:$0x3F9D] =	sst s1;
	(tag) =	ssettag s2;
	_ =	strace s9  }
0x27: {  	s1 =	sld [smem:$0x3FAD]  }
0x28: {  	s2 =	sld [smem:$0x3FAE]  }
0x29: {  	s4 =	sld [smem:$0x3FB0]  }
0x2a: {  	p0 =	seq.s32 s5, $0x0;
	s5 =	sld [smem:$0x3FB1]  }
0x2b: {  	s6 =	sld [smem:$0x3FB2]  }
0x2c: {  	s7 =	sld [smem:$0x3FB3]  }
0x2d: {  	s3 =	simm.s32 $0x108;
	s8 =	sld [smem:$0x3FB4]  }
0x2e: {  	s3 =	simm.s32 @!p0 $0x1082;
	s9 =	sld [smem:$0x3FB5]  }
0x2f: {  	lr =	sadd.s32 s0, s3;
	s0 =	sld [smem:$0x3FAC]  }
0x30: {  	s3 =	sld [smem:$0x3FAF]  }
0x31: {  	[smem:$0x3FB8] =	sst s10  }
0x32: {  	s10 =	sld [smem:$0x3FB6];
	_ =	sdelay $0x3  }
0x33: {  	p0 =	seq.s32 s10, $0x1;
	s10 =	sld [smem:$0x3FB8];
	_ =	sdelay $0x3  }
0x34: {  	[smem:$0x3FB8] =	sst s10  }
0x35: {  	s10 =	sld [smem:$0x3FB7];
	_ =	sdelay $0x3  }
0x36: {  	p1 =	seq.s32 s10, $0x1;
	s10 =	sld [smem:$0x3FB8];
	_ =	sdelay $0x3  }
0x37: {  	[smem:$0x3FB8] =	sst s10  }
0x38: {  	s10 =	sld [smem:$0x3FB9]  }
0x39: {  	_ = 	snop;
	(pc) =	sbr.ind lr, $3  }
0x3a: {  	_ = 	snop  }
0x3b: {  	_ = 	snop  }
0x3c: {  	p2 =	seq.s32 s10, $0x1;
	s10 =	sld [smem:$0x3FB8]  }
0x3d: {  	_ =	shalt  }
0x3e: {  	_ =	shalt  }
0x3f: {  	_ =	shalt  }
0x40: {  	_ =	shalt  }
0x41: {  	_ =	shalt  }
0x42: {  	_ =	shalt  }
0x43: {  	_ =	shalt  }
0x44: {  	_ =	shalt  }
0x45: {  	_ =	shalt  }
0x46: {  	_ =	shalt  }
0x47: {  	_ =	shalt  }
0x48: {  	_ =	shalt  }
0x49: {  	_ =	shalt  }
0x4a: {  	_ =	shalt  }
0x4b: {  	_ =	shalt  }
0x4c: {  	_ =	shalt  }
0x4d: {  	_ =	shalt  }
0x4e: {  	_ =	shalt  }
0x4f: {  	_ =	shalt  }
0x50: {  	_ =	shalt  }
0x51: {  	_ =	shalt  }
0x52: {  	_ =	shalt  }
0x53: {  	_ =	shalt  }
0x54: {  	_ =	shalt  }
0x55: {  	_ =	shalt  }
0x56: {  	_ =	shalt  }
0x57: {  	_ =	shalt  }
0x58: {  	_ =	shalt  }
0x59: {  	_ =	shalt  }
0x5a: {  	_ =	shalt  }
0x5b: {  	_ =	shalt  }
0x5c: {  	_ =	shalt  }
0x5d: {  	_ =	shalt  }
0x5e: {  	_ =	shalt  }
0x5f: {  	_ =	shalt  }
0x60: {  	_ =	shalt  }
0x61: {  	_ =	shalt  }
0x62: {  	_ =	shalt  }
0x63: {  	_ =	shalt  }
0x64: {  	_ =	shalt  }
0x65: {  	_ =	shalt  }
0x66: {  	_ =	shalt  }
0x67: {  	_ =	shalt  }
0x68: {  	_ =	shalt  }
0x69: {  	_ =	shalt  }
0x6a: {  	_ =	shalt  }
0x6b: {  	_ =	shalt  }
0x6c: {  	_ =	shalt  }
0x6d: {  	_ =	shalt  }
0x6e: {  	_ =	shalt  }
0x6f: {  	_ =	shalt  }
0x70: {  	_ =	shalt  }
0x71: {  	_ =	shalt  }
0x72: {  	_ =	shalt  }
0x73: {  	_ =	shalt  }
0x74: {  	_ =	shalt  }
0x75: {  	_ =	shalt  }
0x76: {  	_ =	shalt  }
0x77: {  	_ =	shalt  }
0x78: {  	_ =	shalt  }
0x79: {  	_ =	shalt  }
0x7a: {  	_ =	shalt  }
0x7b: {  	_ =	shalt  }
0x7c: {  	_ =	shalt  }
0x7d: {  	_ =	shalt  }
0x7e: {  	_ =	shalt  }
0x7f: {  	_ =	shalt  }
0x80: {  	_ =	shalt  }
0x81: {  	_ =	shalt  }
0x82: {  	_ =	shalt  }
0x83: {  	_ =	shalt  }
0x84: {  	_ =	shalt  }
0x85: {  	_ =	shalt  }
0x86: {  	_ =	shalt  }
0x87: {  	_ =	shalt  }
.Lfunc_end0:
.L_simem_size_0:
called_computation_lowered:
.L_overlay_start_0:
0x88: {  	s2 =	sld [smem:$0x3FD9]  }
0x89: {  	s3 =	sld [smem:$0x3FFE];
	_ =	sdelay $0x1  }
0x8a: {  	s1 =	srdreg.scid  }
0x8b: {  	s0 =	sand.u32 $0x1, s1  }
0x8c: {  	s17 =	sshll.u32 s0, $0xA;
	s2 =	sadd.s32 s3, s2  }
0x8d: {  	s2 =	sadd.s32 s2, s17  }
0x8e: {  	[smem:$0x3FC4] =	sst s2  }
0x8f: {  	_ = 	snop  }
0x90: {  	s2 =	sld [smem:$0x3FC8]  }
0x91: {  	s18 =	sld [smem:$0x3FC7]  }
0x92: {  	s4 =	sld [smem:$0x3FC6]  }
0x93: {  	s5 =	sld [smem:$0x3FD0];
	(tm) =	ssettm $0x1  }
0x94: {  	s6 =	sld [smem:$0x3FFB];
	_ =	sdelay $0x3  }
0x95: {  	_ =	strace s6  }
0x96: {  	s6 =	sld [smem:$0x3FFC];
	_ =	sdelay $0x3  }
0x97: {  	_ =	strace s6  }
0x98: {  	s6 =	sld [smem:$0x3FFD];
	_ =	sdelay $0x3  }
0x99: {  	_ =	strace s6  }
0x9a: {  	_ =	strace $0x8FFFFFFF  }
0x9b: {  	s19 =	sld [smem:$0x3FDB];
	_ =	sdelay $0x1  }
0x9c: {  	s7 =	simm.s32 $_scs_section_size  }
0x9d: {  	s8 =	simm.s32 $_size__tile_overlayer_lowered;
	s9 =	simm.s32 $_tile_overlayer_lowered  }
0x9e: {  	s22 =	simm.s32 $0x1BFF;
	s21 =	sshll.u32 s9, $0x1;
	s6 =	sadd.s32 s7, s19  }
0x9f: {  	s10 =	simm.s32 $0x0;
	s20 =	sshll.u32 s8, $0x1;
	s8 =	sadd.s32 s21, s6  }
0xa0: {  	[timem:s10], [sflag:s22] =	dma.local [hbm:s8], s20  }
0xa1: {  	_ =	swait.ge [sflag:s22], s20  }
0xa2: {  	s7 =	ssub.s32 $0x0, s20;
	[sflag:s22] =	ssyncset.done $0x0  }
0xa3: {  	[sflag:s22] =	ssyncadd.s32 s7;
	_ =	sdelay $0x1  }
0xa4: {  	s23 =	simm.s32 $0x1B8B  }
0xa5: {  	_ =	swait.ge [sflag:s23], $0x1  }
0xa6: {  	[sflag:s23] =	ssyncset.done $0x0  }
0xa7: {  	s25 =	simm.s32 $0x1B8E;
	s24 =	sld [smem:$0x3FFE];
	[sflag:s23] =	ssyncadd.s32 $0xFFFFFFFF  }
0xa8: {  	s26 =	simm.s32 $execute0_lowered;
	[smem:$0x3FD2] =	sst s25  }
0xa9: {  	s8 =	sshll.u32 s26, $0x1;
	_ =	strace $0x80000046;
	[dreg:$0x1] =	wrdreg $0xFFFFFFFF  }
0xaa: {  	s28 =	simm.s32 $_size_execute0_lowered;
	s6 =	sadd.s32 s6, s8;
	[dreg:$0x0] =	wrdreg $0x0  }
0xab: {  	s8 =	sshll.u32 s28, $0x1;
	[dreg:$0x2] =	wrdreg s6  }
0xac: {  	[dreg:$0x3] =	wrdreg s8  }
0xad: {  	[dreg:$0x4] =	wrdreg $0xC0  }
0xae: {  	_ =	task [dreg:s10], $0x5FFFF  }
0xaf: {  	[dreg:$0x1] =	wrdreg $0xFFFFFFFF  }
0xb0: {  	[dreg:$0x0] =	wrdreg $0x60  }
0xb1: {  	[dreg:$0x2] =	wrdreg s24  }
0xb2: {  	[dreg:$0x3] =	wrdreg s2  }
0xb3: {  	[dreg:$0x4] =	wrdreg s18  }
0xb4: {  	[dreg:$0x5] =	wrdreg s4  }
0xb5: {  	[dreg:$0x6] =	wrdreg s5  }
0xb6: {  	[dreg:$0x7] =	wrdreg $0x9  }
0xb7: {  	_ =	task.clear_ibuf [dreg:s10], $0x8FFFF;
	_ =	strace $0x90000046  }
0xb8: {  	s29 =	simm.s32 $0x9;
	_ =	strace $0x80000048  }
0xb9: {  	_ =	swait.ge [sflag:s29], $0x1  }
0xba: {  	[sflag:s29] =	ssyncadd.s32 $0xFFFFFFFF  }
0xbb: {  	_ =	strace $0x90000048  }
0xbc: {  	_ =	sfence  }
0xbd: {  	s30 =	sld [smem:$0x0];
	_ =	sdelay $0x2  }
0xbe: {  	s31 =	sshll.u32 s1, $0xD;
	s1 =	sshrl.u32 s1, $0x2  }
0xbf: {  	s3 =	sand.u32 $0x4000, s31;
	s1 =	sadd.s32 s1, s30  }
0xc0: {  	s0 =	sor.u32 s3, s0;
	s1 =	sshll.u32 s1, $0x11  }
0xc1: {  	s0 =	sor.u32 s1, s0  }
0xc2: {  	s0 =	sadd.s32 $0x8F2B, s0  }
0xc3: {  	[sflag:s0] =	ssyncadd.remote.s32 $0x1  }
0xc4: {  	_ =	sfence.sel $0xFFFF  }
0xc5: {  	[dreg:$0x0] =	wrdreg $0xFFFFFFFF;
	(pc) =	sbr.abs _section_cstart, $3  }
0xc6: {  	[dreg:$0x1] =	wrdreg $0xFFFFFFFF  }
0xc7: {  	_ =	task.clear_ibuf [dreg:s10], $0x2FFFF;
	_ =	strace $0x9FFFFFFF  }
0xc8: {  	(tm) =	ssettm $0x7FFFFFFF  }
0xc9: {  	_ =	shalt  }
tec
execute0_lowered:
.L_overlay_start_1:
0x0: {  	(tag) =	ssettag $0x1  }
0x1: {  	s0 =	rddreg [dreg:$0x0]  }
0x2: {  	s1 =	rddreg [dreg:$0x1]  }
0x3: {  	s2 =	rddreg [dreg:$0x2]  }
0x4: {  	s4 =	rddreg [dreg:$0x3];
	s3 =	srdreg.scid  }
0x5: {  	s6 =	stileid.u32;
	s5 =	rddreg [dreg:$0x4];
	s17 =	simm.s32 $0x1  }
0x6: {  	s18 =	simm.s32 $0x80;
	s23 =	simm.s32 $0x10;
	s24 =	simm.s32 $0x180  }
0x7: {  	s28 =	simm.s32 $0x8;
	s3 =	sand.u32 $0x1, s3;
	s7 =	sshll.u32 s6, $0x1  }
0x8: {  	s29 =	simm.s32 $0x7;
	s6 =	simm.s32 $0x0;
	s8 =	sor.u32 s3, s7  }
0x9: {  	s30 =	simm.s32 $0x0;
	[smem:$0x7FF] =	sst s6;
	s9 =	smul.u32 $0x186A, s8  }
0xa: {  	v0 =	vlaneseq.u32;
	s3 =	ssub.s32 $0x2, s3;
	s7 =	sadd.s32 $0x400, s0;
	s11 =	smul.u32 $0xC350, s8  }
0xb: {  	v47 =	vshrl.u32 v0, $0x2;
	_ =	strace $0x80000047;
	s10 =	sshrl.u32 s3, $0x1;
	s26 =	smul.u32 $0x186A0, s8  }
0xc: {  	v48 =	vor.u32 $0x4, v47;
	s8 =	smul.u32 $0xC35, s8;
	[tilespmem:$0x1FFC0] =	vst v47;
	s25 =	ssub.s32 s3, s10;
	s9 =	sadd.s32 s1, s9  }
0xd: {  	v45 =	vor.u32 $0x8, v47;
	[tilespmem:$0x1FFD0] =	vst v48;
	s12 =	sshrl.u32 s11, $0x3;
	s10 =	sadd.s32 s2, s11;
	s11 =	sadd.s32 s4, s26  }
0xe: {  	v39 =	vor.u32 $0xC, v47;
	[tilespmem:$0x1FFE0] =	vst v45;
	s13 =	sadd.s32 $0x32, s8;
	s14 =	smax.u32 s25, $0x1;
	s31 =	sadd.s32 s1, s12  }
0xf: {  	[tilespmem:$0x1FFF0] =	vst v39;
	s25 =	simm.s32 $0x3320;
	s26 =	simm.s32 $0x190;
	s12 =	sadd.s32 $0x32, s31  }
.LBB2_1:
0x10: {  	[tilespmem:s6], [sflag:$0x1] =	stream.linear.gather [hbm4b:s9+s6], $0x190, $0x38;
	[tilespmem:$0x11620] =	vst v63  }
0x11: {  	s0 =	simm.s32 $0x6720  }
0x12: {  	[tilespmem:s0], [sflag:$0x3] =	stream.linear.gather [hbm4b:s10+s6], $0xC80, $0x38;
	[tilespmem:$0x11620] =	vst v63  }
0x13: {  	s19 =	simm.s32 $0x8020  }
0x14: {  	[tilespmem:s19], [sflag:$0x3] =	stream.linear.gather [hbm4b:s11+s6], $0x1900, $0x38;
	[tilespmem:$0x11620] =	vst v63  }
0x15: {  	_ =	swait.ge [sflag:s17], $0x190  }
0x16: {  	[sflag:s17] =	ssyncset.done $0x0  }
0x17: {  	s20 =	simm.s32 $0x320;
	[sflag:s17] =	ssyncadd.s32 $0xFFFFFE70  }
0x18: {  	[tilespmem:s20], [sflag:$0x5] =	stream.indirect.gather [hbm4b:s7+s18], $0x20, s6, s18, $0xb8;
	[tilespmem:$0x11620] =	vst v63  }
0x19: {  	s21 =	simm.s32 $0x1320  }
0x1a: {  	[tilespmem:s21], [sflag:$0x5] =	stream.indirect.gather [hbm4b:s7+s18], $0x20, s18, s18, $0xb8;
	[tilespmem:$0x11620] =	vst v63  }
0x1b: {  	s22 =	simm.s32 $0x100;
	s3 =	simm.s32 $0x2320  }
0x1c: {  	[tilespmem:s3], [sflag:$0x5] =	stream.indirect.gather [hbm4b:s7+s18], $0x20, s22, s18, $0xb8;
	[tilespmem:$0x11620] =	vst v63  }
0x1d: {  	_ = 	snop  }
0x1e: {  	[tilespmem:s25], [sflag:$0x5] =	stream.indirect.gather [hbm4b:s7+s23], $0x20, s24, s23, $0xb8;
	[tilespmem:$0x11620] =	vst v63  }
0x1f: {  	p0 =	por $0x0, $0x0;
	s31 =	simm.s32 $0x0  }
0x20: {  	[tilespmem:s26], [sflag:$0x2] =	stream.linear.gather [hbm4b:s12+s6], $0x190, $0x38;
	[tilespmem:$0x11620] =	vst v63  }
.LBB2_2:
0x21: {  	s15 =	sand.u32 $0x1, s31;
	p1 =	seq.s32 s31, $0x7C  }
0x22: {  	s0 =	sxor.u32 @!p1 $0x1, s15  }
0x23: {  	s3 =	sadd.s32 @!p1 $0x1, s0  }
0x24: {  	s16 =	smul.u32 @!p1 $0xC800, s0;
	_ =	swait.ge @!p1 [sflag:s3], $0x190  }
0x25: {  	s21 =	simm.s32 @!p1 $0x80;
	s19 =	smul.u32 @!p1 $0x640, s0;
	[sflag:s3] =	ssyncset.done @!p1 $0x0  }
0x26: {  	s20 =	smul.u32 @!p1 $0x190, s0;
	s16 =	sshrl.u32 @!p1 s16, $0x2;
	[sflag:s3] =	ssyncadd.s32 @!p1 $0xFFFFFE70  }
0x27: {  	s3 =	sadd.s32 @!p1 $0x320, s16;
	s16 =	sshrl.u32 @!p1 s19, $0x2;
	s19 =	sadd.s32 @!p1 $0x5, s0  }
0x28: {  	[tilespmem:s3], [sflag:s19] =	stream.indirect.gather @!p1 [hbm4b:s7+s21], $0x20, s16, s21, $0xb8;
	[tilespmem:$0x11620] =	vst v63  }
0x29: {  	s3 =	sadd.s32 @!p1 $0x80, s20  }
0x2a: {  	s16 =	sshll.u32 @!p1 s3, $0x5  }
0x2b: {  	s16 =	sadd.s32 @!p1 $0x320, s16  }
0x2c: {  	[tilespmem:s16], [sflag:s19] =	stream.indirect.gather @!p1 [hbm4b:s7+s21], $0x20, s3, s21, $0xb8;
	[tilespmem:$0x11620] =	vst v63  }
0x2d: {  	s3 =	sadd.s32 @!p1 $0x100, s20  }
0x2e: {  	s16 =	sshll.u32 @!p1 s3, $0x5  }
0x2f: {  	s16 =	sadd.s32 @!p1 $0x320, s16  }
0x30: {  	[tilespmem:s16], [sflag:s19] =	stream.indirect.gather @!p1 [hbm4b:s7+s21], $0x20, s3, s21, $0xb8;
	[tilespmem:$0x11620] =	vst v63  }
0x31: {  	s16 =	sadd.s32 @!p1 $0x180, s20  }
0x32: {  	s3 =	sadd.s32 $0x1, s31;
	s20 =	sshll.u32 @!p1 s16, $0x5  }
0x33: {  	s21 =	simm.s32 @!p1 $0x10;
	s22 =	smul.u32 @!p1 $0x19, s3;
	s20 =	sadd.s32 @!p1 $0x320, s20  }
0x34: {  	[tilespmem:s20], [sflag:s19] =	stream.indirect.gather @!p1 [hbm4b:s7+s21], $0x20, s16, s21, $0xb8;
	[tilespmem:$0x11620] =	vst v63  }
0x35: {  	s19 =	smul.u32 @!p1 $0x3200, s0  }
0x36: {  	s16 =	sadd.s32 @!p1 s8, s22;
	s21 =	sadd.s32 @!p1 $0x3, s0;
	s0 =	smul.u32 @!p1 $0x6400, s0  }
0x37: {  	s22 =	simm.s32 @!p1 $0x0;
	s20 =	sshll.u32 @!p1 s16, $0x4;
	s16 =	sshll.u32 @!p1 s16, $0x5  }
0x38: {  	s19 =	sshrl.u32 @!p1 s19, $0x2;
	s20 =	sand.u32 @!p1 $0x1FFFFFF0, s20;
	s0 =	sshrl.u32 @!p1 s0, $0x2  }
0x39: {  	s16 =	sand.u32 @!p1 $0x1FFFFFE0, s16;
	s19 =	sadd.s32 @!p1 $0x6720, s19;
	s20 =	sadd.s32 @!p1 s2, s20  }
0x3a: {  	[tilespmem:s19], [sflag:s21] =	stream.linear.gather @!p1 [hbm4b:s20+s22], $0xC80, $0x38;
	[tilespmem:$0x11620] =	vst v63  }
0x3b: {  	s0 =	sor.u32 @!p1 $0x8020, s0;
	s16 =	sadd.s32 @!p1 s4, s16  }
0x3c: {  	[tilespmem:s0], [sflag:s21] =	stream.linear.gather @!p1 [hbm4b:s16+s22], $0x1900, $0x38;
	[tilespmem:$0x11620] =	vst v63  }
0x3d: {  	s21 =	sadd.s32 $0x5, s15  }
0x3e: {  	_ =	swait.ge [sflag:s21], $0x1000  }
0x3f: {  	[sflag:s21] =	ssyncset.done $0x0  }
0x40: {  	[sflag:s21] =	ssyncadd.s32 $0xFFFFF000  }
0x41: {  	_ =	swait.ge [sflag:s21], $0x1000  }
0x42: {  	[sflag:s21] =	ssyncset.done $0x0  }
0x43: {  	[sflag:s21] =	ssyncadd.s32 $0xFFFFF000  }
0x44: {  	_ =	swait.ge [sflag:s21], $0x1000  }
0x45: {  	[sflag:s21] =	ssyncset.done $0x0  }
0x46: {  	[sflag:s21] =	ssyncadd.s32 $0xFFFFF000  }
0x47: {  	_ =	swait.ge [sflag:s21], $0x200  }
0x48: {  	[sflag:s21] =	ssyncset.done $0x0  }
0x49: {  	s22 =	sadd.s32 $0x3, s15;
	p1 =	sgt.u32 s31, $0x7A;
	[sflag:s21] =	ssyncadd.s32 $0xFFFFFE00  }
0x4a: {  	s16 =	smul.u32 @!p1 $0x19, s31;
	_ =	swait.ge [sflag:s22], $0xC80  }
0x4b: {  	[sflag:s22] =	ssyncset.done $0x0  }
0x4c: {  	s19 =	smul.u32 @!p1 $0x640, s15;
	s16 =	sadd.s32 @!p1 s16, s13;
	[sflag:s22] =	ssyncadd.s32 $0xFFFFF380  }
0x4d: {  	s20 =	simm.s32 @!p1 $0x0;
	s16 =	sshll.u32 @!p1 s16, $0x1;
	_ =	swait.ge [sflag:s22], $0x1900  }
0x4e: {  	s0 =	sshrl.u32 @!p1 s19, $0x2;
	s16 =	sand.u32 @!p1 $0x1FFFFFFE, s16;
	[sflag:s22] =	ssyncset.done $0x0  }
0x4f: {  	s19 =	sadd.s32 @!p1 $0x1, s15;
	s16 =	sadd.s32 @!p1 s1, s16;
	[sflag:s22] =	ssyncadd.s32 $0xFFFFE700  }
0x50: {  	[tilespmem:s0], [sflag:s19] =	stream.linear.gather @!p1 [hbm4b:s16+s20], $0x190, $0x38;
	[tilespmem:$0x11620] =	vst v63  }
0x51: {  	s16 =	simm.s32 $0x1  }
0x52: {  	s0 =	sadd.s32 $0x7, s15;
	s15 =	smul.u32 $0xC800, s15;
	s16 =	simm.s32 @!p0 $0x0  }
0x53: {  	s20 =	smul.u32 $0xC800, s16  }
0x54: {  	p2 =	slt.u32 @!p1 s31, $0x2;
	s22 =	smul.u32 $0x3200, s16  }
0x55: {  	p1 =	por p1, !p2;
	s21 =	smul.u32 $0x6400, s16  }
0x56: {  	_ =	swait.ge @p1 [sflag:s0], $0x3200;
	s19 =	sshrl.u32 s20, $0x2;
	s20 =	sshrl.u32 s22, $0x2  }
0x57: {  	s16 =	sadd.s32 $0x6760, s20;
	s20 =	sshrl.u32 s21, $0x2;
	s21 =	sadd.s32 $0x320, s19  }
0x58: {  	[sflag:s0] =	ssyncset.done @p1 $0x0;
	s22 =	sadd.s32 $0xB220, s19;
	v0 =	vmov s21  }
0x59: {  	s15 =	sshrl.u32 s15, $0x2;
	[sflag:s0] =	ssyncadd.s32 @p1 $0xFFFFCE00;
	v63 =	vmov s22;
	[tilespmem:$0x1FFA0] =	vst v0  }
0x5a: {  	s15 =	sadd.s32 $0xB220, s15;
	s19 =	sor.u32 $0x80A0, s20;
	s20 =	simm.s32 $0x7C0;
	[tilespmem:$0x1FFB0] =	vst v63  }
.LBB2_3:
0x5b: {  	v29 =	vld [tilespmem:$0x1FFA0];
	_ =	sdelay $0x6  }
0x5c: {  	v6 =	vld [tilespmem:s16+$0xFFFFFFC0];
	s21 =	sshra.s32 s20, $0x2  }
0x5d: {  	v7 =	vld.idx.msk [tilespmem:v29+s21+$0xFFFFFE10 ss:$0x1], $0xffff  }
0x5e: {  	v8 =	vld.idx.msk [tilespmem:v29+s21+$0xFFFFFE20 ss:$0x1], $0xffff;
	_ =	sdelay $0x2  }
0x5f: {  	v9 =	vperm.xlane v6, v47;
	v10 =	vperm.xlane v6, v48;
	_ =	sdelay $0x1  }
0x60: {  	v7 =	vmul.f32 v7, v9;
	v10 =	vmul.f32 v8, v10;
	_ =	sdelay $0x1  }
0x61: {  	v25 =	vbroadcast v7, $0x0;
	v26 =	vbroadcast v10, $0x0  }
0x62: {  	v27 =	vbroadcast v7, $0x1;
	v28 =	vbroadcast v10, $0x1  }
0x63: {  	v30 =	vbroadcast v7, $0x2;
	v31 =	vbroadcast v10, $0x2  }
0x64: {  	v32 =	vbroadcast v7, $0x3;
	v33 =	vbroadcast v10, $0x3  }
0x65: {  	v34 =	vbroadcast v7, $0x4;
	v35 =	vbroadcast v10, $0x4  }
0x66: {  	v36 =	vbroadcast v7, $0x5;
	v37 =	vbroadcast v10, $0x5  }
0x67: {  	v38 =	vbroadcast v7, $0x6;
	v40 =	vbroadcast v10, $0x6  }
0x68: {  	v41 =	vbroadcast v7, $0x7;
	v42 =	vbroadcast v10, $0x7  }
0x69: {  	v43 =	vbroadcast v7, $0x8;
	v44 =	vbroadcast v10, $0x8  }
0x6a: {  	v46 =	vbroadcast v7, $0x9;
	v47 =	vbroadcast v10, $0x9  }
0x6b: {  	v11 =	vld [tilespmem:s19+$0xFFFFFF80];
	v48 =	vbroadcast v7, $0xA;
	v49 =	vbroadcast v10, $0xA  }
0x6c: {  	v50 =	vbroadcast v7, $0xB;
	v51 =	vbroadcast v10, $0xB  }
0x6d: {  	v52 =	vbroadcast v7, $0xC;
	v53 =	vbroadcast v10, $0xC  }
0x6e: {  	v54 =	vbroadcast v7, $0xD;
	v55 =	vbroadcast v10, $0xD  }
0x6f: {  	v56 =	vbroadcast v7, $0xE;
	v7 =	vbroadcast v7, $0xF  }
0x70: {  	v12 =	vmul.f32 v11, v25;
	v13 =	vmul.f32 v26, v11  }
0x71: {  	v14 =	vmul.f32 v11, v27;
	v15 =	vmul.f32 v28, v11  }
0x72: {  	v16 =	vmul.f32 v11, v30;
	v17 =	vmul.f32 v31, v11  }
0x73: {  	v18 =	vmul.f32 v11, v32;
	v19 =	vmul.f32 v33, v11  }
0x74: {  	v20 =	vmul.f32 v11, v34;
	v21 =	vmul.f32 v35, v11  }
0x75: {  	v22 =	vmul.f32 v11, v36;
	v23 =	vmul.f32 v37, v11  }
0x76: {  	v24 =	vmul.f32 v11, v38;
	v25 =	vmul.f32 v40, v11  }
0x77: {  	v26 =	vmul.f32 v11, v41;
	v27 =	vmul.f32 v42, v11  }
0x78: {  	v28 =	vmul.f32 v11, v43;
	v30 =	vmul.f32 v44, v11  }
0x79: {  	v31 =	vmul.f32 v11, v46;
	v3 =	vmul.f32 v47, v11  }
0x7a: {  	v2 =	vmul.f32 v11, v48;
	v0 =	vmul.f32 v49, v11  }
0x7b: {  	v1 =	vmul.f32 v11, v50;
	v4 =	vmul.f32 v51, v11;
	v38 =	vld.idx.msk [tilespmem:v29+s21+$0xFFFFFE30 ss:$0x1], $0xffff  }
0x7c: {  	v34 =	vmul.f32 v11, v52;
	v37 =	vmul.f32 v53, v11;
	v40 =	vld.idx.msk [tilespmem:v29+s21+$0xFFFFFE40 ss:$0x1], $0xffff  }
0x7d: {  	v36 =	vmul.f32 v11, v54;
	v9 =	vmul.f32 v55, v11  }
0x7e: {  	v42 =	vbroadcast v10, $0xE;
	v8 =	vmul.f32 v11, v56  }
0x7f: {  	v43 =	vperm.xlane v6, v45;
	v6 =	vperm.xlane v6, v39  }
0x80: {  	v10 =	vbroadcast v10, $0xF;
	v57 =	vmul.f32 v11, v7  }
0x81: {  	v38 =	vmul.f32 v38, v43;
	v40 =	vmul.f32 v40, v6  }
0x82: {  	v5 =	vmul.f32 v42, v11;
	v12 =	vadd.f32 $0.0e+00, v12;
	v58 =	vmul.f32 v10, v11  }
0x83: {  	v13 =	vadd.f32 $0.0e+00, v13;
	v43 =	vbroadcast v38, $0x0;
	v59 =	vbroadcast v40, $0x0  }
0x84: {  	v11 =	vadd.f32 $0.0e+00, v14;
	v60 =	vbroadcast v38, $0x1;
	v44 =	vbroadcast v40, $0x1  }
0x85: {  	v15 =	vadd.f32 $0.0e+00, v15;
	v61 =	vbroadcast v38, $0x2;
	v46 =	vbroadcast v40, $0x2  }
0x86: {  	v16 =	vadd.f32 $0.0e+00, v16;
	v62 =	vbroadcast v38, $0x3;
	v63 =	vbroadcast v40, $0x3  }
0x87: {  	v17 =	vadd.f32 $0.0e+00, v17;
	v49 =	vbroadcast v38, $0x4;
	v50 =	vbroadcast v40, $0x4  }
0x88: {  	v42 =	vld [tilespmem:s19+$0xFFFFFF90];
	v18 =	vadd.f32 $0.0e+00, v18;
	v51 =	vbroadcast v38, $0x5;
	v52 =	vbroadcast v40, $0x5  }
0x89: {  	v19 =	vadd.f32 $0.0e+00, v19;
	v53 =	vbroadcast v38, $0x6;
	v54 =	vbroadcast v40, $0x6  }
0x8a: {  	[tilespmem:$0x1FEA0] =	vst v57;
	v20 =	vadd.f32 $0.0e+00, v20;
	v55 =	vbroadcast v38, $0x7;
	v56 =	vbroadcast v40, $0x7  }
0x8b: {  	v21 =	vadd.f32 $0.0e+00, v21;
	[tilespmem:$0x1FEB0] =	vst v58;
	v57 =	vbroadcast v38, $0x8;
	v58 =	vbroadcast v40, $0x8  }
0x8c: {  	v22 =	vadd.f32 $0.0e+00, v22;
	[tilespmem:$0x1FE90] =	vst v5;
	v5 =	vbroadcast v40, $0xB;
	v41 =	vbroadcast v38, $0xC  }
0x8d: {  	v32 =	vadd.f32 $0.0e+00, v3;
	v3 =	vbroadcast v40, $0xC;
	v14 =	vmul.f32 v42, v43  }
0x8e: {  	v23 =	vadd.f32 $0.0e+00, v23;
	v10 =	vmul.f32 v59, v42;
	v43 =	vmul.f32 v42, v60  }
0x8f: {  	v24 =	vadd.f32 $0.0e+00, v24;
	v44 =	vmul.f32 v44, v42;
	v45 =	vmul.f32 v42, v61  }
0x90: {  	v25 =	vadd.f32 $0.0e+00, v25;
	v46 =	vmul.f32 v46, v42;
	v47 =	vmul.f32 v42, v62  }
0x91: {  	v26 =	vadd.f32 $0.0e+00, v26;
	v48 =	vmul.f32 v63, v42;
	v49 =	vmul.f32 v42, v49  }
0x92: {  	v27 =	vadd.f32 $0.0e+00, v27;
	v50 =	vmul.f32 v50, v42;
	v51 =	vmul.f32 v42, v51  }
0x93: {  	v28 =	vadd.f32 $0.0e+00, v28;
	v52 =	vmul.f32 v52, v42;
	v53 =	vmul.f32 v42, v53  }
0x94: {  	v30 =	vadd.f32 $0.0e+00, v30;
	v54 =	vmul.f32 v54, v42;
	v55 =	vmul.f32 v42, v55  }
0x95: {  	v35 =	vadd.f32 $0.0e+00, v31;
	v56 =	vmul.f32 v56, v42;
	v57 =	vmul.f32 v42, v57  }
0x96: {  	v33 =	vadd.f32 $0.0e+00, v2;
	v59 =	vbroadcast v38, $0x9;
	v58 =	vmul.f32 v58, v42  }
0x97: {  	v7 =	vadd.f32 $0.0e+00, v1;
	v60 =	vbroadcast v40, $0x9;
	v61 =	vbroadcast v38, $0xA  }
0x98: {  	v31 =	vadd.f32 $0.0e+00, v4;
	v62 =	vbroadcast v40, $0xA;
	v63 =	vbroadcast v38, $0xB  }
0x99: {  	v6 =	vadd.f32 $0.0e+00, v0;
	v0 =	vmul.f32 v5, v42;
	v1 =	vmul.f32 v42, v41  }
0x9a: {  	v3 =	vmul.f32 v3, v42;
	v59 =	vmul.f32 v42, v59;
	v41 =	vadd.f32 v10, v13  }
0x9b: {  	v2 =	vld [tilespmem:s16+$0xFFFFFFD0];
	v60 =	vmul.f32 v60, v42;
	v61 =	vmul.f32 v42, v61;
	v39 =	vadd.f32 v14, v12  }
0x9c: {  	v62 =	vmul.f32 v62, v42;
	v63 =	vmul.f32 v42, v63;
	[tilespmem:$0x1FED0] =	vst v41;
	v41 =	vadd.f32 v44, v15;
	v44 =	vld [tilespmem:$0x1FFC0]  }
0x9d: {  	v14 =	vbroadcast v38, $0xD;
	[tilespmem:$0x1FEC0] =	vst v39;
	v39 =	vadd.f32 v43, v11;
	v11 =	vadd.f32 v45, v16;
	v16 =	vld [tilespmem:$0x1FFD0]  }
0x9e: {  	v34 =	vadd.f32 $0.0e+00, v34;
	v4 =	vld.idx.msk [tilespmem:v29+s21+$0xFFFFFE50 ss:$0x1], $0xffff;
	v10 =	vbroadcast v40, $0xD;
	v12 =	vbroadcast v40, $0xE  }
0x9f: {  	v37 =	vadd.f32 $0.0e+00, v37;
	v40 =	vbroadcast v40, $0xF;
	v14 =	vmul.f32 v42, v14;
	[tilespmem:$0x1FEE0] =	vst v39;
	v39 =	vld.idx.msk [tilespmem:v29+s21+$0xFFFFFE60 ss:$0x1], $0xffff  }
0xa0: {  	v9 =	vadd.f32 $0.0e+00, v9;
	v43 =	vbroadcast v38, $0xE;
	v13 =	vmul.f32 v10, v42  }
0xa1: {  	v8 =	vadd.f32 $0.0e+00, v8;
	v45 =	vmul.f32 v12, v42;
	v10 =	vperm.xlane v2, v44  }
0xa2: {  	v15 =	vadd.f32 v46, v17;
	v38 =	vbroadcast v38, $0xF;
	v17 =	vperm.xlane v2, v16  }
0xa3: {  	v18 =	vadd.f32 v47, v18;
	v40 =	vmul.f32 v40, v42;
	v4 =	vmul.f32 v4, v10  }
0xa4: {  	v19 =	vadd.f32 v48, v19;
	v43 =	vmul.f32 v42, v43;
	v44 =	vld [tilespmem:s19+$0xFFFFFFA0];
	v39 =	vmul.f32 v39, v17  }
0xa5: {  	v20 =	vadd.f32 v49, v20;
	v38 =	vmul.f32 v42, v38;
	v5 =	vbroadcast v4, $0x0  }
0xa6: {  	v21 =	vadd.f32 v50, v21;
	[tilespmem:$0x1FF00] =	vst v11;
	v10 =	vbroadcast v39, $0x0;
	v11 =	vbroadcast v4, $0x1  }
0xa7: {  	v23 =	vadd.f32 v52, v23;
	[tilespmem:$0x1FF10] =	vst v15;
	v12 =	vbroadcast v39, $0x1;
	v15 =	vbroadcast v4, $0x2  }
0xa8: {  	v24 =	vadd.f32 v53, v24;
	v16 =	vbroadcast v39, $0x2;
	v17 =	vbroadcast v4, $0x3  }
0xa9: {  	[tilespmem:$0x1FEF0] =	vst v41;
	v41 =	vadd.f32 $0.0e+00, v36;
	v36 =	vbroadcast v39, $0x3;
	v46 =	vmul.f32 v44, v5  }
0xaa: {  	v25 =	vadd.f32 v54, v25;
	v42 =	vmul.f32 v10, v44;
	v47 =	vmul.f32 v44, v11  }
0xab: {  	v26 =	vadd.f32 v55, v26;
	v50 =	vmul.f32 v16, v44;
	v5 =	vbroadcast v4, $0x4  }
0xac: {  	v28 =	vadd.f32 v57, v28;
	v52 =	vmul.f32 v36, v44;
	v10 =	vbroadcast v39, $0x4  }
0xad: {  	v11 =	vbroadcast v4, $0x5;
	v36 =	vadd.f32 v59, v35;
	v35 =	vbroadcast v4, $0x6  }
0xae: {  	v16 =	vadd.f32 v60, v32;
	v32 =	vbroadcast v4, $0x8;
	v53 =	vmul.f32 v44, v5  }
0xaf: {  	v0 =	vadd.f32 v0, v31;
	v57 =	vmul.f32 v44, v35;
	v35 =	vbroadcast v39, $0x9  }
0xb0: {  	v54 =	vmul.f32 v10, v44;
	v55 =	vmul.f32 v44, v11;
	v11 =	vadd.f32 v63, v7  }
0xb1: {  	v7 =	vmul.f32 v44, v32;
	v32 =	vadd.f32 v13, v9;
	v13 =	vmul.f32 v35, v44;
	v35 =	vld [tilespmem:$0x1FFE0]  }
0xb2: {  	v5 =	vbroadcast v4, $0x7;
	v10 =	vadd.f32 v1, v34;
	v34 =	vbroadcast v4, $0x9  }
0xb3: {  	v22 =	vadd.f32 v51, v22;
	[tilespmem:$0x1FF20] =	vst v0;
	v31 =	vbroadcast v4, $0xA;
	v0 =	vbroadcast v4, $0xB  }
0xb4: {  	v59 =	vmul.f32 v44, v5;
	v5 =	vadd.f32 v14, v41;
	v41 =	vmul.f32 v44, v34;
	v34 =	vld [tilespmem:$0x1FE90]  }
0xb5: {  	v48 =	vmul.f32 v12, v44;
	v51 =	vmul.f32 v44, v17;
	v17 =	vadd.f32 v62, v6;
	v62 =	vld.idx.msk [tilespmem:v29+s21+$0xFFFFFE70 ss:$0x1], $0xffff  }
0xb6: {  	v27 =	vadd.f32 v56, v27;
	v12 =	vbroadcast v39, $0x5;
	v9 =	vperm.xlane v2, v35;
	v35 =	vld [tilespmem:$0x1FEA0]  }
0xb7: {  	v30 =	vadd.f32 v58, v30;
	v49 =	vmul.f32 v44, v15;
	v60 =	vbroadcast v39, $0x6  }
0xb8: {  	v15 =	vadd.f32 v61, v33;
	v56 =	vmul.f32 v12, v44;
	v12 =	vbroadcast v39, $0x7  }
0xb9: {  	v33 =	vbroadcast v39, $0x8;
	v61 =	vmul.f32 v44, v31;
	v1 =	vadd.f32 $0.0e+00, v34  }
0xba: {  	v31 =	vadd.f32 v43, v8;
	v43 =	vbroadcast v4, $0xC;
	v6 =	vmul.f32 v12, v44  }
0xbb: {  	v34 =	vadd.f32 v45, v1;
	v8 =	vmul.f32 v62, v9;
	v9 =	vld [tilespmem:$0x1FEB0];
	v45 =	vadd.f32 $0.0e+00, v35  }
0xbc: {  	v12 =	vadd.f32 v3, v37;
	v37 =	vmul.f32 v33, v44;
	[tilespmem:$0x1FF30] =	vst v32;
	v33 =	vbroadcast v39, $0xA;
	v32 =	vld [tilespmem:$0x1FFF0]  }
0xbd: {  	v58 =	vmul.f32 v60, v44;
	v38 =	vadd.f32 v38, v45;
	v45 =	vmul.f32 v44, v43;
	v43 =	vld [tilespmem:$0x1FEC0]  }
0xbe: {  	v63 =	vld.idx.msk [tilespmem:v29+s21+$0xFFFFFE80 ss:$0x1], $0xffff;
	v60 =	vmul.f32 v33, v44;
	v33 =	vbroadcast v39, $0xB  }
0xbf: {  	v18 =	vadd.f32 v51, v18;
	v3 =	vmul.f32 v44, v0  }
0xc0: {  	[tilespmem:$0x1FF40] =	vst v31;
	v33 =	vmul.f32 v33, v44;
	v31 =	vadd.f32 $0.0e+00, v9;
	v9 =	vbroadcast v4, $0xD  }
0xc1: {  	v19 =	vadd.f32 v52, v19;
	v2 =	vperm.xlane v2, v32;
	v32 =	vbroadcast v39, $0xE  }
0xc2: {  	v62 =	vmul.f32 v44, v9;
	v9 =	vbroadcast v4, $0xE;
	v46 =	vadd.f32 v46, v43;
	v43 =	vld [tilespmem:$0x1FEE0]  }
0xc3: {  	v2 =	vmul.f32 v63, v2;
	v40 =	vadd.f32 v40, v31;
	v31 =	vbroadcast v39, $0xD  }
0xc4: {  	v20 =	vadd.f32 v53, v20;
	v32 =	vmul.f32 v32, v44;
	[tilespmem:$0x1FF50] =	vst v34;
	v34 =	vmul.f32 v44, v9;
	v9 =	vld [tilespmem:$0x1FEF0]  }
0xc5: {  	v26 =	vadd.f32 v59, v26;
	v1 =	vbroadcast v8, $0x1;
	v63 =	vmul.f32 v31, v44;
	v31 =	vld [tilespmem:s19+$0xFFFFFFB0]  }
0xc6: {  	v27 =	vadd.f32 v6, v27;
	v59 =	vbroadcast v8, $0x6;
	v35 =	vbroadcast v39, $0xC  }
0xc7: {  	v6 =	vbroadcast v2, $0x8;
	v4 =	vbroadcast v4, $0xF;
	v47 =	vadd.f32 v47, v43;
	v43 =	vld [tilespmem:$0x1FF10]  }
0xc8: {  	v22 =	vadd.f32 v55, v22;
	v0 =	vmul.f32 v35, v44;
	v39 =	vbroadcast v39, $0xF  }
0xc9: {  	v4 =	vmul.f32 v44, v4;
	v48 =	vadd.f32 v48, v9;
	v9 =	vbroadcast v2, $0x0  }
0xca: {  	v23 =	vadd.f32 v56, v23;
	v35 =	vld [tilespmem:$0x1FED0];
	v39 =	vmul.f32 v39, v44;
	v51 =	vmul.f32 v31, v1  }
0xcb: {  	v25 =	vadd.f32 v58, v25;
	v44 =	vmul.f32 v9, v31;
	v9 =	vbroadcast v2, $0x1  }
0xcc: {  	v1 =	vbroadcast v2, $0x2;
	v50 =	vadd.f32 v50, v43;
	v43 =	vbroadcast v8, $0x2  }
0xcd: {  	v62 =	vadd.f32 v62, v5;
	v5 =	vld [tilespmem:$0x1FF40];
	v52 =	vmul.f32 v9, v31;
	v9 =	vbroadcast v8, $0x3  }
0xce: {  	v7 =	vadd.f32 v7, v28;
	v53 =	vmul.f32 v31, v43;
	v43 =	vbroadcast v2, $0x3  }
0xcf: {  	v42 =	vadd.f32 v42, v35;
	v35 =	vld [tilespmem:$0x1FF00];
	v55 =	vmul.f32 v31, v9;
	v9 =	vbroadcast v2, $0x4  }
0xd0: {  	v13 =	vadd.f32 v13, v16;
	v56 =	vmul.f32 v43, v31;
	v43 =	vbroadcast v8, $0x5  }
0xd1: {  	v4 =	vadd.f32 v4, v38;
	v58 =	vmul.f32 v9, v31;
	v9 =	vbroadcast v2, $0x5  }
0xd2: {  	[tilespmem:$0x1FF60] =	vst v7;
	v7 =	vmul.f32 v6, v31;
	v34 =	vadd.f32 v34, v5;
	v28 =	vmul.f32 v31, v43  }
0xd3: {  	v38 =	vld [tilespmem:$0x1FFC0];
	v43 =	vadd.f32 v37, v30;
	v37 =	vmul.f32 v9, v31;
	v9 =	vbroadcast v2, $0x6  }
0xd4: {  	v6 =	vld [tilespmem:s16+$0xFFFFFFE0];
	v5 =	vbroadcast v8, $0xC;
	v49 =	vadd.f32 v49, v35;
	v35 =	vbroadcast v8, $0x0  }
0xd5: {  	v30 =	vadd.f32 v41, v36;
	v16 =	vmul.f32 v9, v31;
	v9 =	vbroadcast v8, $0x8  }
0xd6: {  	v14 =	vmovc v29;
	v21 =	vadd.f32 v54, v21;
	v29 =	vld.idx.msk [tilespmem:v29+s21+$0xFFFFFE90 ss:$0x1], $0xffff;
	v54 =	vmul.f32 v1, v31;
	v1 =	vbroadcast v8, $0x4  }
0xd7: {  	v5 =	vmul.f32 v31, v5;
	[tilespmem:$0x1FF70] =	vst v30;
	v30 =	vadd.f32 v3, v11;
	v11 =	vmul.f32 v31, v9;
	v9 =	vld [tilespmem:$0x1FF20]  }
0xd8: {  	v35 =	vmul.f32 v31, v35;
	v47 =	vadd.f32 v51, v47;
	v51 =	vbroadcast v2, $0xE  }
0xd9: {  	v24 =	vadd.f32 v57, v24;
	v57 =	vmul.f32 v31, v1;
	v38 =	vperm.xlane v6, v38  }
0xda: {  	v1 =	vbroadcast v2, $0x7;
	v51 =	vmul.f32 v51, v31;
	v48 =	vadd.f32 v52, v48;
	v52 =	vld [tilespmem:$0x1FFD0]  }
0xdb: {  	v35 =	vadd.f32 v35, v46;
	v29 =	vmul.f32 v29, v38;
	v38 =	vbroadcast v2, $0xD  }
0xdc: {  	v46 =	vld.idx.msk [tilespmem:v14+s21+$0xFFFFFEA0 ss:$0x1], $0xffff;
	v33 =	vadd.f32 v33, v9;
	v9 =	vadd.f32 v0, v12;
	v0 =	vbroadcast v2, $0xA  }
0xdd: {  	v17 =	vadd.f32 v60, v17;
	v60 =	vmul.f32 v1, v31;
	v38 =	vmul.f32 v38, v31  }
0xde: {  	v20 =	vadd.f32 v57, v20;
	v57 =	vbroadcast v29, $0x1;
	v3 =	vmul.f32 v0, v31;
	v0 =	vld [tilespmem:$0x1FF50]  }
0xdf: {  	v18 =	vadd.f32 v55, v18;
	v55 =	vbroadcast v29, $0x4;
	v52 =	vperm.xlane v6, v52  }
0xe0: {  	v41 =	vmul.f32 v31, v59;
	v36 =	vbroadcast v8, $0x7  }
0xe1: {  	v27 =	vadd.f32 v60, v27;
	v46 =	vmul.f32 v46, v52;
	v52 =	vbroadcast v29, $0x0  }
0xe2: {  	v60 =	vld [tilespmem:$0x1FF60];
	v19 =	vadd.f32 v56, v19;
	v59 =	vmul.f32 v31, v36;
	v36 =	vbroadcast v8, $0x9  }
0xe3: {  	v56 =	vbroadcast v46, $0x0;
	v32 =	vadd.f32 v32, v0;
	v0 =	vbroadcast v2, $0xC  }
0xe4: {  	v10 =	vadd.f32 v45, v10;
	[tilespmem:$0x1FF80] =	vst v30;
	v30 =	vbroadcast v2, $0x9;
	v45 =	vmul.f32 v31, v36  }
0xe5: {  	v15 =	vadd.f32 v61, v15;
	v1 =	vmul.f32 v0, v31;
	v0 =	vbroadcast v8, $0xD  }
0xe6: {  	v39 =	vadd.f32 v39, v40;
	v36 =	vbroadcast v8, $0xA;
	v12 =	vmul.f32 v30, v31;
	v30 =	vld [tilespmem:$0x1FF30]  }
0xe7: {  	v11 =	vadd.f32 v11, v60;
	v60 =	vld [tilespmem:$0x1FF70];
	v40 =	vmul.f32 v31, v0;
	v0 =	vbroadcast v8, $0xE  }
0xe8: {  	v42 =	vadd.f32 v44, v42;
	v61 =	vmul.f32 v31, v36;
	v36 =	vbroadcast v8, $0xB  }
0xe9: {  	v21 =	vadd.f32 v58, v21;
	v58 =	vbroadcast v46, $0x1;
	v44 =	vmul.f32 v31, v0;
	v0 =	vld [tilespmem:s19+$0xFFFFFFC0]  }
0xea: {  	v36 =	vmul.f32 v31, v36;
	v15 =	vadd.f32 v61, v15;
	v61 =	vbroadcast v29, $0x7  }
0xeb: {  	v63 =	vadd.f32 v63, v30;
	v30 =	vbroadcast v2, $0xB;
	v2 =	vbroadcast v2, $0xF  }
0xec: {  	v45 =	vadd.f32 v45, v60;
	v60 =	vbroadcast v46, $0x6;
	v8 =	vbroadcast v8, $0xF  }
0xed: {  	v30 =	vmul.f32 v30, v31;
	v2 =	vmul.f32 v2, v31  }
0xee: {  	v5 =	vadd.f32 v5, v10;
	v8 =	vmul.f32 v31, v8;
	v52 =	vmul.f32 v0, v52  }
0xef: {  	v22 =	vadd.f32 v28, v22;
	v31 =	vmul.f32 v56, v0;
	v28 =	vmul.f32 v0, v57  }
0xf0: {  	v23 =	vadd.f32 v37, v23;
	v57 =	vbroadcast v29, $0x2;
	v37 =	vmul.f32 v58, v0  }
0xf1: {  	v50 =	vadd.f32 v54, v50;
	v58 =	vbroadcast v46, $0x2;
	v56 =	vbroadcast v46, $0x4  }
0xf2: {  	v3 =	vadd.f32 v3, v17;
	v55 =	vmul.f32 v0, v55;
	v17 =	vmul.f32 v60, v0  }
0xf3: {  	v24 =	vadd.f32 v41, v24;
	v41 =	vmul.f32 v0, v57;
	v57 =	vbroadcast v29, $0x3  }
0xf4: {  	v16 =	vadd.f32 v16, v25;
	v25 =	vmul.f32 v58, v0;
	v58 =	vbroadcast v46, $0x3  }
0xf5: {  	v7 =	vadd.f32 v7, v43;
	v60 =	vld [tilespmem:$0x1FF80];
	v43 =	vmul.f32 v56, v0;
	v56 =	vbroadcast v46, $0x5  }
0xf6: {  	v49 =	vadd.f32 v53, v49;
	v53 =	vmul.f32 v0, v57;
	v54 =	vmul.f32 v58, v0  }
0xf7: {  	v26 =	vadd.f32 v59, v26;
	v58 =	vmul.f32 v0, v61;
	v61 =	vbroadcast v29, $0x8  }
0xf8: {  	v12 =	vadd.f32 v12, v13;
	v57 =	vbroadcast v29, $0x5;
	v13 =	vmul.f32 v56, v0  }
0xf9: {  	v38 =	vadd.f32 v38, v63;
	v10 =	vmul.f32 v0, v61;
	v61 =	vbroadcast v29, $0x9  }
0xfa: {  	v56 =	vbroadcast v46, $0x7;
	v36 =	vadd.f32 v36, v60;
	v60 =	vbroadcast v46, $0x8  }
0xfb: {  	v30 =	vadd.f32 v30, v33;
	v59 =	vmul.f32 v0, v61;
	v61 =	vbroadcast v46, $0xA  }
0xfc: {  	[tilespmem:$0x1FF90] =	vst v45;
	v32 =	vadd.f32 v51, v32;
	v45 =	vmul.f32 v0, v57;
	v57 =	vbroadcast v29, $0x6  }
0xfd: {  	v1 =	vadd.f32 v1, v9;
	v51 =	vmul.f32 v61, v0;
	v61 =	vbroadcast v46, $0xB  }
0xfe: {  	v2 =	vadd.f32 v2, v39;
	v9 =	vmul.f32 v60, v0;
	v60 =	vbroadcast v29, $0xA  }
0xff: {  	v34 =	vadd.f32 v44, v34;
	v39 =	vmul.f32 v61, v0;
	v61 =	vbroadcast v46, $0xC  }
0x100: {  	v4 =	vadd.f32 v8, v4;
	v44 =	vmul.f32 v0, v60;
	v60 =	vbroadcast v29, $0xB  }
0x101: {  	v31 =	vadd.f32 v31, v42;
	v42 =	vmul.f32 v61, v0;
	v61 =	vbroadcast v46, $0xD  }
0x102: {  	v35 =	vadd.f32 v52, v35;
	v8 =	vmul.f32 v0, v60;
	v60 =	vbroadcast v29, $0xC  }
0x103: {  	v37 =	vadd.f32 v37, v48;
	v33 =	vmul.f32 v56, v0;
	v48 =	vmul.f32 v61, v0;
	v61 =	vld [tilespmem:$0x1FFE0]  }
0x104: {  	v25 =	vadd.f32 v25, v50;
	v50 =	vld [tilespmem:$0x1FFF0];
	v52 =	vmul.f32 v0, v60;
	v60 =	vbroadcast v29, $0xD  }
0x105: {  	v40 =	vadd.f32 v40, v62;
	v62 =	vld.idx.msk [tilespmem:v14+s21+$0xFFFFFEB0 ss:$0x1], $0xffff;
	v56 =	vbroadcast v46, $0x9;
	v57 =	vmul.f32 v0, v57  }
0x106: {  	v63 =	vld.idx.msk [tilespmem:v14+s21+$0xFFFFFEC0 ss:$0x1], $0xffff;
	v28 =	vadd.f32 v28, v47;
	v47 =	vmul.f32 v0, v60;
	v60 =	vbroadcast v29, $0xE  }
0x107: {  	v56 =	vmul.f32 v56, v0;
	v29 =	vbroadcast v29, $0xF  }
0x108: {  	v41 =	vadd.f32 v41, v49;
	v49 =	vmul.f32 v0, v60;
	v61 =	vperm.xlane v6, v61  }
0x109: {  	v60 =	vbroadcast v46, $0xE;
	v6 =	vperm.xlane v6, v50  }
0x10a: {  	v46 =	vbroadcast v46, $0xF;
	v50 =	vmul.f32 v62, v61;
	v61 =	vld [tilespmem:s19+$0xFFFFFFD0]  }
0x10b: {  	v20 =	vadd.f32 v55, v20;
	v29 =	vmul.f32 v0, v29;
	v6 =	vmul.f32 v63, v6  }
0x10c: {  	v18 =	vadd.f32 v53, v18;
	v53 =	vmul.f32 v60, v0;
	v0 =	vmul.f32 v46, v0  }
0x10d: {  	v16 =	vadd.f32 v17, v16;
	v62 =	vbroadcast v50, $0x0;
	v63 =	vbroadcast v6, $0x0  }
0x10e: {  	v26 =	vadd.f32 v58, v26;
	v55 =	vbroadcast v50, $0x1;
	v60 =	vbroadcast v6, $0x1  }
0x10f: {  	v22 =	vadd.f32 v45, v22;
	v58 =	vbroadcast v6, $0x3;
	v45 =	vmul.f32 v61, v62  }
0x110: {  	v19 =	vadd.f32 v54, v19;
	v62 =	vbroadcast v50, $0x2;
	v17 =	vmul.f32 v60, v61;
	v60 =	vld [tilespmem:$0x1FF90]  }
0x111: {  	v13 =	vadd.f32 v13, v23;
	v23 =	vmul.f32 v63, v61;
	v46 =	vmul.f32 v61, v55  }
0x112: {  	v27 =	vadd.f32 v33, v27;
	v54 =	vmul.f32 v61, v62;
	v62 =	vbroadcast v50, $0x5  }
0x113: {  	v7 =	vadd.f32 v9, v7;
	v63 =	vbroadcast v6, $0x2;
	v9 =	vmul.f32 v58, v61  }
0x114: {  	v15 =	vadd.f32 v44, v15;
	v44 =	vmul.f32 v61, v62;
	v62 =	vbroadcast v50, $0x6  }
0x115: {  	v33 =	vmul.f32 v63, v61;
	v63 =	vadd.f32 v59, v60;
	v60 =	vbroadcast v6, $0x5  }
0x116: {  	v8 =	vadd.f32 v8, v36;
	v36 =	vmul.f32 v61, v62;
	v62 =	vbroadcast v50, $0x7  }
0x117: {  	v3 =	vadd.f32 v51, v3;
	v51 =	vmul.f32 v60, v61;
	v60 =	vbroadcast v6, $0x6  }
0x118: {  	v5 =	vadd.f32 v52, v5;
	v52 =	vmul.f32 v61, v62;
	v62 =	vbroadcast v50, $0x8  }
0x119: {  	v30 =	vadd.f32 v39, v30;
	v39 =	vmul.f32 v60, v61;
	v60 =	vbroadcast v6, $0x7  }
0x11a: {  	v40 =	vadd.f32 v47, v40;
	v47 =	vmul.f32 v61, v62;
	v62 =	vbroadcast v50, $0x9  }
0x11b: {  	v1 =	vadd.f32 v42, v1;
	v42 =	vmul.f32 v60, v61;
	v60 =	vbroadcast v6, $0x8  }
0x11c: {  	v34 =	vadd.f32 v49, v34;
	v49 =	vmul.f32 v61, v62;
	v62 =	vbroadcast v50, $0xA  }
0x11d: {  	v38 =	vadd.f32 v48, v38;
	v48 =	vmul.f32 v60, v61;
	v60 =	vbroadcast v6, $0x9  }
0x11e: {  	v4 =	vadd.f32 v29, v4;
	v29 =	vmul.f32 v61, v62;
	v62 =	vbroadcast v50, $0xB  }
0x11f: {  	v32 =	vadd.f32 v53, v32;
	v53 =	vmul.f32 v60, v61;
	v60 =	vbroadcast v6, $0xA  }
0x120: {  	v35 =	vadd.f32 v45, v35;
	v45 =	vmul.f32 v61, v62;
	v62 =	vbroadcast v50, $0xC  }
0x121: {  	v0 =	vadd.f32 v0, v2;
	v2 =	vmul.f32 v60, v61;
	v60 =	vbroadcast v6, $0xB  }
0x122: {  	v28 =	vadd.f32 v46, v28;
	v46 =	vmul.f32 v61, v62;
	v62 =	vbroadcast v50, $0xD  }
0x123: {  	v58 =	vld [tilespmem:s16+$0xFFFFFFF0];
	v23 =	vadd.f32 v23, v31;
	v31 =	vmul.f32 v60, v61;
	v60 =	vbroadcast v6, $0xC  }
0x124: {  	v59 =	vld.idx.msk [tilespmem:v14+s21+$0xFFFFFED0 ss:$0x1], $0xffff  }
0x125: {  	v17 =	vadd.f32 v17, v37;
	v37 =	vmul.f32 v60, v61;
	v60 =	vld.idx.msk [tilespmem:v14+s21+$0xFFFFFEE0 ss:$0x1], $0xffff  }
0x126: {  	v41 =	vadd.f32 v54, v41;
	v54 =	vmul.f32 v61, v62;
	v62 =	vmov v14;
	v14 =	vld [tilespmem:$0x1FFC0]  }
0x127: {  	v21 =	vadd.f32 v43, v21;
	v24 =	vadd.f32 v57, v24;
	v57 =	vbroadcast v50, $0x3  }
0x128: {  	v12 =	vadd.f32 v56, v12;
	v43 =	vbroadcast v6, $0x4;
	v56 =	vbroadcast v6, $0xD  }
0x129: {  	v10 =	vadd.f32 v10, v11;
	v11 =	vmul.f32 v61, v57;
	v55 =	vbroadcast v50, $0x4  }
0x12a: {  	v43 =	vmul.f32 v43, v61;
	v57 =	vbroadcast v50, $0xE  }
0x12b: {  	v25 =	vadd.f32 v33, v25;
	v33 =	vmul.f32 v56, v61;
	v56 =	vperm.xlane v58, v14;
	v14 =	vld [tilespmem:$0x1FFD0]  }
0x12c: {  	v55 =	vmul.f32 v61, v55;
	v11 =	vadd.f32 v11, v18;
	v18 =	vmul.f32 v61, v57  }
0x12d: {  	v57 =	vbroadcast v6, $0xE;
	v50 =	vbroadcast v50, $0xF  }
0x12e: {  	v21 =	vadd.f32 v43, v21;
	v6 =	vbroadcast v6, $0xF;
	v56 =	vmul.f32 v59, v56;
	v59 =	vld [tilespmem:s19+$0xFFFFFFE0]  }
0x12f: {  	v20 =	vadd.f32 v55, v20;
	v55 =	vmul.f32 v57, v61;
	v43 =	vmul.f32 v61, v50  }
0x130: {  	v9 =	vadd.f32 v9, v19;
	v6 =	vmul.f32 v6, v61;
	v19 =	vperm.xlane v58, v14  }
0x131: {  	v57 =	vbroadcast v56, $0x1;
	v61 =	vbroadcast v56, $0x2  }
0x132: {  	v22 =	vadd.f32 v44, v22;
	v19 =	vmul.f32 v60, v19;
	v60 =	vbroadcast v56, $0x0  }
0x133: {  	v10 =	vadd.f32 v47, v10;
	v44 =	vmul.f32 v59, v57;
	v47 =	vmul.f32 v59, v61  }
0x134: {  	v18 =	vadd.f32 v18, v34;
	v57 =	vbroadcast v56, $0x3;
	v61 =	vbroadcast v56, $0x4  }
0x135: {  	v24 =	vadd.f32 v36, v24;
	v14 =	vbroadcast v19, $0x0;
	v36 =	vmul.f32 v59, v60  }
0x136: {  	v15 =	vadd.f32 v29, v15;
	v60 =	vbroadcast v19, $0x1;
	v29 =	vmul.f32 v59, v61  }
0x137: {  	v16 =	vadd.f32 v39, v16;
	v61 =	vbroadcast v56, $0x6;
	v39 =	vmul.f32 v14, v59  }
0x138: {  	v27 =	vadd.f32 v42, v27;
	v42 =	vmul.f32 v60, v59;
	v14 =	vbroadcast v19, $0x2  }
0x139: {  	v5 =	vadd.f32 v46, v5;
	v60 =	vbroadcast v19, $0x3;
	v46 =	vmul.f32 v59, v61  }
0x13a: {  	v7 =	vadd.f32 v48, v7;
	v61 =	vbroadcast v56, $0x8;
	v48 =	vmul.f32 v14, v59  }
0x13b: {  	v14 =	vadd.f32 v49, v63;
	v49 =	vmul.f32 v59, v57;
	v50 =	vmul.f32 v60, v59  }
0x13c: {  	v33 =	vadd.f32 v33, v38;
	v63 =	vbroadcast v19, $0x4;
	v57 =	vbroadcast v56, $0x5  }
0x13d: {  	v8 =	vadd.f32 v45, v8;
	v60 =	vbroadcast v19, $0x5;
	v34 =	vmul.f32 v59, v61  }
0x13e: {  	v2 =	vadd.f32 v2, v3;
	v61 =	vbroadcast v56, $0xA;
	v3 =	vmul.f32 v63, v59  }
0x13f: {  	v30 =	vadd.f32 v31, v30;
	v45 =	vmul.f32 v59, v57;
	v31 =	vmul.f32 v60, v59  }
0x140: {  	v32 =	vadd.f32 v55, v32;
	v63 =	vbroadcast v19, $0x6;
	v57 =	vbroadcast v56, $0x7  }
0x141: {  	v35 =	vadd.f32 v36, v35;
	v60 =	vbroadcast v19, $0x7;
	v36 =	vmul.f32 v59, v61  }
0x142: {  	v1 =	vadd.f32 v37, v1;
	v61 =	vbroadcast v56, $0xC;
	v37 =	vmul.f32 v63, v59  }
0x143: {  	v13 =	vadd.f32 v51, v13;
	v51 =	vmul.f32 v59, v57;
	v38 =	vmul.f32 v60, v59  }
0x144: {  	v26 =	vadd.f32 v52, v26;
	v63 =	vbroadcast v19, $0x8;
	v57 =	vbroadcast v56, $0x9  }
0x145: {  	v41 =	vadd.f32 v47, v41;
	v60 =	vbroadcast v19, $0x9;
	v47 =	vmul.f32 v59, v61  }
0x146: {  	v4 =	vadd.f32 v43, v4;
	v61 =	vbroadcast v56, $0xE;
	v52 =	vmul.f32 v63, v59  }
0x147: {  	v0 =	vadd.f32 v6, v0;
	v43 =	vmul.f32 v59, v57;
	v6 =	vmul.f32 v60, v59  }
0x148: {  	v28 =	vadd.f32 v44, v28;
	v63 =	vbroadcast v19, $0xA;
	v57 =	vbroadcast v56, $0xB  }
0x149: {  	v20 =	vadd.f32 v29, v20;
	v60 =	vbroadcast v19, $0xB;
	v29 =	vmul.f32 v59, v61  }
0x14a: {  	v23 =	vadd.f32 v39, v23;
	v39 =	vmul.f32 v63, v59;
	v63 =	vbroadcast v19, $0xC  }
0x14b: {  	v17 =	vadd.f32 v42, v17;
	v61 =	vld [tilespmem:$0x1FFF0];
	v44 =	vmul.f32 v59, v57;
	v57 =	vbroadcast v56, $0xD  }
0x14c: {  	v25 =	vadd.f32 v48, v25;
	v42 =	vmul.f32 v60, v59;
	v48 =	vmul.f32 v63, v59;
	v63 =	vld [tilespmem:$0x1FFE0]  }
0x14d: {  	v11 =	vadd.f32 v49, v11;
	v60 =	vbroadcast v19, $0xD;
	v49 =	vmul.f32 v59, v57;
	v57 =	vld.idx.msk [tilespmem:v62+s21+$0xFFFFFF00 ss:$0x1], $0xffff  }
0x14e: {  	v12 =	vadd.f32 v53, v12;
	v40 =	vadd.f32 v54, v40;
	v55 =	vld.idx.msk [tilespmem:v62+s21+$0xFFFFFEF0 ss:$0x1], $0xffff  }
0x14f: {  	v9 =	vadd.f32 v50, v9;
	v50 =	vmul.f32 v60, v59;
	v60 =	vbroadcast v19, $0xE  }
0x150: {  	v3 =	vadd.f32 v3, v21;
	v19 =	vbroadcast v19, $0xF;
	v21 =	vperm.xlane v58, v61  }
0x151: {  	v22 =	vadd.f32 v45, v22;
	v45 =	vmul.f32 v60, v59;
	v54 =	vperm.xlane v58, v63  }
0x152: {  	v24 =	vadd.f32 v46, v24;
	v63 =	vbroadcast v56, $0xF;
	v21 =	vmul.f32 v57, v21  }
0x153: {  	v10 =	vadd.f32 v34, v10;
	v19 =	vmul.f32 v19, v59;
	v54 =	vmul.f32 v55, v54;
	v55 =	vld [tilespmem:s19+$0xFFFFFFF0]  }
0x154: {  	v13 =	vadd.f32 v31, v13;
	v31 =	vmul.f32 v59, v63;
	v57 =	vbroadcast v21, $0x0  }
0x155: {  	v15 =	vadd.f32 v36, v15;
	v59 =	vbroadcast v21, $0x1;
	v61 =	vbroadcast v21, $0x2  }
0x156: {  	v16 =	vadd.f32 v37, v16;
	v56 =	vbroadcast v54, $0x0;
	v58 =	vbroadcast v54, $0x1  }
0x157: {  	v26 =	vadd.f32 v51, v26;
	v60 =	vbroadcast v54, $0x2;
	v63 =	vbroadcast v54, $0x3  }
0x158: {  	v27 =	vadd.f32 v38, v27;
	v46 =	vmul.f32 v55, v56;
	v37 =	vmul.f32 v57, v55  }
0x159: {  	v14 =	vadd.f32 v43, v14;
	v34 =	vmul.f32 v55, v58;
	v38 =	vmul.f32 v59, v55  }
0x15a: {  	v6 =	vadd.f32 v6, v12;
	v43 =	vmul.f32 v55, v60;
	v12 =	vmul.f32 v61, v55  }
0x15b: {  	v5 =	vadd.f32 v47, v5;
	v56 =	vbroadcast v21, $0x3;
	v36 =	vmul.f32 v55, v63  }
0x15c: {  	v7 =	vadd.f32 v52, v7;
	v57 =	vbroadcast v54, $0x4;
	v58 =	vbroadcast v21, $0x4  }
0x15d: {  	v2 =	vadd.f32 v39, v2;
	v59 =	vbroadcast v54, $0x5;
	v60 =	vbroadcast v21, $0x5  }
0x15e: {  	v8 =	vadd.f32 v44, v8;
	v61 =	vbroadcast v54, $0x6;
	v63 =	vbroadcast v21, $0x6  }
0x15f: {  	v30 =	vadd.f32 v42, v30;
	v39 =	vmul.f32 v56, v55;
	v44 =	vmul.f32 v55, v57  }
0x160: {  	v1 =	vadd.f32 v48, v1;
	v42 =	vmul.f32 v58, v55;
	v47 =	vmul.f32 v55, v59  }
0x161: {  	v40 =	vadd.f32 v49, v40;
	v48 =	vmul.f32 v60, v55;
	v49 =	vmul.f32 v55, v61  }
0x162: {  	v33 =	vadd.f32 v50, v33;
	v56 =	vbroadcast v54, $0x7;
	v50 =	vmul.f32 v63, v55  }
0x163: {  	v18 =	vadd.f32 v29, v18;
	v57 =	vbroadcast v21, $0x7;
	v58 =	vbroadcast v54, $0x8  }
0x164: {  	v32 =	vadd.f32 v45, v32;
	v59 =	vbroadcast v21, $0x8;
	v60 =	vbroadcast v54, $0x9  }
0x165: {  	v0 =	vadd.f32 v19, v0;
	v61 =	vbroadcast v21, $0x9;
	v63 =	vbroadcast v54, $0xA  }
0x166: {  	v4 =	vadd.f32 v31, v4;
	v29 =	vmul.f32 v55, v56;
	v45 =	vmul.f32 v57, v55  }
0x167: {  	v35 =	vadd.f32 v46, v35;
	v31 =	vmul.f32 v55, v58;
	v19 =	vmul.f32 v59, v55  }
0x168: {  	v23 =	vadd.f32 v37, v23;
	v46 =	vmul.f32 v55, v60;
	v37 =	vmul.f32 v61, v55  }
0x169: {  	v28 =	vadd.f32 v34, v28;
	v56 =	vbroadcast v21, $0xA;
	v34 =	vmul.f32 v55, v63  }
0x16a: {  	v17 =	vadd.f32 v38, v17;
	v57 =	vbroadcast v54, $0xB;
	v60 =	vbroadcast v21, $0xC  }
0x16b: {  	v41 =	vadd.f32 v43, v41;
	v58 =	vbroadcast v21, $0xB;
	v61 =	vbroadcast v54, $0xD  }
0x16c: {  	v53 =	vld [tilespmem:s16+$0x0];
	v59 =	vbroadcast v54, $0xC;
	v9 =	vadd.f32 v39, v9;
	v39 =	vmul.f32 v60, v55  }
0x16d: {  	v20 =	vadd.f32 v44, v20;
	v44 =	vmul.f32 v55, v61;
	v60 =	vbroadcast v54, $0xE;
	v61 =	vld [tilespmem:$0x1FFC0]  }
0x16e: {  	v12 =	vadd.f32 v12, v25;
	v63 =	vbroadcast v21, $0xD;
	v38 =	vmul.f32 v56, v55;
	v56 =	vld.idx.msk [tilespmem:v62+s21+$0xFFFFFF10 ss:$0x1], $0xffff  }
0x16f: {  	v22 =	vadd.f32 v47, v22;
	v43 =	vmul.f32 v55, v57;
	v47 =	vmul.f32 v55, v60;
	v60 =	vld [tilespmem:$0x1FFD0]  }
0x170: {  	v11 =	vadd.f32 v36, v11;
	v25 =	vmul.f32 v58, v55;
	v36 =	vmul.f32 v55, v59  }
0x171: {  	v3 =	vadd.f32 v42, v3;
	v57 =	vld.idx.msk [tilespmem:v62+s21+$0xFFFFFF20 ss:$0x1], $0xffff;
	v42 =	vmul.f32 v63, v55;
	v63 =	vbroadcast v21, $0xE  }
0x172: {  	v13 =	vadd.f32 v48, v13;
	v21 =	vbroadcast v21, $0xF;
	v52 =	vperm.xlane v53, v61  }
0x173: {  	v24 =	vadd.f32 v49, v24;
	v49 =	vmul.f32 v63, v55;
	v61 =	vbroadcast v54, $0xF  }
0x174: {  	v16 =	vadd.f32 v50, v16;
	v48 =	vperm.xlane v53, v60;
	v52 =	vmul.f32 v56, v52  }
0x175: {  	v26 =	vadd.f32 v29, v26;
	v21 =	vmul.f32 v21, v55;
	v56 =	vld [tilespmem:s19+$0x0];
	v29 =	vmul.f32 v55, v61  }
0x176: {  	v27 =	vadd.f32 v45, v27;
	v48 =	vmul.f32 v57, v48;
	v63 =	vbroadcast v52, $0x0  }
0x177: {  	v10 =	vadd.f32 v31, v10;
	v55 =	vbroadcast v52, $0x1;
	v58 =	vbroadcast v52, $0x2  }
0x178: {  	v7 =	vadd.f32 v19, v7;
	v60 =	vbroadcast v52, $0x3;
	v54 =	vbroadcast v48, $0x0  }
0x179: {  	v14 =	vadd.f32 v46, v14;
	v57 =	vbroadcast v48, $0x1;
	v59 =	vbroadcast v48, $0x2  }
0x17a: {  	v6 =	vadd.f32 v37, v6;
	v61 =	vbroadcast v48, $0x3;
	v31 =	vmul.f32 v56, v63  }
0x17b: {  	v15 =	vadd.f32 v34, v15;
	v46 =	vmul.f32 v56, v55;
	v34 =	vmul.f32 v56, v58  }
0x17c: {  	v8 =	vadd.f32 v43, v8;
	v43 =	vmul.f32 v56, v60;
	v63 =	vbroadcast v52, $0x4  }
0x17d: {  	v2 =	vadd.f32 v38, v2;
	v55 =	vbroadcast v52, $0x5;
	v58 =	vbroadcast v52, $0x6  }
0x17e: {  	v25 =	vadd.f32 v25, v30;
	v60 =	vbroadcast v52, $0x7;
	v19 =	vmul.f32 v54, v56  }
0x17f: {  	v5 =	vadd.f32 v36, v5;
	v37 =	vmul.f32 v57, v56;
	v38 =	vmul.f32 v59, v56  }
0x180: {  	v1 =	vadd.f32 v39, v1;
	v30 =	vmul.f32 v61, v56;
	v54 =	vbroadcast v48, $0x4  }
0x181: {  	v40 =	vadd.f32 v44, v40;
	v57 =	vbroadcast v48, $0x5;
	v59 =	vbroadcast v48, $0x6  }
0x182: {  	v33 =	vadd.f32 v42, v33;
	v61 =	vbroadcast v48, $0x7;
	v36 =	vmul.f32 v56, v63  }
0x183: {  	v18 =	vadd.f32 v47, v18;
	v44 =	vmul.f32 v56, v55;
	v47 =	vmul.f32 v56, v58  }
0x184: {  	v4 =	vadd.f32 v29, v4;
	v29 =	vmul.f32 v56, v60;
	v63 =	vbroadcast v52, $0x8  }
0x185: {  	v32 =	vadd.f32 v49, v32;
	v55 =	vbroadcast v52, $0x9;
	v58 =	vbroadcast v52, $0xA  }
0x186: {  	v0 =	vadd.f32 v21, v0;
	v60 =	vbroadcast v52, $0xB;
	v39 =	vmul.f32 v54, v56  }
0x187: {  	v31 =	vadd.f32 v31, v35;
	v42 =	vmul.f32 v57, v56;
	v45 =	vmul.f32 v59, v56  }
0x188: {  	v28 =	vadd.f32 v46, v28;
	v21 =	vmul.f32 v61, v56;
	v54 =	vbroadcast v48, $0x8  }
0x189: {  	v34 =	vadd.f32 v34, v41;
	v57 =	vbroadcast v48, $0x9;
	v59 =	vbroadcast v48, $0xA  }
0x18a: {  	v11 =	vadd.f32 v43, v11;
	v61 =	vbroadcast v48, $0xB;
	v35 =	vmul.f32 v56, v63  }
0x18b: {  	v19 =	vadd.f32 v19, v23;
	v46 =	vmul.f32 v56, v55;
	v41 =	vmul.f32 v56, v58  }
0x18c: {  	v17 =	vadd.f32 v37, v17;
	v43 =	vmul.f32 v56, v60;
	v63 =	vbroadcast v52, $0xC  }
0x18d: {  	v12 =	vadd.f32 v38, v12;
	v55 =	vbroadcast v52, $0xD;
	v58 =	vbroadcast v52, $0xE  }
0x18e: {  	v9 =	vadd.f32 v30, v9;
	v23 =	vmul.f32 v54, v56;
	v37 =	vmul.f32 v57, v56  }
0x18f: {  	v20 =	vadd.f32 v36, v20;
	v60 =	vld [tilespmem:$0x1FFE0];
	v38 =	vmul.f32 v59, v56;
	v30 =	vmul.f32 v61, v56  }
0x190: {  	v51 =	vld.idx.msk [tilespmem:v62+s21+$0xFFFFFF30 ss:$0x1], $0xffff;
	v22 =	vadd.f32 v44, v22;
	v54 =	vbroadcast v48, $0xC;
	v57 =	vbroadcast v48, $0xD  }
0x191: {  	v24 =	vadd.f32 v47, v24;
	v61 =	vbroadcast v48, $0xE;
	v36 =	vmul.f32 v56, v63;
	v63 =	vld [tilespmem:$0x1FFF0]  }
0x192: {  	v26 =	vadd.f32 v29, v26;
	v44 =	vmul.f32 v56, v55;
	v47 =	vmul.f32 v56, v58  }
0x193: {  	v3 =	vadd.f32 v39, v3;
	v59 =	vld.idx.msk [tilespmem:v62+s21+$0xFFFFFF40 ss:$0x1], $0xffff;
	v55 =	vbroadcast v52, $0xF;
	v39 =	vmul.f32 v54, v56  }
0x194: {  	v13 =	vadd.f32 v42, v13;
	v42 =	vmul.f32 v57, v56;
	v49 =	vperm.xlane v53, v60  }
0x195: {  	v16 =	vadd.f32 v45, v16;
	v29 =	vmul.f32 v61, v56;
	v57 =	vbroadcast v48, $0xF  }
0x196: {  	v10 =	vadd.f32 v35, v10;
	v45 =	vperm.xlane v53, v63;
	v49 =	vmul.f32 v51, v49  }
0x197: {  	v7 =	vadd.f32 v23, v7;
	v35 =	vmul.f32 v56, v55;
	v23 =	vmul.f32 v57, v56  }
0x198: {  	v45 =	vmul.f32 v59, v45;
	v58 =	vbroadcast v49, $0x0  }
0x199: {  	v51 =	vld [tilespmem:s19+$0x10];
	v60 =	vbroadcast v49, $0x1;
	v63 =	vbroadcast v49, $0x2  }
0x19a: {  	v21 =	vadd.f32 v21, v27;
	v53 =	vbroadcast v49, $0x3;
	v55 =	vbroadcast v49, $0x4  }
0x19b: {  	v14 =	vadd.f32 v46, v14;
	v57 =	vbroadcast v49, $0x5;
	v59 =	vbroadcast v45, $0x0  }
0x19c: {  	v15 =	vadd.f32 v41, v15;
	v61 =	vbroadcast v45, $0x1;
	v52 =	vbroadcast v45, $0x2  }
0x19d: {  	v8 =	vadd.f32 v43, v8;
	v54 =	vbroadcast v45, $0x3;
	v56 =	vbroadcast v45, $0x4  }
0x19e: {  	v6 =	vadd.f32 v37, v6;
	v46 =	vmul.f32 v51, v58;
	v41 =	vmul.f32 v51, v60  }
0x19f: {  	v5 =	vadd.f32 v36, v5;
	v43 =	vmul.f32 v51, v63;
	v36 =	vmul.f32 v51, v53  }
0x1a0: {  	v40 =	vadd.f32 v44, v40;
	v44 =	vmul.f32 v51, v55;
	v58 =	vbroadcast v45, $0x5  }
0x1a1: {  	v18 =	vadd.f32 v47, v18;
	v47 =	vmul.f32 v51, v57;
	v60 =	vbroadcast v45, $0x6  }
0x1a2: {  	v2 =	vadd.f32 v38, v2;
	v63 =	vbroadcast v45, $0x7;
	v53 =	vbroadcast v45, $0x8  }
0x1a3: {  	v25 =	vadd.f32 v30, v25;
	v55 =	vbroadcast v45, $0x9;
	v57 =	vbroadcast v45, $0xA  }
0x1a4: {  	v1 =	vadd.f32 v39, v1;
	v27 =	vmul.f32 v59, v51;
	v37 =	vmul.f32 v61, v51  }
0x1a5: {  	v33 =	vadd.f32 v42, v33;
	v30 =	vmul.f32 v52, v51;
	v38 =	vmul.f32 v54, v51  }
0x1a6: {  	v29 =	vadd.f32 v29, v32;
	v39 =	vmul.f32 v56, v51;
	v59 =	vbroadcast v49, $0x6  }
0x1a7: {  	v4 =	vadd.f32 v35, v4;
	v61 =	vbroadcast v49, $0x7;
	v52 =	vbroadcast v49, $0x8  }
0x1a8: {  	v0 =	vadd.f32 v23, v0;
	v54 =	vbroadcast v49, $0x9;
	v56 =	vbroadcast v49, $0xA  }
0x1a9: {  	v32 =	vmul.f32 v58, v51;
	v23 =	vmul.f32 v60, v51;
	v31 =	vadd.f32 v46, v31  }
0x1aa: {  	v28 =	vadd.f32 v41, v28;
	v34 =	vadd.f32 v43, v34;
	v58 =	vbroadcast v49, $0xB  }
0x1ab: {  	v11 =	vadd.f32 v36, v11;
	v60 =	vbroadcast v49, $0xC;
	v35 =	vmul.f32 v51, v59  }
0x1ac: {  	v46 =	vmul.f32 v51, v61;
	v19 =	vadd.f32 v27, v19;
	v27 =	vmul.f32 v63, v51  }
0x1ad: {  	v41 =	vmul.f32 v51, v52;
	v17 =	vadd.f32 v37, v17;
	v37 =	vmul.f32 v53, v51  }
0x1ae: {  	v43 =	vmul.f32 v51, v54;
	v12 =	vadd.f32 v30, v12;
	v30 =	vmul.f32 v55, v51  }
0x1af: {  	v36 =	vmul.f32 v51, v56;
	v9 =	vadd.f32 v38, v9;
	v38 =	vmul.f32 v57, v51  }
0x1b0: {  	v20 =	vadd.f32 v44, v20;
	v59 =	vbroadcast v45, $0xB;
	v61 =	vbroadcast v45, $0xC  }
0x1b1: {  	v50 =	vld [tilespmem:s16+$0x10];
	v22 =	vadd.f32 v47, v22;
	v63 =	vbroadcast v49, $0xD;
	v57 =	vbroadcast v45, $0xD  }
0x1b2: {  	v3 =	vadd.f32 v39, v3;
	v54 =	vbroadcast v49, $0xF;
	v47 =	vmul.f32 v51, v60;
	v60 =	vld [tilespmem:$0x1FFC0]  }
0x1b3: {  	v55 =	vbroadcast v45, $0xF;
	v24 =	vadd.f32 v35, v24;
	v35 =	vmul.f32 v51, v63;
	v63 =	vld [tilespmem:$0x1FFD0]  }
0x1b4: {  	v56 =	vld.idx.msk [tilespmem:v62+s21+$0xFFFFFF50 ss:$0x1], $0xffff;
	v44 =	vmul.f32 v51, v58;
	v13 =	vadd.f32 v32, v13;
	v58 =	vbroadcast v49, $0xE  }
0x1b5: {  	v16 =	vadd.f32 v23, v16;
	v39 =	vmul.f32 v59, v51;
	v32 =	vmul.f32 v61, v51;
	v59 =	vld.idx.msk [tilespmem:v62+s21+$0xFFFFFF60 ss:$0x1], $0xffff  }
0x1b6: {  	v23 =	vmul.f32 v57, v51;
	v61 =	vbroadcast v45, $0xE;
	v21 =	vadd.f32 v27, v21  }
0x1b7: {  	v14 =	vadd.f32 v43, v14;
	v43 =	vmul.f32 v51, v54;
	v42 =	vperm.xlane v50, v60  }
0x1b8: {  	v6 =	vadd.f32 v30, v6;
	v30 =	vmul.f32 v55, v51;
	v27 =	vperm.xlane v50, v63  }
0x1b9: {  	v26 =	vadd.f32 v46, v26;
	v46 =	vmul.f32 v51, v58;
	v42 =	vmul.f32 v56, v42  }
0x1ba: {  	v10 =	vadd.f32 v41, v10;
	v41 =	vmul.f32 v61, v51;
	v27 =	vmul.f32 v59, v27  }
0x1bb: {  	v56 =	vbroadcast v42, $0x0;
	v59 =	vbroadcast v42, $0x1  }
0x1bc: {  	v52 =	vld [tilespmem:s19+$0x20];
	v61 =	vbroadcast v42, $0x2;
	v48 =	vbroadcast v42, $0x3  }
0x1bd: {  	v51 =	vbroadcast v42, $0x4;
	v54 =	vbroadcast v42, $0x5  }
0x1be: {  	v57 =	vbroadcast v27, $0x0;
	v60 =	vbroadcast v27, $0x1  }
0x1bf: {  	v63 =	vbroadcast v27, $0x2;
	v49 =	vbroadcast v27, $0x3  }
0x1c0: {  	v8 =	vadd.f32 v44, v8;
	v53 =	vbroadcast v27, $0x4;
	v55 =	vbroadcast v27, $0x5  }
0x1c1: {  	v35 =	vadd.f32 v35, v40;
	v58 =	vmul.f32 v52, v56;
	v44 =	vmul.f32 v52, v59  }
0x1c2: {  	v4 =	vadd.f32 v43, v4;
	v45 =	vmul.f32 v52, v61;
	v40 =	vmul.f32 v52, v48  }
0x1c3: {  	v18 =	vadd.f32 v46, v18;
	v46 =	vmul.f32 v52, v51;
	v43 =	vmul.f32 v52, v54  }
0x1c4: {  	v7 =	vadd.f32 v37, v7;
	v56 =	vbroadcast v42, $0x6;
	v59 =	vbroadcast v42, $0x7  }
0x1c5: {  	v2 =	vadd.f32 v38, v2;
	v61 =	vbroadcast v42, $0x8;
	v48 =	vbroadcast v42, $0x9  }
0x1c6: {  	v25 =	vadd.f32 v39, v25;
	v51 =	vbroadcast v42, $0xA;
	v54 =	vbroadcast v42, $0xB  }
0x1c7: {  	v1 =	vadd.f32 v32, v1;
	v37 =	vmul.f32 v57, v52;
	v38 =	vmul.f32 v60, v52  }
0x1c8: {  	v23 =	vadd.f32 v23, v33;
	v32 =	vmul.f32 v63, v52;
	v33 =	vmul.f32 v49, v52  }
0x1c9: {  	v0 =	vadd.f32 v30, v0;
	v39 =	vmul.f32 v53, v52;
	v30 =	vmul.f32 v55, v52  }
0x1ca: {  	v57 =	vbroadcast v27, $0x6;
	v60 =	vbroadcast v27, $0x7  }
0x1cb: {  	v63 =	vbroadcast v27, $0x8;
	v49 =	vbroadcast v27, $0x9  }
0x1cc: {  	v53 =	vbroadcast v27, $0xA;
	v55 =	vbroadcast v27, $0xB;
	v31 =	vadd.f32 v58, v31  }
0x1cd: {  	v58 =	vmul.f32 v52, v56;
	v28 =	vadd.f32 v44, v28;
	v44 =	vmul.f32 v52, v59  }
0x1ce: {  	v34 =	vadd.f32 v45, v34;
	v45 =	vmul.f32 v52, v61;
	v11 =	vadd.f32 v40, v11  }
0x1cf: {  	v40 =	vmul.f32 v52, v48;
	v20 =	vadd.f32 v46, v20;
	v46 =	vmul.f32 v52, v51  }
0x1d0: {  	v22 =	vadd.f32 v43, v22;
	v43 =	vmul.f32 v52, v54;
	v56 =	vbroadcast v42, $0xC  }
0x1d1: {  	v61 =	vbroadcast v42, $0xE;
	v54 =	vbroadcast v27, $0xE  }
0x1d2: {  	v19 =	vadd.f32 v37, v19;
	v37 =	vmul.f32 v57, v52;
	v17 =	vadd.f32 v38, v17  }
0x1d3: {  	v38 =	vmul.f32 v60, v52;
	v12 =	vadd.f32 v32, v12;
	v32 =	vmul.f32 v63, v52  }
0x1d4: {  	v9 =	vadd.f32 v33, v9;
	v33 =	vmul.f32 v49, v52;
	v3 =	vadd.f32 v39, v3  }
0x1d5: {  	v51 =	vld [tilespmem:$0x1FFE0];
	v39 =	vmul.f32 v53, v52;
	v13 =	vadd.f32 v30, v13;
	v30 =	vmul.f32 v55, v52  }
0x1d6: {  	v59 =	vld.idx.msk [tilespmem:v62+s21+$0xFFFFFF70 ss:$0x1], $0xffff;
	v57 =	vbroadcast v27, $0xC;
	v60 =	vbroadcast v27, $0xD  }
0x1d7: {  	v15 =	vadd.f32 v36, v15;
	v55 =	vld [tilespmem:$0x1FFF0];
	v27 =	vbroadcast v27, $0xF;
	v36 =	vmul.f32 v52, v56  }
0x1d8: {  	v24 =	vadd.f32 v58, v24;
	v58 =	vbroadcast v42, $0xD;
	v53 =	vmul.f32 v52, v61  }
0x1d9: {  	v29 =	vadd.f32 v41, v29;
	v63 =	vld.idx.msk [tilespmem:v62+s21+$0xFFFFFF80 ss:$0x1], $0xffff;
	v56 =	vmul.f32 v54, v52;
	v42 =	vbroadcast v42, $0xF  }
0x1da: {  	v16 =	vadd.f32 v37, v16;
	v37 =	vmul.f32 v57, v52;
	v41 =	vperm.xlane v50, v51  }
0x1db: {  	v21 =	vadd.f32 v38, v21;
	v38 =	vmul.f32 v60, v52;
	v27 =	vmul.f32 v27, v52  }
0x1dc: {  	v7 =	vadd.f32 v32, v7;
	v32 =	vperm.xlane v50, v55;
	v41 =	vmul.f32 v59, v41  }
0x1dd: {  	v26 =	vadd.f32 v44, v26;
	v44 =	vmul.f32 v52, v58;
	v57 =	vmul.f32 v52, v42  }
0x1de: {  	v5 =	vadd.f32 v47, v5;
	v32 =	vmul.f32 v63, v32;
	v47 =	vbroadcast v41, $0x0  }
0x1df: {  	v48 =	vld [tilespmem:s19+$0x30];
	v50 =	vbroadcast v41, $0x1;
	v60 =	vbroadcast v41, $0x2  }
0x1e0: {  	v18 =	vadd.f32 v53, v18;
	v53 =	vbroadcast v41, $0x4;
	v55 =	vbroadcast v41, $0x5  }
0x1e1: {  	v4 =	vadd.f32 v57, v4;
	v57 =	vbroadcast v41, $0x6;
	v49 =	vbroadcast v32, $0x0  }
0x1e2: {  	v58 =	vbroadcast v32, $0x1;
	v63 =	vbroadcast v32, $0x2  }
0x1e3: {  	v10 =	vadd.f32 v45, v10;
	v52 =	vbroadcast v32, $0x3;
	v54 =	vbroadcast v32, $0x4  }
0x1e4: {  	v29 =	vadd.f32 v56, v29;
	v56 =	vbroadcast v32, $0x5;
	v42 =	vmul.f32 v48, v47  }
0x1e5: {  	v8 =	vadd.f32 v43, v8;
	v59 =	vmul.f32 v48, v50;
	v43 =	vmul.f32 v48, v60  }
0x1e6: {  	v6 =	vadd.f32 v33, v6;
	v33 =	vmul.f32 v48, v53;
	v60 =	vbroadcast v32, $0x7  }
0x1e7: {  	v15 =	vadd.f32 v46, v15;
	v53 =	vbroadcast v41, $0x9;
	v51 =	vmul.f32 v49, v48  }
0x1e8: {  	v2 =	vadd.f32 v39, v2;
	v61 =	vmul.f32 v58, v48;
	v49 =	vbroadcast v41, $0x3  }
0x1e9: {  	v25 =	vadd.f32 v30, v25;
	v50 =	vmul.f32 v63, v48;
	v39 =	vmul.f32 v52, v48  }
0x1ea: {  	v0 =	vadd.f32 v27, v0;
	v27 =	vmul.f32 v54, v48;
	v30 =	vmul.f32 v56, v48  }
0x1eb: {  	v5 =	vadd.f32 v36, v5;
	v58 =	vbroadcast v32, $0x6;
	v63 =	vbroadcast v41, $0x8  }
0x1ec: {  	v1 =	vadd.f32 v37, v1;
	v54 =	vbroadcast v32, $0x9;
	v56 =	vbroadcast v32, $0xA  }
0x1ed: {  	v31 =	vadd.f32 v42, v31;
	v42 =	vmul.f32 v48, v55;
	v28 =	vadd.f32 v59, v28  }
0x1ee: {  	v59 =	vmul.f32 v48, v57;
	v20 =	vadd.f32 v33, v20;
	v33 =	vmul.f32 v48, v53  }
0x1ef: {  	v35 =	vadd.f32 v44, v35;
	v55 =	vbroadcast v41, $0xA;
	v57 =	vbroadcast v41, $0xB  }
0x1f0: {  	v53 =	vbroadcast v41, $0xE;
	v44 =	vmul.f32 v48, v49;
	v19 =	vadd.f32 v51, v19  }
0x1f1: {  	v51 =	vbroadcast v41, $0x7;
	v52 =	vmul.f32 v58, v48;
	v12 =	vadd.f32 v50, v12  }
0x1f2: {  	v49 =	vmul.f32 v60, v48;
	v50 =	vbroadcast v32, $0x8;
	v3 =	vadd.f32 v27, v3  }
0x1f3: {  	v27 =	vmul.f32 v54, v48;
	v13 =	vadd.f32 v30, v13;
	v30 =	vmul.f32 v56, v48  }
0x1f4: {  	v23 =	vadd.f32 v38, v23;
	v58 =	vbroadcast v32, $0xB;
	v60 =	vbroadcast v32, $0xC  }
0x1f5: {  	v22 =	vadd.f32 v42, v22;
	v42 =	vmul.f32 v48, v55;
	v36 =	vmul.f32 v48, v57  }
0x1f6: {  	v46 =	vld [tilespmem:s16+$0x20];
	v24 =	vadd.f32 v59, v24;
	v59 =	vbroadcast v41, $0xC;
	v57 =	vmul.f32 v48, v53  }
0x1f7: {  	v17 =	vadd.f32 v61, v17;
	v56 =	vld [tilespmem:$0x1FFC0];
	v61 =	vmul.f32 v48, v51;
	v51 =	vmul.f32 v48, v63  }
0x1f8: {  	v9 =	vadd.f32 v39, v9;
	v39 =	vmul.f32 v50, v48;
	v37 =	vmul.f32 v58, v48  }
0x1f9: {  	v16 =	vadd.f32 v52, v16;
	v63 =	vld.idx.msk [tilespmem:v62+s21+$0xFFFFFF90 ss:$0x1], $0xffff;
	v38 =	vmul.f32 v60, v48;
	v52 =	vbroadcast v32, $0xD  }
0x1fa: {  	v34 =	vadd.f32 v43, v34;
	v58 =	vbroadcast v32, $0xE;
	v43 =	vmul.f32 v48, v59;
	v59 =	vld [tilespmem:$0x1FFD0]  }
0x1fb: {  	v26 =	vadd.f32 v61, v26;
	v61 =	vbroadcast v41, $0xD;
	v55 =	vmul.f32 v52, v48  }
0x1fc: {  	v14 =	vadd.f32 v40, v14;
	v60 =	vmul.f32 v58, v48;
	v40 =	vperm.xlane v46, v56  }
0x1fd: {  	v11 =	vadd.f32 v44, v11;
	v41 =	vbroadcast v41, $0xF;
	v44 =	vmul.f32 v48, v61  }
0x1fe: {  	v54 =	vld.idx.msk [tilespmem:v62+s21+$0xFFFFFFA0 ss:$0x1], $0xffff;
	v21 =	vadd.f32 v49, v21;
	v61 =	vbroadcast v32, $0xF;
	v40 =	vmul.f32 v63, v40  }
0x1ff: {  	v47 =	vld [tilespmem:s19+$0x40];
	v6 =	vadd.f32 v27, v6;
	v63 =	vmul.f32 v48, v41;
	v27 =	vperm.xlane v46, v59  }
0x200: {  	v2 =	vadd.f32 v30, v2;
	v30 =	vmul.f32 v61, v48;
	v45 =	vbroadcast v40, $0x0  }
0x201: {  	v18 =	vadd.f32 v57, v18;
	v52 =	vbroadcast v40, $0x1;
	v57 =	vbroadcast v40, $0x3  }
0x202: {  	v29 =	vadd.f32 v60, v29;
	v60 =	vbroadcast v40, $0x4;
	v49 =	vbroadcast v40, $0x5  }
0x203: {  	v27 =	vmul.f32 v54, v27;
	v54 =	vbroadcast v40, $0x2  }
0x204: {  	v8 =	vadd.f32 v36, v8;
	v36 =	vmul.f32 v47, v45;
	v41 =	vmul.f32 v47, v52  }
0x205: {  	v10 =	vadd.f32 v51, v10;
	v59 =	vmul.f32 v47, v57;
	v45 =	vmul.f32 v47, v60  }
0x206: {  	v7 =	vadd.f32 v39, v7;
	v52 =	vmul.f32 v47, v49;
	v60 =	vbroadcast v40, $0x8  }
0x207: {  	v25 =	vadd.f32 v37, v25;
	v49 =	vbroadcast v40, $0x9;
	v51 =	vbroadcast v27, $0x0  }
0x208: {  	v23 =	vadd.f32 v55, v23;
	v53 =	vbroadcast v27, $0x1;
	v55 =	vbroadcast v27, $0x2  }
0x209: {  	v4 =	vadd.f32 v63, v4;
	v56 =	vmul.f32 v47, v54;
	v58 =	vbroadcast v27, $0x3  }
0x20a: {  	v63 =	vbroadcast v27, $0x4;
	v20 =	vadd.f32 v45, v20;
	v45 =	vmul.f32 v47, v60  }
0x20b: {  	v22 =	vadd.f32 v52, v22;
	v52 =	vmul.f32 v47, v49;
	v37 =	vmul.f32 v51, v47  }
0x20c: {  	v1 =	vadd.f32 v38, v1;
	v38 =	vmul.f32 v53, v47;
	v39 =	vmul.f32 v55, v47  }
0x20d: {  	v61 =	vmul.f32 v58, v47;
	v50 =	vmul.f32 v63, v47  }
0x20e: {  	v14 =	vadd.f32 v33, v14;
	v51 =	vbroadcast v27, $0x5;
	v53 =	vbroadcast v40, $0x6  }
0x20f: {  	v55 =	vbroadcast v27, $0x6;
	v33 =	vadd.f32 v56, v34;
	v56 =	vbroadcast v40, $0x7  }
0x210: {  	v58 =	vbroadcast v27, $0x7;
	v63 =	vbroadcast v27, $0x8  }
0x211: {  	v14 =	vadd.f32 v52, v14;
	v52 =	vbroadcast v40, $0xE;
	v54 =	vmul.f32 v51, v47  }
0x212: {  	v11 =	vadd.f32 v59, v11;
	v34 =	vmul.f32 v47, v53;
	v57 =	vmul.f32 v55, v47  }
0x213: {  	v59 =	vmul.f32 v47, v56;
	v9 =	vadd.f32 v61, v9;
	v61 =	vmul.f32 v58, v47  }
0x214: {  	v3 =	vadd.f32 v50, v3;
	v50 =	vmul.f32 v63, v47;
	v51 =	vbroadcast v27, $0x9  }
0x215: {  	v15 =	vadd.f32 v42, v15;
	v53 =	vbroadcast v40, $0xA;
	v55 =	vbroadcast v27, $0xA  }
0x216: {  	v12 =	vadd.f32 v39, v12;
	v56 =	vbroadcast v40, $0xB;
	v58 =	vbroadcast v40, $0xC  }
0x217: {  	v13 =	vadd.f32 v54, v13;
	v54 =	vmul.f32 v51, v47;
	v24 =	vadd.f32 v34, v24  }
0x218: {  	v34 =	vmul.f32 v47, v53;
	v16 =	vadd.f32 v57, v16;
	v39 =	vmul.f32 v55, v47  }
0x219: {  	v57 =	vbroadcast v27, $0xB;
	v26 =	vadd.f32 v59, v26;
	v32 =	vmul.f32 v47, v56  }
0x21a: {  	v21 =	vadd.f32 v61, v21;
	v59 =	vbroadcast v27, $0xC;
	v60 =	vmul.f32 v47, v58;
	v55 =	vld [tilespmem:$0x1FFE0]  }
0x21b: {  	v61 =	vbroadcast v40, $0xD;
	v7 =	vadd.f32 v50, v7;
	v50 =	vbroadcast v27, $0xD;
	v58 =	vld [tilespmem:$0x1FFF0]  }
0x21c: {  	v5 =	vadd.f32 v43, v5;
	v63 =	vld.idx.msk [tilespmem:v62+s21+$0xFFFFFFB0 ss:$0x1], $0xffff;
	v56 =	vmul.f32 v47, v52;
	v40 =	vbroadcast v40, $0xF  }
0x21d: {  	v0 =	vadd.f32 v30, v0;
	v53 =	vld.idx.msk [tilespmem:v62+s21+$0xFFFFFFC0 ss:$0x1], $0xffff;
	v30 =	vmul.f32 v57, v47;
	v49 =	vmul.f32 v59, v47  }
0x21e: {  	v51 =	vmul.f32 v47, v61;
	v6 =	vadd.f32 v54, v6;
	v54 =	vmul.f32 v50, v47  }
0x21f: {  	v35 =	vadd.f32 v44, v35;
	v57 =	vbroadcast v27, $0xE;
	v42 =	vperm.xlane v46, v55  }
0x220: {  	v2 =	vadd.f32 v39, v2;
	v27 =	vbroadcast v27, $0xF;
	v39 =	vperm.xlane v46, v58  }
0x221: {  	v5 =	vadd.f32 v60, v5;
	v60 =	vmul.f32 v47, v40;
	v42 =	vmul.f32 v63, v42  }
0x222: {  	v59 =	vmul.f32 v57, v47;
	v25 =	vadd.f32 v30, v25;
	v30 =	vmul.f32 v53, v39  }
0x223: {  	v44 =	vld [tilespmem:s19+$0x50];
	v31 =	vadd.f32 v36, v31;
	v27 =	vmul.f32 v27, v47;
	v61 =	vbroadcast v42, $0x0  }
0x224: {  	v10 =	vadd.f32 v45, v10;
	v63 =	vbroadcast v30, $0x0;
	v45 =	vbroadcast v42, $0x1  }
0x225: {  	v19 =	vadd.f32 v37, v19;
	v46 =	vbroadcast v30, $0x1;
	v50 =	vbroadcast v42, $0x2  }
0x226: {  	v23 =	vadd.f32 v54, v23;
	v52 =	vbroadcast v30, $0x2;
	v54 =	vbroadcast v42, $0x3  }
0x227: {  	v18 =	vadd.f32 v56, v18;
	v56 =	vbroadcast v30, $0x3;
	v58 =	vbroadcast v42, $0x4  }
0x228: {  	v4 =	vadd.f32 v60, v4;
	v60 =	vbroadcast v30, $0x4;
	v39 =	vmul.f32 v44, v61  }
0x229: {  	v1 =	vadd.f32 v49, v1;
	v37 =	vmul.f32 v63, v44;
	v49 =	vmul.f32 v44, v45  }
0x22a: {  	v35 =	vadd.f32 v51, v35;
	v51 =	vmul.f32 v46, v44;
	v53 =	vmul.f32 v44, v50  }
0x22b: {  	v28 =	vadd.f32 v41, v28;
	v55 =	vmul.f32 v52, v44;
	v57 =	vmul.f32 v44, v54  }
0x22c: {  	v29 =	vadd.f32 v59, v29;
	v59 =	vmul.f32 v56, v44;
	v61 =	vmul.f32 v44, v58  }
0x22d: {  	v17 =	vadd.f32 v38, v17;
	v63 =	vbroadcast v42, $0x5;
	v45 =	vmul.f32 v60, v44  }
0x22e: {  	v15 =	vadd.f32 v34, v15;
	v46 =	vbroadcast v30, $0x5;
	v50 =	vbroadcast v42, $0x6  }
0x22f: {  	v8 =	vadd.f32 v32, v8;
	v52 =	vbroadcast v30, $0x6;
	v54 =	vbroadcast v42, $0x7  }
0x230: {  	v56 =	vbroadcast v30, $0x7;
	v58 =	vbroadcast v42, $0x8;
	v28 =	vadd.f32 v49, v28  }
0x231: {  	v60 =	vbroadcast v30, $0x8;
	v32 =	vadd.f32 v51, v17;
	v33 =	vadd.f32 v53, v33  }
0x232: {  	v49 =	vmul.f32 v44, v63;
	v12 =	vadd.f32 v55, v12;
	v51 =	vmul.f32 v46, v44  }
0x233: {  	v11 =	vadd.f32 v57, v11;
	v53 =	vmul.f32 v44, v50;
	v55 =	vmul.f32 v52, v44  }
0x234: {  	v9 =	vadd.f32 v59, v9;
	v57 =	vmul.f32 v44, v54;
	v59 =	vmul.f32 v56, v44  }
0x235: {  	v20 =	vadd.f32 v61, v20;
	v61 =	vmul.f32 v44, v58;
	v63 =	vbroadcast v42, $0x9  }
0x236: {  	v3 =	vadd.f32 v45, v3;
	v45 =	vmul.f32 v60, v44;
	v46 =	vbroadcast v30, $0x9  }
0x237: {  	v31 =	vadd.f32 v39, v31;
	v50 =	vbroadcast v42, $0xA;
	v52 =	vbroadcast v30, $0xA  }
0x238: {  	v54 =	vbroadcast v42, $0xB;
	v22 =	vadd.f32 v49, v22;
	v13 =	vadd.f32 v51, v13  }
0x239: {  	v24 =	vadd.f32 v53, v24;
	v49 =	vmul.f32 v44, v63;
	v51 =	vmul.f32 v46, v44  }
0x23a: {  	v16 =	vadd.f32 v55, v16;
	v53 =	vmul.f32 v44, v50;
	v38 =	vmul.f32 v52, v44  }
0x23b: {  	v26 =	vadd.f32 v57, v26;
	v55 =	vbroadcast v30, $0xB;
	v56 =	vmul.f32 v44, v54  }
0x23c: {  	v48 =	vld [tilespmem:$0x1FFD0];
	v21 =	vadd.f32 v59, v21;
	v57 =	vbroadcast v42, $0xC;
	v59 =	vbroadcast v30, $0xC  }
0x23d: {  	v47 =	vld [tilespmem:$0x1FFC0];
	v36 =	vadd.f32 v61, v10;
	v61 =	vbroadcast v42, $0xD;
	v50 =	vbroadcast v30, $0xD  }
0x23e: {  	v19 =	vadd.f32 v37, v19;
	v17 =	vld [tilespmem:s16+$0x30];
	v52 =	vbroadcast v42, $0xE;
	v58 =	vmul.f32 v55, v44  }
0x23f: {  	v39 =	vadd.f32 v49, v14;
	v60 =	vmul.f32 v44, v57;
	v37 =	vadd.f32 v51, v6  }
0x240: {  	v63 =	vld.idx.msk [tilespmem:v62+s21+$0xFFFFFFD0 ss:$0x1], $0xffff;
	v49 =	vmul.f32 v59, v44;
	v34 =	vadd.f32 v53, v15;
	v51 =	vmul.f32 v44, v61  }
0x241: {  	v53 =	vld.idx.msk [tilespmem:v62+s21+$0xFFFFFFE0 ss:$0x1], $0xffff;
	v54 =	vmul.f32 v50, v44;
	v46 =	vadd.f32 v56, v8;
	v56 =	vmul.f32 v44, v52  }
0x242: {  	v57 =	vbroadcast v30, $0xE;
	v59 =	vbroadcast v42, $0xF  }
0x243: {  	v55 =	vperm.xlane v17, v47;
	v25 =	vadd.f32 v58, v25;
	v58 =	vperm.xlane v17, v48  }
0x244: {  	v5 =	vadd.f32 v60, v5;
	v10 =	vmul.f32 v57, v44;
	v60 =	vbroadcast v30, $0xF  }
0x245: {  	v41 =	vld [tilespmem:s19+$0x60];
	v61 =	vmul.f32 v44, v59;
	v40 =	vmul.f32 v63, v55  }
0x246: {  	v6 =	vmul.f32 v60, v44;
	v30 =	vmul.f32 v53, v58  }
0x247: {  	v63 =	vbroadcast v40, $0x0;
	v44 =	vbroadcast v40, $0x1  }
0x248: {  	v0 =	vadd.f32 v27, v0;
	v52 =	vbroadcast v40, $0x2;
	v55 =	vbroadcast v40, $0x3  }
0x249: {  	v4 =	vadd.f32 v61, v4;
	v58 =	vbroadcast v40, $0x4;
	v61 =	vbroadcast v40, $0x5  }
0x24a: {  	v27 =	vadd.f32 v45, v7;
	v42 =	vbroadcast v30, $0x0;
	v43 =	vmul.f32 v41, v63  }
0x24b: {  	v35 =	vadd.f32 v51, v35;
	v50 =	vbroadcast v30, $0x1;
	v51 =	vmul.f32 v41, v44  }
0x24c: {  	v23 =	vadd.f32 v54, v23;
	v53 =	vbroadcast v30, $0x2;
	v54 =	vmul.f32 v41, v52  }
0x24d: {  	v2 =	vadd.f32 v38, v2;
	v57 =	vbroadcast v30, $0x3;
	v14 =	vmul.f32 v41, v55  }
0x24e: {  	v38 =	vadd.f32 v56, v18;
	v60 =	vbroadcast v30, $0x4;
	v18 =	vbroadcast v30, $0x5  }
0x24f: {  	v1 =	vadd.f32 v49, v1;
	v44 =	vbroadcast v40, $0x6;
	v52 =	vbroadcast v30, $0x7  }
0x250: {  	v29 =	vadd.f32 v10, v29;
	v55 =	vbroadcast v30, $0x8;
	v49 =	vmul.f32 v42, v41  }
0x251: {  	v0 =	vadd.f32 v6, v0;
	v15 =	vmul.f32 v50, v41;
	v56 =	vmul.f32 v53, v41  }
0x252: {  	v31 =	vadd.f32 v43, v31;
	v59 =	vmul.f32 v57, v41;
	v63 =	vmul.f32 v60, v41  }
0x253: {  	v42 =	vadd.f32 v14, v11;
	v43 =	vmul.f32 v41, v61;
	v14 =	vmul.f32 v41, v44  }
0x254: {  	v28 =	vadd.f32 v51, v28;
	v50 =	vbroadcast v40, $0x7;
	v53 =	vbroadcast v40, $0x8  }
0x255: {  	v57 =	vbroadcast v40, $0x9;
	v61 =	vbroadcast v40, $0xA;
	v6 =	vadd.f32 v49, v19  }
0x256: {  	v7 =	vadd.f32 v15, v32;
	v32 =	vadd.f32 v54, v33;
	v19 =	vmul.f32 v41, v58  }
0x257: {  	v8 =	vadd.f32 v56, v12;
	v12 =	vmul.f32 v18, v41;
	v49 =	vbroadcast v30, $0x6  }
0x258: {  	v9 =	vadd.f32 v59, v9;
	v18 =	vmul.f32 v41, v50;
	v54 =	vmul.f32 v52, v41  }
0x259: {  	v10 =	vadd.f32 v63, v3;
	v56 =	vmul.f32 v41, v53;
	v58 =	vmul.f32 v55, v41  }
0x25a: {  	v22 =	vadd.f32 v43, v22;
	v59 =	vbroadcast v30, $0x9;
	v60 =	vmul.f32 v41, v57  }
0x25b: {  	v24 =	vadd.f32 v14, v24;
	v63 =	vbroadcast v30, $0xA;
	v43 =	vbroadcast v40, $0xB  }
0x25c: {  	v50 =	vbroadcast v40, $0xC;
	v53 =	vbroadcast v40, $0xD;
	v33 =	vadd.f32 v19, v20  }
0x25d: {  	v45 =	vld [tilespmem:$0x1FFE0];
	v51 =	vmul.f32 v49, v41;
	v11 =	vadd.f32 v12, v13;
	v15 =	vmul.f32 v59, v41  }
0x25e: {  	v26 =	vadd.f32 v18, v26;
	v18 =	vmul.f32 v41, v61;
	v44 =	vmul.f32 v63, v41  }
0x25f: {  	v13 =	vadd.f32 v54, v21;
	v49 =	vbroadcast v30, $0xB;
	v20 =	vmul.f32 v41, v43  }
0x260: {  	v21 =	vadd.f32 v56, v36;
	v52 =	vmul.f32 v41, v50;
	v56 =	vbroadcast v30, $0xD  }
0x261: {  	v14 =	vadd.f32 v58, v27;
	v57 =	vmul.f32 v41, v53;
	v58 =	vbroadcast v40, $0xE  }
0x262: {  	v27 =	vadd.f32 v60, v39;
	v54 =	vld.idx.msk [tilespmem:v62+s21+$0xFFFFFFF0 ss:$0x1], $0xffff;
	v59 =	vperm.xlane v17, v45;
	v61 =	vbroadcast v30, $0xE  }
0x263: {  	v39 =	vld [tilespmem:$0x1FFF0];
	v12 =	vadd.f32 v51, v16;
	v15 =	vadd.f32 v15, v37;
	v19 =	vmul.f32 v49, v41  }
0x264: {  	v51 =	vbroadcast v30, $0xC;
	v34 =	vadd.f32 v18, v34;
	v3 =	vmul.f32 v56, v41  }
0x265: {  	v63 =	vld.idx.msk [tilespmem:v62+s21+$0x0 ss:$0x1], $0xffff;
	v36 =	vadd.f32 v20, v46;
	v60 =	vmul.f32 v41, v58;
	v46 =	vbroadcast v40, $0xF  }
0x266: {  	v16 =	vadd.f32 v44, v2;
	v37 =	vmul.f32 v61, v41;
	v30 =	vbroadcast v30, $0xF  }
0x267: {  	v55 =	vmul.f32 v51, v41;
	v18 =	vadd.f32 v19, v25;
	v19 =	vld [tilespmem:s19+$0x70];
	v3 =	vadd.f32 v3, v23  }
0x268: {  	v23 =	vadd.f32 v60, v38;
	v38 =	vld [tilespmem:$0x1FFB0];
	v2 =	vmul.f32 v54, v59;
	v17 =	vperm.xlane v17, v39  }
0x269: {  	v49 =	vmul.f32 v30, v41;
	v20 =	vadd.f32 v55, v1;
	v1 =	vmul.f32 v41, v46  }
0x26a: {  	v5 =	vadd.f32 v52, v5;
	v50 =	vbroadcast v2, $0x0;
	v17 =	vmul.f32 v63, v17  }
0x26b: {  	v35 =	vadd.f32 v57, v35;
	v51 =	vbroadcast v2, $0x1;
	v53 =	vbroadcast v2, $0x2  }
0x26c: {  	v29 =	vadd.f32 v37, v29;
	v55 =	vbroadcast v2, $0x3;
	v52 =	vmul.f32 v19, v50  }
0x26d: {  	v0 =	vadd.f32 v49, v0;
	v56 =	vbroadcast v2, $0x4;
	v54 =	vmul.f32 v19, v51  }
0x26e: {  	v1 =	vadd.f32 v1, v4;
	v30 =	vmul.f32 v19, v53;
	v4 =	vadd.f32 v52, v31  }
0x26f: {  	v58 =	vbroadcast v2, $0x5;
	v57 =	vmul.f32 v19, v55;
	v25 =	vadd.f32 v54, v28  }
0x270: {  	v59 =	vbroadcast v2, $0x6;
	v30 =	vadd.f32 v30, v32;
	v31 =	vmul.f32 v19, v56;
	[tilespmem:v38+s21+$0xFFFFFE10 ss:$0x1] =	vst.idx.msk $0xffff, v4  }
0x271: {  	v61 =	vbroadcast v2, $0x7;
	v60 =	vmul.f32 v19, v58;
	v28 =	vadd.f32 v57, v42;
	[tilespmem:v38+s21+$0xFFFFFE20 ss:$0x1] =	vst.idx.msk $0xffff, v25  }
0x272: {  	v62 =	vbroadcast v2, $0x8;
	v31 =	vadd.f32 v31, v33;
	v4 =	vmul.f32 v19, v59;
	[tilespmem:v38+s21+$0xFFFFFE30 ss:$0x1] =	vst.idx.msk $0xffff, v30  }
0x273: {  	v63 =	vbroadcast v2, $0x9;
	v22 =	vadd.f32 v60, v22;
	v25 =	vmul.f32 v19, v61;
	[tilespmem:v38+s21+$0xFFFFFE40 ss:$0x1] =	vst.idx.msk $0xffff, v28  }
0x274: {  	v37 =	vbroadcast v2, $0xA;
	v33 =	vmul.f32 v19, v62;
	v4 =	vadd.f32 v4, v24;
	[tilespmem:v38+s21+$0xFFFFFE50 ss:$0x1] =	vst.idx.msk $0xffff, v31  }
0x275: {  	v41 =	vbroadcast v2, $0xB;
	v40 =	vmul.f32 v19, v63;
	v25 =	vadd.f32 v25, v26;
	[tilespmem:v38+s21+$0xFFFFFE60 ss:$0x1] =	vst.idx.msk $0xffff, v22  }
0x276: {  	v43 =	vbroadcast v2, $0xC;
	v42 =	vmul.f32 v19, v37;
	v21 =	vadd.f32 v33, v21;
	[tilespmem:v38+s21+$0xFFFFFE70 ss:$0x1] =	vst.idx.msk $0xffff, v4  }
0x277: {  	v49 =	vbroadcast v2, $0xD;
	v46 =	vmul.f32 v19, v41;
	v44 =	vadd.f32 v40, v27;
	[tilespmem:v38+s21+$0xFFFFFE80 ss:$0x1] =	vst.idx.msk $0xffff, v25  }
0x278: {  	v50 =	vbroadcast v2, $0xE;
	v24 =	vmul.f32 v19, v43;
	v22 =	vadd.f32 v42, v34;
	[tilespmem:v38+s21+$0xFFFFFE90 ss:$0x1] =	vst.idx.msk $0xffff, v21  }
0x279: {  	v2 =	vbroadcast v2, $0xF;
	v51 =	vadd.f32 v46, v36;
	v52 =	vmul.f32 v19, v49;
	[tilespmem:v38+s21+$0xFFFFFEA0 ss:$0x1] =	vst.idx.msk $0xffff, v44  }
0x27a: {  	v53 =	vbroadcast v17, $0x0;
	v54 =	vmul.f32 v19, v50;
	v5 =	vadd.f32 v24, v5;
	[tilespmem:v38+s21+$0xFFFFFEB0 ss:$0x1] =	vst.idx.msk $0xffff, v22  }
0x27b: {  	v55 =	vbroadcast v17, $0x1;
	v2 =	vmul.f32 v19, v2;
	v56 =	vadd.f32 v52, v35;
	[tilespmem:v38+s21+$0xFFFFFEC0 ss:$0x1] =	vst.idx.msk $0xffff, v51  }
0x27c: {  	v57 =	vbroadcast v17, $0x2;
	v23 =	vadd.f32 v54, v23;
	v4 =	vmul.f32 v53, v19;
	[tilespmem:v38+s21+$0xFFFFFED0 ss:$0x1] =	vst.idx.msk $0xffff, v5  }
0x27d: {  	v58 =	vmul.f32 v55, v19;
	v59 =	vbroadcast v17, $0x3;
	v1 =	vadd.f32 v2, v1;
	[tilespmem:v38+s21+$0xFFFFFEE0 ss:$0x1] =	vst.idx.msk $0xffff, v56  }
0x27e: {  	v62 =	vbroadcast v17, $0x4;
	v61 =	vmul.f32 v57, v19;
	v60 =	vadd.f32 v4, v6;
	[tilespmem:v38+s21+$0xFFFFFEF0 ss:$0x1] =	vst.idx.msk $0xffff, v23  }
0x27f: {  	v63 =	vmul.f32 v59, v19;
	v24 =	vbroadcast v17, $0x5;
	v5 =	vadd.f32 v58, v7;
	[tilespmem:v38+s21+$0xFFFFFF00 ss:$0x1] =	vst.idx.msk $0xffff, v1  }
0x280: {  	v27 =	vbroadcast v17, $0x6;
	v26 =	vmul.f32 v62, v19;
	v25 =	vadd.f32 v61, v8;
	[tilespmem:v38+s21+$0xFFFFFF10 ss:$0x1] =	vst.idx.msk $0xffff, v60  }
0x281: {  	v28 =	vadd.f32 v63, v9;
	v31 =	vbroadcast v17, $0x7;
	v30 =	vmul.f32 v24, v19;
	[tilespmem:v38+s21+$0xFFFFFF20 ss:$0x1] =	vst.idx.msk $0xffff, v5  }
0x282: {  	v32 =	vmul.f32 v27, v19;
	v33 =	vbroadcast v17, $0x8;
	v4 =	vadd.f32 v26, v10;
	[tilespmem:v38+s21+$0xFFFFFF30 ss:$0x1] =	vst.idx.msk $0xffff, v25  }
0x283: {  	v36 =	vbroadcast v17, $0x9;
	v35 =	vmul.f32 v31, v19;
	v34 =	vadd.f32 v30, v11;
	[tilespmem:v38+s21+$0xFFFFFF40 ss:$0x1] =	vst.idx.msk $0xffff, v28  }
0x284: {  	v41 =	vbroadcast v17, $0xA;
	v37 =	vadd.f32 v32, v12;
	v40 =	vmul.f32 v33, v19;
	[tilespmem:v38+s21+$0xFFFFFF50 ss:$0x1] =	vst.idx.msk $0xffff, v4  }
0x285: {  	v43 =	vmul.f32 v36, v19;
	v42 =	vadd.f32 v35, v13;
	v44 =	vbroadcast v17, $0xB;
	[tilespmem:v38+s21+$0xFFFFFF60 ss:$0x1] =	vst.idx.msk $0xffff, v34  }
0x286: {  	v49 =	vmul.f32 v41, v19;
	v50 =	vbroadcast v17, $0xC;
	v46 =	vadd.f32 v40, v14;
	[tilespmem:v38+s21+$0xFFFFFF70 ss:$0x1] =	vst.idx.msk $0xffff, v37  }
0x287: {  	v53 =	vbroadcast v17, $0xD;
	v51 =	vadd.f32 v43, v15;
	v52 =	vmul.f32 v44, v19;
	[tilespmem:v38+s21+$0xFFFFFF80 ss:$0x1] =	vst.idx.msk $0xffff, v42  }
0x288: {  	v54 =	vadd.f32 v49, v16;
	v55 =	vmul.f32 v50, v19;
	v56 =	vbroadcast v17, $0xE;
	[tilespmem:v38+s21+$0xFFFFFF90 ss:$0x1] =	vst.idx.msk $0xffff, v46  }
0x289: {  	v59 =	vbroadcast v17, $0xF;
	v58 =	vmul.f32 v53, v19;
	v57 =	vadd.f32 v52, v18;
	[tilespmem:v38+s21+$0xFFFFFFA0 ss:$0x1] =	vst.idx.msk $0xffff, v51  }
0x28a: {  	p1 =	sne.s32 s20, $0xC7C0;
	v61 =	vmul.f32 v56, v19;
	v60 =	vadd.f32 v55, v20;
	[tilespmem:v38+s21+$0xFFFFFFB0 ss:$0x1] =	vst.idx.msk $0xffff, v54  }
.Ltmp0:
0x28b: {  	v62 =	vmul.f32 v59, v19;
	v3 =	vadd.f32 v58, v3;
	[tilespmem:v38+s21+$0xFFFFFFC0 ss:$0x1] =	vst.idx.msk $0xffff, v57;
	(pc) =	sbr.rel @p1 .LBB2_3-.Ltmp0, $4  }
0x28c: {  	v63 =	vadd.f32 v61, v29;
	[tilespmem:v38+s21+$0xFFFFFFD0 ss:$0x1] =	vst.idx.msk $0xffff, v60  }
0x28d: {  	v0 =	vadd.f32 v62, v0;
	[tilespmem:v38+s21+$0xFFFFFFE0 ss:$0x1] =	vst.idx.msk $0xffff, v3  }
0x28e: {  	[tilespmem:v38+s21+$0xFFFFFFF0 ss:$0x1] =	vst.idx.msk $0xffff, v63  }
0x28f: {  	s20 =	sadd.s32 $0x800, s20;
	s16 =	sadd.s32 $0x80, s16;
	s19 =	sadd.s32 $0x100, s19;
	[tilespmem:v38+s21+$0x0 ss:$0x1] =	vst.idx.msk $0xffff, v0  }
0x290: {  	s16 =	smul.u32 $0x19, s31;
	p1 =	sne.s32 s3, $0x7D  }
.Ltmp1:
0x291: {  	_ = 	snop;
	(pc) =	sbr.rel @p1 .LBB2_2-.Ltmp1, $4  }
0x292: {  	s16 =	sadd.s32 s8, s16  }
0x293: {  	s16 =	sshll.u32 s16, $0x6  }
0x294: {  	p0 =	por !p0, !p0;
	s31 =	smov.u32 s3;
	s16 =	sadd.s32 s5, s16  }
0x295: {  	[hbm4b:s16+s6] =	stream.linear.scatter [tilespmem:s15], [sflag:s0], $0x3200, $0x38;
	[tilespmem:$0x11620] =	vst v63  }
0x296: {  	s30 =	sadd.s32 $0x1, s30  }
0x297: {  	_ =	swait.ge [sflag:s28], $0x3200;
	p0 =	sne.s32 s30, s14  }
.Ltmp2:
0x298: {  	[sflag:s28] =	ssyncset.done $0x0;
	(pc) =	sbr.rel @p0 .LBB2_1-.Ltmp2, $4  }
0x299: {  	[sflag:s28] =	ssyncadd.s32 $0xFFFFCE00  }
0x29a: {  	_ =	swait.ge [sflag:s29], $0x3200  }
0x29b: {  	[sflag:s29] =	ssyncset.done $0x0  }
0x29c: {  	[sflag:s29] =	ssyncadd.s32 $0xFFFFCE00  }
0x29d: {  	_ =	sfence.sel $0x180000  }
0x29e: {  	[bflag:$0x0] =	sbarrier.arrive $0xFFFF  }
0x29f: {  	_ =	strace $0x90000047  }
0x2a0: {  	s0 =	stileid.u32;
	[bflag:$0x2] =	sbarrier.arrive $0xFFFF  }
0x2a1: {  	p0 =	sne.s32 s0, $0x0;
	s0 =	rddreg [dreg:$0x5]  }
0x2a2: {  	s0 =	sadd.s32 @!p0 $0x100000, s0  }
0x2a3: {  	[sflag:s0] =	ssyncadd.tile.s32 @!p0 $0x1;
	_ =	shalt  }
.Lfunc_end2:
_tile_overlayer_lowered:
.L_overlay_start_2:
0x2a4: {  	(tag) =	ssettag $0x2  }
0x2a5: {  	s0 =	rddreg [dreg:$0x0];
	s2 =	stileid.u32  }
0x2a6: {  	s1 =	rddreg [dreg:$0x1];
	p0 =	sne.s32 s2, $0x0  }
0x2a7: {  	s3 =	rddreg [dreg:$0x2];
	[bflag:$0x3] =	sbarrier.arrive $0xFFFF;
	s2 =	simm.s32 @!p0 $0x1C09  }
0x2a8: {  	[timem:s3], [sflag:s2] =	dma.local @!p0 [hbm:s0], s1  }
0x2a9: {  	s0 =	simm.s32 @!p0 $0x9  }
0x2aa: {  	_ =	swait.ge @!p0 [sflag:s0], s1  }
0x2ab: {  	s1 =	ssub.s32 @!p0 $0x0, s1;
	[sflag:s0] =	ssyncset.done @!p0 $0x0  }
0x2ac: {  	[sflag:s0] =	ssyncadd.s32 @!p0 s1  }
0x2ad: {  	[bflag:$0x3] =	sbarrier.arrive $0xFFFF  }
0x2ae: {  	_ =	shalt  }

</sc_bundles>
